<compile_context>
chip_gen: v7x
topology: tpu7x:2x2x1
jax: 0.10.2.dev20260603
libtpu: 0.0.44.dev20260713+nightly
codegen_flags: <defaults>
</compile_context>

<pallas_src>
import jax
import jax.numpy as jnp
from jax import lax
from jax.experimental import pallas as pl
from jax.experimental.pallas import tpu as pltpu
from jax.experimental.pallas import tpu_sc as plsc

VOCAB = 1000
D = 128
SEQ = 50
BATCH = 1024
B_TOTAL = BATCH * SEQ

_info = plsc.get_sparse_core_info()
NC = _info.num_cores
NS = _info.num_subcores
NW = SEQ // 2
CHUNK = 64
NCHUNK = 2 * BATCH // CHUNK
TROWS = 64

NBUF = 8
GDEPTH = 4


def _table_body(w_ref, b_ref, out_ref):
    w = w_ref[...]
    r = lax.broadcasted_iota(jnp.int32, (D, D), 0)
    c = lax.broadcasted_iota(jnp.int32, (D, D), 1)
    eye = jnp.where(r == c, 1.0, 0.0).astype(jnp.float32)
    t = lax.dot_general(
        w, eye,
        dimension_numbers=(((0,), (0,)), ((), ())),
        preferred_element_type=jnp.float32,
    )
    out_ref[...] = t + b_ref[...]


def _build_table(W, b):
    return pl.pallas_call(
        _table_body,
        out_shape=jax.ShapeDtypeStruct((VOCAB, D), jnp.float32),
    )(W, b.reshape(1, D))


def _sc_body(table_hbm, idx_hbm, out_hbm, table_s, idx_v, buf_v, *sems):
    sg = sems[:NBUF]
    ss = sems[NBUF:]
    sid = lax.axis_index("s")
    wid = sid * NC + lax.axis_index("c")

    tbase = jnp.minimum(sid * TROWS, VOCAB - TROWS)
    pltpu.sync_copy(table_hbm.at[pl.ds(tbase, TROWS)],
                    table_s.at[pl.ds(tbase, TROWS)])

    sbase = jnp.minimum(wid, NW - 1) * 2

    def _stage_idx(k0, k1):
        hs = [
            pltpu.async_copy(
                idx_hbm.at[sbase + k // 16, pl.ds((k % 16) * CHUNK, CHUNK)],
                idx_v.at[k], sems[2 * NBUF])
            for k in range(k0, k1)
        ]
        for h in hs:
            h.wait()

    def _pipeline(nchunk):
        gh = [None] * nchunk
        sh = [None] * nchunk
        s_waited = [False] * nchunk

        def gather(g):
            gh[g] = pltpu.async_copy(
                table_s.at[idx_v.at[g]], buf_v.at[g % NBUF], sg[g % NBUF])

        def scatter(j):
            sh[j] = pltpu.async_copy(
                buf_v.at[j % NBUF],
                out_hbm.at[pl.ds(sbase * BATCH + j * CHUNK, CHUNK)],
                ss[j % NBUF])

        for g in range(min(GDEPTH, nchunk)):
            gather(g)
        for j in range(nchunk):
            gh[j].wait()
            scatter(j)
            nxt = j + GDEPTH
            if nxt < nchunk:
                prev_user = nxt - NBUF
                if prev_user >= 0:
                    sh[prev_user].wait()
                    s_waited[prev_user] = True
                gather(nxt)
        for j in range(nchunk):
            if not s_waited[j]:
                sh[j].wait()

    @pl.when(wid < NW)
    def _stage():
        _stage_idx(0, NCHUNK)

    plsc.subcore_barrier()

    @pl.when(wid < NW)
    def _work():
        _pipeline(NCHUNK)


def _sc_lookup(table, idxT):
    mesh = plsc.VectorSubcoreMesh(core_axis_name="c", subcore_axis_name="s")
    k = pl.kernel(
        _sc_body,
        mesh=mesh,
        out_type=jax.ShapeDtypeStruct((B_TOTAL, D), jnp.float32),
        scratch_types=[
            pltpu.VMEM_SHARED((VOCAB, D), jnp.float32),
            pltpu.VMEM((NCHUNK, CHUNK), jnp.int32),
            pltpu.VMEM((NBUF, CHUNK, D), jnp.float32),
        ] + [pltpu.SemaphoreType.DMA] * (2 * NBUF + 1),
        compiler_params=pltpu.CompilerParams(use_tc_tiling_on_sc=True),
    )
    return k(table, idxT)


def kernel(x, W, b):
    bsz, seq = x.shape
    idxT = x.astype(jnp.int32).T
    table = _build_table(W, b)
    out = _sc_lookup(table, idxT)
    return out.reshape(seq, bsz, D).transpose(1, 0, 2)

# --- scband reference (transcript-rebuilt; emitter-appended) ---
"""Pipeline reference for scband-index2input-17317308137668 (READ-ONLY COPY).

The authoritative reference and input builder live on the scoring server;
editing this copy changes nothing except your own understanding.
"""

import jax, jax.numpy as jnp
import numpy as np

MAX_WORDS = 1000
INPUT_SIZE = 128

def setup_inputs(seed: int = 0) -> dict:
    key = jax.random.key(seed)
    k1, k2, k3 = jax.random.split(key, 3)
    x = jax.random.randint(k1, (1024, 50), 0, MAX_WORDS, dtype=jnp.int64) if jax.config.jax_enable_x64 else jax.random.randint(k1, (1024, 50), 0, MAX_WORDS)
    # nn.Linear(max_words, input_size): weight [input_size, max_words], bias [input_size]
    bound = 1.0 / np.sqrt(MAX_WORDS)
    W = jax.random.uniform(k2, (INPUT_SIZE, MAX_WORDS), dtype=jnp.float32, minval=-bound, maxval=bound)
    b = jax.random.uniform(k3, (INPUT_SIZE,), dtype=jnp.float32, minval=-bound, maxval=bound)
    return {"x": x, "W": W, "b": b}

def reference(x, W, b):
    # Faithful translation: one_hot -> float -> Linear
    oh = jax.nn.one_hot(x, MAX_WORDS, dtype=jnp.float32)  # [B, L, V]
    out = jnp.matmul(oh, W.T) + b  # [B, L, input_size]
    return out

if __name__ == "__main__":
    import jax
    _d = setup_inputs()
    print(jax.jit(kernel)(*tuple(_d.values())))

</pallas_src>

<mosaic_0001>
#map = affine_map<(d0, d1) -> (0, 0)>
module attributes {stable_mosaic.version = 14 : i64} {
  func.func @_sc_body(%arg0: i32, %arg1: i32, %arg2: memref<1000x128xf32, #tpu.memory_space<hbm>>, %arg3: memref<50x1024xi32, #tpu.memory_space<hbm>>, %arg4: memref<51200x128xf32, #tpu.memory_space<hbm>>, %arg5: memref<1000x128xf32, #tpu.memory_space<vmem_shared>>, %arg6: memref<32x64xi32, #tpu.memory_space<vmem>>, %arg7: memref<8x64x128xf32, #tpu.memory_space<vmem>>, %arg8: memref<!tpu.dma_semaphore, #tpu.memory_space<semaphore_mem>>, %arg9: memref<!tpu.dma_semaphore, #tpu.memory_space<semaphore_mem>>, %arg10: memref<!tpu.dma_semaphore, #tpu.memory_space<semaphore_mem>>, %arg11: memref<!tpu.dma_semaphore, #tpu.memory_space<semaphore_mem>>, %arg12: memref<!tpu.dma_semaphore, #tpu.memory_space<semaphore_mem>>, %arg13: memref<!tpu.dma_semaphore, #tpu.memory_space<semaphore_mem>>, %arg14: memref<!tpu.dma_semaphore, #tpu.memory_space<semaphore_mem>>, %arg15: memref<!tpu.dma_semaphore, #tpu.memory_space<semaphore_mem>>, %arg16: memref<!tpu.dma_semaphore, #tpu.memory_space<semaphore_mem>>, %arg17: memref<!tpu.dma_semaphore, #tpu.memory_space<semaphore_mem>>, %arg18: memref<!tpu.dma_semaphore, #tpu.memory_space<semaphore_mem>>, %arg19: memref<!tpu.dma_semaphore, #tpu.memory_space<semaphore_mem>>, %arg20: memref<!tpu.dma_semaphore, #tpu.memory_space<semaphore_mem>>, %arg21: memref<!tpu.dma_semaphore, #tpu.memory_space<semaphore_mem>>, %arg22: memref<!tpu.dma_semaphore, #tpu.memory_space<semaphore_mem>>, %arg23: memref<!tpu.dma_semaphore, #tpu.memory_space<semaphore_mem>>, %arg24: memref<!tpu.dma_semaphore, #tpu.memory_space<semaphore_mem>>) attributes {dimension_semantics = [#tpu.dimension_semantics<core_parallel>, #tpu.dimension_semantics<subcore_parallel>], iteration_bounds = array<i64: 2, 16>, scalar_prefetch = 0 : i64, scratch_operands = 20 : i64, tpu.core_type = #tpu.core_type<sc_vector_subcore>, window_params = [{transform_indices = #map}, {transform_indices = #map}, {transform_indices = #map}]} {
    %mul3A = arith.constant 2 : i32
    %mul3A_0 = arith.muli %arg1, %mul3A : i32
    %add3A = arith.addi %mul3A_0, %arg0 : i32
    %mul3A_1 = arith.constant 64 : i32
    %mul3A_2 = arith.muli %arg1, %mul3A_1 : i32
    %min3A = arith.constant 936 : i32
    %min3A_3 = arith.minsi %mul3A_2, %min3A : i32
    "tpu.region"() ({
      %run_scoped3A = tpu.sem_alloc : memref<!tpu.dma_semaphore, #tpu.memory_space<semaphore_mem>>
      %dma_start3A = arith.constant 0 : i32
      %dma_start3A_15 = tpu.memref_slice %arg5[%min3A_3, %dma_start3A] : memref<1000x128xf32, #tpu.memory_space<vmem_shared>> -> memref<64x128xf32, #tpu.memory_space<vmem_shared>>
      %dma_start3A_16 = arith.constant 0 : i32
      %dma_start3A_17 = tpu.memref_slice %arg2[%min3A_3, %dma_start3A_16] : memref<1000x128xf32, #tpu.memory_space<hbm>> -> memref<64x128xf32, #tpu.memory_space<hbm>>
      tpu.enqueue_dma source(%dma_start3A_17 : memref<64x128xf32, #tpu.memory_space<hbm>>) target(%dma_start3A_15 : memref<64x128xf32, #tpu.memory_space<vmem_shared>>) target_semaphore(%run_scoped3A : memref<!tpu.dma_semaphore, #tpu.memory_space<semaphore_mem>>)
      %dma_wait3A = arith.constant 0 : i32
      %dma_wait3A_18 = tpu.memref_slice %arg5[%min3A_3, %dma_wait3A] : memref<1000x128xf32, #tpu.memory_space<vmem_shared>> -> memref<64x128xf32, #tpu.memory_space<vmem_shared>>
      %dma_wait3A_19 = arith.constant 0 : i32
      %dma_wait3A_20 = tpu.memref_slice %arg2[%min3A_3, %dma_wait3A_19] : memref<1000x128xf32, #tpu.memory_space<hbm>> -> memref<64x128xf32, #tpu.memory_space<hbm>>
      tpu.wait_dma2 semaphore(%run_scoped3A : memref<!tpu.dma_semaphore, #tpu.memory_space<semaphore_mem>>) src(%dma_wait3A_20 : memref<64x128xf32, #tpu.memory_space<hbm>>) dst(%dma_wait3A_18 : memref<64x128xf32, #tpu.memory_space<vmem_shared>>)
      tpu.yield
    }) : () -> ()
    %min3A_4 = arith.constant 24 : i32
    %min3A_5 = arith.minsi %add3A, %min3A_4 : i32
    %mul3A_6 = arith.constant 2 : i32
    %mul3A_7 = arith.muli %min3A_5, %mul3A_6 : i32
    %lt3A = arith.constant 25 : i32
    %lt3A_8 = arith.cmpi slt, %add3A, %lt3A : i32
    %convert_element_type3A = arith.extui %lt3A_8 : i1 to i32
    %cond3A = arith.constant 0 : i32
    %cond3A_9 = arith.cmpi ne, %convert_element_type3A, %cond3A : i32
    scf.if %cond3A_9 {
      %add3A_15 = arith.constant 0 : i32
      %add3A_16 = arith.addi %mul3A_7, %add3A_15 : i32
      %dma_start3A = arith.constant 0 : i32
      %dma_start3A_17 = arith.constant 0 : i32
      %dma_start3A_18 = tpu.memref_slice %arg6[%dma_start3A, %dma_start3A_17] : memref<32x64xi32, #tpu.memory_space<vmem>> -> memref<1x64xi32, #tpu.memory_space<vmem>>
      %dma_start3A_19 = tpu.memref_squeeze %dma_start3A_18 : memref<1x64xi32, #tpu.memory_space<vmem>> -> memref<64xi32, #tpu.memory_space<vmem>>
      %dma_start3A_20 = arith.constant 0 : i32
      %dma_start3A_21 = tpu.memref_slice %arg3[%add3A_16, %dma_start3A_20] : memref<50x1024xi32, #tpu.memory_space<hbm>> -> memref<1x64xi32, #tpu.memory_space<hbm>>
      %dma_start3A_22 = tpu.memref_squeeze %dma_start3A_21 : memref<1x64xi32, #tpu.memory_space<hbm>> -> memref<64xi32, #tpu.memory_space<hbm>>
      %dma_start3A_23 = arith.constant 0 : i32
      %dma_start3A_24 = tpu.memref_slice %arg6[%dma_start3A, %dma_start3A_23] : memref<32x64xi32, #tpu.memory_space<vmem>> -> memref<1x64xi32, #tpu.memory_space<vmem>>
      %dma_start3A_25 = tpu.memref_squeeze %dma_start3A_24 : memref<1x64xi32, #tpu.memory_space<vmem>> -> memref<64xi32, #tpu.memory_space<vmem>>
      %dma_start3A_26 = arith.constant 0 : i32
      %dma_start3A_27 = tpu.memref_slice %arg3[%add3A_16, %dma_start3A_26] : memref<50x1024xi32, #tpu.memory_space<hbm>> -> memref<1x64xi32, #tpu.memory_space<hbm>>
      %dma_start3A_28 = tpu.memref_squeeze %dma_start3A_27 : memref<1x64xi32, #tpu.memory_space<hbm>> -> memref<64xi32, #tpu.memory_space<hbm>>
      tpu.enqueue_dma source(%dma_start3A_28 : memref<64xi32, #tpu.memory_space<hbm>>) target(%dma_start3A_25 : memref<64xi32, #tpu.memory_space<vmem>>) target_semaphore(%arg24 : memref<!tpu.dma_semaphore, #tpu.memory_space<semaphore_mem>>)
      %add3A_29 = arith.constant 0 : i32
      %add3A_30 = arith.addi %mul3A_7, %add3A_29 : i32
      %dma_start3A_31 = arith.constant 1 : i32
      %dma_start3A_32 = arith.constant 0 : i32
      %dma_start3A_33 = tpu.memref_slice %arg6[%dma_start3A_31, %dma_start3A_32] : memref<32x64xi32, #tpu.memory_space<vmem>> -> memref<1x64xi32, #tpu.memory_space<vmem>>
      %dma_start3A_34 = tpu.memref_squeeze %dma_start3A_33 : memref<1x64xi32, #tpu.memory_space<vmem>> -> memref<64xi32, #tpu.memory_space<vmem>>
      %dma_start3A_35 = arith.constant 64 : i32
      %dma_start3A_36 = tpu.memref_slice %arg3[%add3A_30, %dma_start3A_35] : memref<50x1024xi32, #tpu.memory_space<hbm>> -> memref<1x64xi32, #tpu.memory_space<hbm>>
      %dma_start3A_37 = tpu.memref_squeeze %dma_start3A_36 : memref<1x64xi32, #tpu.memory_space<hbm>> -> memref<64xi32, #tpu.memory_space<hbm>>
      %dma_start3A_38 = arith.constant 0 : i32
      %dma_start3A_39 = tpu.memref_slice %arg6[%dma_start3A_31, %dma_start3A_38] : memref<32x64xi32, #tpu.memory_space<vmem>> -> memref<1x64xi32, #tpu.memory_space<vmem>>
      %dma_start3A_40 = tpu.memref_squeeze %dma_start3A_39 : memref<1x64xi32, #tpu.memory_space<vmem>> -> memref<64xi32, #tpu.memory_space<vmem>>
      %dma_start3A_41 = arith.constant 64 : i32
      %dma_start3A_42 = tpu.memref_slice %arg3[%add3A_30, %dma_start3A_41] : memref<50x1024xi32, #tpu.memory_space<hbm>> -> memref<1x64xi32, #tpu.memory_space<hbm>>
      %dma_start3A_43 = tpu.memref_squeeze %dma_start3A_42 : memref<1x64xi32, #tpu.memory_space<hbm>> -> memref<64xi32, #tpu.memory_space<hbm>>
      tpu.enqueue_dma source(%dma_start3A_43 : memref<64xi32, #tpu.memory_space<hbm>>) target(%dma_start3A_40 : memref<64xi32, #tpu.memory_space<vmem>>) target_semaphore(%arg24 : memref<!tpu.dma_semaphore, #tpu.memory_space<semaphore_mem>>)
      %add3A_44 = arith.constant 0 : i32
      %add3A_45 = arith.addi %mul3A_7, %add3A_44 : i32
      %dma_start3A_46 = arith.constant 2 : i32
      %dma_start3A_47 = arith.constant 0 : i32
      %dma_start3A_48 = tpu.memref_slice %arg6[%dma_start3A_46, %dma_start3A_47] : memref<32x64xi32, #tpu.memory_space<vmem>> -> memref<1x64xi32, #tpu.memory_space<vmem>>
      %dma_start3A_49 = tpu.memref_squeeze %dma_start3A_48 : memref<1x64xi32, #tpu.memory_space<vmem>> -> memref<64xi32, #tpu.memory_space<vmem>>
      %dma_start3A_50 = arith.constant 128 : i32
      %dma_start3A_51 = tpu.memref_slice %arg3[%add3A_45, %dma_start3A_50] : memref<50x1024xi32, #tpu.memory_space<hbm>> -> memref<1x64xi32, #tpu.memory_space<hbm>>
      %dma_start3A_52 = tpu.memref_squeeze %dma_start3A_51 : memref<1x64xi32, #tpu.memory_space<hbm>> -> memref<64xi32, #tpu.memory_space<hbm>>
      %dma_start3A_53 = arith.constant 0 : i32
      %dma_start3A_54 = tpu.memref_slice %arg6[%dma_start3A_46, %dma_start3A_53] : memref<32x64xi32, #tpu.memory_space<vmem>> -> memref<1x64xi32, #tpu.memory_space<vmem>>
      %dma_start3A_55 = tpu.memref_squeeze %dma_start3A_54 : memref<1x64xi32, #tpu.memory_space<vmem>> -> memref<64xi32, #tpu.memory_space<vmem>>
      %dma_start3A_56 = arith.constant 128 : i32
      %dma_start3A_57 = tpu.memref_slice %arg3[%add3A_45, %dma_start3A_56] : memref<50x1024xi32, #tpu.memory_space<hbm>> -> memref<1x64xi32, #tpu.memory_space<hbm>>
      %dma_start3A_58 = tpu.memref_squeeze %dma_start3A_57 : memref<1x64xi32, #tpu.memory_space<hbm>> -> memref<64xi32, #tpu.memory_space<hbm>>
      tpu.enqueue_dma source(%dma_start3A_58 : memref<64xi32, #tpu.memory_space<hbm>>) target(%dma_start3A_55 : memref<64xi32, #tpu.memory_space<vmem>>) target_semaphore(%arg24 : memref<!tpu.dma_semaphore, #tpu.memory_space<semaphore_mem>>)
      %add3A_59 = arith.constant 0 : i32
      %add3A_60 = arith.addi %mul3A_7, %add3A_59 : i32
      %dma_start3A_61 = arith.constant 3 : i32
      %dma_start3A_62 = arith.constant 0 : i32
      %dma_start3A_63 = tpu.memref_slice %arg6[%dma_start3A_61, %dma_start3A_62] : memref<32x64xi32, #tpu.memory_space<vmem>> -> memref<1x64xi32, #tpu.memory_space<vmem>>
      %dma_start3A_64 = tpu.memref_squeeze %dma_start3A_63 : memref<1x64xi32, #tpu.memory_space<vmem>> -> memref<64xi32, #tpu.memory_space<vmem>>
      %dma_start3A_65 = arith.constant 192 : i32
      %dma_start3A_66 = tpu.memref_slice %arg3[%add3A_60, %dma_start3A_65] : memref<50x1024xi32, #tpu.memory_space<hbm>> -> memref<1x64xi32, #tpu.memory_space<hbm>>
      %dma_start3A_67 = tpu.memref_squeeze %dma_start3A_66 : memref<1x64xi32, #tpu.memory_space<hbm>> -> memref<64xi32, #tpu.memory_space<hbm>>
      %dma_start3A_68 = arith.constant 0 : i32
      %dma_start3A_69 = tpu.memref_slice %arg6[%dma_start3A_61, %dma_start3A_68] : memref<32x64xi32, #tpu.memory_space<vmem>> -> memref<1x64xi32, #tpu.memory_space<vmem>>
      %dma_start3A_70 = tpu.memref_squeeze %dma_start3A_69 : memref<1x64xi32, #tpu.memory_space<vmem>> -> memref<64xi32, #tpu.memory_space<vmem>>
      %dma_start3A_71 = arith.constant 192 : i32
      %dma_start3A_72 = tpu.memref_slice %arg3[%add3A_60, %dma_start3A_71] : memref<50x1024xi32, #tpu.memory_space<hbm>> -> memref<1x64xi32, #tpu.memory_space<hbm>>
      %dma_start3A_73 = tpu.memref_squeeze %dma_start3A_72 : memref<1x64xi32, #tpu.memory_space<hbm>> -> memref<64xi32, #tpu.memory_space<hbm>>
      tpu.enqueue_dma source(%dma_start3A_73 : memref<64xi32, #tpu.memory_space<hbm>>) target(%dma_start3A_70 : memref<64xi32, #tpu.memory_space<vmem>>) target_semaphore(%arg24 : memref<!tpu.dma_semaphore, #tpu.memory_space<semaphore_mem>>)
      %add3A_74 = arith.constant 0 : i32
      %add3A_75 = arith.addi %mul3A_7, %add3A_74 : i32
      %dma_start3A_76 = arith.constant 4 : i32
      %dma_start3A_77 = arith.constant 0 : i32
      %dma_start3A_78 = tpu.memref_slice %arg6[%dma_start3A_76, %dma_start3A_77] : memref<32x64xi32, #tpu.memory_space<vmem>> -> memref<1x64xi32, #tpu.memory_space<vmem>>
      %dma_start3A_79 = tpu.memref_squeeze %dma_start3A_78 : memref<1x64xi32, #tpu.memory_space<vmem>> -> memref<64xi32, #tpu.memory_space<vmem>>
      %dma_start3A_80 = arith.constant 256 : i32
      %dma_start3A_81 = tpu.memref_slice %arg3[%add3A_75, %dma_start3A_80] : memref<50x1024xi32, #tpu.memory_space<hbm>> -> memref<1x64xi32, #tpu.memory_space<hbm>>
      %dma_start3A_82 = tpu.memref_squeeze %dma_start3A_81 : memref<1x64xi32, #tpu.memory_space<hbm>> -> memref<64xi32, #tpu.memory_space<hbm>>
      %dma_start3A_83 = arith.constant 0 : i32
      %dma_start3A_84 = tpu.memref_slice %arg6[%dma_start3A_76, %dma_start3A_83] : memref<32x64xi32, #tpu.memory_space<vmem>> -> memref<1x64xi32, #tpu.memory_space<vmem>>
      %dma_start3A_85 = tpu.memref_squeeze %dma_start3A_84 : memref<1x64xi32, #tpu.memory_space<vmem>> -> memref<64xi32, #tpu.memory_space<vmem>>
      %dma_start3A_86 = arith.constant 256 : i32
      %dma_start3A_87 = tpu.memref_slice %arg3[%add3A_75, %dma_start3A_86] : memref<50x1024xi32, #tpu.memory_space<hbm>> -> memref<1x64xi32, #tpu.memory_space<hbm>>
      %dma_start3A_88 = tpu.memref_squeeze %dma_start3A_87 : memref<1x64xi32, #tpu.memory_space<hbm>> -> memref<64xi32, #tpu.memory_space<hbm>>
      tpu.enqueue_dma source(%dma_start3A_88 : memref<64xi32, #tpu.memory_space<hbm>>) target(%dma_start3A_85 : memref<64xi32, #tpu.memory_space<vmem>>) target_semaphore(%arg24 : memref<!tpu.dma_semaphore, #tpu.memory_space<semaphore_mem>>)
      %add3A_89 = arith.constant 0 : i32
      %add3A_90 = arith.addi %mul3A_7, %add3A_89 : i32
      %dma_start3A_91 = arith.constant 5 : i32
      %dma_start3A_92 = arith.constant 0 : i32
      %dma_start3A_93 = tpu.memref_slice %arg6[%dma_start3A_91, %dma_start3A_92] : memref<32x64xi32, #tpu.memory_space<vmem>> -> memref<1x64xi32, #tpu.memory_space<vmem>>
      %dma_start3A_94 = tpu.memref_squeeze %dma_start3A_93 : memref<1x64xi32, #tpu.memory_space<vmem>> -> memref<64xi32, #tpu.memory_space<vmem>>
      %dma_start3A_95 = arith.constant 320 : i32
      %dma_start3A_96 = tpu.memref_slice %arg3[%add3A_90, %dma_start3A_95] : memref<50x1024xi32, #tpu.memory_space<hbm>> -> memref<1x64xi32, #tpu.memory_space<hbm>>
      %dma_start3A_97 = tpu.memref_squeeze %dma_start3A_96 : memref<1x64xi32, #tpu.memory_space<hbm>> -> memref<64xi32, #tpu.memory_space<hbm>>
      %dma_start3A_98 = arith.constant 0 : i32
      %dma_start3A_99 = tpu.memref_slice %arg6[%dma_start3A_91, %dma_start3A_98] : memref<32x64xi32, #tpu.memory_space<vmem>> -> memref<1x64xi32, #tpu.memory_space<vmem>>
      %dma_start3A_100 = tpu.memref_squeeze %dma_start3A_99 : memref<1x64xi32, #tpu.memory_space<vmem>> -> memref<64xi32, #tpu.memory_space<vmem>>
      %dma_start3A_101 = arith.constant 320 : i32
      %dma_start3A_102 = tpu.memref_slice %arg3[%add3A_90, %dma_start3A_101] : memref<50x1024xi32, #tpu.memory_space<hbm>> -> memref<1x64xi32, #tpu.memory_space<hbm>>
      %dma_start3A_103 = tpu.memref_squeeze %dma_start3A_102 : memref<1x64xi32, #tpu.memory_space<hbm>> -> memref<64xi32, #tpu.memory_space<hbm>>
      tpu.enqueue_dma source(%dma_start3A_103 : memref<64xi32, #tpu.memory_space<hbm>>) target(%dma_start3A_100 : memref<64xi32, #tpu.memory_space<vmem>>) target_semaphore(%arg24 : memref<!tpu.dma_semaphore, #tpu.memory_space<semaphore_mem>>)
      %add3A_104 = arith.constant 0 : i32
      %add3A_105 = arith.addi %mul3A_7, %add3A_104 : i32
      %dma_start3A_106 = arith.constant 6 : i32
      %dma_start3A_107 = arith.constant 0 : i32
      %dma_start3A_108 = tpu.memref_slice %arg6[%dma_start3A_106, %dma_start3A_107] : memref<32x64xi32, #tpu.memory_space<vmem>> -> memref<1x64xi32, #tpu.memory_space<vmem>>
      %dma_start3A_109 = tpu.memref_squeeze %dma_start3A_108 : memref<1x64xi32, #tpu.memory_space<vmem>> -> memref<64xi32, #tpu.memory_space<vmem>>
      %dma_start3A_110 = arith.constant 384 : i32
      %dma_start3A_111 = tpu.memref_slice %arg3[%add3A_105, %dma_start3A_110] : memref<50x1024xi32, #tpu.memory_space<hbm>> -> memref<1x64xi32, #tpu.memory_space<hbm>>
      %dma_start3A_112 = tpu.memref_squeeze %dma_start3A_111 : memref<1x64xi32, #tpu.memory_space<hbm>> -> memref<64xi32, #tpu.memory_space<hbm>>
      %dma_start3A_113 = arith.constant 0 : i32
      %dma_start3A_114 = tpu.memref_slice %arg6[%dma_start3A_106, %dma_start3A_113] : memref<32x64xi32, #tpu.memory_space<vmem>> -> memref<1x64xi32, #tpu.memory_space<vmem>>
      %dma_start3A_115 = tpu.memref_squeeze %dma_start3A_114 : memref<1x64xi32, #tpu.memory_space<vmem>> -> memref<64xi32, #tpu.memory_space<vmem>>
      %dma_start3A_116 = arith.constant 384 : i32
      %dma_start3A_117 = tpu.memref_slice %arg3[%add3A_105, %dma_start3A_116] : memref<50x1024xi32, #tpu.memory_space<hbm>> -> memref<1x64xi32, #tpu.memory_space<hbm>>
      %dma_start3A_118 = tpu.memref_squeeze %dma_start3A_117 : memref<1x64xi32, #tpu.memory_space<hbm>> -> memref<64xi32, #tpu.memory_space<hbm>>
      tpu.enqueue_dma source(%dma_start3A_118 : memref<64xi32, #tpu.memory_space<hbm>>) target(%dma_start3A_115 : memref<64xi32, #tpu.memory_space<vmem>>) target_semaphore(%arg24 : memref<!tpu.dma_semaphore, #tpu.memory_space<semaphore_mem>>)
      %add3A_119 = arith.constant 0 : i32
      %add3A_120 = arith.addi %mul3A_7, %add3A_119 : i32
      %dma_start3A_121 = arith.constant 7 : i32
      %dma_start3A_122 = arith.constant 0 : i32
      %dma_start3A_123 = tpu.memref_slice %arg6[%dma_start3A_121, %dma_start3A_122] : memref<32x64xi32, #tpu.memory_space<vmem>> -> memref<1x64xi32, #tpu.memory_space<vmem>>
      %dma_start3A_124 = tpu.memref_squeeze %dma_start3A_123 : memref<1x64xi32, #tpu.memory_space<vmem>> -> memref<64xi32, #tpu.memory_space<vmem>>
      %dma_start3A_125 = arith.constant 448 : i32
      %dma_start3A_126 = tpu.memref_slice %arg3[%add3A_120, %dma_start3A_125] : memref<50x1024xi32, #tpu.memory_space<hbm>> -> memref<1x64xi32, #tpu.memory_space<hbm>>
      %dma_start3A_127 = tpu.memref_squeeze %dma_start3A_126 : memref<1x64xi32, #tpu.memory_space<hbm>> -> memref<64xi32, #tpu.memory_space<hbm>>
      %dma_start3A_128 = arith.constant 0 : i32
      %dma_start3A_129 = tpu.memref_slice %arg6[%dma_start3A_121, %dma_start3A_128] : memref<32x64xi32, #tpu.memory_space<vmem>> -> memref<1x64xi32, #tpu.memory_space<vmem>>
      %dma_start3A_130 = tpu.memref_squeeze %dma_start3A_129 : memref<1x64xi32, #tpu.memory_space<vmem>> -> memref<64xi32, #tpu.memory_space<vmem>>
      %dma_start3A_131 = arith.constant 448 : i32
      %dma_start3A_132 = tpu.memref_slice %arg3[%add3A_120, %dma_start3A_131] : memref<50x1024xi32, #tpu.memory_space<hbm>> -> memref<1x64xi32, #tpu.memory_space<hbm>>
      %dma_start3A_133 = tpu.memref_squeeze %dma_start3A_132 : memref<1x64xi32, #tpu.memory_space<hbm>> -> memref<64xi32, #tpu.memory_space<hbm>>
      tpu.enqueue_dma source(%dma_start3A_133 : memref<64xi32, #tpu.memory_space<hbm>>) target(%dma_start3A_130 : memref<64xi32, #tpu.memory_space<vmem>>) target_semaphore(%arg24 : memref<!tpu.dma_semaphore, #tpu.memory_space<semaphore_mem>>)
      %add3A_134 = arith.constant 0 : i32
      %add3A_135 = arith.addi %mul3A_7, %add3A_134 : i32
      %dma_start3A_136 = arith.constant 8 : i32
      %dma_start3A_137 = arith.constant 0 : i32
      %dma_start3A_138 = tpu.memref_slice %arg6[%dma_start3A_136, %dma_start3A_137] : memref<32x64xi32, #tpu.memory_space<vmem>> -> memref<1x64xi32, #tpu.memory_space<vmem>>
      %dma_start3A_139 = tpu.memref_squeeze %dma_start3A_138 : memref<1x64xi32, #tpu.memory_space<vmem>> -> memref<64xi32, #tpu.memory_space<vmem>>
      %dma_start3A_140 = arith.constant 512 : i32
      %dma_start3A_141 = tpu.memref_slice %arg3[%add3A_135, %dma_start3A_140] : memref<50x1024xi32, #tpu.memory_space<hbm>> -> memref<1x64xi32, #tpu.memory_space<hbm>>
      %dma_start3A_142 = tpu.memref_squeeze %dma_start3A_141 : memref<1x64xi32, #tpu.memory_space<hbm>> -> memref<64xi32, #tpu.memory_space<hbm>>
      %dma_start3A_143 = arith.constant 0 : i32
      %dma_start3A_144 = tpu.memref_slice %arg6[%dma_start3A_136, %dma_start3A_143] : memref<32x64xi32, #tpu.memory_space<vmem>> -> memref<1x64xi32, #tpu.memory_space<vmem>>
      %dma_start3A_145 = tpu.memref_squeeze %dma_start3A_144 : memref<1x64xi32, #tpu.memory_space<vmem>> -> memref<64xi32, #tpu.memory_space<vmem>>
      %dma_start3A_146 = arith.constant 512 : i32
      %dma_start3A_147 = tpu.memref_slice %arg3[%add3A_135, %dma_start3A_146] : memref<50x1024xi32, #tpu.memory_space<hbm>> -> memref<1x64xi32, #tpu.memory_space<hbm>>
      %dma_start3A_148 = tpu.memref_squeeze %dma_start3A_147 : memref<1x64xi32, #tpu.memory_space<hbm>> -> memref<64xi32, #tpu.memory_space<hbm>>
      tpu.enqueue_dma source(%dma_start3A_148 : memref<64xi32, #tpu.memory_space<hbm>>) target(%dma_start3A_145 : memref<64xi32, #tpu.memory_space<vmem>>) target_semaphore(%arg24 : memref<!tpu.dma_semaphore, #tpu.memory_space<semaphore_mem>>)
      %add3A_149 = arith.constant 0 : i32
      %add3A_150 = arith.addi %mul3A_7, %add3A_149 : i32
      %dma_start3A_151 = arith.constant 9 : i32
      %dma_start3A_152 = arith.constant 0 : i32
      %dma_start3A_153 = tpu.memref_slice %arg6[%dma_start3A_151, %dma_start3A_152] : memref<32x64xi32, #tpu.memory_space<vmem>> -> memref<1x64xi32, #tpu.memory_space<vmem>>
      %dma_start3A_154 = tpu.memref_squeeze %dma_start3A_153 : memref<1x64xi32, #tpu.memory_space<vmem>> -> memref<64xi32, #tpu.memory_space<vmem>>
      %dma_start3A_155 = arith.constant 576 : i32
      %dma_start3A_156 = tpu.memref_slice %arg3[%add3A_150, %dma_start3A_155] : memref<50x1024xi32, #tpu.memory_space<hbm>> -> memref<1x64xi32, #tpu.memory_space<hbm>>
      %dma_start3A_157 = tpu.memref_squeeze %dma_start3A_156 : memref<1x64xi32, #tpu.memory_space<hbm>> -> memref<64xi32, #tpu.memory_space<hbm>>
      %dma_start3A_158 = arith.constant 0 : i32
      %dma_start3A_159 = tpu.memref_slice %arg6[%dma_start3A_151, %dma_start3A_158] : memref<32x64xi32, #tpu.memory_space<vmem>> -> memref<1x64xi32, #tpu.memory_space<vmem>>
      %dma_start3A_160 = tpu.memref_squeeze %dma_start3A_159 : memref<1x64xi32, #tpu.memory_space<vmem>> -> memref<64xi32, #tpu.memory_space<vmem>>
      %dma_start3A_161 = arith.constant 576 : i32
      %dma_start3A_162 = tpu.memref_slice %arg3[%add3A_150, %dma_start3A_161] : memref<50x1024xi32, #tpu.memory_space<hbm>> -> memref<1x64xi32, #tpu.memory_space<hbm>>
      %dma_start3A_163 = tpu.memref_squeeze %dma_start3A_162 : memref<1x64xi32, #tpu.memory_space<hbm>> -> memref<64xi32, #tpu.memory_space<hbm>>
      tpu.enqueue_dma source(%dma_start3A_163 : memref<64xi32, #tpu.memory_space<hbm>>) target(%dma_start3A_160 : memref<64xi32, #tpu.memory_space<vmem>>) target_semaphore(%arg24 : memref<!tpu.dma_semaphore, #tpu.memory_space<semaphore_mem>>)
      %add3A_164 = arith.constant 0 : i32
      %add3A_165 = arith.addi %mul3A_7, %add3A_164 : i32
      %dma_start3A_166 = arith.constant 10 : i32
      %dma_start3A_167 = arith.constant 0 : i32
      %dma_start3A_168 = tpu.memref_slice %arg6[%dma_start3A_166, %dma_start3A_167] : memref<32x64xi32, #tpu.memory_space<vmem>> -> memref<1x64xi32, #tpu.memory_space<vmem>>
      %dma_start3A_169 = tpu.memref_squeeze %dma_start3A_168 : memref<1x64xi32, #tpu.memory_space<vmem>> -> memref<64xi32, #tpu.memory_space<vmem>>
      %dma_start3A_170 = arith.constant 640 : i32
      %dma_start3A_171 = tpu.memref_slice %arg3[%add3A_165, %dma_start3A_170] : memref<50x1024xi32, #tpu.memory_space<hbm>> -> memref<1x64xi32, #tpu.memory_space<hbm>>
      %dma_start3A_172 = tpu.memref_squeeze %dma_start3A_171 : memref<1x64xi32, #tpu.memory_space<hbm>> -> memref<64xi32, #tpu.memory_space<hbm>>
      %dma_start3A_173 = arith.constant 0 : i32
      %dma_start3A_174 = tpu.memref_slice %arg6[%dma_start3A_166, %dma_start3A_173] : memref<32x64xi32, #tpu.memory_space<vmem>> -> memref<1x64xi32, #tpu.memory_space<vmem>>
      %dma_start3A_175 = tpu.memref_squeeze %dma_start3A_174 : memref<1x64xi32, #tpu.memory_space<vmem>> -> memref<64xi32, #tpu.memory_space<vmem>>
      %dma_start3A_176 = arith.constant 640 : i32
      %dma_start3A_177 = tpu.memref_slice %arg3[%add3A_165, %dma_start3A_176] : memref<50x1024xi32, #tpu.memory_space<hbm>> -> memref<1x64xi32, #tpu.memory_space<hbm>>
      %dma_start3A_178 = tpu.memref_squeeze %dma_start3A_177 : memref<1x64xi32, #tpu.memory_space<hbm>> -> memref<64xi32, #tpu.memory_space<hbm>>
      tpu.enqueue_dma source(%dma_start3A_178 : memref<64xi32, #tpu.memory_space<hbm>>) target(%dma_start3A_175 : memref<64xi32, #tpu.memory_space<vmem>>) target_semaphore(%arg24 : memref<!tpu.dma_semaphore, #tpu.memory_space<semaphore_mem>>)
      %add3A_179 = arith.constant 0 : i32
      %add3A_180 = arith.addi %mul3A_7, %add3A_179 : i32
      %dma_start3A_181 = arith.constant 11 : i32
      %dma_start3A_182 = arith.constant 0 : i32
      %dma_start3A_183 = tpu.memref_slice %arg6[%dma_start3A_181, %dma_start3A_182] : memref<32x64xi32, #tpu.memory_space<vmem>> -> memref<1x64xi32, #tpu.memory_space<vmem>>
      %dma_start3A_184 = tpu.memref_squeeze %dma_start3A_183 : memref<1x64xi32, #tpu.memory_space<vmem>> -> memref<64xi32, #tpu.memory_space<vmem>>
      %dma_start3A_185 = arith.constant 704 : i32
      %dma_start3A_186 = tpu.memref_slice %arg3[%add3A_180, %dma_start3A_185] : memref<50x1024xi32, #tpu.memory_space<hbm>> -> memref<1x64xi32, #tpu.memory_space<hbm>>
      %dma_start3A_187 = tpu.memref_squeeze %dma_start3A_186 : memref<1x64xi32, #tpu.memory_space<hbm>> -> memref<64xi32, #tpu.memory_space<hbm>>
      %dma_start3A_188 = arith.constant 0 : i32
      %dma_start3A_189 = tpu.memref_slice %arg6[%dma_start3A_181, %dma_start3A_188] : memref<32x64xi32, #tpu.memory_space<vmem>> -> memref<1x64xi32, #tpu.memory_space<vmem>>
      %dma_start3A_190 = tpu.memref_squeeze %dma_start3A_189 : memref<1x64xi32, #tpu.memory_space<vmem>> -> memref<64xi32, #tpu.memory_space<vmem>>
      %dma_start3A_191 = arith.constant 704 : i32
      %dma_start3A_192 = tpu.memref_slice %arg3[%add3A_180, %dma_start3A_191] : memref<50x1024xi32, #tpu.memory_space<hbm>> -> memref<1x64xi32, #tpu.memory_space<hbm>>
      %dma_start3A_193 = tpu.memref_squeeze %dma_start3A_192 : memref<1x64xi32, #tpu.memory_space<hbm>> -> memref<64xi32, #tpu.memory_space<hbm>>
      tpu.enqueue_dma source(%dma_start3A_193 : memref<64xi32, #tpu.memory_space<hbm>>) target(%dma_start3A_190 : memref<64xi32, #tpu.memory_space<vmem>>) target_semaphore(%arg24 : memref<!tpu.dma_semaphore, #tpu.memory_space<semaphore_mem>>)
      %add3A_194 = arith.constant 0 : i32
      %add3A_195 = arith.addi %mul3A_7, %add3A_194 : i32
      %dma_start3A_196 = arith.constant 12 : i32
      %dma_start3A_197 = arith.constant 0 : i32
      %dma_start3A_198 = tpu.memref_slice %arg6[%dma_start3A_196, %dma_start3A_197] : memref<32x64xi32, #tpu.memory_space<vmem>> -> memref<1x64xi32, #tpu.memory_space<vmem>>
      %dma_start3A_199 = tpu.memref_squeeze %dma_start3A_198 : memref<1x64xi32, #tpu.memory_space<vmem>> -> memref<64xi32, #tpu.memory_space<vmem>>
      %dma_start3A_200 = arith.constant 768 : i32
      %dma_start3A_201 = tpu.memref_slice %arg3[%add3A_195, %dma_start3A_200] : memref<50x1024xi32, #tpu.memory_space<hbm>> -> memref<1x64xi32, #tpu.memory_space<hbm>>
      %dma_start3A_202 = tpu.memref_squeeze %dma_start3A_201 : memref<1x64xi32, #tpu.memory_space<hbm>> -> memref<64xi32, #tpu.memory_space<hbm>>
      %dma_start3A_203 = arith.constant 0 : i32
      %dma_start3A_204 = tpu.memref_slice %arg6[%dma_start3A_196, %dma_start3A_203] : memref<32x64xi32, #tpu.memory_space<vmem>> -> memref<1x64xi32, #tpu.memory_space<vmem>>
      %dma_start3A_205 = tpu.memref_squeeze %dma_start3A_204 : memref<1x64xi32, #tpu.memory_space<vmem>> -> memref<64xi32, #tpu.memory_space<vmem>>
      %dma_start3A_206 = arith.constant 768 : i32
      %dma_start3A_207 = tpu.memref_slice %arg3[%add3A_195, %dma_start3A_206] : memref<50x1024xi32, #tpu.memory_space<hbm>> -> memref<1x64xi32, #tpu.memory_space<hbm>>
      %dma_start3A_208 = tpu.memref_squeeze %dma_start3A_207 : memref<1x64xi32, #tpu.memory_space<hbm>> -> memref<64xi32, #tpu.memory_space<hbm>>
      tpu.enqueue_dma source(%dma_start3A_208 : memref<64xi32, #tpu.memory_space<hbm>>) target(%dma_start3A_205 : memref<64xi32, #tpu.memory_space<vmem>>) target_semaphore(%arg24 : memref<!tpu.dma_semaphore, #tpu.memory_space<semaphore_mem>>)
      %add3A_209 = arith.constant 0 : i32
      %add3A_210 = arith.addi %mul3A_7, %add3A_209 : i32
      %dma_start3A_211 = arith.constant 13 : i32
      %dma_start3A_212 = arith.constant 0 : i32
      %dma_start3A_213 = tpu.memref_slice %arg6[%dma_start3A_211, %dma_start3A_212] : memref<32x64xi32, #tpu.memory_space<vmem>> -> memref<1x64xi32, #tpu.memory_space<vmem>>
      %dma_start3A_214 = tpu.memref_squeeze %dma_start3A_213 : memref<1x64xi32, #tpu.memory_space<vmem>> -> memref<64xi32, #tpu.memory_space<vmem>>
      %dma_start3A_215 = arith.constant 832 : i32
      %dma_start3A_216 = tpu.memref_slice %arg3[%add3A_210, %dma_start3A_215] : memref<50x1024xi32, #tpu.memory_space<hbm>> -> memref<1x64xi32, #tpu.memory_space<hbm>>
      %dma_start3A_217 = tpu.memref_squeeze %dma_start3A_216 : memref<1x64xi32, #tpu.memory_space<hbm>> -> memref<64xi32, #tpu.memory_space<hbm>>
      %dma_start3A_218 = arith.constant 0 : i32
      %dma_start3A_219 = tpu.memref_slice %arg6[%dma_start3A_211, %dma_start3A_218] : memref<32x64xi32, #tpu.memory_space<vmem>> -> memref<1x64xi32, #tpu.memory_space<vmem>>
      %dma_start3A_220 = tpu.memref_squeeze %dma_start3A_219 : memref<1x64xi32, #tpu.memory_space<vmem>> -> memref<64xi32, #tpu.memory_space<vmem>>
      %dma_start3A_221 = arith.constant 832 : i32
      %dma_start3A_222 = tpu.memref_slice %arg3[%add3A_210, %dma_start3A_221] : memref<50x1024xi32, #tpu.memory_space<hbm>> -> memref<1x64xi32, #tpu.memory_space<hbm>>
      %dma_start3A_223 = tpu.memref_squeeze %dma_start3A_222 : memref<1x64xi32, #tpu.memory_space<hbm>> -> memref<64xi32, #tpu.memory_space<hbm>>
      tpu.enqueue_dma source(%dma_start3A_223 : memref<64xi32, #tpu.memory_space<hbm>>) target(%dma_start3A_220 : memref<64xi32, #tpu.memory_space<vmem>>) target_semaphore(%arg24 : memref<!tpu.dma_semaphore, #tpu.memory_space<semaphore_mem>>)
      %add3A_224 = arith.constant 0 : i32
      %add3A_225 = arith.addi %mul3A_7, %add3A_224 : i32
      %dma_start3A_226 = arith.constant 14 : i32
      %dma_start3A_227 = arith.constant 0 : i32
      %dma_start3A_228 = tpu.memref_slice %arg6[%dma_start3A_226, %dma_start3A_227] : memref<32x64xi32, #tpu.memory_space<vmem>> -> memref<1x64xi32, #tpu.memory_space<vmem>>
      %dma_start3A_229 = tpu.memref_squeeze %dma_start3A_228 : memref<1x64xi32, #tpu.memory_space<vmem>> -> memref<64xi32, #tpu.memory_space<vmem>>
      %dma_start3A_230 = arith.constant 896 : i32
      %dma_start3A_231 = tpu.memref_slice %arg3[%add3A_225, %dma_start3A_230] : memref<50x1024xi32, #tpu.memory_space<hbm>> -> memref<1x64xi32, #tpu.memory_space<hbm>>
      %dma_start3A_232 = tpu.memref_squeeze %dma_start3A_231 : memref<1x64xi32, #tpu.memory_space<hbm>> -> memref<64xi32, #tpu.memory_space<hbm>>
      %dma_start3A_233 = arith.constant 0 : i32
      %dma_start3A_234 = tpu.memref_slice %arg6[%dma_start3A_226, %dma_start3A_233] : memref<32x64xi32, #tpu.memory_space<vmem>> -> memref<1x64xi32, #tpu.memory_space<vmem>>
      %dma_start3A_235 = tpu.memref_squeeze %dma_start3A_234 : memref<1x64xi32, #tpu.memory_space<vmem>> -> memref<64xi32, #tpu.memory_space<vmem>>
      %dma_start3A_236 = arith.constant 896 : i32
      %dma_start3A_237 = tpu.memref_slice %arg3[%add3A_225, %dma_start3A_236] : memref<50x1024xi32, #tpu.memory_space<hbm>> -> memref<1x64xi32, #tpu.memory_space<hbm>>
      %dma_start3A_238 = tpu.memref_squeeze %dma_start3A_237 : memref<1x64xi32, #tpu.memory_space<hbm>> -> memref<64xi32, #tpu.memory_space<hbm>>
      tpu.enqueue_dma source(%dma_start3A_238 : memref<64xi32, #tpu.memory_space<hbm>>) target(%dma_start3A_235 : memref<64xi32, #tpu.memory_space<vmem>>) target_semaphore(%arg24 : memref<!tpu.dma_semaphore, #tpu.memory_space<semaphore_mem>>)
      %add3A_239 = arith.constant 0 : i32
      %add3A_240 = arith.addi %mul3A_7, %add3A_239 : i32
      %dma_start3A_241 = arith.constant 15 : i32
      %dma_start3A_242 = arith.constant 0 : i32
      %dma_start3A_243 = tpu.memref_slice %arg6[%dma_start3A_241, %dma_start3A_242] : memref<32x64xi32, #tpu.memory_space<vmem>> -> memref<1x64xi32, #tpu.memory_space<vmem>>
      %dma_start3A_244 = tpu.memref_squeeze %dma_start3A_243 : memref<1x64xi32, #tpu.memory_space<vmem>> -> memref<64xi32, #tpu.memory_space<vmem>>
      %dma_start3A_245 = arith.constant 960 : i32
      %dma_start3A_246 = tpu.memref_slice %arg3[%add3A_240, %dma_start3A_245] : memref<50x1024xi32, #tpu.memory_space<hbm>> -> memref<1x64xi32, #tpu.memory_space<hbm>>
      %dma_start3A_247 = tpu.memref_squeeze %dma_start3A_246 : memref<1x64xi32, #tpu.memory_space<hbm>> -> memref<64xi32, #tpu.memory_space<hbm>>
      %dma_start3A_248 = arith.constant 0 : i32
      %dma_start3A_249 = tpu.memref_slice %arg6[%dma_start3A_241, %dma_start3A_248] : memref<32x64xi32, #tpu.memory_space<vmem>> -> memref<1x64xi32, #tpu.memory_space<vmem>>
      %dma_start3A_250 = tpu.memref_squeeze %dma_start3A_249 : memref<1x64xi32, #tpu.memory_space<vmem>> -> memref<64xi32, #tpu.memory_space<vmem>>
      %dma_start3A_251 = arith.constant 960 : i32
      %dma_start3A_252 = tpu.memref_slice %arg3[%add3A_240, %dma_start3A_251] : memref<50x1024xi32, #tpu.memory_space<hbm>> -> memref<1x64xi32, #tpu.memory_space<hbm>>
      %dma_start3A_253 = tpu.memref_squeeze %dma_start3A_252 : memref<1x64xi32, #tpu.memory_space<hbm>> -> memref<64xi32, #tpu.memory_space<hbm>>
      tpu.enqueue_dma source(%dma_start3A_253 : memref<64xi32, #tpu.memory_space<hbm>>) target(%dma_start3A_250 : memref<64xi32, #tpu.memory_space<vmem>>) target_semaphore(%arg24 : memref<!tpu.dma_semaphore, #tpu.memory_space<semaphore_mem>>)
      %add3A_254 = arith.constant 1 : i32
      %add3A_255 = arith.addi %mul3A_7, %add3A_254 : i32
      %dma_start3A_256 = arith.constant 16 : i32
      %dma_start3A_257 = arith.constant 0 : i32
      %dma_start3A_258 = tpu.memref_slice %arg6[%dma_start3A_256, %dma_start3A_257] : memref<32x64xi32, #tpu.memory_space<vmem>> -> memref<1x64xi32, #tpu.memory_space<vmem>>
      %dma_start3A_259 = tpu.memref_squeeze %dma_start3A_258 : memref<1x64xi32, #tpu.memory_space<vmem>> -> memref<64xi32, #tpu.memory_space<vmem>>
      %dma_start3A_260 = arith.constant 0 : i32
      %dma_start3A_261 = tpu.memref_slice %arg3[%add3A_255, %dma_start3A_260] : memref<50x1024xi32, #tpu.memory_space<hbm>> -> memref<1x64xi32, #tpu.memory_space<hbm>>
      %dma_start3A_262 = tpu.memref_squeeze %dma_start3A_261 : memref<1x64xi32, #tpu.memory_space<hbm>> -> memref<64xi32, #tpu.memory_space<hbm>>
      %dma_start3A_263 = arith.constant 0 : i32
      %dma_start3A_264 = tpu.memref_slice %arg6[%dma_start3A_256, %dma_start3A_263] : memref<32x64xi32, #tpu.memory_space<vmem>> -> memref<1x64xi32, #tpu.memory_space<vmem>>
      %dma_start3A_265 = tpu.memref_squeeze %dma_start3A_264 : memref<1x64xi32, #tpu.memory_space<vmem>> -> memref<64xi32, #tpu.memory_space<vmem>>
      %dma_start3A_266 = arith.constant 0 : i32
      %dma_start3A_267 = tpu.memref_slice %arg3[%add3A_255, %dma_start3A_266] : memref<50x1024xi32, #tpu.memory_space<hbm>> -> memref<1x64xi32, #tpu.memory_space<hbm>>
      %dma_start3A_268 = tpu.memref_squeeze %dma_start3A_267 : memref<1x64xi32, #tpu.memory_space<hbm>> -> memref<64xi32, #tpu.memory_space<hbm>>
      tpu.enqueue_dma source(%dma_start3A_268 : memref<64xi32, #tpu.memory_space<hbm>>) target(%dma_start3A_265 : memref<64xi32, #tpu.memory_space<vmem>>) target_semaphore(%arg24 : memref<!tpu.dma_semaphore, #tpu.memory_space<semaphore_mem>>)
      %add3A_269 = arith.constant 1 : i32
      %add3A_270 = arith.addi %mul3A_7, %add3A_269 : i32
      %dma_start3A_271 = arith.constant 17 : i32
      %dma_start3A_272 = arith.constant 0 : i32
      %dma_start3A_273 = tpu.memref_slice %arg6[%dma_start3A_271, %dma_start3A_272] : memref<32x64xi32, #tpu.memory_space<vmem>> -> memref<1x64xi32, #tpu.memory_space<vmem>>
      %dma_start3A_274 = tpu.memref_squeeze %dma_start3A_273 : memref<1x64xi32, #tpu.memory_space<vmem>> -> memref<64xi32, #tpu.memory_space<vmem>>
      %dma_start3A_275 = arith.constant 64 : i32
      %dma_start3A_276 = tpu.memref_slice %arg3[%add3A_270, %dma_start3A_275] : memref<50x1024xi32, #tpu.memory_space<hbm>> -> memref<1x64xi32, #tpu.memory_space<hbm>>
      %dma_start3A_277 = tpu.memref_squeeze %dma_start3A_276 : memref<1x64xi32, #tpu.memory_space<hbm>> -> memref<64xi32, #tpu.memory_space<hbm>>
      %dma_start3A_278 = arith.constant 0 : i32
      %dma_start3A_279 = tpu.memref_slice %arg6[%dma_start3A_271, %dma_start3A_278] : memref<32x64xi32, #tpu.memory_space<vmem>> -> memref<1x64xi32, #tpu.memory_space<vmem>>
      %dma_start3A_280 = tpu.memref_squeeze %dma_start3A_279 : memref<1x64xi32, #tpu.memory_space<vmem>> -> memref<64xi32, #tpu.memory_space<vmem>>
      %dma_start3A_281 = arith.constant 64 : i32
      %dma_start3A_282 = tpu.memref_slice %arg3[%add3A_270, %dma_start3A_281] : memref<50x1024xi32, #tpu.memory_space<hbm>> -> memref<1x64xi32, #tpu.memory_space<hbm>>
      %dma_start3A_283 = tpu.memref_squeeze %dma_start3A_282 : memref<1x64xi32, #tpu.memory_space<hbm>> -> memref<64xi32, #tpu.memory_space<hbm>>
      tpu.enqueue_dma source(%dma_start3A_283 : memref<64xi32, #tpu.memory_space<hbm>>) target(%dma_start3A_280 : memref<64xi32, #tpu.memory_space<vmem>>) target_semaphore(%arg24 : memref<!tpu.dma_semaphore, #tpu.memory_space<semaphore_mem>>)
      %add3A_284 = arith.constant 1 : i32
      %add3A_285 = arith.addi %mul3A_7, %add3A_284 : i32
      %dma_start3A_286 = arith.constant 18 : i32
      %dma_start3A_287 = arith.constant 0 : i32
      %dma_start3A_288 = tpu.memref_slice %arg6[%dma_start3A_286, %dma_start3A_287] : memref<32x64xi32, #tpu.memory_space<vmem>> -> memref<1x64xi32, #tpu.memory_space<vmem>>
      %dma_start3A_289 = tpu.memref_squeeze %dma_start3A_288 : memref<1x64xi32, #tpu.memory_space<vmem>> -> memref<64xi32, #tpu.memory_space<vmem>>
      %dma_start3A_290 = arith.constant 128 : i32
      %dma_start3A_291 = tpu.memref_slice %arg3[%add3A_285, %dma_start3A_290] : memref<50x1024xi32, #tpu.memory_space<hbm>> -> memref<1x64xi32, #tpu.memory_space<hbm>>
      %dma_start3A_292 = tpu.memref_squeeze %dma_start3A_291 : memref<1x64xi32, #tpu.memory_space<hbm>> -> memref<64xi32, #tpu.memory_space<hbm>>
      %dma_start3A_293 = arith.constant 0 : i32
      %dma_start3A_294 = tpu.memref_slice %arg6[%dma_start3A_286, %dma_start3A_293] : memref<32x64xi32, #tpu.memory_space<vmem>> -> memref<1x64xi32, #tpu.memory_space<vmem>>
      %dma_start3A_295 = tpu.memref_squeeze %dma_start3A_294 : memref<1x64xi32, #tpu.memory_space<vmem>> -> memref<64xi32, #tpu.memory_space<vmem>>
      %dma_start3A_296 = arith.constant 128 : i32
      %dma_start3A_297 = tpu.memref_slice %arg3[%add3A_285, %dma_start3A_296] : memref<50x1024xi32, #tpu.memory_space<hbm>> -> memref<1x64xi32, #tpu.memory_space<hbm>>
      %dma_start3A_298 = tpu.memref_squeeze %dma_start3A_297 : memref<1x64xi32, #tpu.memory_space<hbm>> -> memref<64xi32, #tpu.memory_space<hbm>>
      tpu.enqueue_dma source(%dma_start3A_298 : memref<64xi32, #tpu.memory_space<hbm>>) target(%dma_start3A_295 : memref<64xi32, #tpu.memory_space<vmem>>) target_semaphore(%arg24 : memref<!tpu.dma_semaphore, #tpu.memory_space<semaphore_mem>>)
      %add3A_299 = arith.constant 1 : i32
      %add3A_300 = arith.addi %mul3A_7, %add3A_299 : i32
      %dma_start3A_301 = arith.constant 19 : i32
      %dma_start3A_302 = arith.constant 0 : i32
      %dma_start3A_303 = tpu.memref_slice %arg6[%dma_start3A_301, %dma_start3A_302] : memref<32x64xi32, #tpu.memory_space<vmem>> -> memref<1x64xi32, #tpu.memory_space<vmem>>
      %dma_start3A_304 = tpu.memref_squeeze %dma_start3A_303 : memref<1x64xi32, #tpu.memory_space<vmem>> -> memref<64xi32, #tpu.memory_space<vmem>>
      %dma_start3A_305 = arith.constant 192 : i32
      %dma_start3A_306 = tpu.memref_slice %arg3[%add3A_300, %dma_start3A_305] : memref<50x1024xi32, #tpu.memory_space<hbm>> -> memref<1x64xi32, #tpu.memory_space<hbm>>
      %dma_start3A_307 = tpu.memref_squeeze %dma_start3A_306 : memref<1x64xi32, #tpu.memory_space<hbm>> -> memref<64xi32, #tpu.memory_space<hbm>>
      %dma_start3A_308 = arith.constant 0 : i32
      %dma_start3A_309 = tpu.memref_slice %arg6[%dma_start3A_301, %dma_start3A_308] : memref<32x64xi32, #tpu.memory_space<vmem>> -> memref<1x64xi32, #tpu.memory_space<vmem>>
      %dma_start3A_310 = tpu.memref_squeeze %dma_start3A_309 : memref<1x64xi32, #tpu.memory_space<vmem>> -> memref<64xi32, #tpu.memory_space<vmem>>
      %dma_start3A_311 = arith.constant 192 : i32
      %dma_start3A_312 = tpu.memref_slice %arg3[%add3A_300, %dma_start3A_311] : memref<50x1024xi32, #tpu.memory_space<hbm>> -> memref<1x64xi32, #tpu.memory_space<hbm>>
      %dma_start3A_313 = tpu.memref_squeeze %dma_start3A_312 : memref<1x64xi32, #tpu.memory_space<hbm>> -> memref<64xi32, #tpu.memory_space<hbm>>
      tpu.enqueue_dma source(%dma_start3A_313 : memref<64xi32, #tpu.memory_space<hbm>>) target(%dma_start3A_310 : memref<64xi32, #tpu.memory_space<vmem>>) target_semaphore(%arg24 : memref<!tpu.dma_semaphore, #tpu.memory_space<semaphore_mem>>)
      %add3A_314 = arith.constant 1 : i32
      %add3A_315 = arith.addi %mul3A_7, %add3A_314 : i32
      %dma_start3A_316 = arith.constant 20 : i32
      %dma_start3A_317 = arith.constant 0 : i32
      %dma_start3A_318 = tpu.memref_slice %arg6[%dma_start3A_316, %dma_start3A_317] : memref<32x64xi32, #tpu.memory_space<vmem>> -> memref<1x64xi32, #tpu.memory_space<vmem>>
      %dma_start3A_319 = tpu.memref_squeeze %dma_start3A_318 : memref<1x64xi32, #tpu.memory_space<vmem>> -> memref<64xi32, #tpu.memory_space<vmem>>
      %dma_start3A_320 = arith.constant 256 : i32
      %dma_start3A_321 = tpu.memref_slice %arg3[%add3A_315, %dma_start3A_320] : memref<50x1024xi32, #tpu.memory_space<hbm>> -> memref<1x64xi32, #tpu.memory_space<hbm>>
      %dma_start3A_322 = tpu.memref_squeeze %dma_start3A_321 : memref<1x64xi32, #tpu.memory_space<hbm>> -> memref<64xi32, #tpu.memory_space<hbm>>
      %dma_start3A_323 = arith.constant 0 : i32
      %dma_start3A_324 = tpu.memref_slice %arg6[%dma_start3A_316, %dma_start3A_323] : memref<32x64xi32, #tpu.memory_space<vmem>> -> memref<1x64xi32, #tpu.memory_space<vmem>>
      %dma_start3A_325 = tpu.memref_squeeze %dma_start3A_324 : memref<1x64xi32, #tpu.memory_space<vmem>> -> memref<64xi32, #tpu.memory_space<vmem>>
      %dma_start3A_326 = arith.constant 256 : i32
      %dma_start3A_327 = tpu.memref_slice %arg3[%add3A_315, %dma_start3A_326] : memref<50x1024xi32, #tpu.memory_space<hbm>> -> memref<1x64xi32, #tpu.memory_space<hbm>>
      %dma_start3A_328 = tpu.memref_squeeze %dma_start3A_327 : memref<1x64xi32, #tpu.memory_space<hbm>> -> memref<64xi32, #tpu.memory_space<hbm>>
      tpu.enqueue_dma source(%dma_start3A_328 : memref<64xi32, #tpu.memory_space<hbm>>) target(%dma_start3A_325 : memref<64xi32, #tpu.memory_space<vmem>>) target_semaphore(%arg24 : memref<!tpu.dma_semaphore, #tpu.memory_space<semaphore_mem>>)
      %add3A_329 = arith.constant 1 : i32
      %add3A_330 = arith.addi %mul3A_7, %add3A_329 : i32
      %dma_start3A_331 = arith.constant 21 : i32
      %dma_start3A_332 = arith.constant 0 : i32
      %dma_start3A_333 = tpu.memref_slice %arg6[%dma_start3A_331, %dma_start3A_332] : memref<32x64xi32, #tpu.memory_space<vmem>> -> memref<1x64xi32, #tpu.memory_space<vmem>>
      %dma_start3A_334 = tpu.memref_squeeze %dma_start3A_333 : memref<1x64xi32, #tpu.memory_space<vmem>> -> memref<64xi32, #tpu.memory_space<vmem>>
      %dma_start3A_335 = arith.constant 320 : i32
      %dma_start3A_336 = tpu.memref_slice %arg3[%add3A_330, %dma_start3A_335] : memref<50x1024xi32, #tpu.memory_space<hbm>> -> memref<1x64xi32, #tpu.memory_space<hbm>>
      %dma_start3A_337 = tpu.memref_squeeze %dma_start3A_336 : memref<1x64xi32, #tpu.memory_space<hbm>> -> memref<64xi32, #tpu.memory_space<hbm>>
      %dma_start3A_338 = arith.constant 0 : i32
      %dma_start3A_339 = tpu.memref_slice %arg6[%dma_start3A_331, %dma_start3A_338] : memref<32x64xi32, #tpu.memory_space<vmem>> -> memref<1x64xi32, #tpu.memory_space<vmem>>
      %dma_start3A_340 = tpu.memref_squeeze %dma_start3A_339 : memref<1x64xi32, #tpu.memory_space<vmem>> -> memref<64xi32, #tpu.memory_space<vmem>>
      %dma_start3A_341 = arith.constant 320 : i32
      %dma_start3A_342 = tpu.memref_slice %arg3[%add3A_330, %dma_start3A_341] : memref<50x1024xi32, #tpu.memory_space<hbm>> -> memref<1x64xi32, #tpu.memory_space<hbm>>
      %dma_start3A_343 = tpu.memref_squeeze %dma_start3A_342 : memref<1x64xi32, #tpu.memory_space<hbm>> -> memref<64xi32, #tpu.memory_space<hbm>>
      tpu.enqueue_dma source(%dma_start3A_343 : memref<64xi32, #tpu.memory_space<hbm>>) target(%dma_start3A_340 : memref<64xi32, #tpu.memory_space<vmem>>) target_semaphore(%arg24 : memref<!tpu.dma_semaphore, #tpu.memory_space<semaphore_mem>>)
      %add3A_344 = arith.constant 1 : i32
      %add3A_345 = arith.addi %mul3A_7, %add3A_344 : i32
      %dma_start3A_346 = arith.constant 22 : i32
      %dma_start3A_347 = arith.constant 0 : i32
      %dma_start3A_348 = tpu.memref_slice %arg6[%dma_start3A_346, %dma_start3A_347] : memref<32x64xi32, #tpu.memory_space<vmem>> -> memref<1x64xi32, #tpu.memory_space<vmem>>
      %dma_start3A_349 = tpu.memref_squeeze %dma_start3A_348 : memref<1x64xi32, #tpu.memory_space<vmem>> -> memref<64xi32, #tpu.memory_space<vmem>>
      %dma_start3A_350 = arith.constant 384 : i32
      %dma_start3A_351 = tpu.memref_slice %arg3[%add3A_345, %dma_start3A_350] : memref<50x1024xi32, #tpu.memory_space<hbm>> -> memref<1x64xi32, #tpu.memory_space<hbm>>
      %dma_start3A_352 = tpu.memref_squeeze %dma_start3A_351 : memref<1x64xi32, #tpu.memory_space<hbm>> -> memref<64xi32, #tpu.memory_space<hbm>>
      %dma_start3A_353 = arith.constant 0 : i32
      %dma_start3A_354 = tpu.memref_slice %arg6[%dma_start3A_346, %dma_start3A_353] : memref<32x64xi32, #tpu.memory_space<vmem>> -> memref<1x64xi32, #tpu.memory_space<vmem>>
      %dma_start3A_355 = tpu.memref_squeeze %dma_start3A_354 : memref<1x64xi32, #tpu.memory_space<vmem>> -> memref<64xi32, #tpu.memory_space<vmem>>
      %dma_start3A_356 = arith.constant 384 : i32
      %dma_start3A_357 = tpu.memref_slice %arg3[%add3A_345, %dma_start3A_356] : memref<50x1024xi32, #tpu.memory_space<hbm>> -> memref<1x64xi32, #tpu.memory_space<hbm>>
      %dma_start3A_358 = tpu.memref_squeeze %dma_start3A_357 : memref<1x64xi32, #tpu.memory_space<hbm>> -> memref<64xi32, #tpu.memory_space<hbm>>
      tpu.enqueue_dma source(%dma_start3A_358 : memref<64xi32, #tpu.memory_space<hbm>>) target(%dma_start3A_355 : memref<64xi32, #tpu.memory_space<vmem>>) target_semaphore(%arg24 : memref<!tpu.dma_semaphore, #tpu.memory_space<semaphore_mem>>)
      %add3A_359 = arith.constant 1 : i32
      %add3A_360 = arith.addi %mul3A_7, %add3A_359 : i32
      %dma_start3A_361 = arith.constant 23 : i32
      %dma_start3A_362 = arith.constant 0 : i32
      %dma_start3A_363 = tpu.memref_slice %arg6[%dma_start3A_361, %dma_start3A_362] : memref<32x64xi32, #tpu.memory_space<vmem>> -> memref<1x64xi32, #tpu.memory_space<vmem>>
      %dma_start3A_364 = tpu.memref_squeeze %dma_start3A_363 : memref<1x64xi32, #tpu.memory_space<vmem>> -> memref<64xi32, #tpu.memory_space<vmem>>
      %dma_start3A_365 = arith.constant 448 : i32
      %dma_start3A_366 = tpu.memref_slice %arg3[%add3A_360, %dma_start3A_365] : memref<50x1024xi32, #tpu.memory_space<hbm>> -> memref<1x64xi32, #tpu.memory_space<hbm>>
      %dma_start3A_367 = tpu.memref_squeeze %dma_start3A_366 : memref<1x64xi32, #tpu.memory_space<hbm>> -> memref<64xi32, #tpu.memory_space<hbm>>
      %dma_start3A_368 = arith.constant 0 : i32
      %dma_start3A_369 = tpu.memref_slice %arg6[%dma_start3A_361, %dma_start3A_368] : memref<32x64xi32, #tpu.memory_space<vmem>> -> memref<1x64xi32, #tpu.memory_space<vmem>>
      %dma_start3A_370 = tpu.memref_squeeze %dma_start3A_369 : memref<1x64xi32, #tpu.memory_space<vmem>> -> memref<64xi32, #tpu.memory_space<vmem>>
      %dma_start3A_371 = arith.constant 448 : i32
      %dma_start3A_372 = tpu.memref_slice %arg3[%add3A_360, %dma_start3A_371] : memref<50x1024xi32, #tpu.memory_space<hbm>> -> memref<1x64xi32, #tpu.memory_space<hbm>>
      %dma_start3A_373 = tpu.memref_squeeze %dma_start3A_372 : memref<1x64xi32, #tpu.memory_space<hbm>> -> memref<64xi32, #tpu.memory_space<hbm>>
      tpu.enqueue_dma source(%dma_start3A_373 : memref<64xi32, #tpu.memory_space<hbm>>) target(%dma_start3A_370 : memref<64xi32, #tpu.memory_space<vmem>>) target_semaphore(%arg24 : memref<!tpu.dma_semaphore, #tpu.memory_space<semaphore_mem>>)
      %add3A_374 = arith.constant 1 : i32
      %add3A_375 = arith.addi %mul3A_7, %add3A_374 : i32
      %dma_start3A_376 = arith.constant 24 : i32
      %dma_start3A_377 = arith.constant 0 : i32
      %dma_start3A_378 = tpu.memref_slice %arg6[%dma_start3A_376, %dma_start3A_377] : memref<32x64xi32, #tpu.memory_space<vmem>> -> memref<1x64xi32, #tpu.memory_space<vmem>>
      %dma_start3A_379 = tpu.memref_squeeze %dma_start3A_378 : memref<1x64xi32, #tpu.memory_space<vmem>> -> memref<64xi32, #tpu.memory_space<vmem>>
      %dma_start3A_380 = arith.constant 512 : i32
      %dma_start3A_381 = tpu.memref_slice %arg3[%add3A_375, %dma_start3A_380] : memref<50x1024xi32, #tpu.memory_space<hbm>> -> memref<1x64xi32, #tpu.memory_space<hbm>>
      %dma_start3A_382 = tpu.memref_squeeze %dma_start3A_381 : memref<1x64xi32, #tpu.memory_space<hbm>> -> memref<64xi32, #tpu.memory_space<hbm>>
      %dma_start3A_383 = arith.constant 0 : i32
      %dma_start3A_384 = tpu.memref_slice %arg6[%dma_start3A_376, %dma_start3A_383] : memref<32x64xi32, #tpu.memory_space<vmem>> -> memref<1x64xi32, #tpu.memory_space<vmem>>
      %dma_start3A_385 = tpu.memref_squeeze %dma_start3A_384 : memref<1x64xi32, #tpu.memory_space<vmem>> -> memref<64xi32, #tpu.memory_space<vmem>>
      %dma_start3A_386 = arith.constant 512 : i32
      %dma_start3A_387 = tpu.memref_slice %arg3[%add3A_375, %dma_start3A_386] : memref<50x1024xi32, #tpu.memory_space<hbm>> -> memref<1x64xi32, #tpu.memory_space<hbm>>
      %dma_start3A_388 = tpu.memref_squeeze %dma_start3A_387 : memref<1x64xi32, #tpu.memory_space<hbm>> -> memref<64xi32, #tpu.memory_space<hbm>>
      tpu.enqueue_dma source(%dma_start3A_388 : memref<64xi32, #tpu.memory_space<hbm>>) target(%dma_start3A_385 : memref<64xi32, #tpu.memory_space<vmem>>) target_semaphore(%arg24 : memref<!tpu.dma_semaphore, #tpu.memory_space<semaphore_mem>>)
      %add3A_389 = arith.constant 1 : i32
      %add3A_390 = arith.addi %mul3A_7, %add3A_389 : i32
      %dma_start3A_391 = arith.constant 25 : i32
      %dma_start3A_392 = arith.constant 0 : i32
      %dma_start3A_393 = tpu.memref_slice %arg6[%dma_start3A_391, %dma_start3A_392] : memref<32x64xi32, #tpu.memory_space<vmem>> -> memref<1x64xi32, #tpu.memory_space<vmem>>
      %dma_start3A_394 = tpu.memref_squeeze %dma_start3A_393 : memref<1x64xi32, #tpu.memory_space<vmem>> -> memref<64xi32, #tpu.memory_space<vmem>>
      %dma_start3A_395 = arith.constant 576 : i32
      %dma_start3A_396 = tpu.memref_slice %arg3[%add3A_390, %dma_start3A_395] : memref<50x1024xi32, #tpu.memory_space<hbm>> -> memref<1x64xi32, #tpu.memory_space<hbm>>
      %dma_start3A_397 = tpu.memref_squeeze %dma_start3A_396 : memref<1x64xi32, #tpu.memory_space<hbm>> -> memref<64xi32, #tpu.memory_space<hbm>>
      %dma_start3A_398 = arith.constant 0 : i32
      %dma_start3A_399 = tpu.memref_slice %arg6[%dma_start3A_391, %dma_start3A_398] : memref<32x64xi32, #tpu.memory_space<vmem>> -> memref<1x64xi32, #tpu.memory_space<vmem>>
      %dma_start3A_400 = tpu.memref_squeeze %dma_start3A_399 : memref<1x64xi32, #tpu.memory_space<vmem>> -> memref<64xi32, #tpu.memory_space<vmem>>
      %dma_start3A_401 = arith.constant 576 : i32
      %dma_start3A_402 = tpu.memref_slice %arg3[%add3A_390, %dma_start3A_401] : memref<50x1024xi32, #tpu.memory_space<hbm>> -> memref<1x64xi32, #tpu.memory_space<hbm>>
      %dma_start3A_403 = tpu.memref_squeeze %dma_start3A_402 : memref<1x64xi32, #tpu.memory_space<hbm>> -> memref<64xi32, #tpu.memory_space<hbm>>
      tpu.enqueue_dma source(%dma_start3A_403 : memref<64xi32, #tpu.memory_space<hbm>>) target(%dma_start3A_400 : memref<64xi32, #tpu.memory_space<vmem>>) target_semaphore(%arg24 : memref<!tpu.dma_semaphore, #tpu.memory_space<semaphore_mem>>)
      %add3A_404 = arith.constant 1 : i32
      %add3A_405 = arith.addi %mul3A_7, %add3A_404 : i32
      %dma_start3A_406 = arith.constant 26 : i32
      %dma_start3A_407 = arith.constant 0 : i32
      %dma_start3A_408 = tpu.memref_slice %arg6[%dma_start3A_406, %dma_start3A_407] : memref<32x64xi32, #tpu.memory_space<vmem>> -> memref<1x64xi32, #tpu.memory_space<vmem>>
      %dma_start3A_409 = tpu.memref_squeeze %dma_start3A_408 : memref<1x64xi32, #tpu.memory_space<vmem>> -> memref<64xi32, #tpu.memory_space<vmem>>
      %dma_start3A_410 = arith.constant 640 : i32
      %dma_start3A_411 = tpu.memref_slice %arg3[%add3A_405, %dma_start3A_410] : memref<50x1024xi32, #tpu.memory_space<hbm>> -> memref<1x64xi32, #tpu.memory_space<hbm>>
      %dma_start3A_412 = tpu.memref_squeeze %dma_start3A_411 : memref<1x64xi32, #tpu.memory_space<hbm>> -> memref<64xi32, #tpu.memory_space<hbm>>
      %dma_start3A_413 = arith.constant 0 : i32
      %dma_start3A_414 = tpu.memref_slice %arg6[%dma_start3A_406, %dma_start3A_413] : memref<32x64xi32, #tpu.memory_space<vmem>> -> memref<1x64xi32, #tpu.memory_space<vmem>>
      %dma_start3A_415 = tpu.memref_squeeze %dma_start3A_414 : memref<1x64xi32, #tpu.memory_space<vmem>> -> memref<64xi32, #tpu.memory_space<vmem>>
      %dma_start3A_416 = arith.constant 640 : i32
      %dma_start3A_417 = tpu.memref_slice %arg3[%add3A_405, %dma_start3A_416] : memref<50x1024xi32, #tpu.memory_space<hbm>> -> memref<1x64xi32, #tpu.memory_space<hbm>>
      %dma_start3A_418 = tpu.memref_squeeze %dma_start3A_417 : memref<1x64xi32, #tpu.memory_space<hbm>> -> memref<64xi32, #tpu.memory_space<hbm>>
      tpu.enqueue_dma source(%dma_start3A_418 : memref<64xi32, #tpu.memory_space<hbm>>) target(%dma_start3A_415 : memref<64xi32, #tpu.memory_space<vmem>>) target_semaphore(%arg24 : memref<!tpu.dma_semaphore, #tpu.memory_space<semaphore_mem>>)
      %add3A_419 = arith.constant 1 : i32
      %add3A_420 = arith.addi %mul3A_7, %add3A_419 : i32
      %dma_start3A_421 = arith.constant 27 : i32
      %dma_start3A_422 = arith.constant 0 : i32
      %dma_start3A_423 = tpu.memref_slice %arg6[%dma_start3A_421, %dma_start3A_422] : memref<32x64xi32, #tpu.memory_space<vmem>> -> memref<1x64xi32, #tpu.memory_space<vmem>>
      %dma_start3A_424 = tpu.memref_squeeze %dma_start3A_423 : memref<1x64xi32, #tpu.memory_space<vmem>> -> memref<64xi32, #tpu.memory_space<vmem>>
      %dma_start3A_425 = arith.constant 704 : i32
      %dma_start3A_426 = tpu.memref_slice %arg3[%add3A_420, %dma_start3A_425] : memref<50x1024xi32, #tpu.memory_space<hbm>> -> memref<1x64xi32, #tpu.memory_space<hbm>>
      %dma_start3A_427 = tpu.memref_squeeze %dma_start3A_426 : memref<1x64xi32, #tpu.memory_space<hbm>> -> memref<64xi32, #tpu.memory_space<hbm>>
      %dma_start3A_428 = arith.constant 0 : i32
      %dma_start3A_429 = tpu.memref_slice %arg6[%dma_start3A_421, %dma_start3A_428] : memref<32x64xi32, #tpu.memory_space<vmem>> -> memref<1x64xi32, #tpu.memory_space<vmem>>
      %dma_start3A_430 = tpu.memref_squeeze %dma_start3A_429 : memref<1x64xi32, #tpu.memory_space<vmem>> -> memref<64xi32, #tpu.memory_space<vmem>>
      %dma_start3A_431 = arith.constant 704 : i32
      %dma_start3A_432 = tpu.memref_slice %arg3[%add3A_420, %dma_start3A_431] : memref<50x1024xi32, #tpu.memory_space<hbm>> -> memref<1x64xi32, #tpu.memory_space<hbm>>
      %dma_start3A_433 = tpu.memref_squeeze %dma_start3A_432 : memref<1x64xi32, #tpu.memory_space<hbm>> -> memref<64xi32, #tpu.memory_space<hbm>>
      tpu.enqueue_dma source(%dma_start3A_433 : memref<64xi32, #tpu.memory_space<hbm>>) target(%dma_start3A_430 : memref<64xi32, #tpu.memory_space<vmem>>) target_semaphore(%arg24 : memref<!tpu.dma_semaphore, #tpu.memory_space<semaphore_mem>>)
      %add3A_434 = arith.constant 1 : i32
      %add3A_435 = arith.addi %mul3A_7, %add3A_434 : i32
      %dma_start3A_436 = arith.constant 28 : i32
      %dma_start3A_437 = arith.constant 0 : i32
      %dma_start3A_438 = tpu.memref_slice %arg6[%dma_start3A_436, %dma_start3A_437] : memref<32x64xi32, #tpu.memory_space<vmem>> -> memref<1x64xi32, #tpu.memory_space<vmem>>
      %dma_start3A_439 = tpu.memref_squeeze %dma_start3A_438 : memref<1x64xi32, #tpu.memory_space<vmem>> -> memref<64xi32, #tpu.memory_space<vmem>>
      %dma_start3A_440 = arith.constant 768 : i32
      %dma_start3A_441 = tpu.memref_slice %arg3[%add3A_435, %dma_start3A_440] : memref<50x1024xi32, #tpu.memory_space<hbm>> -> memref<1x64xi32, #tpu.memory_space<hbm>>
      %dma_start3A_442 = tpu.memref_squeeze %dma_start3A_441 : memref<1x64xi32, #tpu.memory_space<hbm>> -> memref<64xi32, #tpu.memory_space<hbm>>
      %dma_start3A_443 = arith.constant 0 : i32
      %dma_start3A_444 = tpu.memref_slice %arg6[%dma_start3A_436, %dma_start3A_443] : memref<32x64xi32, #tpu.memory_space<vmem>> -> memref<1x64xi32, #tpu.memory_space<vmem>>
      %dma_start3A_445 = tpu.memref_squeeze %dma_start3A_444 : memref<1x64xi32, #tpu.memory_space<vmem>> -> memref<64xi32, #tpu.memory_space<vmem>>
      %dma_start3A_446 = arith.constant 768 : i32
      %dma_start3A_447 = tpu.memref_slice %arg3[%add3A_435, %dma_start3A_446] : memref<50x1024xi32, #tpu.memory_space<hbm>> -> memref<1x64xi32, #tpu.memory_space<hbm>>
      %dma_start3A_448 = tpu.memref_squeeze %dma_start3A_447 : memref<1x64xi32, #tpu.memory_space<hbm>> -> memref<64xi32, #tpu.memory_space<hbm>>
      tpu.enqueue_dma source(%dma_start3A_448 : memref<64xi32, #tpu.memory_space<hbm>>) target(%dma_start3A_445 : memref<64xi32, #tpu.memory_space<vmem>>) target_semaphore(%arg24 : memref<!tpu.dma_semaphore, #tpu.memory_space<semaphore_mem>>)
      %add3A_449 = arith.constant 1 : i32
      %add3A_450 = arith.addi %mul3A_7, %add3A_449 : i32
      %dma_start3A_451 = arith.constant 29 : i32
      %dma_start3A_452 = arith.constant 0 : i32
      %dma_start3A_453 = tpu.memref_slice %arg6[%dma_start3A_451, %dma_start3A_452] : memref<32x64xi32, #tpu.memory_space<vmem>> -> memref<1x64xi32, #tpu.memory_space<vmem>>
      %dma_start3A_454 = tpu.memref_squeeze %dma_start3A_453 : memref<1x64xi32, #tpu.memory_space<vmem>> -> memref<64xi32, #tpu.memory_space<vmem>>
      %dma_start3A_455 = arith.constant 832 : i32
      %dma_start3A_456 = tpu.memref_slice %arg3[%add3A_450, %dma_start3A_455] : memref<50x1024xi32, #tpu.memory_space<hbm>> -> memref<1x64xi32, #tpu.memory_space<hbm>>
      %dma_start3A_457 = tpu.memref_squeeze %dma_start3A_456 : memref<1x64xi32, #tpu.memory_space<hbm>> -> memref<64xi32, #tpu.memory_space<hbm>>
      %dma_start3A_458 = arith.constant 0 : i32
      %dma_start3A_459 = tpu.memref_slice %arg6[%dma_start3A_451, %dma_start3A_458] : memref<32x64xi32, #tpu.memory_space<vmem>> -> memref<1x64xi32, #tpu.memory_space<vmem>>
      %dma_start3A_460 = tpu.memref_squeeze %dma_start3A_459 : memref<1x64xi32, #tpu.memory_space<vmem>> -> memref<64xi32, #tpu.memory_space<vmem>>
      %dma_start3A_461 = arith.constant 832 : i32
      %dma_start3A_462 = tpu.memref_slice %arg3[%add3A_450, %dma_start3A_461] : memref<50x1024xi32, #tpu.memory_space<hbm>> -> memref<1x64xi32, #tpu.memory_space<hbm>>
      %dma_start3A_463 = tpu.memref_squeeze %dma_start3A_462 : memref<1x64xi32, #tpu.memory_space<hbm>> -> memref<64xi32, #tpu.memory_space<hbm>>
      tpu.enqueue_dma source(%dma_start3A_463 : memref<64xi32, #tpu.memory_space<hbm>>) target(%dma_start3A_460 : memref<64xi32, #tpu.memory_space<vmem>>) target_semaphore(%arg24 : memref<!tpu.dma_semaphore, #tpu.memory_space<semaphore_mem>>)
      %add3A_464 = arith.constant 1 : i32
      %add3A_465 = arith.addi %mul3A_7, %add3A_464 : i32
      %dma_start3A_466 = arith.constant 30 : i32
      %dma_start3A_467 = arith.constant 0 : i32
      %dma_start3A_468 = tpu.memref_slice %arg6[%dma_start3A_466, %dma_start3A_467] : memref<32x64xi32, #tpu.memory_space<vmem>> -> memref<1x64xi32, #tpu.memory_space<vmem>>
      %dma_start3A_469 = tpu.memref_squeeze %dma_start3A_468 : memref<1x64xi32, #tpu.memory_space<vmem>> -> memref<64xi32, #tpu.memory_space<vmem>>
      %dma_start3A_470 = arith.constant 896 : i32
      %dma_start3A_471 = tpu.memref_slice %arg3[%add3A_465, %dma_start3A_470] : memref<50x1024xi32, #tpu.memory_space<hbm>> -> memref<1x64xi32, #tpu.memory_space<hbm>>
      %dma_start3A_472 = tpu.memref_squeeze %dma_start3A_471 : memref<1x64xi32, #tpu.memory_space<hbm>> -> memref<64xi32, #tpu.memory_space<hbm>>
      %dma_start3A_473 = arith.constant 0 : i32
      %dma_start3A_474 = tpu.memref_slice %arg6[%dma_start3A_466, %dma_start3A_473] : memref<32x64xi32, #tpu.memory_space<vmem>> -> memref<1x64xi32, #tpu.memory_space<vmem>>
      %dma_start3A_475 = tpu.memref_squeeze %dma_start3A_474 : memref<1x64xi32, #tpu.memory_space<vmem>> -> memref<64xi32, #tpu.memory_space<vmem>>
      %dma_start3A_476 = arith.constant 896 : i32
      %dma_start3A_477 = tpu.memref_slice %arg3[%add3A_465, %dma_start3A_476] : memref<50x1024xi32, #tpu.memory_space<hbm>> -> memref<1x64xi32, #tpu.memory_space<hbm>>
      %dma_start3A_478 = tpu.memref_squeeze %dma_start3A_477 : memref<1x64xi32, #tpu.memory_space<hbm>> -> memref<64xi32, #tpu.memory_space<hbm>>
      tpu.enqueue_dma source(%dma_start3A_478 : memref<64xi32, #tpu.memory_space<hbm>>) target(%dma_start3A_475 : memref<64xi32, #tpu.memory_space<vmem>>) target_semaphore(%arg24 : memref<!tpu.dma_semaphore, #tpu.memory_space<semaphore_mem>>)
      %add3A_479 = arith.constant 1 : i32
      %add3A_480 = arith.addi %mul3A_7, %add3A_479 : i32
      %dma_start3A_481 = arith.constant 31 : i32
      %dma_start3A_482 = arith.constant 0 : i32
      %dma_start3A_483 = tpu.memref_slice %arg6[%dma_start3A_481, %dma_start3A_482] : memref<32x64xi32, #tpu.memory_space<vmem>> -> memref<1x64xi32, #tpu.memory_space<vmem>>
      %dma_start3A_484 = tpu.memref_squeeze %dma_start3A_483 : memref<1x64xi32, #tpu.memory_space<vmem>> -> memref<64xi32, #tpu.memory_space<vmem>>
      %dma_start3A_485 = arith.constant 960 : i32
      %dma_start3A_486 = tpu.memref_slice %arg3[%add3A_480, %dma_start3A_485] : memref<50x1024xi32, #tpu.memory_space<hbm>> -> memref<1x64xi32, #tpu.memory_space<hbm>>
      %dma_start3A_487 = tpu.memref_squeeze %dma_start3A_486 : memref<1x64xi32, #tpu.memory_space<hbm>> -> memref<64xi32, #tpu.memory_space<hbm>>
      %dma_start3A_488 = arith.constant 0 : i32
      %dma_start3A_489 = tpu.memref_slice %arg6[%dma_start3A_481, %dma_start3A_488] : memref<32x64xi32, #tpu.memory_space<vmem>> -> memref<1x64xi32, #tpu.memory_space<vmem>>
      %dma_start3A_490 = tpu.memref_squeeze %dma_start3A_489 : memref<1x64xi32, #tpu.memory_space<vmem>> -> memref<64xi32, #tpu.memory_space<vmem>>
      %dma_start3A_491 = arith.constant 960 : i32
      %dma_start3A_492 = tpu.memref_slice %arg3[%add3A_480, %dma_start3A_491] : memref<50x1024xi32, #tpu.memory_space<hbm>> -> memref<1x64xi32, #tpu.memory_space<hbm>>
      %dma_start3A_493 = tpu.memref_squeeze %dma_start3A_492 : memref<1x64xi32, #tpu.memory_space<hbm>> -> memref<64xi32, #tpu.memory_space<hbm>>
      tpu.enqueue_dma source(%dma_start3A_493 : memref<64xi32, #tpu.memory_space<hbm>>) target(%dma_start3A_490 : memref<64xi32, #tpu.memory_space<vmem>>) target_semaphore(%arg24 : memref<!tpu.dma_semaphore, #tpu.memory_space<semaphore_mem>>)
      %dma_wait3A = arith.constant 0 : i32
      %dma_wait3A_494 = arith.constant 0 : i32
      %dma_wait3A_495 = tpu.memref_slice %arg6[%dma_wait3A, %dma_wait3A_494] : memref<32x64xi32, #tpu.memory_space<vmem>> -> memref<1x64xi32, #tpu.memory_space<vmem>>
      %dma_wait3A_496 = tpu.memref_squeeze %dma_wait3A_495 : memref<1x64xi32, #tpu.memory_space<vmem>> -> memref<64xi32, #tpu.memory_space<vmem>>
      %dma_wait3A_497 = arith.constant 0 : i32
      %dma_wait3A_498 = tpu.memref_slice %arg3[%add3A_16, %dma_wait3A_497] : memref<50x1024xi32, #tpu.memory_space<hbm>> -> memref<1x64xi32, #tpu.memory_space<hbm>>
      %dma_wait3A_499 = tpu.memref_squeeze %dma_wait3A_498 : memref<1x64xi32, #tpu.memory_space<hbm>> -> memref<64xi32, #tpu.memory_space<hbm>>
      %dma_wait3A_500 = arith.constant 0 : i32
      %dma_wait3A_501 = tpu.memref_slice %arg6[%dma_wait3A, %dma_wait3A_500] : memref<32x64xi32, #tpu.memory_space<vmem>> -> memref<1x64xi32, #tpu.memory_space<vmem>>
      %dma_wait3A_502 = tpu.memref_squeeze %dma_wait3A_501 : memref<1x64xi32, #tpu.memory_space<vmem>> -> memref<64xi32, #tpu.memory_space<vmem>>
      %dma_wait3A_503 = arith.constant 0 : i32
      %dma_wait3A_504 = tpu.memref_slice %arg3[%add3A_16, %dma_wait3A_503] : memref<50x1024xi32, #tpu.memory_space<hbm>> -> memref<1x64xi32, #tpu.memory_space<hbm>>
      %dma_wait3A_505 = tpu.memref_squeeze %dma_wait3A_504 : memref<1x64xi32, #tpu.memory_space<hbm>> -> memref<64xi32, #tpu.memory_space<hbm>>
      tpu.wait_dma2 semaphore(%arg24 : memref<!tpu.dma_semaphore, #tpu.memory_space<semaphore_mem>>) src(%dma_wait3A_505 : memref<64xi32, #tpu.memory_space<hbm>>) dst(%dma_wait3A_502 : memref<64xi32, #tpu.memory_space<vmem>>)
      %dma_wait3A_506 = arith.constant 1 : i32
      %dma_wait3A_507 = arith.constant 0 : i32
      %dma_wait3A_508 = tpu.memref_slice %arg6[%dma_wait3A_506, %dma_wait3A_507] : memref<32x64xi32, #tpu.memory_space<vmem>> -> memref<1x64xi32, #tpu.memory_space<vmem>>
      %dma_wait3A_509 = tpu.memref_squeeze %dma_wait3A_508 : memref<1x64xi32, #tpu.memory_space<vmem>> -> memref<64xi32, #tpu.memory_space<vmem>>
      %dma_wait3A_510 = arith.constant 64 : i32
      %dma_wait3A_511 = tpu.memref_slice %arg3[%add3A_30, %dma_wait3A_510] : memref<50x1024xi32, #tpu.memory_space<hbm>> -> memref<1x64xi32, #tpu.memory_space<hbm>>
      %dma_wait3A_512 = tpu.memref_squeeze %dma_wait3A_511 : memref<1x64xi32, #tpu.memory_space<hbm>> -> memref<64xi32, #tpu.memory_space<hbm>>
      %dma_wait3A_513 = arith.constant 0 : i32
      %dma_wait3A_514 = tpu.memref_slice %arg6[%dma_wait3A_506, %dma_wait3A_513] : memref<32x64xi32, #tpu.memory_space<vmem>> -> memref<1x64xi32, #tpu.memory_space<vmem>>
      %dma_wait3A_515 = tpu.memref_squeeze %dma_wait3A_514 : memref<1x64xi32, #tpu.memory_space<vmem>> -> memref<64xi32, #tpu.memory_space<vmem>>
      %dma_wait3A_516 = arith.constant 64 : i32
      %dma_wait3A_517 = tpu.memref_slice %arg3[%add3A_30, %dma_wait3A_516] : memref<50x1024xi32, #tpu.memory_space<hbm>> -> memref<1x64xi32, #tpu.memory_space<hbm>>
      %dma_wait3A_518 = tpu.memref_squeeze %dma_wait3A_517 : memref<1x64xi32, #tpu.memory_space<hbm>> -> memref<64xi32, #tpu.memory_space<hbm>>
      tpu.wait_dma2 semaphore(%arg24 : memref<!tpu.dma_semaphore, #tpu.memory_space<semaphore_mem>>) src(%dma_wait3A_518 : memref<64xi32, #tpu.memory_space<hbm>>) dst(%dma_wait3A_515 : memref<64xi32, #tpu.memory_space<vmem>>)
      %dma_wait3A_519 = arith.constant 2 : i32
      %dma_wait3A_520 = arith.constant 0 : i32
      %dma_wait3A_521 = tpu.memref_slice %arg6[%dma_wait3A_519, %dma_wait3A_520] : memref<32x64xi32, #tpu.memory_space<vmem>> -> memref<1x64xi32, #tpu.memory_space<vmem>>
      %dma_wait3A_522 = tpu.memref_squeeze %dma_wait3A_521 : memref<1x64xi32, #tpu.memory_space<vmem>> -> memref<64xi32, #tpu.memory_space<vmem>>
      %dma_wait3A_523 = arith.constant 128 : i32
      %dma_wait3A_524 = tpu.memref_slice %arg3[%add3A_45, %dma_wait3A_523] : memref<50x1024xi32, #tpu.memory_space<hbm>> -> memref<1x64xi32, #tpu.memory_space<hbm>>
      %dma_wait3A_525 = tpu.memref_squeeze %dma_wait3A_524 : memref<1x64xi32, #tpu.memory_space<hbm>> -> memref<64xi32, #tpu.memory_space<hbm>>
      %dma_wait3A_526 = arith.constant 0 : i32
      %dma_wait3A_527 = tpu.memref_slice %arg6[%dma_wait3A_519, %dma_wait3A_526] : memref<32x64xi32, #tpu.memory_space<vmem>> -> memref<1x64xi32, #tpu.memory_space<vmem>>
      %dma_wait3A_528 = tpu.memref_squeeze %dma_wait3A_527 : memref<1x64xi32, #tpu.memory_space<vmem>> -> memref<64xi32, #tpu.memory_space<vmem>>
      %dma_wait3A_529 = arith.constant 128 : i32
      %dma_wait3A_530 = tpu.memref_slice %arg3[%add3A_45, %dma_wait3A_529] : memref<50x1024xi32, #tpu.memory_space<hbm>> -> memref<1x64xi32, #tpu.memory_space<hbm>>
      %dma_wait3A_531 = tpu.memref_squeeze %dma_wait3A_530 : memref<1x64xi32, #tpu.memory_space<hbm>> -> memref<64xi32, #tpu.memory_space<hbm>>
      tpu.wait_dma2 semaphore(%arg24 : memref<!tpu.dma_semaphore, #tpu.memory_space<semaphore_mem>>) src(%dma_wait3A_531 : memref<64xi32, #tpu.memory_space<hbm>>) dst(%dma_wait3A_528 : memref<64xi32, #tpu.memory_space<vmem>>)
      %dma_wait3A_532 = arith.constant 3 : i32
      %dma_wait3A_533 = arith.constant 0 : i32
      %dma_wait3A_534 = tpu.memref_slice %arg6[%dma_wait3A_532, %dma_wait3A_533] : memref<32x64xi32, #tpu.memory_space<vmem>> -> memref<1x64xi32, #tpu.memory_space<vmem>>
      %dma_wait3A_535 = tpu.memref_squeeze %dma_wait3A_534 : memref<1x64xi32, #tpu.memory_space<vmem>> -> memref<64xi32, #tpu.memory_space<vmem>>
      %dma_wait3A_536 = arith.constant 192 : i32
      %dma_wait3A_537 = tpu.memref_slice %arg3[%add3A_60, %dma_wait3A_536] : memref<50x1024xi32, #tpu.memory_space<hbm>> -> memref<1x64xi32, #tpu.memory_space<hbm>>
      %dma_wait3A_538 = tpu.memref_squeeze %dma_wait3A_537 : memref<1x64xi32, #tpu.memory_space<hbm>> -> memref<64xi32, #tpu.memory_space<hbm>>
      %dma_wait3A_539 = arith.constant 0 : i32
      %dma_wait3A_540 = tpu.memref_slice %arg6[%dma_wait3A_532, %dma_wait3A_539] : memref<32x64xi32, #tpu.memory_space<vmem>> -> memref<1x64xi32, #tpu.memory_space<vmem>>
      %dma_wait3A_541 = tpu.memref_squeeze %dma_wait3A_540 : memref<1x64xi32, #tpu.memory_space<vmem>> -> memref<64xi32, #tpu.memory_space<vmem>>
      %dma_wait3A_542 = arith.constant 192 : i32
      %dma_wait3A_543 = tpu.memref_slice %arg3[%add3A_60, %dma_wait3A_542] : memref<50x1024xi32, #tpu.memory_space<hbm>> -> memref<1x64xi32, #tpu.memory_space<hbm>>
      %dma_wait3A_544 = tpu.memref_squeeze %dma_wait3A_543 : memref<1x64xi32, #tpu.memory_space<hbm>> -> memref<64xi32, #tpu.memory_space<hbm>>
      tpu.wait_dma2 semaphore(%arg24 : memref<!tpu.dma_semaphore, #tpu.memory_space<semaphore_mem>>) src(%dma_wait3A_544 : memref<64xi32, #tpu.memory_space<hbm>>) dst(%dma_wait3A_541 : memref<64xi32, #tpu.memory_space<vmem>>)
      %dma_wait3A_545 = arith.constant 4 : i32
      %dma_wait3A_546 = arith.constant 0 : i32
      %dma_wait3A_547 = tpu.memref_slice %arg6[%dma_wait3A_545, %dma_wait3A_546] : memref<32x64xi32, #tpu.memory_space<vmem>> -> memref<1x64xi32, #tpu.memory_space<vmem>>
      %dma_wait3A_548 = tpu.memref_squeeze %dma_wait3A_547 : memref<1x64xi32, #tpu.memory_space<vmem>> -> memref<64xi32, #tpu.memory_space<vmem>>
      %dma_wait3A_549 = arith.constant 256 : i32
      %dma_wait3A_550 = tpu.memref_slice %arg3[%add3A_75, %dma_wait3A_549] : memref<50x1024xi32, #tpu.memory_space<hbm>> -> memref<1x64xi32, #tpu.memory_space<hbm>>
      %dma_wait3A_551 = tpu.memref_squeeze %dma_wait3A_550 : memref<1x64xi32, #tpu.memory_space<hbm>> -> memref<64xi32, #tpu.memory_space<hbm>>
      %dma_wait3A_552 = arith.constant 0 : i32
      %dma_wait3A_553 = tpu.memref_slice %arg6[%dma_wait3A_545, %dma_wait3A_552] : memref<32x64xi32, #tpu.memory_space<vmem>> -> memref<1x64xi32, #tpu.memory_space<vmem>>
      %dma_wait3A_554 = tpu.memref_squeeze %dma_wait3A_553 : memref<1x64xi32, #tpu.memory_space<vmem>> -> memref<64xi32, #tpu.memory_space<vmem>>
      %dma_wait3A_555 = arith.constant 256 : i32
      %dma_wait3A_556 = tpu.memref_slice %arg3[%add3A_75, %dma_wait3A_555] : memref<50x1024xi32, #tpu.memory_space<hbm>> -> memref<1x64xi32, #tpu.memory_space<hbm>>
      %dma_wait3A_557 = tpu.memref_squeeze %dma_wait3A_556 : memref<1x64xi32, #tpu.memory_space<hbm>> -> memref<64xi32, #tpu.memory_space<hbm>>
      tpu.wait_dma2 semaphore(%arg24 : memref<!tpu.dma_semaphore, #tpu.memory_space<semaphore_mem>>) src(%dma_wait3A_557 : memref<64xi32, #tpu.memory_space<hbm>>) dst(%dma_wait3A_554 : memref<64xi32, #tpu.memory_space<vmem>>)
      %dma_wait3A_558 = arith.constant 5 : i32
      %dma_wait3A_559 = arith.constant 0 : i32
      %dma_wait3A_560 = tpu.memref_slice %arg6[%dma_wait3A_558, %dma_wait3A_559] : memref<32x64xi32, #tpu.memory_space<vmem>> -> memref<1x64xi32, #tpu.memory_space<vmem>>
      %dma_wait3A_561 = tpu.memref_squeeze %dma_wait3A_560 : memref<1x64xi32, #tpu.memory_space<vmem>> -> memref<64xi32, #tpu.memory_space<vmem>>
      %dma_wait3A_562 = arith.constant 320 : i32
      %dma_wait3A_563 = tpu.memref_slice %arg3[%add3A_90, %dma_wait3A_562] : memref<50x1024xi32, #tpu.memory_space<hbm>> -> memref<1x64xi32, #tpu.memory_space<hbm>>
      %dma_wait3A_564 = tpu.memref_squeeze %dma_wait3A_563 : memref<1x64xi32, #tpu.memory_space<hbm>> -> memref<64xi32, #tpu.memory_space<hbm>>
      %dma_wait3A_565 = arith.constant 0 : i32
      %dma_wait3A_566 = tpu.memref_slice %arg6[%dma_wait3A_558, %dma_wait3A_565] : memref<32x64xi32, #tpu.memory_space<vmem>> -> memref<1x64xi32, #tpu.memory_space<vmem>>
      %dma_wait3A_567 = tpu.memref_squeeze %dma_wait3A_566 : memref<1x64xi32, #tpu.memory_space<vmem>> -> memref<64xi32, #tpu.memory_space<vmem>>
      %dma_wait3A_568 = arith.constant 320 : i32
      %dma_wait3A_569 = tpu.memref_slice %arg3[%add3A_90, %dma_wait3A_568] : memref<50x1024xi32, #tpu.memory_space<hbm>> -> memref<1x64xi32, #tpu.memory_space<hbm>>
      %dma_wait3A_570 = tpu.memref_squeeze %dma_wait3A_569 : memref<1x64xi32, #tpu.memory_space<hbm>> -> memref<64xi32, #tpu.memory_space<hbm>>
      tpu.wait_dma2 semaphore(%arg24 : memref<!tpu.dma_semaphore, #tpu.memory_space<semaphore_mem>>) src(%dma_wait3A_570 : memref<64xi32, #tpu.memory_space<hbm>>) dst(%dma_wait3A_567 : memref<64xi32, #tpu.memory_space<vmem>>)
      %dma_wait3A_571 = arith.constant 6 : i32
      %dma_wait3A_572 = arith.constant 0 : i32
      %dma_wait3A_573 = tpu.memref_slice %arg6[%dma_wait3A_571, %dma_wait3A_572] : memref<32x64xi32, #tpu.memory_space<vmem>> -> memref<1x64xi32, #tpu.memory_space<vmem>>
      %dma_wait3A_574 = tpu.memref_squeeze %dma_wait3A_573 : memref<1x64xi32, #tpu.memory_space<vmem>> -> memref<64xi32, #tpu.memory_space<vmem>>
      %dma_wait3A_575 = arith.constant 384 : i32
      %dma_wait3A_576 = tpu.memref_slice %arg3[%add3A_105, %dma_wait3A_575] : memref<50x1024xi32, #tpu.memory_space<hbm>> -> memref<1x64xi32, #tpu.memory_space<hbm>>
      %dma_wait3A_577 = tpu.memref_squeeze %dma_wait3A_576 : memref<1x64xi32, #tpu.memory_space<hbm>> -> memref<64xi32, #tpu.memory_space<hbm>>
      %dma_wait3A_578 = arith.constant 0 : i32
      %dma_wait3A_579 = tpu.memref_slice %arg6[%dma_wait3A_571, %dma_wait3A_578] : memref<32x64xi32, #tpu.memory_space<vmem>> -> memref<1x64xi32, #tpu.memory_space<vmem>>
      %dma_wait3A_580 = tpu.memref_squeeze %dma_wait3A_579 : memref<1x64xi32, #tpu.memory_space<vmem>> -> memref<64xi32, #tpu.memory_space<vmem>>
      %dma_wait3A_581 = arith.constant 384 : i32
      %dma_wait3A_582 = tpu.memref_slice %arg3[%add3A_105, %dma_wait3A_581] : memref<50x1024xi32, #tpu.memory_space<hbm>> -> memref<1x64xi32, #tpu.memory_space<hbm>>
      %dma_wait3A_583 = tpu.memref_squeeze %dma_wait3A_582 : memref<1x64xi32, #tpu.memory_space<hbm>> -> memref<64xi32, #tpu.memory_space<hbm>>
      tpu.wait_dma2 semaphore(%arg24 : memref<!tpu.dma_semaphore, #tpu.memory_space<semaphore_mem>>) src(%dma_wait3A_583 : memref<64xi32, #tpu.memory_space<hbm>>) dst(%dma_wait3A_580 : memref<64xi32, #tpu.memory_space<vmem>>)
      %dma_wait3A_584 = arith.constant 7 : i32
      %dma_wait3A_585 = arith.constant 0 : i32
      %dma_wait3A_586 = tpu.memref_slice %arg6[%dma_wait3A_584, %dma_wait3A_585] : memref<32x64xi32, #tpu.memory_space<vmem>> -> memref<1x64xi32, #tpu.memory_space<vmem>>
      %dma_wait3A_587 = tpu.memref_squeeze %dma_wait3A_586 : memref<1x64xi32, #tpu.memory_space<vmem>> -> memref<64xi32, #tpu.memory_space<vmem>>
      %dma_wait3A_588 = arith.constant 448 : i32
      %dma_wait3A_589 = tpu.memref_slice %arg3[%add3A_120, %dma_wait3A_588] : memref<50x1024xi32, #tpu.memory_space<hbm>> -> memref<1x64xi32, #tpu.memory_space<hbm>>
      %dma_wait3A_590 = tpu.memref_squeeze %dma_wait3A_589 : memref<1x64xi32, #tpu.memory_space<hbm>> -> memref<64xi32, #tpu.memory_space<hbm>>
      %dma_wait3A_591 = arith.constant 0 : i32
      %dma_wait3A_592 = tpu.memref_slice %arg6[%dma_wait3A_584, %dma_wait3A_591] : memref<32x64xi32, #tpu.memory_space<vmem>> -> memref<1x64xi32, #tpu.memory_space<vmem>>
      %dma_wait3A_593 = tpu.memref_squeeze %dma_wait3A_592 : memref<1x64xi32, #tpu.memory_space<vmem>> -> memref<64xi32, #tpu.memory_space<vmem>>
      %dma_wait3A_594 = arith.constant 448 : i32
      %dma_wait3A_595 = tpu.memref_slice %arg3[%add3A_120, %dma_wait3A_594] : memref<50x1024xi32, #tpu.memory_space<hbm>> -> memref<1x64xi32, #tpu.memory_space<hbm>>
      %dma_wait3A_596 = tpu.memref_squeeze %dma_wait3A_595 : memref<1x64xi32, #tpu.memory_space<hbm>> -> memref<64xi32, #tpu.memory_space<hbm>>
      tpu.wait_dma2 semaphore(%arg24 : memref<!tpu.dma_semaphore, #tpu.memory_space<semaphore_mem>>) src(%dma_wait3A_596 : memref<64xi32, #tpu.memory_space<hbm>>) dst(%dma_wait3A_593 : memref<64xi32, #tpu.memory_space<vmem>>)
      %dma_wait3A_597 = arith.constant 8 : i32
      %dma_wait3A_598 = arith.constant 0 : i32
      %dma_wait3A_599 = tpu.memref_slice %arg6[%dma_wait3A_597, %dma_wait3A_598] : memref<32x64xi32, #tpu.memory_space<vmem>> -> memref<1x64xi32, #tpu.memory_space<vmem>>
      %dma_wait3A_600 = tpu.memref_squeeze %dma_wait3A_599 : memref<1x64xi32, #tpu.memory_space<vmem>> -> memref<64xi32, #tpu.memory_space<vmem>>
      %dma_wait3A_601 = arith.constant 512 : i32
      %dma_wait3A_602 = tpu.memref_slice %arg3[%add3A_135, %dma_wait3A_601] : memref<50x1024xi32, #tpu.memory_space<hbm>> -> memref<1x64xi32, #tpu.memory_space<hbm>>
      %dma_wait3A_603 = tpu.memref_squeeze %dma_wait3A_602 : memref<1x64xi32, #tpu.memory_space<hbm>> -> memref<64xi32, #tpu.memory_space<hbm>>
      %dma_wait3A_604 = arith.constant 0 : i32
      %dma_wait3A_605 = tpu.memref_slice %arg6[%dma_wait3A_597, %dma_wait3A_604] : memref<32x64xi32, #tpu.memory_space<vmem>> -> memref<1x64xi32, #tpu.memory_space<vmem>>
      %dma_wait3A_606 = tpu.memref_squeeze %dma_wait3A_605 : memref<1x64xi32, #tpu.memory_space<vmem>> -> memref<64xi32, #tpu.memory_space<vmem>>
      %dma_wait3A_607 = arith.constant 512 : i32
      %dma_wait3A_608 = tpu.memref_slice %arg3[%add3A_135, %dma_wait3A_607] : memref<50x1024xi32, #tpu.memory_space<hbm>> -> memref<1x64xi32, #tpu.memory_space<hbm>>
      %dma_wait3A_609 = tpu.memref_squeeze %dma_wait3A_608 : memref<1x64xi32, #tpu.memory_space<hbm>> -> memref<64xi32, #tpu.memory_space<hbm>>
      tpu.wait_dma2 semaphore(%arg24 : memref<!tpu.dma_semaphore, #tpu.memory_space<semaphore_mem>>) src(%dma_wait3A_609 : memref<64xi32, #tpu.memory_space<hbm>>) dst(%dma_wait3A_606 : memref<64xi32, #tpu.memory_space<vmem>>)
      %dma_wait3A_610 = arith.constant 9 : i32
      %dma_wait3A_611 = arith.constant 0 : i32
      %dma_wait3A_612 = tpu.memref_slice %arg6[%dma_wait3A_610, %dma_wait3A_611] : memref<32x64xi32, #tpu.memory_space<vmem>> -> memref<1x64xi32, #tpu.memory_space<vmem>>
      %dma_wait3A_613 = tpu.memref_squeeze %dma_wait3A_612 : memref<1x64xi32, #tpu.memory_space<vmem>> -> memref<64xi32, #tpu.memory_space<vmem>>
      %dma_wait3A_614 = arith.constant 576 : i32
      %dma_wait3A_615 = tpu.memref_slice %arg3[%add3A_150, %dma_wait3A_614] : memref<50x1024xi32, #tpu.memory_space<hbm>> -> memref<1x64xi32, #tpu.memory_space<hbm>>
      %dma_wait3A_616 = tpu.memref_squeeze %dma_wait3A_615 : memref<1x64xi32, #tpu.memory_space<hbm>> -> memref<64xi32, #tpu.memory_space<hbm>>
      %dma_wait3A_617 = arith.constant 0 : i32
      %dma_wait3A_618 = tpu.memref_slice %arg6[%dma_wait3A_610, %dma_wait3A_617] : memref<32x64xi32, #tpu.memory_space<vmem>> -> memref<1x64xi32, #tpu.memory_space<vmem>>
      %dma_wait3A_619 = tpu.memref_squeeze %dma_wait3A_618 : memref<1x64xi32, #tpu.memory_space<vmem>> -> memref<64xi32, #tpu.memory_space<vmem>>
      %dma_wait3A_620 = arith.constant 576 : i32
      %dma_wait3A_621 = tpu.memref_slice %arg3[%add3A_150, %dma_wait3A_620] : memref<50x1024xi32, #tpu.memory_space<hbm>> -> memref<1x64xi32, #tpu.memory_space<hbm>>
      %dma_wait3A_622 = tpu.memref_squeeze %dma_wait3A_621 : memref<1x64xi32, #tpu.memory_space<hbm>> -> memref<64xi32, #tpu.memory_space<hbm>>
      tpu.wait_dma2 semaphore(%arg24 : memref<!tpu.dma_semaphore, #tpu.memory_space<semaphore_mem>>) src(%dma_wait3A_622 : memref<64xi32, #tpu.memory_space<hbm>>) dst(%dma_wait3A_619 : memref<64xi32, #tpu.memory_space<vmem>>)
      %dma_wait3A_623 = arith.constant 10 : i32
      %dma_wait3A_624 = arith.constant 0 : i32
      %dma_wait3A_625 = tpu.memref_slice %arg6[%dma_wait3A_623, %dma_wait3A_624] : memref<32x64xi32, #tpu.memory_space<vmem>> -> memref<1x64xi32, #tpu.memory_space<vmem>>
      %dma_wait3A_626 = tpu.memref_squeeze %dma_wait3A_625 : memref<1x64xi32, #tpu.memory_space<vmem>> -> memref<64xi32, #tpu.memory_space<vmem>>
      %dma_wait3A_627 = arith.constant 640 : i32
      %dma_wait3A_628 = tpu.memref_slice %arg3[%add3A_165, %dma_wait3A_627] : memref<50x1024xi32, #tpu.memory_space<hbm>> -> memref<1x64xi32, #tpu.memory_space<hbm>>
      %dma_wait3A_629 = tpu.memref_squeeze %dma_wait3A_628 : memref<1x64xi32, #tpu.memory_space<hbm>> -> memref<64xi32, #tpu.memory_space<hbm>>
      %dma_wait3A_630 = arith.constant 0 : i32
      %dma_wait3A_631 = tpu.memref_slice %arg6[%dma_wait3A_623, %dma_wait3A_630] : memref<32x64xi32, #tpu.memory_space<vmem>> -> memref<1x64xi32, #tpu.memory_space<vmem>>
      %dma_wait3A_632 = tpu.memref_squeeze %dma_wait3A_631 : memref<1x64xi32, #tpu.memory_space<vmem>> -> memref<64xi32, #tpu.memory_space<vmem>>
      %dma_wait3A_633 = arith.constant 640 : i32
      %dma_wait3A_634 = tpu.memref_slice %arg3[%add3A_165, %dma_wait3A_633] : memref<50x1024xi32, #tpu.memory_space<hbm>> -> memref<1x64xi32, #tpu.memory_space<hbm>>
      %dma_wait3A_635 = tpu.memref_squeeze %dma_wait3A_634 : memref<1x64xi32, #tpu.memory_space<hbm>> -> memref<64xi32, #tpu.memory_space<hbm>>
      tpu.wait_dma2 semaphore(%arg24 : memref<!tpu.dma_semaphore, #tpu.memory_space<semaphore_mem>>) src(%dma_wait3A_635 : memref<64xi32, #tpu.memory_space<hbm>>) dst(%dma_wait3A_632 : memref<64xi32, #tpu.memory_space<vmem>>)
      %dma_wait3A_636 = arith.constant 11 : i32
      %dma_wait3A_637 = arith.constant 0 : i32
      %dma_wait3A_638 = tpu.memref_slice %arg6[%dma_wait3A_636, %dma_wait3A_637] : memref<32x64xi32, #tpu.memory_space<vmem>> -> memref<1x64xi32, #tpu.memory_space<vmem>>
      %dma_wait3A_639 = tpu.memref_squeeze %dma_wait3A_638 : memref<1x64xi32, #tpu.memory_space<vmem>> -> memref<64xi32, #tpu.memory_space<vmem>>
      %dma_wait3A_640 = arith.constant 704 : i32
      %dma_wait3A_641 = tpu.memref_slice %arg3[%add3A_180, %dma_wait3A_640] : memref<50x1024xi32, #tpu.memory_space<hbm>> -> memref<1x64xi32, #tpu.memory_space<hbm>>
      %dma_wait3A_642 = tpu.memref_squeeze %dma_wait3A_641 : memref<1x64xi32, #tpu.memory_space<hbm>> -> memref<64xi32, #tpu.memory_space<hbm>>
      %dma_wait3A_643 = arith.constant 0 : i32
      %dma_wait3A_644 = tpu.memref_slice %arg6[%dma_wait3A_636, %dma_wait3A_643] : memref<32x64xi32, #tpu.memory_space<vmem>> -> memref<1x64xi32, #tpu.memory_space<vmem>>
      %dma_wait3A_645 = tpu.memref_squeeze %dma_wait3A_644 : memref<1x64xi32, #tpu.memory_space<vmem>> -> memref<64xi32, #tpu.memory_space<vmem>>
      %dma_wait3A_646 = arith.constant 704 : i32
      %dma_wait3A_647 = tpu.memref_slice %arg3[%add3A_180, %dma_wait3A_646] : memref<50x1024xi32, #tpu.memory_space<hbm>> -> memref<1x64xi32, #tpu.memory_space<hbm>>
      %dma_wait3A_648 = tpu.memref_squeeze %dma_wait3A_647 : memref<1x64xi32, #tpu.memory_space<hbm>> -> memref<64xi32, #tpu.memory_space<hbm>>
      tpu.wait_dma2 semaphore(%arg24 : memref<!tpu.dma_semaphore, #tpu.memory_space<semaphore_mem>>) src(%dma_wait3A_648 : memref<64xi32, #tpu.memory_space<hbm>>) dst(%dma_wait3A_645 : memref<64xi32, #tpu.memory_space<vmem>>)
      %dma_wait3A_649 = arith.constant 12 : i32
      %dma_wait3A_650 = arith.constant 0 : i32
      %dma_wait3A_651 = tpu.memref_slice %arg6[%dma_wait3A_649, %dma_wait3A_650] : memref<32x64xi32, #tpu.memory_space<vmem>> -> memref<1x64xi32, #tpu.memory_space<vmem>>
      %dma_wait3A_652 = tpu.memref_squeeze %dma_wait3A_651 : memref<1x64xi32, #tpu.memory_space<vmem>> -> memref<64xi32, #tpu.memory_space<vmem>>
      %dma_wait3A_653 = arith.constant 768 : i32
      %dma_wait3A_654 = tpu.memref_slice %arg3[%add3A_195, %dma_wait3A_653] : memref<50x1024xi32, #tpu.memory_space<hbm>> -> memref<1x64xi32, #tpu.memory_space<hbm>>
      %dma_wait3A_655 = tpu.memref_squeeze %dma_wait3A_654 : memref<1x64xi32, #tpu.memory_space<hbm>> -> memref<64xi32, #tpu.memory_space<hbm>>
      %dma_wait3A_656 = arith.constant 0 : i32
      %dma_wait3A_657 = tpu.memref_slice %arg6[%dma_wait3A_649, %dma_wait3A_656] : memref<32x64xi32, #tpu.memory_space<vmem>> -> memref<1x64xi32, #tpu.memory_space<vmem>>
      %dma_wait3A_658 = tpu.memref_squeeze %dma_wait3A_657 : memref<1x64xi32, #tpu.memory_space<vmem>> -> memref<64xi32, #tpu.memory_space<vmem>>
      %dma_wait3A_659 = arith.constant 768 : i32
      %dma_wait3A_660 = tpu.memref_slice %arg3[%add3A_195, %dma_wait3A_659] : memref<50x1024xi32, #tpu.memory_space<hbm>> -> memref<1x64xi32, #tpu.memory_space<hbm>>
      %dma_wait3A_661 = tpu.memref_squeeze %dma_wait3A_660 : memref<1x64xi32, #tpu.memory_space<hbm>> -> memref<64xi32, #tpu.memory_space<hbm>>
      tpu.wait_dma2 semaphore(%arg24 : memref<!tpu.dma_semaphore, #tpu.memory_space<semaphore_mem>>) src(%dma_wait3A_661 : memref<64xi32, #tpu.memory_space<hbm>>) dst(%dma_wait3A_658 : memref<64xi32, #tpu.memory_space<vmem>>)
      %dma_wait3A_662 = arith.constant 13 : i32
      %dma_wait3A_663 = arith.constant 0 : i32
      %dma_wait3A_664 = tpu.memref_slice %arg6[%dma_wait3A_662, %dma_wait3A_663] : memref<32x64xi32, #tpu.memory_space<vmem>> -> memref<1x64xi32, #tpu.memory_space<vmem>>
      %dma_wait3A_665 = tpu.memref_squeeze %dma_wait3A_664 : memref<1x64xi32, #tpu.memory_space<vmem>> -> memref<64xi32, #tpu.memory_space<vmem>>
      %dma_wait3A_666 = arith.constant 832 : i32
      %dma_wait3A_667 = tpu.memref_slice %arg3[%add3A_210, %dma_wait3A_666] : memref<50x1024xi32, #tpu.memory_space<hbm>> -> memref<1x64xi32, #tpu.memory_space<hbm>>
      %dma_wait3A_668 = tpu.memref_squeeze %dma_wait3A_667 : memref<1x64xi32, #tpu.memory_space<hbm>> -> memref<64xi32, #tpu.memory_space<hbm>>
      %dma_wait3A_669 = arith.constant 0 : i32
      %dma_wait3A_670 = tpu.memref_slice %arg6[%dma_wait3A_662, %dma_wait3A_669] : memref<32x64xi32, #tpu.memory_space<vmem>> -> memref<1x64xi32, #tpu.memory_space<vmem>>
      %dma_wait3A_671 = tpu.memref_squeeze %dma_wait3A_670 : memref<1x64xi32, #tpu.memory_space<vmem>> -> memref<64xi32, #tpu.memory_space<vmem>>
      %dma_wait3A_672 = arith.constant 832 : i32
      %dma_wait3A_673 = tpu.memref_slice %arg3[%add3A_210, %dma_wait3A_672] : memref<50x1024xi32, #tpu.memory_space<hbm>> -> memref<1x64xi32, #tpu.memory_space<hbm>>
      %dma_wait3A_674 = tpu.memref_squeeze %dma_wait3A_673 : memref<1x64xi32, #tpu.memory_space<hbm>> -> memref<64xi32, #tpu.memory_space<hbm>>
      tpu.wait_dma2 semaphore(%arg24 : memref<!tpu.dma_semaphore, #tpu.memory_space<semaphore_mem>>) src(%dma_wait3A_674 : memref<64xi32, #tpu.memory_space<hbm>>) dst(%dma_wait3A_671 : memref<64xi32, #tpu.memory_space<vmem>>)
      %dma_wait3A_675 = arith.constant 14 : i32
      %dma_wait3A_676 = arith.constant 0 : i32
      %dma_wait3A_677 = tpu.memref_slice %arg6[%dma_wait3A_675, %dma_wait3A_676] : memref<32x64xi32, #tpu.memory_space<vmem>> -> memref<1x64xi32, #tpu.memory_space<vmem>>
      %dma_wait3A_678 = tpu.memref_squeeze %dma_wait3A_677 : memref<1x64xi32, #tpu.memory_space<vmem>> -> memref<64xi32, #tpu.memory_space<vmem>>
      %dma_wait3A_679 = arith.constant 896 : i32
      %dma_wait3A_680 = tpu.memref_slice %arg3[%add3A_225, %dma_wait3A_679] : memref<50x1024xi32, #tpu.memory_space<hbm>> -> memref<1x64xi32, #tpu.memory_space<hbm>>
      %dma_wait3A_681 = tpu.memref_squeeze %dma_wait3A_680 : memref<1x64xi32, #tpu.memory_space<hbm>> -> memref<64xi32, #tpu.memory_space<hbm>>
      %dma_wait3A_682 = arith.constant 0 : i32
      %dma_wait3A_683 = tpu.memref_slice %arg6[%dma_wait3A_675, %dma_wait3A_682] : memref<32x64xi32, #tpu.memory_space<vmem>> -> memref<1x64xi32, #tpu.memory_space<vmem>>
      %dma_wait3A_684 = tpu.memref_squeeze %dma_wait3A_683 : memref<1x64xi32, #tpu.memory_space<vmem>> -> memref<64xi32, #tpu.memory_space<vmem>>
      %dma_wait3A_685 = arith.constant 896 : i32
      %dma_wait3A_686 = tpu.memref_slice %arg3[%add3A_225, %dma_wait3A_685] : memref<50x1024xi32, #tpu.memory_space<hbm>> -> memref<1x64xi32, #tpu.memory_space<hbm>>
      %dma_wait3A_687 = tpu.memref_squeeze %dma_wait3A_686 : memref<1x64xi32, #tpu.memory_space<hbm>> -> memref<64xi32, #tpu.memory_space<hbm>>
      tpu.wait_dma2 semaphore(%arg24 : memref<!tpu.dma_semaphore, #tpu.memory_space<semaphore_mem>>) src(%dma_wait3A_687 : memref<64xi32, #tpu.memory_space<hbm>>) dst(%dma_wait3A_684 : memref<64xi32, #tpu.memory_space<vmem>>)
      %dma_wait3A_688 = arith.constant 15 : i32
      %dma_wait3A_689 = arith.constant 0 : i32
      %dma_wait3A_690 = tpu.memref_slice %arg6[%dma_wait3A_688, %dma_wait3A_689] : memref<32x64xi32, #tpu.memory_space<vmem>> -> memref<1x64xi32, #tpu.memory_space<vmem>>
      %dma_wait3A_691 = tpu.memref_squeeze %dma_wait3A_690 : memref<1x64xi32, #tpu.memory_space<vmem>> -> memref<64xi32, #tpu.memory_space<vmem>>
      %dma_wait3A_692 = arith.constant 960 : i32
      %dma_wait3A_693 = tpu.memref_slice %arg3[%add3A_240, %dma_wait3A_692] : memref<50x1024xi32, #tpu.memory_space<hbm>> -> memref<1x64xi32, #tpu.memory_space<hbm>>
      %dma_wait3A_694 = tpu.memref_squeeze %dma_wait3A_693 : memref<1x64xi32, #tpu.memory_space<hbm>> -> memref<64xi32, #tpu.memory_space<hbm>>
      %dma_wait3A_695 = arith.constant 0 : i32
      %dma_wait3A_696 = tpu.memref_slice %arg6[%dma_wait3A_688, %dma_wait3A_695] : memref<32x64xi32, #tpu.memory_space<vmem>> -> memref<1x64xi32, #tpu.memory_space<vmem>>
      %dma_wait3A_697 = tpu.memref_squeeze %dma_wait3A_696 : memref<1x64xi32, #tpu.memory_space<vmem>> -> memref<64xi32, #tpu.memory_space<vmem>>
      %dma_wait3A_698 = arith.constant 960 : i32
      %dma_wait3A_699 = tpu.memref_slice %arg3[%add3A_240, %dma_wait3A_698] : memref<50x1024xi32, #tpu.memory_space<hbm>> -> memref<1x64xi32, #tpu.memory_space<hbm>>
      %dma_wait3A_700 = tpu.memref_squeeze %dma_wait3A_699 : memref<1x64xi32, #tpu.memory_space<hbm>> -> memref<64xi32, #tpu.memory_space<hbm>>
      tpu.wait_dma2 semaphore(%arg24 : memref<!tpu.dma_semaphore, #tpu.memory_space<semaphore_mem>>) src(%dma_wait3A_700 : memref<64xi32, #tpu.memory_space<hbm>>) dst(%dma_wait3A_697 : memref<64xi32, #tpu.memory_space<vmem>>)
      %dma_wait3A_701 = arith.constant 16 : i32
      %dma_wait3A_702 = arith.constant 0 : i32
      %dma_wait3A_703 = tpu.memref_slice %arg6[%dma_wait3A_701, %dma_wait3A_702] : memref<32x64xi32, #tpu.memory_space<vmem>> -> memref<1x64xi32, #tpu.memory_space<vmem>>
      %dma_wait3A_704 = tpu.memref_squeeze %dma_wait3A_703 : memref<1x64xi32, #tpu.memory_space<vmem>> -> memref<64xi32, #tpu.memory_space<vmem>>
      %dma_wait3A_705 = arith.constant 0 : i32
      %dma_wait3A_706 = tpu.memref_slice %arg3[%add3A_255, %dma_wait3A_705] : memref<50x1024xi32, #tpu.memory_space<hbm>> -> memref<1x64xi32, #tpu.memory_space<hbm>>
      %dma_wait3A_707 = tpu.memref_squeeze %dma_wait3A_706 : memref<1x64xi32, #tpu.memory_space<hbm>> -> memref<64xi32, #tpu.memory_space<hbm>>
      %dma_wait3A_708 = arith.constant 0 : i32
      %dma_wait3A_709 = tpu.memref_slice %arg6[%dma_wait3A_701, %dma_wait3A_708] : memref<32x64xi32, #tpu.memory_space<vmem>> -> memref<1x64xi32, #tpu.memory_space<vmem>>
      %dma_wait3A_710 = tpu.memref_squeeze %dma_wait3A_709 : memref<1x64xi32, #tpu.memory_space<vmem>> -> memref<64xi32, #tpu.memory_space<vmem>>
      %dma_wait3A_711 = arith.constant 0 : i32
      %dma_wait3A_712 = tpu.memref_slice %arg3[%add3A_255, %dma_wait3A_711] : memref<50x1024xi32, #tpu.memory_space<hbm>> -> memref<1x64xi32, #tpu.memory_space<hbm>>
      %dma_wait3A_713 = tpu.memref_squeeze %dma_wait3A_712 : memref<1x64xi32, #tpu.memory_space<hbm>> -> memref<64xi32, #tpu.memory_space<hbm>>
      tpu.wait_dma2 semaphore(%arg24 : memref<!tpu.dma_semaphore, #tpu.memory_space<semaphore_mem>>) src(%dma_wait3A_713 : memref<64xi32, #tpu.memory_space<hbm>>) dst(%dma_wait3A_710 : memref<64xi32, #tpu.memory_space<vmem>>)
      %dma_wait3A_714 = arith.constant 17 : i32
      %dma_wait3A_715 = arith.constant 0 : i32
      %dma_wait3A_716 = tpu.memref_slice %arg6[%dma_wait3A_714, %dma_wait3A_715] : memref<32x64xi32, #tpu.memory_space<vmem>> -> memref<1x64xi32, #tpu.memory_space<vmem>>
      %dma_wait3A_717 = tpu.memref_squeeze %dma_wait3A_716 : memref<1x64xi32, #tpu.memory_space<vmem>> -> memref<64xi32, #tpu.memory_space<vmem>>
      %dma_wait3A_718 = arith.constant 64 : i32
      %dma_wait3A_719 = tpu.memref_slice %arg3[%add3A_270, %dma_wait3A_718] : memref<50x1024xi32, #tpu.memory_space<hbm>> -> memref<1x64xi32, #tpu.memory_space<hbm>>
      %dma_wait3A_720 = tpu.memref_squeeze %dma_wait3A_719 : memref<1x64xi32, #tpu.memory_space<hbm>> -> memref<64xi32, #tpu.memory_space<hbm>>
      %dma_wait3A_721 = arith.constant 0 : i32
      %dma_wait3A_722 = tpu.memref_slice %arg6[%dma_wait3A_714, %dma_wait3A_721] : memref<32x64xi32, #tpu.memory_space<vmem>> -> memref<1x64xi32, #tpu.memory_space<vmem>>
      %dma_wait3A_723 = tpu.memref_squeeze %dma_wait3A_722 : memref<1x64xi32, #tpu.memory_space<vmem>> -> memref<64xi32, #tpu.memory_space<vmem>>
      %dma_wait3A_724 = arith.constant 64 : i32
      %dma_wait3A_725 = tpu.memref_slice %arg3[%add3A_270, %dma_wait3A_724] : memref<50x1024xi32, #tpu.memory_space<hbm>> -> memref<1x64xi32, #tpu.memory_space<hbm>>
      %dma_wait3A_726 = tpu.memref_squeeze %dma_wait3A_725 : memref<1x64xi32, #tpu.memory_space<hbm>> -> memref<64xi32, #tpu.memory_space<hbm>>
      tpu.wait_dma2 semaphore(%arg24 : memref<!tpu.dma_semaphore, #tpu.memory_space<semaphore_mem>>) src(%dma_wait3A_726 : memref<64xi32, #tpu.memory_space<hbm>>) dst(%dma_wait3A_723 : memref<64xi32, #tpu.memory_space<vmem>>)
      %dma_wait3A_727 = arith.constant 18 : i32
      %dma_wait3A_728 = arith.constant 0 : i32
      %dma_wait3A_729 = tpu.memref_slice %arg6[%dma_wait3A_727, %dma_wait3A_728] : memref<32x64xi32, #tpu.memory_space<vmem>> -> memref<1x64xi32, #tpu.memory_space<vmem>>
      %dma_wait3A_730 = tpu.memref_squeeze %dma_wait3A_729 : memref<1x64xi32, #tpu.memory_space<vmem>> -> memref<64xi32, #tpu.memory_space<vmem>>
      %dma_wait3A_731 = arith.constant 128 : i32
      %dma_wait3A_732 = tpu.memref_slice %arg3[%add3A_285, %dma_wait3A_731] : memref<50x1024xi32, #tpu.memory_space<hbm>> -> memref<1x64xi32, #tpu.memory_space<hbm>>
      %dma_wait3A_733 = tpu.memref_squeeze %dma_wait3A_732 : memref<1x64xi32, #tpu.memory_space<hbm>> -> memref<64xi32, #tpu.memory_space<hbm>>
      %dma_wait3A_734 = arith.constant 0 : i32
      %dma_wait3A_735 = tpu.memref_slice %arg6[%dma_wait3A_727, %dma_wait3A_734] : memref<32x64xi32, #tpu.memory_space<vmem>> -> memref<1x64xi32, #tpu.memory_space<vmem>>
      %dma_wait3A_736 = tpu.memref_squeeze %dma_wait3A_735 : memref<1x64xi32, #tpu.memory_space<vmem>> -> memref<64xi32, #tpu.memory_space<vmem>>
      %dma_wait3A_737 = arith.constant 128 : i32
      %dma_wait3A_738 = tpu.memref_slice %arg3[%add3A_285, %dma_wait3A_737] : memref<50x1024xi32, #tpu.memory_space<hbm>> -> memref<1x64xi32, #tpu.memory_space<hbm>>
      %dma_wait3A_739 = tpu.memref_squeeze %dma_wait3A_738 : memref<1x64xi32, #tpu.memory_space<hbm>> -> memref<64xi32, #tpu.memory_space<hbm>>
      tpu.wait_dma2 semaphore(%arg24 : memref<!tpu.dma_semaphore, #tpu.memory_space<semaphore_mem>>) src(%dma_wait3A_739 : memref<64xi32, #tpu.memory_space<hbm>>) dst(%dma_wait3A_736 : memref<64xi32, #tpu.memory_space<vmem>>)
      %dma_wait3A_740 = arith.constant 19 : i32
      %dma_wait3A_741 = arith.constant 0 : i32
      %dma_wait3A_742 = tpu.memref_slice %arg6[%dma_wait3A_740, %dma_wait3A_741] : memref<32x64xi32, #tpu.memory_space<vmem>> -> memref<1x64xi32, #tpu.memory_space<vmem>>
      %dma_wait3A_743 = tpu.memref_squeeze %dma_wait3A_742 : memref<1x64xi32, #tpu.memory_space<vmem>> -> memref<64xi32, #tpu.memory_space<vmem>>
      %dma_wait3A_744 = arith.constant 192 : i32
      %dma_wait3A_745 = tpu.memref_slice %arg3[%add3A_300, %dma_wait3A_744] : memref<50x1024xi32, #tpu.memory_space<hbm>> -> memref<1x64xi32, #tpu.memory_space<hbm>>
      %dma_wait3A_746 = tpu.memref_squeeze %dma_wait3A_745 : memref<1x64xi32, #tpu.memory_space<hbm>> -> memref<64xi32, #tpu.memory_space<hbm>>
      %dma_wait3A_747 = arith.constant 0 : i32
      %dma_wait3A_748 = tpu.memref_slice %arg6[%dma_wait3A_740, %dma_wait3A_747] : memref<32x64xi32, #tpu.memory_space<vmem>> -> memref<1x64xi32, #tpu.memory_space<vmem>>
      %dma_wait3A_749 = tpu.memref_squeeze %dma_wait3A_748 : memref<1x64xi32, #tpu.memory_space<vmem>> -> memref<64xi32, #tpu.memory_space<vmem>>
      %dma_wait3A_750 = arith.constant 192 : i32
      %dma_wait3A_751 = tpu.memref_slice %arg3[%add3A_300, %dma_wait3A_750] : memref<50x1024xi32, #tpu.memory_space<hbm>> -> memref<1x64xi32, #tpu.memory_space<hbm>>
      %dma_wait3A_752 = tpu.memref_squeeze %dma_wait3A_751 : memref<1x64xi32, #tpu.memory_space<hbm>> -> memref<64xi32, #tpu.memory_space<hbm>>
      tpu.wait_dma2 semaphore(%arg24 : memref<!tpu.dma_semaphore, #tpu.memory_space<semaphore_mem>>) src(%dma_wait3A_752 : memref<64xi32, #tpu.memory_space<hbm>>) dst(%dma_wait3A_749 : memref<64xi32, #tpu.memory_space<vmem>>)
      %dma_wait3A_753 = arith.constant 20 : i32
      %dma_wait3A_754 = arith.constant 0 : i32
      %dma_wait3A_755 = tpu.memref_slice %arg6[%dma_wait3A_753, %dma_wait3A_754] : memref<32x64xi32, #tpu.memory_space<vmem>> -> memref<1x64xi32, #tpu.memory_space<vmem>>
      %dma_wait3A_756 = tpu.memref_squeeze %dma_wait3A_755 : memref<1x64xi32, #tpu.memory_space<vmem>> -> memref<64xi32, #tpu.memory_space<vmem>>
      %dma_wait3A_757 = arith.constant 256 : i32
      %dma_wait3A_758 = tpu.memref_slice %arg3[%add3A_315, %dma_wait3A_757] : memref<50x1024xi32, #tpu.memory_space<hbm>> -> memref<1x64xi32, #tpu.memory_space<hbm>>
      %dma_wait3A_759 = tpu.memref_squeeze %dma_wait3A_758 : memref<1x64xi32, #tpu.memory_space<hbm>> -> memref<64xi32, #tpu.memory_space<hbm>>
      %dma_wait3A_760 = arith.constant 0 : i32
      %dma_wait3A_761 = tpu.memref_slice %arg6[%dma_wait3A_753, %dma_wait3A_760] : memref<32x64xi32, #tpu.memory_space<vmem>> -> memref<1x64xi32, #tpu.memory_space<vmem>>
      %dma_wait3A_762 = tpu.memref_squeeze %dma_wait3A_761 : memref<1x64xi32, #tpu.memory_space<vmem>> -> memref<64xi32, #tpu.memory_space<vmem>>
      %dma_wait3A_763 = arith.constant 256 : i32
      %dma_wait3A_764 = tpu.memref_slice %arg3[%add3A_315, %dma_wait3A_763] : memref<50x1024xi32, #tpu.memory_space<hbm>> -> memref<1x64xi32, #tpu.memory_space<hbm>>
      %dma_wait3A_765 = tpu.memref_squeeze %dma_wait3A_764 : memref<1x64xi32, #tpu.memory_space<hbm>> -> memref<64xi32, #tpu.memory_space<hbm>>
      tpu.wait_dma2 semaphore(%arg24 : memref<!tpu.dma_semaphore, #tpu.memory_space<semaphore_mem>>) src(%dma_wait3A_765 : memref<64xi32, #tpu.memory_space<hbm>>) dst(%dma_wait3A_762 : memref<64xi32, #tpu.memory_space<vmem>>)
      %dma_wait3A_766 = arith.constant 21 : i32
      %dma_wait3A_767 = arith.constant 0 : i32
      %dma_wait3A_768 = tpu.memref_slice %arg6[%dma_wait3A_766, %dma_wait3A_767] : memref<32x64xi32, #tpu.memory_space<vmem>> -> memref<1x64xi32, #tpu.memory_space<vmem>>
      %dma_wait3A_769 = tpu.memref_squeeze %dma_wait3A_768 : memref<1x64xi32, #tpu.memory_space<vmem>> -> memref<64xi32, #tpu.memory_space<vmem>>
      %dma_wait3A_770 = arith.constant 320 : i32
      %dma_wait3A_771 = tpu.memref_slice %arg3[%add3A_330, %dma_wait3A_770] : memref<50x1024xi32, #tpu.memory_space<hbm>> -> memref<1x64xi32, #tpu.memory_space<hbm>>
      %dma_wait3A_772 = tpu.memref_squeeze %dma_wait3A_771 : memref<1x64xi32, #tpu.memory_space<hbm>> -> memref<64xi32, #tpu.memory_space<hbm>>
      %dma_wait3A_773 = arith.constant 0 : i32
      %dma_wait3A_774 = tpu.memref_slice %arg6[%dma_wait3A_766, %dma_wait3A_773] : memref<32x64xi32, #tpu.memory_space<vmem>> -> memref<1x64xi32, #tpu.memory_space<vmem>>
      %dma_wait3A_775 = tpu.memref_squeeze %dma_wait3A_774 : memref<1x64xi32, #tpu.memory_space<vmem>> -> memref<64xi32, #tpu.memory_space<vmem>>
      %dma_wait3A_776 = arith.constant 320 : i32
      %dma_wait3A_777 = tpu.memref_slice %arg3[%add3A_330, %dma_wait3A_776] : memref<50x1024xi32, #tpu.memory_space<hbm>> -> memref<1x64xi32, #tpu.memory_space<hbm>>
      %dma_wait3A_778 = tpu.memref_squeeze %dma_wait3A_777 : memref<1x64xi32, #tpu.memory_space<hbm>> -> memref<64xi32, #tpu.memory_space<hbm>>
      tpu.wait_dma2 semaphore(%arg24 : memref<!tpu.dma_semaphore, #tpu.memory_space<semaphore_mem>>) src(%dma_wait3A_778 : memref<64xi32, #tpu.memory_space<hbm>>) dst(%dma_wait3A_775 : memref<64xi32, #tpu.memory_space<vmem>>)
      %dma_wait3A_779 = arith.constant 22 : i32
      %dma_wait3A_780 = arith.constant 0 : i32
      %dma_wait3A_781 = tpu.memref_slice %arg6[%dma_wait3A_779, %dma_wait3A_780] : memref<32x64xi32, #tpu.memory_space<vmem>> -> memref<1x64xi32, #tpu.memory_space<vmem>>
      %dma_wait3A_782 = tpu.memref_squeeze %dma_wait3A_781 : memref<1x64xi32, #tpu.memory_space<vmem>> -> memref<64xi32, #tpu.memory_space<vmem>>
      %dma_wait3A_783 = arith.constant 384 : i32
      %dma_wait3A_784 = tpu.memref_slice %arg3[%add3A_345, %dma_wait3A_783] : memref<50x1024xi32, #tpu.memory_space<hbm>> -> memref<1x64xi32, #tpu.memory_space<hbm>>
      %dma_wait3A_785 = tpu.memref_squeeze %dma_wait3A_784 : memref<1x64xi32, #tpu.memory_space<hbm>> -> memref<64xi32, #tpu.memory_space<hbm>>
      %dma_wait3A_786 = arith.constant 0 : i32
      %dma_wait3A_787 = tpu.memref_slice %arg6[%dma_wait3A_779, %dma_wait3A_786] : memref<32x64xi32, #tpu.memory_space<vmem>> -> memref<1x64xi32, #tpu.memory_space<vmem>>
      %dma_wait3A_788 = tpu.memref_squeeze %dma_wait3A_787 : memref<1x64xi32, #tpu.memory_space<vmem>> -> memref<64xi32, #tpu.memory_space<vmem>>
      %dma_wait3A_789 = arith.constant 384 : i32
      %dma_wait3A_790 = tpu.memref_slice %arg3[%add3A_345, %dma_wait3A_789] : memref<50x1024xi32, #tpu.memory_space<hbm>> -> memref<1x64xi32, #tpu.memory_space<hbm>>
      %dma_wait3A_791 = tpu.memref_squeeze %dma_wait3A_790 : memref<1x64xi32, #tpu.memory_space<hbm>> -> memref<64xi32, #tpu.memory_space<hbm>>
      tpu.wait_dma2 semaphore(%arg24 : memref<!tpu.dma_semaphore, #tpu.memory_space<semaphore_mem>>) src(%dma_wait3A_791 : memref<64xi32, #tpu.memory_space<hbm>>) dst(%dma_wait3A_788 : memref<64xi32, #tpu.memory_space<vmem>>)
      %dma_wait3A_792 = arith.constant 23 : i32
      %dma_wait3A_793 = arith.constant 0 : i32
      %dma_wait3A_794 = tpu.memref_slice %arg6[%dma_wait3A_792, %dma_wait3A_793] : memref<32x64xi32, #tpu.memory_space<vmem>> -> memref<1x64xi32, #tpu.memory_space<vmem>>
      %dma_wait3A_795 = tpu.memref_squeeze %dma_wait3A_794 : memref<1x64xi32, #tpu.memory_space<vmem>> -> memref<64xi32, #tpu.memory_space<vmem>>
      %dma_wait3A_796 = arith.constant 448 : i32
      %dma_wait3A_797 = tpu.memref_slice %arg3[%add3A_360, %dma_wait3A_796] : memref<50x1024xi32, #tpu.memory_space<hbm>> -> memref<1x64xi32, #tpu.memory_space<hbm>>
      %dma_wait3A_798 = tpu.memref_squeeze %dma_wait3A_797 : memref<1x64xi32, #tpu.memory_space<hbm>> -> memref<64xi32, #tpu.memory_space<hbm>>
      %dma_wait3A_799 = arith.constant 0 : i32
      %dma_wait3A_800 = tpu.memref_slice %arg6[%dma_wait3A_792, %dma_wait3A_799] : memref<32x64xi32, #tpu.memory_space<vmem>> -> memref<1x64xi32, #tpu.memory_space<vmem>>
      %dma_wait3A_801 = tpu.memref_squeeze %dma_wait3A_800 : memref<1x64xi32, #tpu.memory_space<vmem>> -> memref<64xi32, #tpu.memory_space<vmem>>
      %dma_wait3A_802 = arith.constant 448 : i32
      %dma_wait3A_803 = tpu.memref_slice %arg3[%add3A_360, %dma_wait3A_802] : memref<50x1024xi32, #tpu.memory_space<hbm>> -> memref<1x64xi32, #tpu.memory_space<hbm>>
      %dma_wait3A_804 = tpu.memref_squeeze %dma_wait3A_803 : memref<1x64xi32, #tpu.memory_space<hbm>> -> memref<64xi32, #tpu.memory_space<hbm>>
      tpu.wait_dma2 semaphore(%arg24 : memref<!tpu.dma_semaphore, #tpu.memory_space<semaphore_mem>>) src(%dma_wait3A_804 : memref<64xi32, #tpu.memory_space<hbm>>) dst(%dma_wait3A_801 : memref<64xi32, #tpu.memory_space<vmem>>)
      %dma_wait3A_805 = arith.constant 24 : i32
      %dma_wait3A_806 = arith.constant 0 : i32
      %dma_wait3A_807 = tpu.memref_slice %arg6[%dma_wait3A_805, %dma_wait3A_806] : memref<32x64xi32, #tpu.memory_space<vmem>> -> memref<1x64xi32, #tpu.memory_space<vmem>>
      %dma_wait3A_808 = tpu.memref_squeeze %dma_wait3A_807 : memref<1x64xi32, #tpu.memory_space<vmem>> -> memref<64xi32, #tpu.memory_space<vmem>>
      %dma_wait3A_809 = arith.constant 512 : i32
      %dma_wait3A_810 = tpu.memref_slice %arg3[%add3A_375, %dma_wait3A_809] : memref<50x1024xi32, #tpu.memory_space<hbm>> -> memref<1x64xi32, #tpu.memory_space<hbm>>
      %dma_wait3A_811 = tpu.memref_squeeze %dma_wait3A_810 : memref<1x64xi32, #tpu.memory_space<hbm>> -> memref<64xi32, #tpu.memory_space<hbm>>
      %dma_wait3A_812 = arith.constant 0 : i32
      %dma_wait3A_813 = tpu.memref_slice %arg6[%dma_wait3A_805, %dma_wait3A_812] : memref<32x64xi32, #tpu.memory_space<vmem>> -> memref<1x64xi32, #tpu.memory_space<vmem>>
      %dma_wait3A_814 = tpu.memref_squeeze %dma_wait3A_813 : memref<1x64xi32, #tpu.memory_space<vmem>> -> memref<64xi32, #tpu.memory_space<vmem>>
      %dma_wait3A_815 = arith.constant 512 : i32
      %dma_wait3A_816 = tpu.memref_slice %arg3[%add3A_375, %dma_wait3A_815] : memref<50x1024xi32, #tpu.memory_space<hbm>> -> memref<1x64xi32, #tpu.memory_space<hbm>>
      %dma_wait3A_817 = tpu.memref_squeeze %dma_wait3A_816 : memref<1x64xi32, #tpu.memory_space<hbm>> -> memref<64xi32, #tpu.memory_space<hbm>>
      tpu.wait_dma2 semaphore(%arg24 : memref<!tpu.dma_semaphore, #tpu.memory_space<semaphore_mem>>) src(%dma_wait3A_817 : memref<64xi32, #tpu.memory_space<hbm>>) dst(%dma_wait3A_814 : memref<64xi32, #tpu.memory_space<vmem>>)
      %dma_wait3A_818 = arith.constant 25 : i32
      %dma_wait3A_819 = arith.constant 0 : i32
      %dma_wait3A_820 = tpu.memref_slice %arg6[%dma_wait3A_818, %dma_wait3A_819] : memref<32x64xi32, #tpu.memory_space<vmem>> -> memref<1x64xi32, #tpu.memory_space<vmem>>
      %dma_wait3A_821 = tpu.memref_squeeze %dma_wait3A_820 : memref<1x64xi32, #tpu.memory_space<vmem>> -> memref<64xi32, #tpu.memory_space<vmem>>
      %dma_wait3A_822 = arith.constant 576 : i32
      %dma_wait3A_823 = tpu.memref_slice %arg3[%add3A_390, %dma_wait3A_822] : memref<50x1024xi32, #tpu.memory_space<hbm>> -> memref<1x64xi32, #tpu.memory_space<hbm>>
      %dma_wait3A_824 = tpu.memref_squeeze %dma_wait3A_823 : memref<1x64xi32, #tpu.memory_space<hbm>> -> memref<64xi32, #tpu.memory_space<hbm>>
      %dma_wait3A_825 = arith.constant 0 : i32
      %dma_wait3A_826 = tpu.memref_slice %arg6[%dma_wait3A_818, %dma_wait3A_825] : memref<32x64xi32, #tpu.memory_space<vmem>> -> memref<1x64xi32, #tpu.memory_space<vmem>>
      %dma_wait3A_827 = tpu.memref_squeeze %dma_wait3A_826 : memref<1x64xi32, #tpu.memory_space<vmem>> -> memref<64xi32, #tpu.memory_space<vmem>>
      %dma_wait3A_828 = arith.constant 576 : i32
      %dma_wait3A_829 = tpu.memref_slice %arg3[%add3A_390, %dma_wait3A_828] : memref<50x1024xi32, #tpu.memory_space<hbm>> -> memref<1x64xi32, #tpu.memory_space<hbm>>
      %dma_wait3A_830 = tpu.memref_squeeze %dma_wait3A_829 : memref<1x64xi32, #tpu.memory_space<hbm>> -> memref<64xi32, #tpu.memory_space<hbm>>
      tpu.wait_dma2 semaphore(%arg24 : memref<!tpu.dma_semaphore, #tpu.memory_space<semaphore_mem>>) src(%dma_wait3A_830 : memref<64xi32, #tpu.memory_space<hbm>>) dst(%dma_wait3A_827 : memref<64xi32, #tpu.memory_space<vmem>>)
      %dma_wait3A_831 = arith.constant 26 : i32
      %dma_wait3A_832 = arith.constant 0 : i32
      %dma_wait3A_833 = tpu.memref_slice %arg6[%dma_wait3A_831, %dma_wait3A_832] : memref<32x64xi32, #tpu.memory_space<vmem>> -> memref<1x64xi32, #tpu.memory_space<vmem>>
      %dma_wait3A_834 = tpu.memref_squeeze %dma_wait3A_833 : memref<1x64xi32, #tpu.memory_space<vmem>> -> memref<64xi32, #tpu.memory_space<vmem>>
      %dma_wait3A_835 = arith.constant 640 : i32
      %dma_wait3A_836 = tpu.memref_slice %arg3[%add3A_405, %dma_wait3A_835] : memref<50x1024xi32, #tpu.memory_space<hbm>> -> memref<1x64xi32, #tpu.memory_space<hbm>>
      %dma_wait3A_837 = tpu.memref_squeeze %dma_wait3A_836 : memref<1x64xi32, #tpu.memory_space<hbm>> -> memref<64xi32, #tpu.memory_space<hbm>>
      %dma_wait3A_838 = arith.constant 0 : i32
      %dma_wait3A_839 = tpu.memref_slice %arg6[%dma_wait3A_831, %dma_wait3A_838] : memref<32x64xi32, #tpu.memory_space<vmem>> -> memref<1x64xi32, #tpu.memory_space<vmem>>
      %dma_wait3A_840 = tpu.memref_squeeze %dma_wait3A_839 : memref<1x64xi32, #tpu.memory_space<vmem>> -> memref<64xi32, #tpu.memory_space<vmem>>
      %dma_wait3A_841 = arith.constant 640 : i32
      %dma_wait3A_842 = tpu.memref_slice %arg3[%add3A_405, %dma_wait3A_841] : memref<50x1024xi32, #tpu.memory_space<hbm>> -> memref<1x64xi32, #tpu.memory_space<hbm>>
      %dma_wait3A_843 = tpu.memref_squeeze %dma_wait3A_842 : memref<1x64xi32, #tpu.memory_space<hbm>> -> memref<64xi32, #tpu.memory_space<hbm>>
      tpu.wait_dma2 semaphore(%arg24 : memref<!tpu.dma_semaphore, #tpu.memory_space<semaphore_mem>>) src(%dma_wait3A_843 : memref<64xi32, #tpu.memory_space<hbm>>) dst(%dma_wait3A_840 : memref<64xi32, #tpu.memory_space<vmem>>)
      %dma_wait3A_844 = arith.constant 27 : i32
      %dma_wait3A_845 = arith.constant 0 : i32
      %dma_wait3A_846 = tpu.memref_slice %arg6[%dma_wait3A_844, %dma_wait3A_845] : memref<32x64xi32, #tpu.memory_space<vmem>> -> memref<1x64xi32, #tpu.memory_space<vmem>>
      %dma_wait3A_847 = tpu.memref_squeeze %dma_wait3A_846 : memref<1x64xi32, #tpu.memory_space<vmem>> -> memref<64xi32, #tpu.memory_space<vmem>>
      %dma_wait3A_848 = arith.constant 704 : i32
      %dma_wait3A_849 = tpu.memref_slice %arg3[%add3A_420, %dma_wait3A_848] : memref<50x1024xi32, #tpu.memory_space<hbm>> -> memref<1x64xi32, #tpu.memory_space<hbm>>
      %dma_wait3A_850 = tpu.memref_squeeze %dma_wait3A_849 : memref<1x64xi32, #tpu.memory_space<hbm>> -> memref<64xi32, #tpu.memory_space<hbm>>
      %dma_wait3A_851 = arith.constant 0 : i32
      %dma_wait3A_852 = tpu.memref_slice %arg6[%dma_wait3A_844, %dma_wait3A_851] : memref<32x64xi32, #tpu.memory_space<vmem>> -> memref<1x64xi32, #tpu.memory_space<vmem>>
      %dma_wait3A_853 = tpu.memref_squeeze %dma_wait3A_852 : memref<1x64xi32, #tpu.memory_space<vmem>> -> memref<64xi32, #tpu.memory_space<vmem>>
      %dma_wait3A_854 = arith.constant 704 : i32
      %dma_wait3A_855 = tpu.memref_slice %arg3[%add3A_420, %dma_wait3A_854] : memref<50x1024xi32, #tpu.memory_space<hbm>> -> memref<1x64xi32, #tpu.memory_space<hbm>>
      %dma_wait3A_856 = tpu.memref_squeeze %dma_wait3A_855 : memref<1x64xi32, #tpu.memory_space<hbm>> -> memref<64xi32, #tpu.memory_space<hbm>>
      tpu.wait_dma2 semaphore(%arg24 : memref<!tpu.dma_semaphore, #tpu.memory_space<semaphore_mem>>) src(%dma_wait3A_856 : memref<64xi32, #tpu.memory_space<hbm>>) dst(%dma_wait3A_853 : memref<64xi32, #tpu.memory_space<vmem>>)
      %dma_wait3A_857 = arith.constant 28 : i32
      %dma_wait3A_858 = arith.constant 0 : i32
      %dma_wait3A_859 = tpu.memref_slice %arg6[%dma_wait3A_857, %dma_wait3A_858] : memref<32x64xi32, #tpu.memory_space<vmem>> -> memref<1x64xi32, #tpu.memory_space<vmem>>
      %dma_wait3A_860 = tpu.memref_squeeze %dma_wait3A_859 : memref<1x64xi32, #tpu.memory_space<vmem>> -> memref<64xi32, #tpu.memory_space<vmem>>
      %dma_wait3A_861 = arith.constant 768 : i32
      %dma_wait3A_862 = tpu.memref_slice %arg3[%add3A_435, %dma_wait3A_861] : memref<50x1024xi32, #tpu.memory_space<hbm>> -> memref<1x64xi32, #tpu.memory_space<hbm>>
      %dma_wait3A_863 = tpu.memref_squeeze %dma_wait3A_862 : memref<1x64xi32, #tpu.memory_space<hbm>> -> memref<64xi32, #tpu.memory_space<hbm>>
      %dma_wait3A_864 = arith.constant 0 : i32
      %dma_wait3A_865 = tpu.memref_slice %arg6[%dma_wait3A_857, %dma_wait3A_864] : memref<32x64xi32, #tpu.memory_space<vmem>> -> memref<1x64xi32, #tpu.memory_space<vmem>>
      %dma_wait3A_866 = tpu.memref_squeeze %dma_wait3A_865 : memref<1x64xi32, #tpu.memory_space<vmem>> -> memref<64xi32, #tpu.memory_space<vmem>>
      %dma_wait3A_867 = arith.constant 768 : i32
      %dma_wait3A_868 = tpu.memref_slice %arg3[%add3A_435, %dma_wait3A_867] : memref<50x1024xi32, #tpu.memory_space<hbm>> -> memref<1x64xi32, #tpu.memory_space<hbm>>
      %dma_wait3A_869 = tpu.memref_squeeze %dma_wait3A_868 : memref<1x64xi32, #tpu.memory_space<hbm>> -> memref<64xi32, #tpu.memory_space<hbm>>
      tpu.wait_dma2 semaphore(%arg24 : memref<!tpu.dma_semaphore, #tpu.memory_space<semaphore_mem>>) src(%dma_wait3A_869 : memref<64xi32, #tpu.memory_space<hbm>>) dst(%dma_wait3A_866 : memref<64xi32, #tpu.memory_space<vmem>>)
      %dma_wait3A_870 = arith.constant 29 : i32
      %dma_wait3A_871 = arith.constant 0 : i32
      %dma_wait3A_872 = tpu.memref_slice %arg6[%dma_wait3A_870, %dma_wait3A_871] : memref<32x64xi32, #tpu.memory_space<vmem>> -> memref<1x64xi32, #tpu.memory_space<vmem>>
      %dma_wait3A_873 = tpu.memref_squeeze %dma_wait3A_872 : memref<1x64xi32, #tpu.memory_space<vmem>> -> memref<64xi32, #tpu.memory_space<vmem>>
      %dma_wait3A_874 = arith.constant 832 : i32
      %dma_wait3A_875 = tpu.memref_slice %arg3[%add3A_450, %dma_wait3A_874] : memref<50x1024xi32, #tpu.memory_space<hbm>> -> memref<1x64xi32, #tpu.memory_space<hbm>>
      %dma_wait3A_876 = tpu.memref_squeeze %dma_wait3A_875 : memref<1x64xi32, #tpu.memory_space<hbm>> -> memref<64xi32, #tpu.memory_space<hbm>>
      %dma_wait3A_877 = arith.constant 0 : i32
      %dma_wait3A_878 = tpu.memref_slice %arg6[%dma_wait3A_870, %dma_wait3A_877] : memref<32x64xi32, #tpu.memory_space<vmem>> -> memref<1x64xi32, #tpu.memory_space<vmem>>
      %dma_wait3A_879 = tpu.memref_squeeze %dma_wait3A_878 : memref<1x64xi32, #tpu.memory_space<vmem>> -> memref<64xi32, #tpu.memory_space<vmem>>
      %dma_wait3A_880 = arith.constant 832 : i32
      %dma_wait3A_881 = tpu.memref_slice %arg3[%add3A_450, %dma_wait3A_880] : memref<50x1024xi32, #tpu.memory_space<hbm>> -> memref<1x64xi32, #tpu.memory_space<hbm>>
      %dma_wait3A_882 = tpu.memref_squeeze %dma_wait3A_881 : memref<1x64xi32, #tpu.memory_space<hbm>> -> memref<64xi32, #tpu.memory_space<hbm>>
      tpu.wait_dma2 semaphore(%arg24 : memref<!tpu.dma_semaphore, #tpu.memory_space<semaphore_mem>>) src(%dma_wait3A_882 : memref<64xi32, #tpu.memory_space<hbm>>) dst(%dma_wait3A_879 : memref<64xi32, #tpu.memory_space<vmem>>)
      %dma_wait3A_883 = arith.constant 30 : i32
      %dma_wait3A_884 = arith.constant 0 : i32
      %dma_wait3A_885 = tpu.memref_slice %arg6[%dma_wait3A_883, %dma_wait3A_884] : memref<32x64xi32, #tpu.memory_space<vmem>> -> memref<1x64xi32, #tpu.memory_space<vmem>>
      %dma_wait3A_886 = tpu.memref_squeeze %dma_wait3A_885 : memref<1x64xi32, #tpu.memory_space<vmem>> -> memref<64xi32, #tpu.memory_space<vmem>>
      %dma_wait3A_887 = arith.constant 896 : i32
      %dma_wait3A_888 = tpu.memref_slice %arg3[%add3A_465, %dma_wait3A_887] : memref<50x1024xi32, #tpu.memory_space<hbm>> -> memref<1x64xi32, #tpu.memory_space<hbm>>
      %dma_wait3A_889 = tpu.memref_squeeze %dma_wait3A_888 : memref<1x64xi32, #tpu.memory_space<hbm>> -> memref<64xi32, #tpu.memory_space<hbm>>
      %dma_wait3A_890 = arith.constant 0 : i32
      %dma_wait3A_891 = tpu.memref_slice %arg6[%dma_wait3A_883, %dma_wait3A_890] : memref<32x64xi32, #tpu.memory_space<vmem>> -> memref<1x64xi32, #tpu.memory_space<vmem>>
      %dma_wait3A_892 = tpu.memref_squeeze %dma_wait3A_891 : memref<1x64xi32, #tpu.memory_space<vmem>> -> memref<64xi32, #tpu.memory_space<vmem>>
      %dma_wait3A_893 = arith.constant 896 : i32
      %dma_wait3A_894 = tpu.memref_slice %arg3[%add3A_465, %dma_wait3A_893] : memref<50x1024xi32, #tpu.memory_space<hbm>> -> memref<1x64xi32, #tpu.memory_space<hbm>>
      %dma_wait3A_895 = tpu.memref_squeeze %dma_wait3A_894 : memref<1x64xi32, #tpu.memory_space<hbm>> -> memref<64xi32, #tpu.memory_space<hbm>>
      tpu.wait_dma2 semaphore(%arg24 : memref<!tpu.dma_semaphore, #tpu.memory_space<semaphore_mem>>) src(%dma_wait3A_895 : memref<64xi32, #tpu.memory_space<hbm>>) dst(%dma_wait3A_892 : memref<64xi32, #tpu.memory_space<vmem>>)
      %dma_wait3A_896 = arith.constant 31 : i32
      %dma_wait3A_897 = arith.constant 0 : i32
      %dma_wait3A_898 = tpu.memref_slice %arg6[%dma_wait3A_896, %dma_wait3A_897] : memref<32x64xi32, #tpu.memory_space<vmem>> -> memref<1x64xi32, #tpu.memory_space<vmem>>
      %dma_wait3A_899 = tpu.memref_squeeze %dma_wait3A_898 : memref<1x64xi32, #tpu.memory_space<vmem>> -> memref<64xi32, #tpu.memory_space<vmem>>
      %dma_wait3A_900 = arith.constant 960 : i32
      %dma_wait3A_901 = tpu.memref_slice %arg3[%add3A_480, %dma_wait3A_900] : memref<50x1024xi32, #tpu.memory_space<hbm>> -> memref<1x64xi32, #tpu.memory_space<hbm>>
      %dma_wait3A_902 = tpu.memref_squeeze %dma_wait3A_901 : memref<1x64xi32, #tpu.memory_space<hbm>> -> memref<64xi32, #tpu.memory_space<hbm>>
      %dma_wait3A_903 = arith.constant 0 : i32
      %dma_wait3A_904 = tpu.memref_slice %arg6[%dma_wait3A_896, %dma_wait3A_903] : memref<32x64xi32, #tpu.memory_space<vmem>> -> memref<1x64xi32, #tpu.memory_space<vmem>>
      %dma_wait3A_905 = tpu.memref_squeeze %dma_wait3A_904 : memref<1x64xi32, #tpu.memory_space<vmem>> -> memref<64xi32, #tpu.memory_space<vmem>>
      %dma_wait3A_906 = arith.constant 960 : i32
      %dma_wait3A_907 = tpu.memref_slice %arg3[%add3A_480, %dma_wait3A_906] : memref<50x1024xi32, #tpu.memory_space<hbm>> -> memref<1x64xi32, #tpu.memory_space<hbm>>
      %dma_wait3A_908 = tpu.memref_squeeze %dma_wait3A_907 : memref<1x64xi32, #tpu.memory_space<hbm>> -> memref<64xi32, #tpu.memory_space<hbm>>
      tpu.wait_dma2 semaphore(%arg24 : memref<!tpu.dma_semaphore, #tpu.memory_space<semaphore_mem>>) src(%dma_wait3A_908 : memref<64xi32, #tpu.memory_space<hbm>>) dst(%dma_wait3A_905 : memref<64xi32, #tpu.memory_space<vmem>>)
    } else {
    }
    %barrier3A = arith.constant 0 : index
    tpu.barrier barrier_id(%barrier3A)
    %lt3A_10 = arith.constant 25 : i32
    %lt3A_11 = arith.cmpi slt, %add3A, %lt3A_10 : i32
    %convert_element_type3A_12 = arith.extui %lt3A_11 : i1 to i32
    %cond3A_13 = arith.constant 0 : i32
    %cond3A_14 = arith.cmpi ne, %convert_element_type3A_12, %cond3A_13 : i32
    scf.if %cond3A_14 {
      %dma_start3A = arith.constant 0 : i32
      %dma_start3A_15 = arith.constant 0 : i32
      %dma_start3A_16 = arith.constant 0 : i32
      %dma_start3A_17 = arith.constant 0 : i32
      %dma_start3A_18 = tpu.memref_slice %arg7[%dma_start3A_15, %dma_start3A_16, %dma_start3A_17] : memref<8x64x128xf32, #tpu.memory_space<vmem>> -> memref<1x64x128xf32, #tpu.memory_space<vmem>>
      %dma_start3A_19 = tpu.memref_squeeze %dma_start3A_18 : memref<1x64x128xf32, #tpu.memory_space<vmem>> -> memref<64x128xf32, #tpu.memory_space<vmem>>
      %dma_start3A_20 = arith.constant 0 : i32
      %dma_start3A_21 = tpu.memref_slice %arg6[%dma_start3A, %dma_start3A_20] : memref<32x64xi32, #tpu.memory_space<vmem>> -> memref<1x64xi32, #tpu.memory_space<vmem>>
      %dma_start3A_22 = tpu.memref_squeeze %dma_start3A_21 : memref<1x64xi32, #tpu.memory_space<vmem>> -> memref<64xi32, #tpu.memory_space<vmem>>
      %dma_start3A_23 = arith.constant 0 : i32
      %dma_start3A_24 = arith.constant 0 : i32
      %dma_start3A_25 = tpu.memref_slice %arg5[%dma_start3A_23, %dma_start3A_24] : memref<1000x128xf32, #tpu.memory_space<vmem_shared>> -> memref<1000x128xf32, #tpu.memory_space<vmem_shared>>
      tpu.enqueue_indirect_dma source(%dma_start3A_25 : memref<1000x128xf32, #tpu.memory_space<vmem_shared>>) target(%dma_start3A_19 : memref<64x128xf32, #tpu.memory_space<vmem>>) offsets(%dma_start3A_22 : memref<64xi32, #tpu.memory_space<vmem>>) semaphore(%arg8 : memref<!tpu.dma_semaphore, #tpu.memory_space<semaphore_mem>>)
      %dma_start3A_26 = arith.constant 1 : i32
      %dma_start3A_27 = arith.constant 1 : i32
      %dma_start3A_28 = arith.constant 0 : i32
      %dma_start3A_29 = arith.constant 0 : i32
      %dma_start3A_30 = tpu.memref_slice %arg7[%dma_start3A_27, %dma_start3A_28, %dma_start3A_29] : memref<8x64x128xf32, #tpu.memory_space<vmem>> -> memref<1x64x128xf32, #tpu.memory_space<vmem>>
      %dma_start3A_31 = tpu.memref_squeeze %dma_start3A_30 : memref<1x64x128xf32, #tpu.memory_space<vmem>> -> memref<64x128xf32, #tpu.memory_space<vmem>>
      %dma_start3A_32 = arith.constant 0 : i32
      %dma_start3A_33 = tpu.memref_slice %arg6[%dma_start3A_26, %dma_start3A_32] : memref<32x64xi32, #tpu.memory_space<vmem>> -> memref<1x64xi32, #tpu.memory_space<vmem>>
      %dma_start3A_34 = tpu.memref_squeeze %dma_start3A_33 : memref<1x64xi32, #tpu.memory_space<vmem>> -> memref<64xi32, #tpu.memory_space<vmem>>
      %dma_start3A_35 = arith.constant 0 : i32
      %dma_start3A_36 = arith.constant 0 : i32
      %dma_start3A_37 = tpu.memref_slice %arg5[%dma_start3A_35, %dma_start3A_36] : memref<1000x128xf32, #tpu.memory_space<vmem_shared>> -> memref<1000x128xf32, #tpu.memory_space<vmem_shared>>
      tpu.enqueue_indirect_dma source(%dma_start3A_37 : memref<1000x128xf32, #tpu.memory_space<vmem_shared>>) target(%dma_start3A_31 : memref<64x128xf32, #tpu.memory_space<vmem>>) offsets(%dma_start3A_34 : memref<64xi32, #tpu.memory_space<vmem>>) semaphore(%arg9 : memref<!tpu.dma_semaphore, #tpu.memory_space<semaphore_mem>>)
      %dma_start3A_38 = arith.constant 2 : i32
      %dma_start3A_39 = arith.constant 2 : i32
      %dma_start3A_40 = arith.constant 0 : i32
      %dma_start3A_41 = arith.constant 0 : i32
      %dma_start3A_42 = tpu.memref_slice %arg7[%dma_start3A_39, %dma_start3A_40, %dma_start3A_41] : memref<8x64x128xf32, #tpu.memory_space<vmem>> -> memref<1x64x128xf32, #tpu.memory_space<vmem>>
      %dma_start3A_43 = tpu.memref_squeeze %dma_start3A_42 : memref<1x64x128xf32, #tpu.memory_space<vmem>> -> memref<64x128xf32, #tpu.memory_space<vmem>>
      %dma_start3A_44 = arith.constant 0 : i32
      %dma_start3A_45 = tpu.memref_slice %arg6[%dma_start3A_38, %dma_start3A_44] : memref<32x64xi32, #tpu.memory_space<vmem>> -> memref<1x64xi32, #tpu.memory_space<vmem>>
      %dma_start3A_46 = tpu.memref_squeeze %dma_start3A_45 : memref<1x64xi32, #tpu.memory_space<vmem>> -> memref<64xi32, #tpu.memory_space<vmem>>
      %dma_start3A_47 = arith.constant 0 : i32
      %dma_start3A_48 = arith.constant 0 : i32
      %dma_start3A_49 = tpu.memref_slice %arg5[%dma_start3A_47, %dma_start3A_48] : memref<1000x128xf32, #tpu.memory_space<vmem_shared>> -> memref<1000x128xf32, #tpu.memory_space<vmem_shared>>
      tpu.enqueue_indirect_dma source(%dma_start3A_49 : memref<1000x128xf32, #tpu.memory_space<vmem_shared>>) target(%dma_start3A_43 : memref<64x128xf32, #tpu.memory_space<vmem>>) offsets(%dma_start3A_46 : memref<64xi32, #tpu.memory_space<vmem>>) semaphore(%arg10 : memref<!tpu.dma_semaphore, #tpu.memory_space<semaphore_mem>>)
      %dma_start3A_50 = arith.constant 3 : i32
      %dma_start3A_51 = arith.constant 3 : i32
      %dma_start3A_52 = arith.constant 0 : i32
      %dma_start3A_53 = arith.constant 0 : i32
      %dma_start3A_54 = tpu.memref_slice %arg7[%dma_start3A_51, %dma_start3A_52, %dma_start3A_53] : memref<8x64x128xf32, #tpu.memory_space<vmem>> -> memref<1x64x128xf32, #tpu.memory_space<vmem>>
      %dma_start3A_55 = tpu.memref_squeeze %dma_start3A_54 : memref<1x64x128xf32, #tpu.memory_space<vmem>> -> memref<64x128xf32, #tpu.memory_space<vmem>>
      %dma_start3A_56 = arith.constant 0 : i32
      %dma_start3A_57 = tpu.memref_slice %arg6[%dma_start3A_50, %dma_start3A_56] : memref<32x64xi32, #tpu.memory_space<vmem>> -> memref<1x64xi32, #tpu.memory_space<vmem>>
      %dma_start3A_58 = tpu.memref_squeeze %dma_start3A_57 : memref<1x64xi32, #tpu.memory_space<vmem>> -> memref<64xi32, #tpu.memory_space<vmem>>
      %dma_start3A_59 = arith.constant 0 : i32
      %dma_start3A_60 = arith.constant 0 : i32
      %dma_start3A_61 = tpu.memref_slice %arg5[%dma_start3A_59, %dma_start3A_60] : memref<1000x128xf32, #tpu.memory_space<vmem_shared>> -> memref<1000x128xf32, #tpu.memory_space<vmem_shared>>
      tpu.enqueue_indirect_dma source(%dma_start3A_61 : memref<1000x128xf32, #tpu.memory_space<vmem_shared>>) target(%dma_start3A_55 : memref<64x128xf32, #tpu.memory_space<vmem>>) offsets(%dma_start3A_58 : memref<64xi32, #tpu.memory_space<vmem>>) semaphore(%arg11 : memref<!tpu.dma_semaphore, #tpu.memory_space<semaphore_mem>>)
      %dma_wait3A = arith.constant 0 : i32
      %dma_wait3A_62 = arith.constant 0 : i32
      %dma_wait3A_63 = arith.constant 0 : i32
      %dma_wait3A_64 = arith.constant 0 : i32
      %dma_wait3A_65 = tpu.memref_slice %arg7[%dma_wait3A_62, %dma_wait3A_63, %dma_wait3A_64] : memref<8x64x128xf32, #tpu.memory_space<vmem>> -> memref<1x64x128xf32, #tpu.memory_space<vmem>>
      %dma_wait3A_66 = tpu.memref_squeeze %dma_wait3A_65 : memref<1x64x128xf32, #tpu.memory_space<vmem>> -> memref<64x128xf32, #tpu.memory_space<vmem>>
      %dma_wait3A_67 = arith.constant 0 : i32
      %dma_wait3A_68 = tpu.memref_slice %arg6[%dma_wait3A, %dma_wait3A_67] : memref<32x64xi32, #tpu.memory_space<vmem>> -> memref<1x64xi32, #tpu.memory_space<vmem>>
      %dma_wait3A_69 = tpu.memref_squeeze %dma_wait3A_68 : memref<1x64xi32, #tpu.memory_space<vmem>> -> memref<64xi32, #tpu.memory_space<vmem>>
      %dma_wait3A_70 = arith.constant 0 : i32
      %dma_wait3A_71 = arith.constant 0 : i32
      %dma_wait3A_72 = tpu.memref_slice %arg5[%dma_wait3A_70, %dma_wait3A_71] : memref<1000x128xf32, #tpu.memory_space<vmem_shared>> -> memref<1000x128xf32, #tpu.memory_space<vmem_shared>>
      tpu.wait_indirect_dma semaphore(%arg8 : memref<!tpu.dma_semaphore, #tpu.memory_space<semaphore_mem>>) src(%dma_wait3A_72 : memref<1000x128xf32, #tpu.memory_space<vmem_shared>>) dst(%dma_wait3A_66 : memref<64x128xf32, #tpu.memory_space<vmem>>)
      %mul3A_73 = arith.constant 1024 : i32
      %mul3A_74 = arith.muli %mul3A_7, %mul3A_73 : i32
      %add3A_75 = arith.constant 0 : i32
      %add3A_76 = arith.addi %mul3A_74, %add3A_75 : i32
      %dma_start3A_77 = arith.constant 0 : i32
      %dma_start3A_78 = arith.constant 0 : i32
      %dma_start3A_79 = arith.constant 0 : i32
      %dma_start3A_80 = tpu.memref_slice %arg7[%dma_start3A_77, %dma_start3A_78, %dma_start3A_79] : memref<8x64x128xf32, #tpu.memory_space<vmem>> -> memref<1x64x128xf32, #tpu.memory_space<vmem>>
      %dma_start3A_81 = tpu.memref_squeeze %dma_start3A_80 : memref<1x64x128xf32, #tpu.memory_space<vmem>> -> memref<64x128xf32, #tpu.memory_space<vmem>>
      %dma_start3A_82 = arith.constant 0 : i32
      %dma_start3A_83 = tpu.memref_slice %arg4[%add3A_76, %dma_start3A_82] : memref<51200x128xf32, #tpu.memory_space<hbm>> -> memref<64x128xf32, #tpu.memory_space<hbm>>
      %dma_start3A_84 = arith.constant 0 : i32
      %dma_start3A_85 = tpu.memref_slice %arg4[%add3A_76, %dma_start3A_84] : memref<51200x128xf32, #tpu.memory_space<hbm>> -> memref<64x128xf32, #tpu.memory_space<hbm>>
      %dma_start3A_86 = arith.constant 0 : i32
      %dma_start3A_87 = arith.constant 0 : i32
      %dma_start3A_88 = tpu.memref_slice %arg7[%dma_start3A_77, %dma_start3A_86, %dma_start3A_87] : memref<8x64x128xf32, #tpu.memory_space<vmem>> -> memref<1x64x128xf32, #tpu.memory_space<vmem>>
      %dma_start3A_89 = tpu.memref_squeeze %dma_start3A_88 : memref<1x64x128xf32, #tpu.memory_space<vmem>> -> memref<64x128xf32, #tpu.memory_space<vmem>>
      tpu.enqueue_dma source(%dma_start3A_89 : memref<64x128xf32, #tpu.memory_space<vmem>>) target(%dma_start3A_85 : memref<64x128xf32, #tpu.memory_space<hbm>>) target_semaphore(%arg16 : memref<!tpu.dma_semaphore, #tpu.memory_space<semaphore_mem>>)
      %dma_start3A_90 = arith.constant 4 : i32
      %dma_start3A_91 = arith.constant 4 : i32
      %dma_start3A_92 = arith.constant 0 : i32
      %dma_start3A_93 = arith.constant 0 : i32
      %dma_start3A_94 = tpu.memref_slice %arg7[%dma_start3A_91, %dma_start3A_92, %dma_start3A_93] : memref<8x64x128xf32, #tpu.memory_space<vmem>> -> memref<1x64x128xf32, #tpu.memory_space<vmem>>
      %dma_start3A_95 = tpu.memref_squeeze %dma_start3A_94 : memref<1x64x128xf32, #tpu.memory_space<vmem>> -> memref<64x128xf32, #tpu.memory_space<vmem>>
      %dma_start3A_96 = arith.constant 0 : i32
      %dma_start3A_97 = tpu.memref_slice %arg6[%dma_start3A_90, %dma_start3A_96] : memref<32x64xi32, #tpu.memory_space<vmem>> -> memref<1x64xi32, #tpu.memory_space<vmem>>
      %dma_start3A_98 = tpu.memref_squeeze %dma_start3A_97 : memref<1x64xi32, #tpu.memory_space<vmem>> -> memref<64xi32, #tpu.memory_space<vmem>>
      %dma_start3A_99 = arith.constant 0 : i32
      %dma_start3A_100 = arith.constant 0 : i32
      %dma_start3A_101 = tpu.memref_slice %arg5[%dma_start3A_99, %dma_start3A_100] : memref<1000x128xf32, #tpu.memory_space<vmem_shared>> -> memref<1000x128xf32, #tpu.memory_space<vmem_shared>>
      tpu.enqueue_indirect_dma source(%dma_start3A_101 : memref<1000x128xf32, #tpu.memory_space<vmem_shared>>) target(%dma_start3A_95 : memref<64x128xf32, #tpu.memory_space<vmem>>) offsets(%dma_start3A_98 : memref<64xi32, #tpu.memory_space<vmem>>) semaphore(%arg12 : memref<!tpu.dma_semaphore, #tpu.memory_space<semaphore_mem>>)
      %dma_wait3A_102 = arith.constant 1 : i32
      %dma_wait3A_103 = arith.constant 1 : i32
      %dma_wait3A_104 = arith.constant 0 : i32
      %dma_wait3A_105 = arith.constant 0 : i32
      %dma_wait3A_106 = tpu.memref_slice %arg7[%dma_wait3A_103, %dma_wait3A_104, %dma_wait3A_105] : memref<8x64x128xf32, #tpu.memory_space<vmem>> -> memref<1x64x128xf32, #tpu.memory_space<vmem>>
      %dma_wait3A_107 = tpu.memref_squeeze %dma_wait3A_106 : memref<1x64x128xf32, #tpu.memory_space<vmem>> -> memref<64x128xf32, #tpu.memory_space<vmem>>
      %dma_wait3A_108 = arith.constant 0 : i32
      %dma_wait3A_109 = tpu.memref_slice %arg6[%dma_wait3A_102, %dma_wait3A_108] : memref<32x64xi32, #tpu.memory_space<vmem>> -> memref<1x64xi32, #tpu.memory_space<vmem>>
      %dma_wait3A_110 = tpu.memref_squeeze %dma_wait3A_109 : memref<1x64xi32, #tpu.memory_space<vmem>> -> memref<64xi32, #tpu.memory_space<vmem>>
      %dma_wait3A_111 = arith.constant 0 : i32
      %dma_wait3A_112 = arith.constant 0 : i32
      %dma_wait3A_113 = tpu.memref_slice %arg5[%dma_wait3A_111, %dma_wait3A_112] : memref<1000x128xf32, #tpu.memory_space<vmem_shared>> -> memref<1000x128xf32, #tpu.memory_space<vmem_shared>>
      tpu.wait_indirect_dma semaphore(%arg9 : memref<!tpu.dma_semaphore, #tpu.memory_space<semaphore_mem>>) src(%dma_wait3A_113 : memref<1000x128xf32, #tpu.memory_space<vmem_shared>>) dst(%dma_wait3A_107 : memref<64x128xf32, #tpu.memory_space<vmem>>)
      %mul3A_114 = arith.constant 1024 : i32
      %mul3A_115 = arith.muli %mul3A_7, %mul3A_114 : i32
      %add3A_116 = arith.constant 64 : i32
      %add3A_117 = arith.addi %mul3A_115, %add3A_116 : i32
      %dma_start3A_118 = arith.constant 1 : i32
      %dma_start3A_119 = arith.constant 0 : i32
      %dma_start3A_120 = arith.constant 0 : i32
      %dma_start3A_121 = tpu.memref_slice %arg7[%dma_start3A_118, %dma_start3A_119, %dma_start3A_120] : memref<8x64x128xf32, #tpu.memory_space<vmem>> -> memref<1x64x128xf32, #tpu.memory_space<vmem>>
      %dma_start3A_122 = tpu.memref_squeeze %dma_start3A_121 : memref<1x64x128xf32, #tpu.memory_space<vmem>> -> memref<64x128xf32, #tpu.memory_space<vmem>>
      %dma_start3A_123 = arith.constant 0 : i32
      %dma_start3A_124 = tpu.memref_slice %arg4[%add3A_117, %dma_start3A_123] : memref<51200x128xf32, #tpu.memory_space<hbm>> -> memref<64x128xf32, #tpu.memory_space<hbm>>
      %dma_start3A_125 = arith.constant 0 : i32
      %dma_start3A_126 = tpu.memref_slice %arg4[%add3A_117, %dma_start3A_125] : memref<51200x128xf32, #tpu.memory_space<hbm>> -> memref<64x128xf32, #tpu.memory_space<hbm>>
      %dma_start3A_127 = arith.constant 0 : i32
      %dma_start3A_128 = arith.constant 0 : i32
      %dma_start3A_129 = tpu.memref_slice %arg7[%dma_start3A_118, %dma_start3A_127, %dma_start3A_128] : memref<8x64x128xf32, #tpu.memory_space<vmem>> -> memref<1x64x128xf32, #tpu.memory_space<vmem>>
      %dma_start3A_130 = tpu.memref_squeeze %dma_start3A_129 : memref<1x64x128xf32, #tpu.memory_space<vmem>> -> memref<64x128xf32, #tpu.memory_space<vmem>>
      tpu.enqueue_dma source(%dma_start3A_130 : memref<64x128xf32, #tpu.memory_space<vmem>>) target(%dma_start3A_126 : memref<64x128xf32, #tpu.memory_space<hbm>>) target_semaphore(%arg17 : memref<!tpu.dma_semaphore, #tpu.memory_space<semaphore_mem>>)
      %dma_start3A_131 = arith.constant 5 : i32
      %dma_start3A_132 = arith.constant 5 : i32
      %dma_start3A_133 = arith.constant 0 : i32
      %dma_start3A_134 = arith.constant 0 : i32
      %dma_start3A_135 = tpu.memref_slice %arg7[%dma_start3A_132, %dma_start3A_133, %dma_start3A_134] : memref<8x64x128xf32, #tpu.memory_space<vmem>> -> memref<1x64x128xf32, #tpu.memory_space<vmem>>
      %dma_start3A_136 = tpu.memref_squeeze %dma_start3A_135 : memref<1x64x128xf32, #tpu.memory_space<vmem>> -> memref<64x128xf32, #tpu.memory_space<vmem>>
      %dma_start3A_137 = arith.constant 0 : i32
      %dma_start3A_138 = tpu.memref_slice %arg6[%dma_start3A_131, %dma_start3A_137] : memref<32x64xi32, #tpu.memory_space<vmem>> -> memref<1x64xi32, #tpu.memory_space<vmem>>
      %dma_start3A_139 = tpu.memref_squeeze %dma_start3A_138 : memref<1x64xi32, #tpu.memory_space<vmem>> -> memref<64xi32, #tpu.memory_space<vmem>>
      %dma_start3A_140 = arith.constant 0 : i32
      %dma_start3A_141 = arith.constant 0 : i32
      %dma_start3A_142 = tpu.memref_slice %arg5[%dma_start3A_140, %dma_start3A_141] : memref<1000x128xf32, #tpu.memory_space<vmem_shared>> -> memref<1000x128xf32, #tpu.memory_space<vmem_shared>>
      tpu.enqueue_indirect_dma source(%dma_start3A_142 : memref<1000x128xf32, #tpu.memory_space<vmem_shared>>) target(%dma_start3A_136 : memref<64x128xf32, #tpu.memory_space<vmem>>) offsets(%dma_start3A_139 : memref<64xi32, #tpu.memory_space<vmem>>) semaphore(%arg13 : memref<!tpu.dma_semaphore, #tpu.memory_space<semaphore_mem>>)
      %dma_wait3A_143 = arith.constant 2 : i32
      %dma_wait3A_144 = arith.constant 2 : i32
      %dma_wait3A_145 = arith.constant 0 : i32
      %dma_wait3A_146 = arith.constant 0 : i32
      %dma_wait3A_147 = tpu.memref_slice %arg7[%dma_wait3A_144, %dma_wait3A_145, %dma_wait3A_146] : memref<8x64x128xf32, #tpu.memory_space<vmem>> -> memref<1x64x128xf32, #tpu.memory_space<vmem>>
      %dma_wait3A_148 = tpu.memref_squeeze %dma_wait3A_147 : memref<1x64x128xf32, #tpu.memory_space<vmem>> -> memref<64x128xf32, #tpu.memory_space<vmem>>
      %dma_wait3A_149 = arith.constant 0 : i32
      %dma_wait3A_150 = tpu.memref_slice %arg6[%dma_wait3A_143, %dma_wait3A_149] : memref<32x64xi32, #tpu.memory_space<vmem>> -> memref<1x64xi32, #tpu.memory_space<vmem>>
      %dma_wait3A_151 = tpu.memref_squeeze %dma_wait3A_150 : memref<1x64xi32, #tpu.memory_space<vmem>> -> memref<64xi32, #tpu.memory_space<vmem>>
      %dma_wait3A_152 = arith.constant 0 : i32
      %dma_wait3A_153 = arith.constant 0 : i32
      %dma_wait3A_154 = tpu.memref_slice %arg5[%dma_wait3A_152, %dma_wait3A_153] : memref<1000x128xf32, #tpu.memory_space<vmem_shared>> -> memref<1000x128xf32, #tpu.memory_space<vmem_shared>>
      tpu.wait_indirect_dma semaphore(%arg10 : memref<!tpu.dma_semaphore, #tpu.memory_space<semaphore_mem>>) src(%dma_wait3A_154 : memref<1000x128xf32, #tpu.memory_space<vmem_shared>>) dst(%dma_wait3A_148 : memref<64x128xf32, #tpu.memory_space<vmem>>)
      %mul3A_155 = arith.constant 1024 : i32
      %mul3A_156 = arith.muli %mul3A_7, %mul3A_155 : i32
      %add3A_157 = arith.constant 128 : i32
      %add3A_158 = arith.addi %mul3A_156, %add3A_157 : i32
      %dma_start3A_159 = arith.constant 2 : i32
      %dma_start3A_160 = arith.constant 0 : i32
      %dma_start3A_161 = arith.constant 0 : i32
      %dma_start3A_162 = tpu.memref_slice %arg7[%dma_start3A_159, %dma_start3A_160, %dma_start3A_161] : memref<8x64x128xf32, #tpu.memory_space<vmem>> -> memref<1x64x128xf32, #tpu.memory_space<vmem>>
      %dma_start3A_163 = tpu.memref_squeeze %dma_start3A_162 : memref<1x64x128xf32, #tpu.memory_space<vmem>> -> memref<64x128xf32, #tpu.memory_space<vmem>>
      %dma_start3A_164 = arith.constant 0 : i32
      %dma_start3A_165 = tpu.memref_slice %arg4[%add3A_158, %dma_start3A_164] : memref<51200x128xf32, #tpu.memory_space<hbm>> -> memref<64x128xf32, #tpu.memory_space<hbm>>
      %dma_start3A_166 = arith.constant 0 : i32
      %dma_start3A_167 = tpu.memref_slice %arg4[%add3A_158, %dma_start3A_166] : memref<51200x128xf32, #tpu.memory_space<hbm>> -> memref<64x128xf32, #tpu.memory_space<hbm>>
      %dma_start3A_168 = arith.constant 0 : i32
      %dma_start3A_169 = arith.constant 0 : i32
      %dma_start3A_170 = tpu.memref_slice %arg7[%dma_start3A_159, %dma_start3A_168, %dma_start3A_169] : memref<8x64x128xf32, #tpu.memory_space<vmem>> -> memref<1x64x128xf32, #tpu.memory_space<vmem>>
      %dma_start3A_171 = tpu.memref_squeeze %dma_start3A_170 : memref<1x64x128xf32, #tpu.memory_space<vmem>> -> memref<64x128xf32, #tpu.memory_space<vmem>>
      tpu.enqueue_dma source(%dma_start3A_171 : memref<64x128xf32, #tpu.memory_space<vmem>>) target(%dma_start3A_167 : memref<64x128xf32, #tpu.memory_space<hbm>>) target_semaphore(%arg18 : memref<!tpu.dma_semaphore, #tpu.memory_space<semaphore_mem>>)
      %dma_start3A_172 = arith.constant 6 : i32
      %dma_start3A_173 = arith.constant 6 : i32
      %dma_start3A_174 = arith.constant 0 : i32
      %dma_start3A_175 = arith.constant 0 : i32
      %dma_start3A_176 = tpu.memref_slice %arg7[%dma_start3A_173, %dma_start3A_174, %dma_start3A_175] : memref<8x64x128xf32, #tpu.memory_space<vmem>> -> memref<1x64x128xf32, #tpu.memory_space<vmem>>
      %dma_start3A_177 = tpu.memref_squeeze %dma_start3A_176 : memref<1x64x128xf32, #tpu.memory_space<vmem>> -> memref<64x128xf32, #tpu.memory_space<vmem>>
      %dma_start3A_178 = arith.constant 0 : i32
      %dma_start3A_179 = tpu.memref_slice %arg6[%dma_start3A_172, %dma_start3A_178] : memref<32x64xi32, #tpu.memory_space<vmem>> -> memref<1x64xi32, #tpu.memory_space<vmem>>
      %dma_start3A_180 = tpu.memref_squeeze %dma_start3A_179 : memref<1x64xi32, #tpu.memory_space<vmem>> -> memref<64xi32, #tpu.memory_space<vmem>>
      %dma_start3A_181 = arith.constant 0 : i32
      %dma_start3A_182 = arith.constant 0 : i32
      %dma_start3A_183 = tpu.memref_slice %arg5[%dma_start3A_181, %dma_start3A_182] : memref<1000x128xf32, #tpu.memory_space<vmem_shared>> -> memref<1000x128xf32, #tpu.memory_space<vmem_shared>>
      tpu.enqueue_indirect_dma source(%dma_start3A_183 : memref<1000x128xf32, #tpu.memory_space<vmem_shared>>) target(%dma_start3A_177 : memref<64x128xf32, #tpu.memory_space<vmem>>) offsets(%dma_start3A_180 : memref<64xi32, #tpu.memory_space<vmem>>) semaphore(%arg14 : memref<!tpu.dma_semaphore, #tpu.memory_space<semaphore_mem>>)
      %dma_wait3A_184 = arith.constant 3 : i32
      %dma_wait3A_185 = arith.constant 3 : i32
      %dma_wait3A_186 = arith.constant 0 : i32
      %dma_wait3A_187 = arith.constant 0 : i32
      %dma_wait3A_188 = tpu.memref_slice %arg7[%dma_wait3A_185, %dma_wait3A_186, %dma_wait3A_187] : memref<8x64x128xf32, #tpu.memory_space<vmem>> -> memref<1x64x128xf32, #tpu.memory_space<vmem>>
      %dma_wait3A_189 = tpu.memref_squeeze %dma_wait3A_188 : memref<1x64x128xf32, #tpu.memory_space<vmem>> -> memref<64x128xf32, #tpu.memory_space<vmem>>
      %dma_wait3A_190 = arith.constant 0 : i32
      %dma_wait3A_191 = tpu.memref_slice %arg6[%dma_wait3A_184, %dma_wait3A_190] : memref<32x64xi32, #tpu.memory_space<vmem>> -> memref<1x64xi32, #tpu.memory_space<vmem>>
      %dma_wait3A_192 = tpu.memref_squeeze %dma_wait3A_191 : memref<1x64xi32, #tpu.memory_space<vmem>> -> memref<64xi32, #tpu.memory_space<vmem>>
      %dma_wait3A_193 = arith.constant 0 : i32
      %dma_wait3A_194 = arith.constant 0 : i32
      %dma_wait3A_195 = tpu.memref_slice %arg5[%dma_wait3A_193, %dma_wait3A_194] : memref<1000x128xf32, #tpu.memory_space<vmem_shared>> -> memref<1000x128xf32, #tpu.memory_space<vmem_shared>>
      tpu.wait_indirect_dma semaphore(%arg11 : memref<!tpu.dma_semaphore, #tpu.memory_space<semaphore_mem>>) src(%dma_wait3A_195 : memref<1000x128xf32, #tpu.memory_space<vmem_shared>>) dst(%dma_wait3A_189 : memref<64x128xf32, #tpu.memory_space<vmem>>)
      %mul3A_196 = arith.constant 1024 : i32
      %mul3A_197 = arith.muli %mul3A_7, %mul3A_196 : i32
      %add3A_198 = arith.constant 192 : i32
      %add3A_199 = arith.addi %mul3A_197, %add3A_198 : i32
      %dma_start3A_200 = arith.constant 3 : i32
      %dma_start3A_201 = arith.constant 0 : i32
      %dma_start3A_202 = arith.constant 0 : i32
      %dma_start3A_203 = tpu.memref_slice %arg7[%dma_start3A_200, %dma_start3A_201, %dma_start3A_202] : memref<8x64x128xf32, #tpu.memory_space<vmem>> -> memref<1x64x128xf32, #tpu.memory_space<vmem>>
      %dma_start3A_204 = tpu.memref_squeeze %dma_start3A_203 : memref<1x64x128xf32, #tpu.memory_space<vmem>> -> memref<64x128xf32, #tpu.memory_space<vmem>>
      %dma_start3A_205 = arith.constant 0 : i32
      %dma_start3A_206 = tpu.memref_slice %arg4[%add3A_199, %dma_start3A_205] : memref<51200x128xf32, #tpu.memory_space<hbm>> -> memref<64x128xf32, #tpu.memory_space<hbm>>
      %dma_start3A_207 = arith.constant 0 : i32
      %dma_start3A_208 = tpu.memref_slice %arg4[%add3A_199, %dma_start3A_207] : memref<51200x128xf32, #tpu.memory_space<hbm>> -> memref<64x128xf32, #tpu.memory_space<hbm>>
      %dma_start3A_209 = arith.constant 0 : i32
      %dma_start3A_210 = arith.constant 0 : i32
      %dma_start3A_211 = tpu.memref_slice %arg7[%dma_start3A_200, %dma_start3A_209, %dma_start3A_210] : memref<8x64x128xf32, #tpu.memory_space<vmem>> -> memref<1x64x128xf32, #tpu.memory_space<vmem>>
      %dma_start3A_212 = tpu.memref_squeeze %dma_start3A_211 : memref<1x64x128xf32, #tpu.memory_space<vmem>> -> memref<64x128xf32, #tpu.memory_space<vmem>>
      tpu.enqueue_dma source(%dma_start3A_212 : memref<64x128xf32, #tpu.memory_space<vmem>>) target(%dma_start3A_208 : memref<64x128xf32, #tpu.memory_space<hbm>>) target_semaphore(%arg19 : memref<!tpu.dma_semaphore, #tpu.memory_space<semaphore_mem>>)
      %dma_start3A_213 = arith.constant 7 : i32
      %dma_start3A_214 = arith.constant 7 : i32
      %dma_start3A_215 = arith.constant 0 : i32
      %dma_start3A_216 = arith.constant 0 : i32
      %dma_start3A_217 = tpu.memref_slice %arg7[%dma_start3A_214, %dma_start3A_215, %dma_start3A_216] : memref<8x64x128xf32, #tpu.memory_space<vmem>> -> memref<1x64x128xf32, #tpu.memory_space<vmem>>
      %dma_start3A_218 = tpu.memref_squeeze %dma_start3A_217 : memref<1x64x128xf32, #tpu.memory_space<vmem>> -> memref<64x128xf32, #tpu.memory_space<vmem>>
      %dma_start3A_219 = arith.constant 0 : i32
      %dma_start3A_220 = tpu.memref_slice %arg6[%dma_start3A_213, %dma_start3A_219] : memref<32x64xi32, #tpu.memory_space<vmem>> -> memref<1x64xi32, #tpu.memory_space<vmem>>
      %dma_start3A_221 = tpu.memref_squeeze %dma_start3A_220 : memref<1x64xi32, #tpu.memory_space<vmem>> -> memref<64xi32, #tpu.memory_space<vmem>>
      %dma_start3A_222 = arith.constant 0 : i32
      %dma_start3A_223 = arith.constant 0 : i32
      %dma_start3A_224 = tpu.memref_slice %arg5[%dma_start3A_222, %dma_start3A_223] : memref<1000x128xf32, #tpu.memory_space<vmem_shared>> -> memref<1000x128xf32, #tpu.memory_space<vmem_shared>>
      tpu.enqueue_indirect_dma source(%dma_start3A_224 : memref<1000x128xf32, #tpu.memory_space<vmem_shared>>) target(%dma_start3A_218 : memref<64x128xf32, #tpu.memory_space<vmem>>) offsets(%dma_start3A_221 : memref<64xi32, #tpu.memory_space<vmem>>) semaphore(%arg15 : memref<!tpu.dma_semaphore, #tpu.memory_space<semaphore_mem>>)
      %dma_wait3A_225 = arith.constant 4 : i32
      %dma_wait3A_226 = arith.constant 4 : i32
      %dma_wait3A_227 = arith.constant 0 : i32
      %dma_wait3A_228 = arith.constant 0 : i32
      %dma_wait3A_229 = tpu.memref_slice %arg7[%dma_wait3A_226, %dma_wait3A_227, %dma_wait3A_228] : memref<8x64x128xf32, #tpu.memory_space<vmem>> -> memref<1x64x128xf32, #tpu.memory_space<vmem>>
      %dma_wait3A_230 = tpu.memref_squeeze %dma_wait3A_229 : memref<1x64x128xf32, #tpu.memory_space<vmem>> -> memref<64x128xf32, #tpu.memory_space<vmem>>
      %dma_wait3A_231 = arith.constant 0 : i32
      %dma_wait3A_232 = tpu.memref_slice %arg6[%dma_wait3A_225, %dma_wait3A_231] : memref<32x64xi32, #tpu.memory_space<vmem>> -> memref<1x64xi32, #tpu.memory_space<vmem>>
      %dma_wait3A_233 = tpu.memref_squeeze %dma_wait3A_232 : memref<1x64xi32, #tpu.memory_space<vmem>> -> memref<64xi32, #tpu.memory_space<vmem>>
      %dma_wait3A_234 = arith.constant 0 : i32
      %dma_wait3A_235 = arith.constant 0 : i32
      %dma_wait3A_236 = tpu.memref_slice %arg5[%dma_wait3A_234, %dma_wait3A_235] : memref<1000x128xf32, #tpu.memory_space<vmem_shared>> -> memref<1000x128xf32, #tpu.memory_space<vmem_shared>>
      tpu.wait_indirect_dma semaphore(%arg12 : memref<!tpu.dma_semaphore, #tpu.memory_space<semaphore_mem>>) src(%dma_wait3A_236 : memref<1000x128xf32, #tpu.memory_space<vmem_shared>>) dst(%dma_wait3A_230 : memref<64x128xf32, #tpu.memory_space<vmem>>)
      %mul3A_237 = arith.constant 1024 : i32
      %mul3A_238 = arith.muli %mul3A_7, %mul3A_237 : i32
      %add3A_239 = arith.constant 256 : i32
      %add3A_240 = arith.addi %mul3A_238, %add3A_239 : i32
      %dma_start3A_241 = arith.constant 4 : i32
      %dma_start3A_242 = arith.constant 0 : i32
      %dma_start3A_243 = arith.constant 0 : i32
      %dma_start3A_244 = tpu.memref_slice %arg7[%dma_start3A_241, %dma_start3A_242, %dma_start3A_243] : memref<8x64x128xf32, #tpu.memory_space<vmem>> -> memref<1x64x128xf32, #tpu.memory_space<vmem>>
      %dma_start3A_245 = tpu.memref_squeeze %dma_start3A_244 : memref<1x64x128xf32, #tpu.memory_space<vmem>> -> memref<64x128xf32, #tpu.memory_space<vmem>>
      %dma_start3A_246 = arith.constant 0 : i32
      %dma_start3A_247 = tpu.memref_slice %arg4[%add3A_240, %dma_start3A_246] : memref<51200x128xf32, #tpu.memory_space<hbm>> -> memref<64x128xf32, #tpu.memory_space<hbm>>
      %dma_start3A_248 = arith.constant 0 : i32
      %dma_start3A_249 = tpu.memref_slice %arg4[%add3A_240, %dma_start3A_248] : memref<51200x128xf32, #tpu.memory_space<hbm>> -> memref<64x128xf32, #tpu.memory_space<hbm>>
      %dma_start3A_250 = arith.constant 0 : i32
      %dma_start3A_251 = arith.constant 0 : i32
      %dma_start3A_252 = tpu.memref_slice %arg7[%dma_start3A_241, %dma_start3A_250, %dma_start3A_251] : memref<8x64x128xf32, #tpu.memory_space<vmem>> -> memref<1x64x128xf32, #tpu.memory_space<vmem>>
      %dma_start3A_253 = tpu.memref_squeeze %dma_start3A_252 : memref<1x64x128xf32, #tpu.memory_space<vmem>> -> memref<64x128xf32, #tpu.memory_space<vmem>>
      tpu.enqueue_dma source(%dma_start3A_253 : memref<64x128xf32, #tpu.memory_space<vmem>>) target(%dma_start3A_249 : memref<64x128xf32, #tpu.memory_space<hbm>>) target_semaphore(%arg20 : memref<!tpu.dma_semaphore, #tpu.memory_space<semaphore_mem>>)
      %dma_wait3A_254 = arith.constant 0 : i32
      %dma_wait3A_255 = arith.constant 0 : i32
      %dma_wait3A_256 = arith.constant 0 : i32
      %dma_wait3A_257 = tpu.memref_slice %arg7[%dma_wait3A_254, %dma_wait3A_255, %dma_wait3A_256] : memref<8x64x128xf32, #tpu.memory_space<vmem>> -> memref<1x64x128xf32, #tpu.memory_space<vmem>>
      %dma_wait3A_258 = tpu.memref_squeeze %dma_wait3A_257 : memref<1x64x128xf32, #tpu.memory_space<vmem>> -> memref<64x128xf32, #tpu.memory_space<vmem>>
      %dma_wait3A_259 = arith.constant 0 : i32
      %dma_wait3A_260 = tpu.memref_slice %arg4[%add3A_76, %dma_wait3A_259] : memref<51200x128xf32, #tpu.memory_space<hbm>> -> memref<64x128xf32, #tpu.memory_space<hbm>>
      %dma_wait3A_261 = arith.constant 0 : i32
      %dma_wait3A_262 = tpu.memref_slice %arg4[%add3A_76, %dma_wait3A_261] : memref<51200x128xf32, #tpu.memory_space<hbm>> -> memref<64x128xf32, #tpu.memory_space<hbm>>
      %dma_wait3A_263 = arith.constant 0 : i32
      %dma_wait3A_264 = arith.constant 0 : i32
      %dma_wait3A_265 = tpu.memref_slice %arg7[%dma_wait3A_254, %dma_wait3A_263, %dma_wait3A_264] : memref<8x64x128xf32, #tpu.memory_space<vmem>> -> memref<1x64x128xf32, #tpu.memory_space<vmem>>
      %dma_wait3A_266 = tpu.memref_squeeze %dma_wait3A_265 : memref<1x64x128xf32, #tpu.memory_space<vmem>> -> memref<64x128xf32, #tpu.memory_space<vmem>>
      tpu.wait_dma2 semaphore(%arg16 : memref<!tpu.dma_semaphore, #tpu.memory_space<semaphore_mem>>) src(%dma_wait3A_266 : memref<64x128xf32, #tpu.memory_space<vmem>>) dst(%dma_wait3A_262 : memref<64x128xf32, #tpu.memory_space<hbm>>)
      %dma_start3A_267 = arith.constant 8 : i32
      %dma_start3A_268 = arith.constant 0 : i32
      %dma_start3A_269 = arith.constant 0 : i32
      %dma_start3A_270 = arith.constant 0 : i32
      %dma_start3A_271 = tpu.memref_slice %arg7[%dma_start3A_268, %dma_start3A_269, %dma_start3A_270] : memref<8x64x128xf32, #tpu.memory_space<vmem>> -> memref<1x64x128xf32, #tpu.memory_space<vmem>>
      %dma_start3A_272 = tpu.memref_squeeze %dma_start3A_271 : memref<1x64x128xf32, #tpu.memory_space<vmem>> -> memref<64x128xf32, #tpu.memory_space<vmem>>
      %dma_start3A_273 = arith.constant 0 : i32
      %dma_start3A_274 = tpu.memref_slice %arg6[%dma_start3A_267, %dma_start3A_273] : memref<32x64xi32, #tpu.memory_space<vmem>> -> memref<1x64xi32, #tpu.memory_space<vmem>>
      %dma_start3A_275 = tpu.memref_squeeze %dma_start3A_274 : memref<1x64xi32, #tpu.memory_space<vmem>> -> memref<64xi32, #tpu.memory_space<vmem>>
      %dma_start3A_276 = arith.constant 0 : i32
      %dma_start3A_277 = arith.constant 0 : i32
      %dma_start3A_278 = tpu.memref_slice %arg5[%dma_start3A_276, %dma_start3A_277] : memref<1000x128xf32, #tpu.memory_space<vmem_shared>> -> memref<1000x128xf32, #tpu.memory_space<vmem_shared>>
      tpu.enqueue_indirect_dma source(%dma_start3A_278 : memref<1000x128xf32, #tpu.memory_space<vmem_shared>>) target(%dma_start3A_272 : memref<64x128xf32, #tpu.memory_space<vmem>>) offsets(%dma_start3A_275 : memref<64xi32, #tpu.memory_space<vmem>>) semaphore(%arg8 : memref<!tpu.dma_semaphore, #tpu.memory_space<semaphore_mem>>)
      %dma_wait3A_279 = arith.constant 5 : i32
      %dma_wait3A_280 = arith.constant 5 : i32
      %dma_wait3A_281 = arith.constant 0 : i32
      %dma_wait3A_282 = arith.constant 0 : i32
      %dma_wait3A_283 = tpu.memref_slice %arg7[%dma_wait3A_280, %dma_wait3A_281, %dma_wait3A_282] : memref<8x64x128xf32, #tpu.memory_space<vmem>> -> memref<1x64x128xf32, #tpu.memory_space<vmem>>
      %dma_wait3A_284 = tpu.memref_squeeze %dma_wait3A_283 : memref<1x64x128xf32, #tpu.memory_space<vmem>> -> memref<64x128xf32, #tpu.memory_space<vmem>>
      %dma_wait3A_285 = arith.constant 0 : i32
      %dma_wait3A_286 = tpu.memref_slice %arg6[%dma_wait3A_279, %dma_wait3A_285] : memref<32x64xi32, #tpu.memory_space<vmem>> -> memref<1x64xi32, #tpu.memory_space<vmem>>
      %dma_wait3A_287 = tpu.memref_squeeze %dma_wait3A_286 : memref<1x64xi32, #tpu.memory_space<vmem>> -> memref<64xi32, #tpu.memory_space<vmem>>
      %dma_wait3A_288 = arith.constant 0 : i32
      %dma_wait3A_289 = arith.constant 0 : i32
      %dma_wait3A_290 = tpu.memref_slice %arg5[%dma_wait3A_288, %dma_wait3A_289] : memref<1000x128xf32, #tpu.memory_space<vmem_shared>> -> memref<1000x128xf32, #tpu.memory_space<vmem_shared>>
      tpu.wait_indirect_dma semaphore(%arg13 : memref<!tpu.dma_semaphore, #tpu.memory_space<semaphore_mem>>) src(%dma_wait3A_290 : memref<1000x128xf32, #tpu.memory_space<vmem_shared>>) dst(%dma_wait3A_284 : memref<64x128xf32, #tpu.memory_space<vmem>>)
      %mul3A_291 = arith.constant 1024 : i32
      %mul3A_292 = arith.muli %mul3A_7, %mul3A_291 : i32
      %add3A_293 = arith.constant 320 : i32
      %add3A_294 = arith.addi %mul3A_292, %add3A_293 : i32
      %dma_start3A_295 = arith.constant 5 : i32
      %dma_start3A_296 = arith.constant 0 : i32
      %dma_start3A_297 = arith.constant 0 : i32
      %dma_start3A_298 = tpu.memref_slice %arg7[%dma_start3A_295, %dma_start3A_296, %dma_start3A_297] : memref<8x64x128xf32, #tpu.memory_space<vmem>> -> memref<1x64x128xf32, #tpu.memory_space<vmem>>
      %dma_start3A_299 = tpu.memref_squeeze %dma_start3A_298 : memref<1x64x128xf32, #tpu.memory_space<vmem>> -> memref<64x128xf32, #tpu.memory_space<vmem>>
      %dma_start3A_300 = arith.constant 0 : i32
      %dma_start3A_301 = tpu.memref_slice %arg4[%add3A_294, %dma_start3A_300] : memref<51200x128xf32, #tpu.memory_space<hbm>> -> memref<64x128xf32, #tpu.memory_space<hbm>>
      %dma_start3A_302 = arith.constant 0 : i32
      %dma_start3A_303 = tpu.memref_slice %arg4[%add3A_294, %dma_start3A_302] : memref<51200x128xf32, #tpu.memory_space<hbm>> -> memref<64x128xf32, #tpu.memory_space<hbm>>
      %dma_start3A_304 = arith.constant 0 : i32
      %dma_start3A_305 = arith.constant 0 : i32
      %dma_start3A_306 = tpu.memref_slice %arg7[%dma_start3A_295, %dma_start3A_304, %dma_start3A_305] : memref<8x64x128xf32, #tpu.memory_space<vmem>> -> memref<1x64x128xf32, #tpu.memory_space<vmem>>
      %dma_start3A_307 = tpu.memref_squeeze %dma_start3A_306 : memref<1x64x128xf32, #tpu.memory_space<vmem>> -> memref<64x128xf32, #tpu.memory_space<vmem>>
      tpu.enqueue_dma source(%dma_start3A_307 : memref<64x128xf32, #tpu.memory_space<vmem>>) target(%dma_start3A_303 : memref<64x128xf32, #tpu.memory_space<hbm>>) target_semaphore(%arg21 : memref<!tpu.dma_semaphore, #tpu.memory_space<semaphore_mem>>)
      %dma_wait3A_308 = arith.constant 1 : i32
      %dma_wait3A_309 = arith.constant 0 : i32
      %dma_wait3A_310 = arith.constant 0 : i32
      %dma_wait3A_311 = tpu.memref_slice %arg7[%dma_wait3A_308, %dma_wait3A_309, %dma_wait3A_310] : memref<8x64x128xf32, #tpu.memory_space<vmem>> -> memref<1x64x128xf32, #tpu.memory_space<vmem>>
      %dma_wait3A_312 = tpu.memref_squeeze %dma_wait3A_311 : memref<1x64x128xf32, #tpu.memory_space<vmem>> -> memref<64x128xf32, #tpu.memory_space<vmem>>
      %dma_wait3A_313 = arith.constant 0 : i32
      %dma_wait3A_314 = tpu.memref_slice %arg4[%add3A_117, %dma_wait3A_313] : memref<51200x128xf32, #tpu.memory_space<hbm>> -> memref<64x128xf32, #tpu.memory_space<hbm>>
      %dma_wait3A_315 = arith.constant 0 : i32
      %dma_wait3A_316 = tpu.memref_slice %arg4[%add3A_117, %dma_wait3A_315] : memref<51200x128xf32, #tpu.memory_space<hbm>> -> memref<64x128xf32, #tpu.memory_space<hbm>>
      %dma_wait3A_317 = arith.constant 0 : i32
      %dma_wait3A_318 = arith.constant 0 : i32
      %dma_wait3A_319 = tpu.memref_slice %arg7[%dma_wait3A_308, %dma_wait3A_317, %dma_wait3A_318] : memref<8x64x128xf32, #tpu.memory_space<vmem>> -> memref<1x64x128xf32, #tpu.memory_space<vmem>>
      %dma_wait3A_320 = tpu.memref_squeeze %dma_wait3A_319 : memref<1x64x128xf32, #tpu.memory_space<vmem>> -> memref<64x128xf32, #tpu.memory_space<vmem>>
      tpu.wait_dma2 semaphore(%arg17 : memref<!tpu.dma_semaphore, #tpu.memory_space<semaphore_mem>>) src(%dma_wait3A_320 : memref<64x128xf32, #tpu.memory_space<vmem>>) dst(%dma_wait3A_316 : memref<64x128xf32, #tpu.memory_space<hbm>>)
      %dma_start3A_321 = arith.constant 9 : i32
      %dma_start3A_322 = arith.constant 1 : i32
      %dma_start3A_323 = arith.constant 0 : i32
      %dma_start3A_324 = arith.constant 0 : i32
      %dma_start3A_325 = tpu.memref_slice %arg7[%dma_start3A_322, %dma_start3A_323, %dma_start3A_324] : memref<8x64x128xf32, #tpu.memory_space<vmem>> -> memref<1x64x128xf32, #tpu.memory_space<vmem>>
      %dma_start3A_326 = tpu.memref_squeeze %dma_start3A_325 : memref<1x64x128xf32, #tpu.memory_space<vmem>> -> memref<64x128xf32, #tpu.memory_space<vmem>>
      %dma_start3A_327 = arith.constant 0 : i32
      %dma_start3A_328 = tpu.memref_slice %arg6[%dma_start3A_321, %dma_start3A_327] : memref<32x64xi32, #tpu.memory_space<vmem>> -> memref<1x64xi32, #tpu.memory_space<vmem>>
      %dma_start3A_329 = tpu.memref_squeeze %dma_start3A_328 : memref<1x64xi32, #tpu.memory_space<vmem>> -> memref<64xi32, #tpu.memory_space<vmem>>
      %dma_start3A_330 = arith.constant 0 : i32
      %dma_start3A_331 = arith.constant 0 : i32
      %dma_start3A_332 = tpu.memref_slice %arg5[%dma_start3A_330, %dma_start3A_331] : memref<1000x128xf32, #tpu.memory_space<vmem_shared>> -> memref<1000x128xf32, #tpu.memory_space<vmem_shared>>
      tpu.enqueue_indirect_dma source(%dma_start3A_332 : memref<1000x128xf32, #tpu.memory_space<vmem_shared>>) target(%dma_start3A_326 : memref<64x128xf32, #tpu.memory_space<vmem>>) offsets(%dma_start3A_329 : memref<64xi32, #tpu.memory_space<vmem>>) semaphore(%arg9 : memref<!tpu.dma_semaphore, #tpu.memory_space<semaphore_mem>>)
      %dma_wait3A_333 = arith.constant 6 : i32
      %dma_wait3A_334 = arith.constant 6 : i32
      %dma_wait3A_335 = arith.constant 0 : i32
      %dma_wait3A_336 = arith.constant 0 : i32
      %dma_wait3A_337 = tpu.memref_slice %arg7[%dma_wait3A_334, %dma_wait3A_335, %dma_wait3A_336] : memref<8x64x128xf32, #tpu.memory_space<vmem>> -> memref<1x64x128xf32, #tpu.memory_space<vmem>>
      %dma_wait3A_338 = tpu.memref_squeeze %dma_wait3A_337 : memref<1x64x128xf32, #tpu.memory_space<vmem>> -> memref<64x128xf32, #tpu.memory_space<vmem>>
      %dma_wait3A_339 = arith.constant 0 : i32
      %dma_wait3A_340 = tpu.memref_slice %arg6[%dma_wait3A_333, %dma_wait3A_339] : memref<32x64xi32, #tpu.memory_space<vmem>> -> memref<1x64xi32, #tpu.memory_space<vmem>>
      %dma_wait3A_341 = tpu.memref_squeeze %dma_wait3A_340 : memref<1x64xi32, #tpu.memory_space<vmem>> -> memref<64xi32, #tpu.memory_space<vmem>>
      %dma_wait3A_342 = arith.constant 0 : i32
      %dma_wait3A_343 = arith.constant 0 : i32
      %dma_wait3A_344 = tpu.memref_slice %arg5[%dma_wait3A_342, %dma_wait3A_343] : memref<1000x128xf32, #tpu.memory_space<vmem_shared>> -> memref<1000x128xf32, #tpu.memory_space<vmem_shared>>
      tpu.wait_indirect_dma semaphore(%arg14 : memref<!tpu.dma_semaphore, #tpu.memory_space<semaphore_mem>>) src(%dma_wait3A_344 : memref<1000x128xf32, #tpu.memory_space<vmem_shared>>) dst(%dma_wait3A_338 : memref<64x128xf32, #tpu.memory_space<vmem>>)
      %mul3A_345 = arith.constant 1024 : i32
      %mul3A_346 = arith.muli %mul3A_7, %mul3A_345 : i32
      %add3A_347 = arith.constant 384 : i32
      %add3A_348 = arith.addi %mul3A_346, %add3A_347 : i32
      %dma_start3A_349 = arith.constant 6 : i32
      %dma_start3A_350 = arith.constant 0 : i32
      %dma_start3A_351 = arith.constant 0 : i32
      %dma_start3A_352 = tpu.memref_slice %arg7[%dma_start3A_349, %dma_start3A_350, %dma_start3A_351] : memref<8x64x128xf32, #tpu.memory_space<vmem>> -> memref<1x64x128xf32, #tpu.memory_space<vmem>>
      %dma_start3A_353 = tpu.memref_squeeze %dma_start3A_352 : memref<1x64x128xf32, #tpu.memory_space<vmem>> -> memref<64x128xf32, #tpu.memory_space<vmem>>
      %dma_start3A_354 = arith.constant 0 : i32
      %dma_start3A_355 = tpu.memref_slice %arg4[%add3A_348, %dma_start3A_354] : memref<51200x128xf32, #tpu.memory_space<hbm>> -> memref<64x128xf32, #tpu.memory_space<hbm>>
      %dma_start3A_356 = arith.constant 0 : i32
      %dma_start3A_357 = tpu.memref_slice %arg4[%add3A_348, %dma_start3A_356] : memref<51200x128xf32, #tpu.memory_space<hbm>> -> memref<64x128xf32, #tpu.memory_space<hbm>>
      %dma_start3A_358 = arith.constant 0 : i32
      %dma_start3A_359 = arith.constant 0 : i32
      %dma_start3A_360 = tpu.memref_slice %arg7[%dma_start3A_349, %dma_start3A_358, %dma_start3A_359] : memref<8x64x128xf32, #tpu.memory_space<vmem>> -> memref<1x64x128xf32, #tpu.memory_space<vmem>>
      %dma_start3A_361 = tpu.memref_squeeze %dma_start3A_360 : memref<1x64x128xf32, #tpu.memory_space<vmem>> -> memref<64x128xf32, #tpu.memory_space<vmem>>
      tpu.enqueue_dma source(%dma_start3A_361 : memref<64x128xf32, #tpu.memory_space<vmem>>) target(%dma_start3A_357 : memref<64x128xf32, #tpu.memory_space<hbm>>) target_semaphore(%arg22 : memref<!tpu.dma_semaphore, #tpu.memory_space<semaphore_mem>>)
      %dma_wait3A_362 = arith.constant 2 : i32
      %dma_wait3A_363 = arith.constant 0 : i32
      %dma_wait3A_364 = arith.constant 0 : i32
      %dma_wait3A_365 = tpu.memref_slice %arg7[%dma_wait3A_362, %dma_wait3A_363, %dma_wait3A_364] : memref<8x64x128xf32, #tpu.memory_space<vmem>> -> memref<1x64x128xf32, #tpu.memory_space<vmem>>
      %dma_wait3A_366 = tpu.memref_squeeze %dma_wait3A_365 : memref<1x64x128xf32, #tpu.memory_space<vmem>> -> memref<64x128xf32, #tpu.memory_space<vmem>>
      %dma_wait3A_367 = arith.constant 0 : i32
      %dma_wait3A_368 = tpu.memref_slice %arg4[%add3A_158, %dma_wait3A_367] : memref<51200x128xf32, #tpu.memory_space<hbm>> -> memref<64x128xf32, #tpu.memory_space<hbm>>
      %dma_wait3A_369 = arith.constant 0 : i32
      %dma_wait3A_370 = tpu.memref_slice %arg4[%add3A_158, %dma_wait3A_369] : memref<51200x128xf32, #tpu.memory_space<hbm>> -> memref<64x128xf32, #tpu.memory_space<hbm>>
      %dma_wait3A_371 = arith.constant 0 : i32
      %dma_wait3A_372 = arith.constant 0 : i32
      %dma_wait3A_373 = tpu.memref_slice %arg7[%dma_wait3A_362, %dma_wait3A_371, %dma_wait3A_372] : memref<8x64x128xf32, #tpu.memory_space<vmem>> -> memref<1x64x128xf32, #tpu.memory_space<vmem>>
      %dma_wait3A_374 = tpu.memref_squeeze %dma_wait3A_373 : memref<1x64x128xf32, #tpu.memory_space<vmem>> -> memref<64x128xf32, #tpu.memory_space<vmem>>
      tpu.wait_dma2 semaphore(%arg18 : memref<!tpu.dma_semaphore, #tpu.memory_space<semaphore_mem>>) src(%dma_wait3A_374 : memref<64x128xf32, #tpu.memory_space<vmem>>) dst(%dma_wait3A_370 : memref<64x128xf32, #tpu.memory_space<hbm>>)
      %dma_start3A_375 = arith.constant 10 : i32
      %dma_start3A_376 = arith.constant 2 : i32
      %dma_start3A_377 = arith.constant 0 : i32
      %dma_start3A_378 = arith.constant 0 : i32
      %dma_start3A_379 = tpu.memref_slice %arg7[%dma_start3A_376, %dma_start3A_377, %dma_start3A_378] : memref<8x64x128xf32, #tpu.memory_space<vmem>> -> memref<1x64x128xf32, #tpu.memory_space<vmem>>
      %dma_start3A_380 = tpu.memref_squeeze %dma_start3A_379 : memref<1x64x128xf32, #tpu.memory_space<vmem>> -> memref<64x128xf32, #tpu.memory_space<vmem>>
      %dma_start3A_381 = arith.constant 0 : i32
      %dma_start3A_382 = tpu.memref_slice %arg6[%dma_start3A_375, %dma_start3A_381] : memref<32x64xi32, #tpu.memory_space<vmem>> -> memref<1x64xi32, #tpu.memory_space<vmem>>
      %dma_start3A_383 = tpu.memref_squeeze %dma_start3A_382 : memref<1x64xi32, #tpu.memory_space<vmem>> -> memref<64xi32, #tpu.memory_space<vmem>>
      %dma_start3A_384 = arith.constant 0 : i32
      %dma_start3A_385 = arith.constant 0 : i32
      %dma_start3A_386 = tpu.memref_slice %arg5[%dma_start3A_384, %dma_start3A_385] : memref<1000x128xf32, #tpu.memory_space<vmem_shared>> -> memref<1000x128xf32, #tpu.memory_space<vmem_shared>>
      tpu.enqueue_indirect_dma source(%dma_start3A_386 : memref<1000x128xf32, #tpu.memory_space<vmem_shared>>) target(%dma_start3A_380 : memref<64x128xf32, #tpu.memory_space<vmem>>) offsets(%dma_start3A_383 : memref<64xi32, #tpu.memory_space<vmem>>) semaphore(%arg10 : memref<!tpu.dma_semaphore, #tpu.memory_space<semaphore_mem>>)
      %dma_wait3A_387 = arith.constant 7 : i32
      %dma_wait3A_388 = arith.constant 7 : i32
      %dma_wait3A_389 = arith.constant 0 : i32
      %dma_wait3A_390 = arith.constant 0 : i32
      %dma_wait3A_391 = tpu.memref_slice %arg7[%dma_wait3A_388, %dma_wait3A_389, %dma_wait3A_390] : memref<8x64x128xf32, #tpu.memory_space<vmem>> -> memref<1x64x128xf32, #tpu.memory_space<vmem>>
      %dma_wait3A_392 = tpu.memref_squeeze %dma_wait3A_391 : memref<1x64x128xf32, #tpu.memory_space<vmem>> -> memref<64x128xf32, #tpu.memory_space<vmem>>
      %dma_wait3A_393 = arith.constant 0 : i32
      %dma_wait3A_394 = tpu.memref_slice %arg6[%dma_wait3A_387, %dma_wait3A_393] : memref<32x64xi32, #tpu.memory_space<vmem>> -> memref<1x64xi32, #tpu.memory_space<vmem>>
      %dma_wait3A_395 = tpu.memref_squeeze %dma_wait3A_394 : memref<1x64xi32, #tpu.memory_space<vmem>> -> memref<64xi32, #tpu.memory_space<vmem>>
      %dma_wait3A_396 = arith.constant 0 : i32
      %dma_wait3A_397 = arith.constant 0 : i32
      %dma_wait3A_398 = tpu.memref_slice %arg5[%dma_wait3A_396, %dma_wait3A_397] : memref<1000x128xf32, #tpu.memory_space<vmem_shared>> -> memref<1000x128xf32, #tpu.memory_space<vmem_shared>>
      tpu.wait_indirect_dma semaphore(%arg15 : memref<!tpu.dma_semaphore, #tpu.memory_space<semaphore_mem>>) src(%dma_wait3A_398 : memref<1000x128xf32, #tpu.memory_space<vmem_shared>>) dst(%dma_wait3A_392 : memref<64x128xf32, #tpu.memory_space<vmem>>)
      %mul3A_399 = arith.constant 1024 : i32
      %mul3A_400 = arith.muli %mul3A_7, %mul3A_399 : i32
      %add3A_401 = arith.constant 448 : i32
      %add3A_402 = arith.addi %mul3A_400, %add3A_401 : i32
      %dma_start3A_403 = arith.constant 7 : i32
      %dma_start3A_404 = arith.constant 0 : i32
      %dma_start3A_405 = arith.constant 0 : i32
      %dma_start3A_406 = tpu.memref_slice %arg7[%dma_start3A_403, %dma_start3A_404, %dma_start3A_405] : memref<8x64x128xf32, #tpu.memory_space<vmem>> -> memref<1x64x128xf32, #tpu.memory_space<vmem>>
      %dma_start3A_407 = tpu.memref_squeeze %dma_start3A_406 : memref<1x64x128xf32, #tpu.memory_space<vmem>> -> memref<64x128xf32, #tpu.memory_space<vmem>>
      %dma_start3A_408 = arith.constant 0 : i32
      %dma_start3A_409 = tpu.memref_slice %arg4[%add3A_402, %dma_start3A_408] : memref<51200x128xf32, #tpu.memory_space<hbm>> -> memref<64x128xf32, #tpu.memory_space<hbm>>
      %dma_start3A_410 = arith.constant 0 : i32
      %dma_start3A_411 = tpu.memref_slice %arg4[%add3A_402, %dma_start3A_410] : memref<51200x128xf32, #tpu.memory_space<hbm>> -> memref<64x128xf32, #tpu.memory_space<hbm>>
      %dma_start3A_412 = arith.constant 0 : i32
      %dma_start3A_413 = arith.constant 0 : i32
      %dma_start3A_414 = tpu.memref_slice %arg7[%dma_start3A_403, %dma_start3A_412, %dma_start3A_413] : memref<8x64x128xf32, #tpu.memory_space<vmem>> -> memref<1x64x128xf32, #tpu.memory_space<vmem>>
      %dma_start3A_415 = tpu.memref_squeeze %dma_start3A_414 : memref<1x64x128xf32, #tpu.memory_space<vmem>> -> memref<64x128xf32, #tpu.memory_space<vmem>>
      tpu.enqueue_dma source(%dma_start3A_415 : memref<64x128xf32, #tpu.memory_space<vmem>>) target(%dma_start3A_411 : memref<64x128xf32, #tpu.memory_space<hbm>>) target_semaphore(%arg23 : memref<!tpu.dma_semaphore, #tpu.memory_space<semaphore_mem>>)
      %dma_wait3A_416 = arith.constant 3 : i32
      %dma_wait3A_417 = arith.constant 0 : i32
      %dma_wait3A_418 = arith.constant 0 : i32
      %dma_wait3A_419 = tpu.memref_slice %arg7[%dma_wait3A_416, %dma_wait3A_417, %dma_wait3A_418] : memref<8x64x128xf32, #tpu.memory_space<vmem>> -> memref<1x64x128xf32, #tpu.memory_space<vmem>>
      %dma_wait3A_420 = tpu.memref_squeeze %dma_wait3A_419 : memref<1x64x128xf32, #tpu.memory_space<vmem>> -> memref<64x128xf32, #tpu.memory_space<vmem>>
      %dma_wait3A_421 = arith.constant 0 : i32
      %dma_wait3A_422 = tpu.memref_slice %arg4[%add3A_199, %dma_wait3A_421] : memref<51200x128xf32, #tpu.memory_space<hbm>> -> memref<64x128xf32, #tpu.memory_space<hbm>>
      %dma_wait3A_423 = arith.constant 0 : i32
      %dma_wait3A_424 = tpu.memref_slice %arg4[%add3A_199, %dma_wait3A_423] : memref<51200x128xf32, #tpu.memory_space<hbm>> -> memref<64x128xf32, #tpu.memory_space<hbm>>
      %dma_wait3A_425 = arith.constant 0 : i32
      %dma_wait3A_426 = arith.constant 0 : i32
      %dma_wait3A_427 = tpu.memref_slice %arg7[%dma_wait3A_416, %dma_wait3A_425, %dma_wait3A_426] : memref<8x64x128xf32, #tpu.memory_space<vmem>> -> memref<1x64x128xf32, #tpu.memory_space<vmem>>
      %dma_wait3A_428 = tpu.memref_squeeze %dma_wait3A_427 : memref<1x64x128xf32, #tpu.memory_space<vmem>> -> memref<64x128xf32, #tpu.memory_space<vmem>>
      tpu.wait_dma2 semaphore(%arg19 : memref<!tpu.dma_semaphore, #tpu.memory_space<semaphore_mem>>) src(%dma_wait3A_428 : memref<64x128xf32, #tpu.memory_space<vmem>>) dst(%dma_wait3A_424 : memref<64x128xf32, #tpu.memory_space<hbm>>)
      %dma_start3A_429 = arith.constant 11 : i32
      %dma_start3A_430 = arith.constant 3 : i32
      %dma_start3A_431 = arith.constant 0 : i32
      %dma_start3A_432 = arith.constant 0 : i32
      %dma_start3A_433 = tpu.memref_slice %arg7[%dma_start3A_430, %dma_start3A_431, %dma_start3A_432] : memref<8x64x128xf32, #tpu.memory_space<vmem>> -> memref<1x64x128xf32, #tpu.memory_space<vmem>>
      %dma_start3A_434 = tpu.memref_squeeze %dma_start3A_433 : memref<1x64x128xf32, #tpu.memory_space<vmem>> -> memref<64x128xf32, #tpu.memory_space<vmem>>
      %dma_start3A_435 = arith.constant 0 : i32
      %dma_start3A_436 = tpu.memref_slice %arg6[%dma_start3A_429, %dma_start3A_435] : memref<32x64xi32, #tpu.memory_space<vmem>> -> memref<1x64xi32, #tpu.memory_space<vmem>>
      %dma_start3A_437 = tpu.memref_squeeze %dma_start3A_436 : memref<1x64xi32, #tpu.memory_space<vmem>> -> memref<64xi32, #tpu.memory_space<vmem>>
      %dma_start3A_438 = arith.constant 0 : i32
      %dma_start3A_439 = arith.constant 0 : i32
      %dma_start3A_440 = tpu.memref_slice %arg5[%dma_start3A_438, %dma_start3A_439] : memref<1000x128xf32, #tpu.memory_space<vmem_shared>> -> memref<1000x128xf32, #tpu.memory_space<vmem_shared>>
      tpu.enqueue_indirect_dma source(%dma_start3A_440 : memref<1000x128xf32, #tpu.memory_space<vmem_shared>>) target(%dma_start3A_434 : memref<64x128xf32, #tpu.memory_space<vmem>>) offsets(%dma_start3A_437 : memref<64xi32, #tpu.memory_space<vmem>>) semaphore(%arg11 : memref<!tpu.dma_semaphore, #tpu.memory_space<semaphore_mem>>)
      %dma_wait3A_441 = arith.constant 8 : i32
      %dma_wait3A_442 = arith.constant 0 : i32
      %dma_wait3A_443 = arith.constant 0 : i32
      %dma_wait3A_444 = arith.constant 0 : i32
      %dma_wait3A_445 = tpu.memref_slice %arg7[%dma_wait3A_442, %dma_wait3A_443, %dma_wait3A_444] : memref<8x64x128xf32, #tpu.memory_space<vmem>> -> memref<1x64x128xf32, #tpu.memory_space<vmem>>
      %dma_wait3A_446 = tpu.memref_squeeze %dma_wait3A_445 : memref<1x64x128xf32, #tpu.memory_space<vmem>> -> memref<64x128xf32, #tpu.memory_space<vmem>>
      %dma_wait3A_447 = arith.constant 0 : i32
      %dma_wait3A_448 = tpu.memref_slice %arg6[%dma_wait3A_441, %dma_wait3A_447] : memref<32x64xi32, #tpu.memory_space<vmem>> -> memref<1x64xi32, #tpu.memory_space<vmem>>
      %dma_wait3A_449 = tpu.memref_squeeze %dma_wait3A_448 : memref<1x64xi32, #tpu.memory_space<vmem>> -> memref<64xi32, #tpu.memory_space<vmem>>
      %dma_wait3A_450 = arith.constant 0 : i32
      %dma_wait3A_451 = arith.constant 0 : i32
      %dma_wait3A_452 = tpu.memref_slice %arg5[%dma_wait3A_450, %dma_wait3A_451] : memref<1000x128xf32, #tpu.memory_space<vmem_shared>> -> memref<1000x128xf32, #tpu.memory_space<vmem_shared>>
      tpu.wait_indirect_dma semaphore(%arg8 : memref<!tpu.dma_semaphore, #tpu.memory_space<semaphore_mem>>) src(%dma_wait3A_452 : memref<1000x128xf32, #tpu.memory_space<vmem_shared>>) dst(%dma_wait3A_446 : memref<64x128xf32, #tpu.memory_space<vmem>>)
      %mul3A_453 = arith.constant 1024 : i32
      %mul3A_454 = arith.muli %mul3A_7, %mul3A_453 : i32
      %add3A_455 = arith.constant 512 : i32
      %add3A_456 = arith.addi %mul3A_454, %add3A_455 : i32
      %dma_start3A_457 = arith.constant 0 : i32
      %dma_start3A_458 = arith.constant 0 : i32
      %dma_start3A_459 = arith.constant 0 : i32
      %dma_start3A_460 = tpu.memref_slice %arg7[%dma_start3A_457, %dma_start3A_458, %dma_start3A_459] : memref<8x64x128xf32, #tpu.memory_space<vmem>> -> memref<1x64x128xf32, #tpu.memory_space<vmem>>
      %dma_start3A_461 = tpu.memref_squeeze %dma_start3A_460 : memref<1x64x128xf32, #tpu.memory_space<vmem>> -> memref<64x128xf32, #tpu.memory_space<vmem>>
      %dma_start3A_462 = arith.constant 0 : i32
      %dma_start3A_463 = tpu.memref_slice %arg4[%add3A_456, %dma_start3A_462] : memref<51200x128xf32, #tpu.memory_space<hbm>> -> memref<64x128xf32, #tpu.memory_space<hbm>>
      %dma_start3A_464 = arith.constant 0 : i32
      %dma_start3A_465 = tpu.memref_slice %arg4[%add3A_456, %dma_start3A_464] : memref<51200x128xf32, #tpu.memory_space<hbm>> -> memref<64x128xf32, #tpu.memory_space<hbm>>
      %dma_start3A_466 = arith.constant 0 : i32
      %dma_start3A_467 = arith.constant 0 : i32
      %dma_start3A_468 = tpu.memref_slice %arg7[%dma_start3A_457, %dma_start3A_466, %dma_start3A_467] : memref<8x64x128xf32, #tpu.memory_space<vmem>> -> memref<1x64x128xf32, #tpu.memory_space<vmem>>
      %dma_start3A_469 = tpu.memref_squeeze %dma_start3A_468 : memref<1x64x128xf32, #tpu.memory_space<vmem>> -> memref<64x128xf32, #tpu.memory_space<vmem>>
      tpu.enqueue_dma source(%dma_start3A_469 : memref<64x128xf32, #tpu.memory_space<vmem>>) target(%dma_start3A_465 : memref<64x128xf32, #tpu.memory_space<hbm>>) target_semaphore(%arg16 : memref<!tpu.dma_semaphore, #tpu.memory_space<semaphore_mem>>)
      %dma_wait3A_470 = arith.constant 4 : i32
      %dma_wait3A_471 = arith.constant 0 : i32
      %dma_wait3A_472 = arith.constant 0 : i32
      %dma_wait3A_473 = tpu.memref_slice %arg7[%dma_wait3A_470, %dma_wait3A_471, %dma_wait3A_472] : memref<8x64x128xf32, #tpu.memory_space<vmem>> -> memref<1x64x128xf32, #tpu.memory_space<vmem>>
      %dma_wait3A_474 = tpu.memref_squeeze %dma_wait3A_473 : memref<1x64x128xf32, #tpu.memory_space<vmem>> -> memref<64x128xf32, #tpu.memory_space<vmem>>
      %dma_wait3A_475 = arith.constant 0 : i32
      %dma_wait3A_476 = tpu.memref_slice %arg4[%add3A_240, %dma_wait3A_475] : memref<51200x128xf32, #tpu.memory_space<hbm>> -> memref<64x128xf32, #tpu.memory_space<hbm>>
      %dma_wait3A_477 = arith.constant 0 : i32
      %dma_wait3A_478 = tpu.memref_slice %arg4[%add3A_240, %dma_wait3A_477] : memref<51200x128xf32, #tpu.memory_space<hbm>> -> memref<64x128xf32, #tpu.memory_space<hbm>>
      %dma_wait3A_479 = arith.constant 0 : i32
      %dma_wait3A_480 = arith.constant 0 : i32
      %dma_wait3A_481 = tpu.memref_slice %arg7[%dma_wait3A_470, %dma_wait3A_479, %dma_wait3A_480] : memref<8x64x128xf32, #tpu.memory_space<vmem>> -> memref<1x64x128xf32, #tpu.memory_space<vmem>>
      %dma_wait3A_482 = tpu.memref_squeeze %dma_wait3A_481 : memref<1x64x128xf32, #tpu.memory_space<vmem>> -> memref<64x128xf32, #tpu.memory_space<vmem>>
      tpu.wait_dma2 semaphore(%arg20 : memref<!tpu.dma_semaphore, #tpu.memory_space<semaphore_mem>>) src(%dma_wait3A_482 : memref<64x128xf32, #tpu.memory_space<vmem>>) dst(%dma_wait3A_478 : memref<64x128xf32, #tpu.memory_space<hbm>>)
      %dma_start3A_483 = arith.constant 12 : i32
      %dma_start3A_484 = arith.constant 4 : i32
      %dma_start3A_485 = arith.constant 0 : i32
      %dma_start3A_486 = arith.constant 0 : i32
      %dma_start3A_487 = tpu.memref_slice %arg7[%dma_start3A_484, %dma_start3A_485, %dma_start3A_486] : memref<8x64x128xf32, #tpu.memory_space<vmem>> -> memref<1x64x128xf32, #tpu.memory_space<vmem>>
      %dma_start3A_488 = tpu.memref_squeeze %dma_start3A_487 : memref<1x64x128xf32, #tpu.memory_space<vmem>> -> memref<64x128xf32, #tpu.memory_space<vmem>>
      %dma_start3A_489 = arith.constant 0 : i32
      %dma_start3A_490 = tpu.memref_slice %arg6[%dma_start3A_483, %dma_start3A_489] : memref<32x64xi32, #tpu.memory_space<vmem>> -> memref<1x64xi32, #tpu.memory_space<vmem>>
      %dma_start3A_491 = tpu.memref_squeeze %dma_start3A_490 : memref<1x64xi32, #tpu.memory_space<vmem>> -> memref<64xi32, #tpu.memory_space<vmem>>
      %dma_start3A_492 = arith.constant 0 : i32
      %dma_start3A_493 = arith.constant 0 : i32
      %dma_start3A_494 = tpu.memref_slice %arg5[%dma_start3A_492, %dma_start3A_493] : memref<1000x128xf32, #tpu.memory_space<vmem_shared>> -> memref<1000x128xf32, #tpu.memory_space<vmem_shared>>
      tpu.enqueue_indirect_dma source(%dma_start3A_494 : memref<1000x128xf32, #tpu.memory_space<vmem_shared>>) target(%dma_start3A_488 : memref<64x128xf32, #tpu.memory_space<vmem>>) offsets(%dma_start3A_491 : memref<64xi32, #tpu.memory_space<vmem>>) semaphore(%arg12 : memref<!tpu.dma_semaphore, #tpu.memory_space<semaphore_mem>>)
      %dma_wait3A_495 = arith.constant 9 : i32
      %dma_wait3A_496 = arith.constant 1 : i32
      %dma_wait3A_497 = arith.constant 0 : i32
      %dma_wait3A_498 = arith.constant 0 : i32
      %dma_wait3A_499 = tpu.memref_slice %arg7[%dma_wait3A_496, %dma_wait3A_497, %dma_wait3A_498] : memref<8x64x128xf32, #tpu.memory_space<vmem>> -> memref<1x64x128xf32, #tpu.memory_space<vmem>>
      %dma_wait3A_500 = tpu.memref_squeeze %dma_wait3A_499 : memref<1x64x128xf32, #tpu.memory_space<vmem>> -> memref<64x128xf32, #tpu.memory_space<vmem>>
      %dma_wait3A_501 = arith.constant 0 : i32
      %dma_wait3A_502 = tpu.memref_slice %arg6[%dma_wait3A_495, %dma_wait3A_501] : memref<32x64xi32, #tpu.memory_space<vmem>> -> memref<1x64xi32, #tpu.memory_space<vmem>>
      %dma_wait3A_503 = tpu.memref_squeeze %dma_wait3A_502 : memref<1x64xi32, #tpu.memory_space<vmem>> -> memref<64xi32, #tpu.memory_space<vmem>>
      %dma_wait3A_504 = arith.constant 0 : i32
      %dma_wait3A_505 = arith.constant 0 : i32
      %dma_wait3A_506 = tpu.memref_slice %arg5[%dma_wait3A_504, %dma_wait3A_505] : memref<1000x128xf32, #tpu.memory_space<vmem_shared>> -> memref<1000x128xf32, #tpu.memory_space<vmem_shared>>
      tpu.wait_indirect_dma semaphore(%arg9 : memref<!tpu.dma_semaphore, #tpu.memory_space<semaphore_mem>>) src(%dma_wait3A_506 : memref<1000x128xf32, #tpu.memory_space<vmem_shared>>) dst(%dma_wait3A_500 : memref<64x128xf32, #tpu.memory_space<vmem>>)
      %mul3A_507 = arith.constant 1024 : i32
      %mul3A_508 = arith.muli %mul3A_7, %mul3A_507 : i32
      %add3A_509 = arith.constant 576 : i32
      %add3A_510 = arith.addi %mul3A_508, %add3A_509 : i32
      %dma_start3A_511 = arith.constant 1 : i32
      %dma_start3A_512 = arith.constant 0 : i32
      %dma_start3A_513 = arith.constant 0 : i32
      %dma_start3A_514 = tpu.memref_slice %arg7[%dma_start3A_511, %dma_start3A_512, %dma_start3A_513] : memref<8x64x128xf32, #tpu.memory_space<vmem>> -> memref<1x64x128xf32, #tpu.memory_space<vmem>>
      %dma_start3A_515 = tpu.memref_squeeze %dma_start3A_514 : memref<1x64x128xf32, #tpu.memory_space<vmem>> -> memref<64x128xf32, #tpu.memory_space<vmem>>
      %dma_start3A_516 = arith.constant 0 : i32
      %dma_start3A_517 = tpu.memref_slice %arg4[%add3A_510, %dma_start3A_516] : memref<51200x128xf32, #tpu.memory_space<hbm>> -> memref<64x128xf32, #tpu.memory_space<hbm>>
      %dma_start3A_518 = arith.constant 0 : i32
      %dma_start3A_519 = tpu.memref_slice %arg4[%add3A_510, %dma_start3A_518] : memref<51200x128xf32, #tpu.memory_space<hbm>> -> memref<64x128xf32, #tpu.memory_space<hbm>>
      %dma_start3A_520 = arith.constant 0 : i32
      %dma_start3A_521 = arith.constant 0 : i32
      %dma_start3A_522 = tpu.memref_slice %arg7[%dma_start3A_511, %dma_start3A_520, %dma_start3A_521] : memref<8x64x128xf32, #tpu.memory_space<vmem>> -> memref<1x64x128xf32, #tpu.memory_space<vmem>>
      %dma_start3A_523 = tpu.memref_squeeze %dma_start3A_522 : memref<1x64x128xf32, #tpu.memory_space<vmem>> -> memref<64x128xf32, #tpu.memory_space<vmem>>
      tpu.enqueue_dma source(%dma_start3A_523 : memref<64x128xf32, #tpu.memory_space<vmem>>) target(%dma_start3A_519 : memref<64x128xf32, #tpu.memory_space<hbm>>) target_semaphore(%arg17 : memref<!tpu.dma_semaphore, #tpu.memory_space<semaphore_mem>>)
      %dma_wait3A_524 = arith.constant 5 : i32
      %dma_wait3A_525 = arith.constant 0 : i32
      %dma_wait3A_526 = arith.constant 0 : i32
      %dma_wait3A_527 = tpu.memref_slice %arg7[%dma_wait3A_524, %dma_wait3A_525, %dma_wait3A_526] : memref<8x64x128xf32, #tpu.memory_space<vmem>> -> memref<1x64x128xf32, #tpu.memory_space<vmem>>
      %dma_wait3A_528 = tpu.memref_squeeze %dma_wait3A_527 : memref<1x64x128xf32, #tpu.memory_space<vmem>> -> memref<64x128xf32, #tpu.memory_space<vmem>>
      %dma_wait3A_529 = arith.constant 0 : i32
      %dma_wait3A_530 = tpu.memref_slice %arg4[%add3A_294, %dma_wait3A_529] : memref<51200x128xf32, #tpu.memory_space<hbm>> -> memref<64x128xf32, #tpu.memory_space<hbm>>
      %dma_wait3A_531 = arith.constant 0 : i32
      %dma_wait3A_532 = tpu.memref_slice %arg4[%add3A_294, %dma_wait3A_531] : memref<51200x128xf32, #tpu.memory_space<hbm>> -> memref<64x128xf32, #tpu.memory_space<hbm>>
      %dma_wait3A_533 = arith.constant 0 : i32
      %dma_wait3A_534 = arith.constant 0 : i32
      %dma_wait3A_535 = tpu.memref_slice %arg7[%dma_wait3A_524, %dma_wait3A_533, %dma_wait3A_534] : memref<8x64x128xf32, #tpu.memory_space<vmem>> -> memref<1x64x128xf32, #tpu.memory_space<vmem>>
      %dma_wait3A_536 = tpu.memref_squeeze %dma_wait3A_535 : memref<1x64x128xf32, #tpu.memory_space<vmem>> -> memref<64x128xf32, #tpu.memory_space<vmem>>
      tpu.wait_dma2 semaphore(%arg21 : memref<!tpu.dma_semaphore, #tpu.memory_space<semaphore_mem>>) src(%dma_wait3A_536 : memref<64x128xf32, #tpu.memory_space<vmem>>) dst(%dma_wait3A_532 : memref<64x128xf32, #tpu.memory_space<hbm>>)
      %dma_start3A_537 = arith.constant 13 : i32
      %dma_start3A_538 = arith.constant 5 : i32
      %dma_start3A_539 = arith.constant 0 : i32
      %dma_start3A_540 = arith.constant 0 : i32
      %dma_start3A_541 = tpu.memref_slice %arg7[%dma_start3A_538, %dma_start3A_539, %dma_start3A_540] : memref<8x64x128xf32, #tpu.memory_space<vmem>> -> memref<1x64x128xf32, #tpu.memory_space<vmem>>
      %dma_start3A_542 = tpu.memref_squeeze %dma_start3A_541 : memref<1x64x128xf32, #tpu.memory_space<vmem>> -> memref<64x128xf32, #tpu.memory_space<vmem>>
      %dma_start3A_543 = arith.constant 0 : i32
      %dma_start3A_544 = tpu.memref_slice %arg6[%dma_start3A_537, %dma_start3A_543] : memref<32x64xi32, #tpu.memory_space<vmem>> -> memref<1x64xi32, #tpu.memory_space<vmem>>
      %dma_start3A_545 = tpu.memref_squeeze %dma_start3A_544 : memref<1x64xi32, #tpu.memory_space<vmem>> -> memref<64xi32, #tpu.memory_space<vmem>>
      %dma_start3A_546 = arith.constant 0 : i32
      %dma_start3A_547 = arith.constant 0 : i32
      %dma_start3A_548 = tpu.memref_slice %arg5[%dma_start3A_546, %dma_start3A_547] : memref<1000x128xf32, #tpu.memory_space<vmem_shared>> -> memref<1000x128xf32, #tpu.memory_space<vmem_shared>>
      tpu.enqueue_indirect_dma source(%dma_start3A_548 : memref<1000x128xf32, #tpu.memory_space<vmem_shared>>) target(%dma_start3A_542 : memref<64x128xf32, #tpu.memory_space<vmem>>) offsets(%dma_start3A_545 : memref<64xi32, #tpu.memory_space<vmem>>) semaphore(%arg13 : memref<!tpu.dma_semaphore, #tpu.memory_space<semaphore_mem>>)
      %dma_wait3A_549 = arith.constant 10 : i32
      %dma_wait3A_550 = arith.constant 2 : i32
      %dma_wait3A_551 = arith.constant 0 : i32
      %dma_wait3A_552 = arith.constant 0 : i32
      %dma_wait3A_553 = tpu.memref_slice %arg7[%dma_wait3A_550, %dma_wait3A_551, %dma_wait3A_552] : memref<8x64x128xf32, #tpu.memory_space<vmem>> -> memref<1x64x128xf32, #tpu.memory_space<vmem>>
      %dma_wait3A_554 = tpu.memref_squeeze %dma_wait3A_553 : memref<1x64x128xf32, #tpu.memory_space<vmem>> -> memref<64x128xf32, #tpu.memory_space<vmem>>
      %dma_wait3A_555 = arith.constant 0 : i32
      %dma_wait3A_556 = tpu.memref_slice %arg6[%dma_wait3A_549, %dma_wait3A_555] : memref<32x64xi32, #tpu.memory_space<vmem>> -> memref<1x64xi32, #tpu.memory_space<vmem>>
      %dma_wait3A_557 = tpu.memref_squeeze %dma_wait3A_556 : memref<1x64xi32, #tpu.memory_space<vmem>> -> memref<64xi32, #tpu.memory_space<vmem>>
      %dma_wait3A_558 = arith.constant 0 : i32
      %dma_wait3A_559 = arith.constant 0 : i32
      %dma_wait3A_560 = tpu.memref_slice %arg5[%dma_wait3A_558, %dma_wait3A_559] : memref<1000x128xf32, #tpu.memory_space<vmem_shared>> -> memref<1000x128xf32, #tpu.memory_space<vmem_shared>>
      tpu.wait_indirect_dma semaphore(%arg10 : memref<!tpu.dma_semaphore, #tpu.memory_space<semaphore_mem>>) src(%dma_wait3A_560 : memref<1000x128xf32, #tpu.memory_space<vmem_shared>>) dst(%dma_wait3A_554 : memref<64x128xf32, #tpu.memory_space<vmem>>)
      %mul3A_561 = arith.constant 1024 : i32
      %mul3A_562 = arith.muli %mul3A_7, %mul3A_561 : i32
      %add3A_563 = arith.constant 640 : i32
      %add3A_564 = arith.addi %mul3A_562, %add3A_563 : i32
      %dma_start3A_565 = arith.constant 2 : i32
      %dma_start3A_566 = arith.constant 0 : i32
      %dma_start3A_567 = arith.constant 0 : i32
      %dma_start3A_568 = tpu.memref_slice %arg7[%dma_start3A_565, %dma_start3A_566, %dma_start3A_567] : memref<8x64x128xf32, #tpu.memory_space<vmem>> -> memref<1x64x128xf32, #tpu.memory_space<vmem>>
      %dma_start3A_569 = tpu.memref_squeeze %dma_start3A_568 : memref<1x64x128xf32, #tpu.memory_space<vmem>> -> memref<64x128xf32, #tpu.memory_space<vmem>>
      %dma_start3A_570 = arith.constant 0 : i32
      %dma_start3A_571 = tpu.memref_slice %arg4[%add3A_564, %dma_start3A_570] : memref<51200x128xf32, #tpu.memory_space<hbm>> -> memref<64x128xf32, #tpu.memory_space<hbm>>
      %dma_start3A_572 = arith.constant 0 : i32
      %dma_start3A_573 = tpu.memref_slice %arg4[%add3A_564, %dma_start3A_572] : memref<51200x128xf32, #tpu.memory_space<hbm>> -> memref<64x128xf32, #tpu.memory_space<hbm>>
      %dma_start3A_574 = arith.constant 0 : i32
      %dma_start3A_575 = arith.constant 0 : i32
      %dma_start3A_576 = tpu.memref_slice %arg7[%dma_start3A_565, %dma_start3A_574, %dma_start3A_575] : memref<8x64x128xf32, #tpu.memory_space<vmem>> -> memref<1x64x128xf32, #tpu.memory_space<vmem>>
      %dma_start3A_577 = tpu.memref_squeeze %dma_start3A_576 : memref<1x64x128xf32, #tpu.memory_space<vmem>> -> memref<64x128xf32, #tpu.memory_space<vmem>>
      tpu.enqueue_dma source(%dma_start3A_577 : memref<64x128xf32, #tpu.memory_space<vmem>>) target(%dma_start3A_573 : memref<64x128xf32, #tpu.memory_space<hbm>>) target_semaphore(%arg18 : memref<!tpu.dma_semaphore, #tpu.memory_space<semaphore_mem>>)
      %dma_wait3A_578 = arith.constant 6 : i32
      %dma_wait3A_579 = arith.constant 0 : i32
      %dma_wait3A_580 = arith.constant 0 : i32
      %dma_wait3A_581 = tpu.memref_slice %arg7[%dma_wait3A_578, %dma_wait3A_579, %dma_wait3A_580] : memref<8x64x128xf32, #tpu.memory_space<vmem>> -> memref<1x64x128xf32, #tpu.memory_space<vmem>>
      %dma_wait3A_582 = tpu.memref_squeeze %dma_wait3A_581 : memref<1x64x128xf32, #tpu.memory_space<vmem>> -> memref<64x128xf32, #tpu.memory_space<vmem>>
      %dma_wait3A_583 = arith.constant 0 : i32
      %dma_wait3A_584 = tpu.memref_slice %arg4[%add3A_348, %dma_wait3A_583] : memref<51200x128xf32, #tpu.memory_space<hbm>> -> memref<64x128xf32, #tpu.memory_space<hbm>>
      %dma_wait3A_585 = arith.constant 0 : i32
      %dma_wait3A_586 = tpu.memref_slice %arg4[%add3A_348, %dma_wait3A_585] : memref<51200x128xf32, #tpu.memory_space<hbm>> -> memref<64x128xf32, #tpu.memory_space<hbm>>
      %dma_wait3A_587 = arith.constant 0 : i32
      %dma_wait3A_588 = arith.constant 0 : i32
      %dma_wait3A_589 = tpu.memref_slice %arg7[%dma_wait3A_578, %dma_wait3A_587, %dma_wait3A_588] : memref<8x64x128xf32, #tpu.memory_space<vmem>> -> memref<1x64x128xf32, #tpu.memory_space<vmem>>
      %dma_wait3A_590 = tpu.memref_squeeze %dma_wait3A_589 : memref<1x64x128xf32, #tpu.memory_space<vmem>> -> memref<64x128xf32, #tpu.memory_space<vmem>>
      tpu.wait_dma2 semaphore(%arg22 : memref<!tpu.dma_semaphore, #tpu.memory_space<semaphore_mem>>) src(%dma_wait3A_590 : memref<64x128xf32, #tpu.memory_space<vmem>>) dst(%dma_wait3A_586 : memref<64x128xf32, #tpu.memory_space<hbm>>)
      %dma_start3A_591 = arith.constant 14 : i32
      %dma_start3A_592 = arith.constant 6 : i32
      %dma_start3A_593 = arith.constant 0 : i32
      %dma_start3A_594 = arith.constant 0 : i32
      %dma_start3A_595 = tpu.memref_slice %arg7[%dma_start3A_592, %dma_start3A_593, %dma_start3A_594] : memref<8x64x128xf32, #tpu.memory_space<vmem>> -> memref<1x64x128xf32, #tpu.memory_space<vmem>>
      %dma_start3A_596 = tpu.memref_squeeze %dma_start3A_595 : memref<1x64x128xf32, #tpu.memory_space<vmem>> -> memref<64x128xf32, #tpu.memory_space<vmem>>
      %dma_start3A_597 = arith.constant 0 : i32
      %dma_start3A_598 = tpu.memref_slice %arg6[%dma_start3A_591, %dma_start3A_597] : memref<32x64xi32, #tpu.memory_space<vmem>> -> memref<1x64xi32, #tpu.memory_space<vmem>>
      %dma_start3A_599 = tpu.memref_squeeze %dma_start3A_598 : memref<1x64xi32, #tpu.memory_space<vmem>> -> memref<64xi32, #tpu.memory_space<vmem>>
      %dma_start3A_600 = arith.constant 0 : i32
      %dma_start3A_601 = arith.constant 0 : i32
      %dma_start3A_602 = tpu.memref_slice %arg5[%dma_start3A_600, %dma_start3A_601] : memref<1000x128xf32, #tpu.memory_space<vmem_shared>> -> memref<1000x128xf32, #tpu.memory_space<vmem_shared>>
      tpu.enqueue_indirect_dma source(%dma_start3A_602 : memref<1000x128xf32, #tpu.memory_space<vmem_shared>>) target(%dma_start3A_596 : memref<64x128xf32, #tpu.memory_space<vmem>>) offsets(%dma_start3A_599 : memref<64xi32, #tpu.memory_space<vmem>>) semaphore(%arg14 : memref<!tpu.dma_semaphore, #tpu.memory_space<semaphore_mem>>)
      %dma_wait3A_603 = arith.constant 11 : i32
      %dma_wait3A_604 = arith.constant 3 : i32
      %dma_wait3A_605 = arith.constant 0 : i32
      %dma_wait3A_606 = arith.constant 0 : i32
      %dma_wait3A_607 = tpu.memref_slice %arg7[%dma_wait3A_604, %dma_wait3A_605, %dma_wait3A_606] : memref<8x64x128xf32, #tpu.memory_space<vmem>> -> memref<1x64x128xf32, #tpu.memory_space<vmem>>
      %dma_wait3A_608 = tpu.memref_squeeze %dma_wait3A_607 : memref<1x64x128xf32, #tpu.memory_space<vmem>> -> memref<64x128xf32, #tpu.memory_space<vmem>>
      %dma_wait3A_609 = arith.constant 0 : i32
      %dma_wait3A_610 = tpu.memref_slice %arg6[%dma_wait3A_603, %dma_wait3A_609] : memref<32x64xi32, #tpu.memory_space<vmem>> -> memref<1x64xi32, #tpu.memory_space<vmem>>
      %dma_wait3A_611 = tpu.memref_squeeze %dma_wait3A_610 : memref<1x64xi32, #tpu.memory_space<vmem>> -> memref<64xi32, #tpu.memory_space<vmem>>
      %dma_wait3A_612 = arith.constant 0 : i32
      %dma_wait3A_613 = arith.constant 0 : i32
      %dma_wait3A_614 = tpu.memref_slice %arg5[%dma_wait3A_612, %dma_wait3A_613] : memref<1000x128xf32, #tpu.memory_space<vmem_shared>> -> memref<1000x128xf32, #tpu.memory_space<vmem_shared>>
      tpu.wait_indirect_dma semaphore(%arg11 : memref<!tpu.dma_semaphore, #tpu.memory_space<semaphore_mem>>) src(%dma_wait3A_614 : memref<1000x128xf32, #tpu.memory_space<vmem_shared>>) dst(%dma_wait3A_608 : memref<64x128xf32, #tpu.memory_space<vmem>>)
      %mul3A_615 = arith.constant 1024 : i32
      %mul3A_616 = arith.muli %mul3A_7, %mul3A_615 : i32
      %add3A_617 = arith.constant 704 : i32
      %add3A_618 = arith.addi %mul3A_616, %add3A_617 : i32
      %dma_start3A_619 = arith.constant 3 : i32
      %dma_start3A_620 = arith.constant 0 : i32
      %dma_start3A_621 = arith.constant 0 : i32
      %dma_start3A_622 = tpu.memref_slice %arg7[%dma_start3A_619, %dma_start3A_620, %dma_start3A_621] : memref<8x64x128xf32, #tpu.memory_space<vmem>> -> memref<1x64x128xf32, #tpu.memory_space<vmem>>
      %dma_start3A_623 = tpu.memref_squeeze %dma_start3A_622 : memref<1x64x128xf32, #tpu.memory_space<vmem>> -> memref<64x128xf32, #tpu.memory_space<vmem>>
      %dma_start3A_624 = arith.constant 0 : i32
      %dma_start3A_625 = tpu.memref_slice %arg4[%add3A_618, %dma_start3A_624] : memref<51200x128xf32, #tpu.memory_space<hbm>> -> memref<64x128xf32, #tpu.memory_space<hbm>>
      %dma_start3A_626 = arith.constant 0 : i32
      %dma_start3A_627 = tpu.memref_slice %arg4[%add3A_618, %dma_start3A_626] : memref<51200x128xf32, #tpu.memory_space<hbm>> -> memref<64x128xf32, #tpu.memory_space<hbm>>
      %dma_start3A_628 = arith.constant 0 : i32
      %dma_start3A_629 = arith.constant 0 : i32
      %dma_start3A_630 = tpu.memref_slice %arg7[%dma_start3A_619, %dma_start3A_628, %dma_start3A_629] : memref<8x64x128xf32, #tpu.memory_space<vmem>> -> memref<1x64x128xf32, #tpu.memory_space<vmem>>
      %dma_start3A_631 = tpu.memref_squeeze %dma_start3A_630 : memref<1x64x128xf32, #tpu.memory_space<vmem>> -> memref<64x128xf32, #tpu.memory_space<vmem>>
      tpu.enqueue_dma source(%dma_start3A_631 : memref<64x128xf32, #tpu.memory_space<vmem>>) target(%dma_start3A_627 : memref<64x128xf32, #tpu.memory_space<hbm>>) target_semaphore(%arg19 : memref<!tpu.dma_semaphore, #tpu.memory_space<semaphore_mem>>)
      %dma_wait3A_632 = arith.constant 7 : i32
      %dma_wait3A_633 = arith.constant 0 : i32
      %dma_wait3A_634 = arith.constant 0 : i32
      %dma_wait3A_635 = tpu.memref_slice %arg7[%dma_wait3A_632, %dma_wait3A_633, %dma_wait3A_634] : memref<8x64x128xf32, #tpu.memory_space<vmem>> -> memref<1x64x128xf32, #tpu.memory_space<vmem>>
      %dma_wait3A_636 = tpu.memref_squeeze %dma_wait3A_635 : memref<1x64x128xf32, #tpu.memory_space<vmem>> -> memref<64x128xf32, #tpu.memory_space<vmem>>
      %dma_wait3A_637 = arith.constant 0 : i32
      %dma_wait3A_638 = tpu.memref_slice %arg4[%add3A_402, %dma_wait3A_637] : memref<51200x128xf32, #tpu.memory_space<hbm>> -> memref<64x128xf32, #tpu.memory_space<hbm>>
      %dma_wait3A_639 = arith.constant 0 : i32
      %dma_wait3A_640 = tpu.memref_slice %arg4[%add3A_402, %dma_wait3A_639] : memref<51200x128xf32, #tpu.memory_space<hbm>> -> memref<64x128xf32, #tpu.memory_space<hbm>>
      %dma_wait3A_641 = arith.constant 0 : i32
      %dma_wait3A_642 = arith.constant 0 : i32
      %dma_wait3A_643 = tpu.memref_slice %arg7[%dma_wait3A_632, %dma_wait3A_641, %dma_wait3A_642] : memref<8x64x128xf32, #tpu.memory_space<vmem>> -> memref<1x64x128xf32, #tpu.memory_space<vmem>>
      %dma_wait3A_644 = tpu.memref_squeeze %dma_wait3A_643 : memref<1x64x128xf32, #tpu.memory_space<vmem>> -> memref<64x128xf32, #tpu.memory_space<vmem>>
      tpu.wait_dma2 semaphore(%arg23 : memref<!tpu.dma_semaphore, #tpu.memory_space<semaphore_mem>>) src(%dma_wait3A_644 : memref<64x128xf32, #tpu.memory_space<vmem>>) dst(%dma_wait3A_640 : memref<64x128xf32, #tpu.memory_space<hbm>>)
      %dma_start3A_645 = arith.constant 15 : i32
      %dma_start3A_646 = arith.constant 7 : i32
      %dma_start3A_647 = arith.constant 0 : i32
      %dma_start3A_648 = arith.constant 0 : i32
      %dma_start3A_649 = tpu.memref_slice %arg7[%dma_start3A_646, %dma_start3A_647, %dma_start3A_648] : memref<8x64x128xf32, #tpu.memory_space<vmem>> -> memref<1x64x128xf32, #tpu.memory_space<vmem>>
      %dma_start3A_650 = tpu.memref_squeeze %dma_start3A_649 : memref<1x64x128xf32, #tpu.memory_space<vmem>> -> memref<64x128xf32, #tpu.memory_space<vmem>>
      %dma_start3A_651 = arith.constant 0 : i32
      %dma_start3A_652 = tpu.memref_slice %arg6[%dma_start3A_645, %dma_start3A_651] : memref<32x64xi32, #tpu.memory_space<vmem>> -> memref<1x64xi32, #tpu.memory_space<vmem>>
      %dma_start3A_653 = tpu.memref_squeeze %dma_start3A_652 : memref<1x64xi32, #tpu.memory_space<vmem>> -> memref<64xi32, #tpu.memory_space<vmem>>
      %dma_start3A_654 = arith.constant 0 : i32
      %dma_start3A_655 = arith.constant 0 : i32
      %dma_start3A_656 = tpu.memref_slice %arg5[%dma_start3A_654, %dma_start3A_655] : memref<1000x128xf32, #tpu.memory_space<vmem_shared>> -> memref<1000x128xf32, #tpu.memory_space<vmem_shared>>
      tpu.enqueue_indirect_dma source(%dma_start3A_656 : memref<1000x128xf32, #tpu.memory_space<vmem_shared>>) target(%dma_start3A_650 : memref<64x128xf32, #tpu.memory_space<vmem>>) offsets(%dma_start3A_653 : memref<64xi32, #tpu.memory_space<vmem>>) semaphore(%arg15 : memref<!tpu.dma_semaphore, #tpu.memory_space<semaphore_mem>>)
      %dma_wait3A_657 = arith.constant 12 : i32
      %dma_wait3A_658 = arith.constant 4 : i32
      %dma_wait3A_659 = arith.constant 0 : i32
      %dma_wait3A_660 = arith.constant 0 : i32
      %dma_wait3A_661 = tpu.memref_slice %arg7[%dma_wait3A_658, %dma_wait3A_659, %dma_wait3A_660] : memref<8x64x128xf32, #tpu.memory_space<vmem>> -> memref<1x64x128xf32, #tpu.memory_space<vmem>>
      %dma_wait3A_662 = tpu.memref_squeeze %dma_wait3A_661 : memref<1x64x128xf32, #tpu.memory_space<vmem>> -> memref<64x128xf32, #tpu.memory_space<vmem>>
      %dma_wait3A_663 = arith.constant 0 : i32
      %dma_wait3A_664 = tpu.memref_slice %arg6[%dma_wait3A_657, %dma_wait3A_663] : memref<32x64xi32, #tpu.memory_space<vmem>> -> memref<1x64xi32, #tpu.memory_space<vmem>>
      %dma_wait3A_665 = tpu.memref_squeeze %dma_wait3A_664 : memref<1x64xi32, #tpu.memory_space<vmem>> -> memref<64xi32, #tpu.memory_space<vmem>>
      %dma_wait3A_666 = arith.constant 0 : i32
      %dma_wait3A_667 = arith.constant 0 : i32
      %dma_wait3A_668 = tpu.memref_slice %arg5[%dma_wait3A_666, %dma_wait3A_667] : memref<1000x128xf32, #tpu.memory_space<vmem_shared>> -> memref<1000x128xf32, #tpu.memory_space<vmem_shared>>
      tpu.wait_indirect_dma semaphore(%arg12 : memref<!tpu.dma_semaphore, #tpu.memory_space<semaphore_mem>>) src(%dma_wait3A_668 : memref<1000x128xf32, #tpu.memory_space<vmem_shared>>) dst(%dma_wait3A_662 : memref<64x128xf32, #tpu.memory_space<vmem>>)
      %mul3A_669 = arith.constant 1024 : i32
      %mul3A_670 = arith.muli %mul3A_7, %mul3A_669 : i32
      %add3A_671 = arith.constant 768 : i32
      %add3A_672 = arith.addi %mul3A_670, %add3A_671 : i32
      %dma_start3A_673 = arith.constant 4 : i32
      %dma_start3A_674 = arith.constant 0 : i32
      %dma_start3A_675 = arith.constant 0 : i32
      %dma_start3A_676 = tpu.memref_slice %arg7[%dma_start3A_673, %dma_start3A_674, %dma_start3A_675] : memref<8x64x128xf32, #tpu.memory_space<vmem>> -> memref<1x64x128xf32, #tpu.memory_space<vmem>>
      %dma_start3A_677 = tpu.memref_squeeze %dma_start3A_676 : memref<1x64x128xf32, #tpu.memory_space<vmem>> -> memref<64x128xf32, #tpu.memory_space<vmem>>
      %dma_start3A_678 = arith.constant 0 : i32
      %dma_start3A_679 = tpu.memref_slice %arg4[%add3A_672, %dma_start3A_678] : memref<51200x128xf32, #tpu.memory_space<hbm>> -> memref<64x128xf32, #tpu.memory_space<hbm>>
      %dma_start3A_680 = arith.constant 0 : i32
      %dma_start3A_681 = tpu.memref_slice %arg4[%add3A_672, %dma_start3A_680] : memref<51200x128xf32, #tpu.memory_space<hbm>> -> memref<64x128xf32, #tpu.memory_space<hbm>>
      %dma_start3A_682 = arith.constant 0 : i32
      %dma_start3A_683 = arith.constant 0 : i32
      %dma_start3A_684 = tpu.memref_slice %arg7[%dma_start3A_673, %dma_start3A_682, %dma_start3A_683] : memref<8x64x128xf32, #tpu.memory_space<vmem>> -> memref<1x64x128xf32, #tpu.memory_space<vmem>>
      %dma_start3A_685 = tpu.memref_squeeze %dma_start3A_684 : memref<1x64x128xf32, #tpu.memory_space<vmem>> -> memref<64x128xf32, #tpu.memory_space<vmem>>
      tpu.enqueue_dma source(%dma_start3A_685 : memref<64x128xf32, #tpu.memory_space<vmem>>) target(%dma_start3A_681 : memref<64x128xf32, #tpu.memory_space<hbm>>) target_semaphore(%arg20 : memref<!tpu.dma_semaphore, #tpu.memory_space<semaphore_mem>>)
      %dma_wait3A_686 = arith.constant 0 : i32
      %dma_wait3A_687 = arith.constant 0 : i32
      %dma_wait3A_688 = arith.constant 0 : i32
      %dma_wait3A_689 = tpu.memref_slice %arg7[%dma_wait3A_686, %dma_wait3A_687, %dma_wait3A_688] : memref<8x64x128xf32, #tpu.memory_space<vmem>> -> memref<1x64x128xf32, #tpu.memory_space<vmem>>
      %dma_wait3A_690 = tpu.memref_squeeze %dma_wait3A_689 : memref<1x64x128xf32, #tpu.memory_space<vmem>> -> memref<64x128xf32, #tpu.memory_space<vmem>>
      %dma_wait3A_691 = arith.constant 0 : i32
      %dma_wait3A_692 = tpu.memref_slice %arg4[%add3A_456, %dma_wait3A_691] : memref<51200x128xf32, #tpu.memory_space<hbm>> -> memref<64x128xf32, #tpu.memory_space<hbm>>
      %dma_wait3A_693 = arith.constant 0 : i32
      %dma_wait3A_694 = tpu.memref_slice %arg4[%add3A_456, %dma_wait3A_693] : memref<51200x128xf32, #tpu.memory_space<hbm>> -> memref<64x128xf32, #tpu.memory_space<hbm>>
      %dma_wait3A_695 = arith.constant 0 : i32
      %dma_wait3A_696 = arith.constant 0 : i32
      %dma_wait3A_697 = tpu.memref_slice %arg7[%dma_wait3A_686, %dma_wait3A_695, %dma_wait3A_696] : memref<8x64x128xf32, #tpu.memory_space<vmem>> -> memref<1x64x128xf32, #tpu.memory_space<vmem>>
      %dma_wait3A_698 = tpu.memref_squeeze %dma_wait3A_697 : memref<1x64x128xf32, #tpu.memory_space<vmem>> -> memref<64x128xf32, #tpu.memory_space<vmem>>
      tpu.wait_dma2 semaphore(%arg16 : memref<!tpu.dma_semaphore, #tpu.memory_space<semaphore_mem>>) src(%dma_wait3A_698 : memref<64x128xf32, #tpu.memory_space<vmem>>) dst(%dma_wait3A_694 : memref<64x128xf32, #tpu.memory_space<hbm>>)
      %dma_start3A_699 = arith.constant 16 : i32
      %dma_start3A_700 = arith.constant 0 : i32
      %dma_start3A_701 = arith.constant 0 : i32
      %dma_start3A_702 = arith.constant 0 : i32
      %dma_start3A_703 = tpu.memref_slice %arg7[%dma_start3A_700, %dma_start3A_701, %dma_start3A_702] : memref<8x64x128xf32, #tpu.memory_space<vmem>> -> memref<1x64x128xf32, #tpu.memory_space<vmem>>
      %dma_start3A_704 = tpu.memref_squeeze %dma_start3A_703 : memref<1x64x128xf32, #tpu.memory_space<vmem>> -> memref<64x128xf32, #tpu.memory_space<vmem>>
      %dma_start3A_705 = arith.constant 0 : i32
      %dma_start3A_706 = tpu.memref_slice %arg6[%dma_start3A_699, %dma_start3A_705] : memref<32x64xi32, #tpu.memory_space<vmem>> -> memref<1x64xi32, #tpu.memory_space<vmem>>
      %dma_start3A_707 = tpu.memref_squeeze %dma_start3A_706 : memref<1x64xi32, #tpu.memory_space<vmem>> -> memref<64xi32, #tpu.memory_space<vmem>>
      %dma_start3A_708 = arith.constant 0 : i32
      %dma_start3A_709 = arith.constant 0 : i32
      %dma_start3A_710 = tpu.memref_slice %arg5[%dma_start3A_708, %dma_start3A_709] : memref<1000x128xf32, #tpu.memory_space<vmem_shared>> -> memref<1000x128xf32, #tpu.memory_space<vmem_shared>>
      tpu.enqueue_indirect_dma source(%dma_start3A_710 : memref<1000x128xf32, #tpu.memory_space<vmem_shared>>) target(%dma_start3A_704 : memref<64x128xf32, #tpu.memory_space<vmem>>) offsets(%dma_start3A_707 : memref<64xi32, #tpu.memory_space<vmem>>) semaphore(%arg8 : memref<!tpu.dma_semaphore, #tpu.memory_space<semaphore_mem>>)
      %dma_wait3A_711 = arith.constant 13 : i32
      %dma_wait3A_712 = arith.constant 5 : i32
      %dma_wait3A_713 = arith.constant 0 : i32
      %dma_wait3A_714 = arith.constant 0 : i32
      %dma_wait3A_715 = tpu.memref_slice %arg7[%dma_wait3A_712, %dma_wait3A_713, %dma_wait3A_714] : memref<8x64x128xf32, #tpu.memory_space<vmem>> -> memref<1x64x128xf32, #tpu.memory_space<vmem>>
      %dma_wait3A_716 = tpu.memref_squeeze %dma_wait3A_715 : memref<1x64x128xf32, #tpu.memory_space<vmem>> -> memref<64x128xf32, #tpu.memory_space<vmem>>
      %dma_wait3A_717 = arith.constant 0 : i32
      %dma_wait3A_718 = tpu.memref_slice %arg6[%dma_wait3A_711, %dma_wait3A_717] : memref<32x64xi32, #tpu.memory_space<vmem>> -> memref<1x64xi32, #tpu.memory_space<vmem>>
      %dma_wait3A_719 = tpu.memref_squeeze %dma_wait3A_718 : memref<1x64xi32, #tpu.memory_space<vmem>> -> memref<64xi32, #tpu.memory_space<vmem>>
      %dma_wait3A_720 = arith.constant 0 : i32
      %dma_wait3A_721 = arith.constant 0 : i32
      %dma_wait3A_722 = tpu.memref_slice %arg5[%dma_wait3A_720, %dma_wait3A_721] : memref<1000x128xf32, #tpu.memory_space<vmem_shared>> -> memref<1000x128xf32, #tpu.memory_space<vmem_shared>>
      tpu.wait_indirect_dma semaphore(%arg13 : memref<!tpu.dma_semaphore, #tpu.memory_space<semaphore_mem>>) src(%dma_wait3A_722 : memref<1000x128xf32, #tpu.memory_space<vmem_shared>>) dst(%dma_wait3A_716 : memref<64x128xf32, #tpu.memory_space<vmem>>)
      %mul3A_723 = arith.constant 1024 : i32
      %mul3A_724 = arith.muli %mul3A_7, %mul3A_723 : i32
      %add3A_725 = arith.constant 832 : i32
      %add3A_726 = arith.addi %mul3A_724, %add3A_725 : i32
      %dma_start3A_727 = arith.constant 5 : i32
      %dma_start3A_728 = arith.constant 0 : i32
      %dma_start3A_729 = arith.constant 0 : i32
      %dma_start3A_730 = tpu.memref_slice %arg7[%dma_start3A_727, %dma_start3A_728, %dma_start3A_729] : memref<8x64x128xf32, #tpu.memory_space<vmem>> -> memref<1x64x128xf32, #tpu.memory_space<vmem>>
      %dma_start3A_731 = tpu.memref_squeeze %dma_start3A_730 : memref<1x64x128xf32, #tpu.memory_space<vmem>> -> memref<64x128xf32, #tpu.memory_space<vmem>>
      %dma_start3A_732 = arith.constant 0 : i32
      %dma_start3A_733 = tpu.memref_slice %arg4[%add3A_726, %dma_start3A_732] : memref<51200x128xf32, #tpu.memory_space<hbm>> -> memref<64x128xf32, #tpu.memory_space<hbm>>
      %dma_start3A_734 = arith.constant 0 : i32
      %dma_start3A_735 = tpu.memref_slice %arg4[%add3A_726, %dma_start3A_734] : memref<51200x128xf32, #tpu.memory_space<hbm>> -> memref<64x128xf32, #tpu.memory_space<hbm>>
      %dma_start3A_736 = arith.constant 0 : i32
      %dma_start3A_737 = arith.constant 0 : i32
      %dma_start3A_738 = tpu.memref_slice %arg7[%dma_start3A_727, %dma_start3A_736, %dma_start3A_737] : memref<8x64x128xf32, #tpu.memory_space<vmem>> -> memref<1x64x128xf32, #tpu.memory_space<vmem>>
      %dma_start3A_739 = tpu.memref_squeeze %dma_start3A_738 : memref<1x64x128xf32, #tpu.memory_space<vmem>> -> memref<64x128xf32, #tpu.memory_space<vmem>>
      tpu.enqueue_dma source(%dma_start3A_739 : memref<64x128xf32, #tpu.memory_space<vmem>>) target(%dma_start3A_735 : memref<64x128xf32, #tpu.memory_space<hbm>>) target_semaphore(%arg21 : memref<!tpu.dma_semaphore, #tpu.memory_space<semaphore_mem>>)
      %dma_wait3A_740 = arith.constant 1 : i32
      %dma_wait3A_741 = arith.constant 0 : i32
      %dma_wait3A_742 = arith.constant 0 : i32
      %dma_wait3A_743 = tpu.memref_slice %arg7[%dma_wait3A_740, %dma_wait3A_741, %dma_wait3A_742] : memref<8x64x128xf32, #tpu.memory_space<vmem>> -> memref<1x64x128xf32, #tpu.memory_space<vmem>>
      %dma_wait3A_744 = tpu.memref_squeeze %dma_wait3A_743 : memref<1x64x128xf32, #tpu.memory_space<vmem>> -> memref<64x128xf32, #tpu.memory_space<vmem>>
      %dma_wait3A_745 = arith.constant 0 : i32
      %dma_wait3A_746 = tpu.memref_slice %arg4[%add3A_510, %dma_wait3A_745] : memref<51200x128xf32, #tpu.memory_space<hbm>> -> memref<64x128xf32, #tpu.memory_space<hbm>>
      %dma_wait3A_747 = arith.constant 0 : i32
      %dma_wait3A_748 = tpu.memref_slice %arg4[%add3A_510, %dma_wait3A_747] : memref<51200x128xf32, #tpu.memory_space<hbm>> -> memref<64x128xf32, #tpu.memory_space<hbm>>
      %dma_wait3A_749 = arith.constant 0 : i32
      %dma_wait3A_750 = arith.constant 0 : i32
      %dma_wait3A_751 = tpu.memref_slice %arg7[%dma_wait3A_740, %dma_wait3A_749, %dma_wait3A_750] : memref<8x64x128xf32, #tpu.memory_space<vmem>> -> memref<1x64x128xf32, #tpu.memory_space<vmem>>
      %dma_wait3A_752 = tpu.memref_squeeze %dma_wait3A_751 : memref<1x64x128xf32, #tpu.memory_space<vmem>> -> memref<64x128xf32, #tpu.memory_space<vmem>>
      tpu.wait_dma2 semaphore(%arg17 : memref<!tpu.dma_semaphore, #tpu.memory_space<semaphore_mem>>) src(%dma_wait3A_752 : memref<64x128xf32, #tpu.memory_space<vmem>>) dst(%dma_wait3A_748 : memref<64x128xf32, #tpu.memory_space<hbm>>)
      %dma_start3A_753 = arith.constant 17 : i32
      %dma_start3A_754 = arith.constant 1 : i32
      %dma_start3A_755 = arith.constant 0 : i32
      %dma_start3A_756 = arith.constant 0 : i32
      %dma_start3A_757 = tpu.memref_slice %arg7[%dma_start3A_754, %dma_start3A_755, %dma_start3A_756] : memref<8x64x128xf32, #tpu.memory_space<vmem>> -> memref<1x64x128xf32, #tpu.memory_space<vmem>>
      %dma_start3A_758 = tpu.memref_squeeze %dma_start3A_757 : memref<1x64x128xf32, #tpu.memory_space<vmem>> -> memref<64x128xf32, #tpu.memory_space<vmem>>
      %dma_start3A_759 = arith.constant 0 : i32
      %dma_start3A_760 = tpu.memref_slice %arg6[%dma_start3A_753, %dma_start3A_759] : memref<32x64xi32, #tpu.memory_space<vmem>> -> memref<1x64xi32, #tpu.memory_space<vmem>>
      %dma_start3A_761 = tpu.memref_squeeze %dma_start3A_760 : memref<1x64xi32, #tpu.memory_space<vmem>> -> memref<64xi32, #tpu.memory_space<vmem>>
      %dma_start3A_762 = arith.constant 0 : i32
      %dma_start3A_763 = arith.constant 0 : i32
      %dma_start3A_764 = tpu.memref_slice %arg5[%dma_start3A_762, %dma_start3A_763] : memref<1000x128xf32, #tpu.memory_space<vmem_shared>> -> memref<1000x128xf32, #tpu.memory_space<vmem_shared>>
      tpu.enqueue_indirect_dma source(%dma_start3A_764 : memref<1000x128xf32, #tpu.memory_space<vmem_shared>>) target(%dma_start3A_758 : memref<64x128xf32, #tpu.memory_space<vmem>>) offsets(%dma_start3A_761 : memref<64xi32, #tpu.memory_space<vmem>>) semaphore(%arg9 : memref<!tpu.dma_semaphore, #tpu.memory_space<semaphore_mem>>)
      %dma_wait3A_765 = arith.constant 14 : i32
      %dma_wait3A_766 = arith.constant 6 : i32
      %dma_wait3A_767 = arith.constant 0 : i32
      %dma_wait3A_768 = arith.constant 0 : i32
      %dma_wait3A_769 = tpu.memref_slice %arg7[%dma_wait3A_766, %dma_wait3A_767, %dma_wait3A_768] : memref<8x64x128xf32, #tpu.memory_space<vmem>> -> memref<1x64x128xf32, #tpu.memory_space<vmem>>
      %dma_wait3A_770 = tpu.memref_squeeze %dma_wait3A_769 : memref<1x64x128xf32, #tpu.memory_space<vmem>> -> memref<64x128xf32, #tpu.memory_space<vmem>>
      %dma_wait3A_771 = arith.constant 0 : i32
      %dma_wait3A_772 = tpu.memref_slice %arg6[%dma_wait3A_765, %dma_wait3A_771] : memref<32x64xi32, #tpu.memory_space<vmem>> -> memref<1x64xi32, #tpu.memory_space<vmem>>
      %dma_wait3A_773 = tpu.memref_squeeze %dma_wait3A_772 : memref<1x64xi32, #tpu.memory_space<vmem>> -> memref<64xi32, #tpu.memory_space<vmem>>
      %dma_wait3A_774 = arith.constant 0 : i32
      %dma_wait3A_775 = arith.constant 0 : i32
      %dma_wait3A_776 = tpu.memref_slice %arg5[%dma_wait3A_774, %dma_wait3A_775] : memref<1000x128xf32, #tpu.memory_space<vmem_shared>> -> memref<1000x128xf32, #tpu.memory_space<vmem_shared>>
      tpu.wait_indirect_dma semaphore(%arg14 : memref<!tpu.dma_semaphore, #tpu.memory_space<semaphore_mem>>) src(%dma_wait3A_776 : memref<1000x128xf32, #tpu.memory_space<vmem_shared>>) dst(%dma_wait3A_770 : memref<64x128xf32, #tpu.memory_space<vmem>>)
      %mul3A_777 = arith.constant 1024 : i32
      %mul3A_778 = arith.muli %mul3A_7, %mul3A_777 : i32
      %add3A_779 = arith.constant 896 : i32
      %add3A_780 = arith.addi %mul3A_778, %add3A_779 : i32
      %dma_start3A_781 = arith.constant 6 : i32
      %dma_start3A_782 = arith.constant 0 : i32
      %dma_start3A_783 = arith.constant 0 : i32
      %dma_start3A_784 = tpu.memref_slice %arg7[%dma_start3A_781, %dma_start3A_782, %dma_start3A_783] : memref<8x64x128xf32, #tpu.memory_space<vmem>> -> memref<1x64x128xf32, #tpu.memory_space<vmem>>
      %dma_start3A_785 = tpu.memref_squeeze %dma_start3A_784 : memref<1x64x128xf32, #tpu.memory_space<vmem>> -> memref<64x128xf32, #tpu.memory_space<vmem>>
      %dma_start3A_786 = arith.constant 0 : i32
      %dma_start3A_787 = tpu.memref_slice %arg4[%add3A_780, %dma_start3A_786] : memref<51200x128xf32, #tpu.memory_space<hbm>> -> memref<64x128xf32, #tpu.memory_space<hbm>>
      %dma_start3A_788 = arith.constant 0 : i32
      %dma_start3A_789 = tpu.memref_slice %arg4[%add3A_780, %dma_start3A_788] : memref<51200x128xf32, #tpu.memory_space<hbm>> -> memref<64x128xf32, #tpu.memory_space<hbm>>
      %dma_start3A_790 = arith.constant 0 : i32
      %dma_start3A_791 = arith.constant 0 : i32
      %dma_start3A_792 = tpu.memref_slice %arg7[%dma_start3A_781, %dma_start3A_790, %dma_start3A_791] : memref<8x64x128xf32, #tpu.memory_space<vmem>> -> memref<1x64x128xf32, #tpu.memory_space<vmem>>
      %dma_start3A_793 = tpu.memref_squeeze %dma_start3A_792 : memref<1x64x128xf32, #tpu.memory_space<vmem>> -> memref<64x128xf32, #tpu.memory_space<vmem>>
      tpu.enqueue_dma source(%dma_start3A_793 : memref<64x128xf32, #tpu.memory_space<vmem>>) target(%dma_start3A_789 : memref<64x128xf32, #tpu.memory_space<hbm>>) target_semaphore(%arg22 : memref<!tpu.dma_semaphore, #tpu.memory_space<semaphore_mem>>)
      %dma_wait3A_794 = arith.constant 2 : i32
      %dma_wait3A_795 = arith.constant 0 : i32
      %dma_wait3A_796 = arith.constant 0 : i32
      %dma_wait3A_797 = tpu.memref_slice %arg7[%dma_wait3A_794, %dma_wait3A_795, %dma_wait3A_796] : memref<8x64x128xf32, #tpu.memory_space<vmem>> -> memref<1x64x128xf32, #tpu.memory_space<vmem>>
      %dma_wait3A_798 = tpu.memref_squeeze %dma_wait3A_797 : memref<1x64x128xf32, #tpu.memory_space<vmem>> -> memref<64x128xf32, #tpu.memory_space<vmem>>
      %dma_wait3A_799 = arith.constant 0 : i32
      %dma_wait3A_800 = tpu.memref_slice %arg4[%add3A_564, %dma_wait3A_799] : memref<51200x128xf32, #tpu.memory_space<hbm>> -> memref<64x128xf32, #tpu.memory_space<hbm>>
      %dma_wait3A_801 = arith.constant 0 : i32
      %dma_wait3A_802 = tpu.memref_slice %arg4[%add3A_564, %dma_wait3A_801] : memref<51200x128xf32, #tpu.memory_space<hbm>> -> memref<64x128xf32, #tpu.memory_space<hbm>>
      %dma_wait3A_803 = arith.constant 0 : i32
      %dma_wait3A_804 = arith.constant 0 : i32
      %dma_wait3A_805 = tpu.memref_slice %arg7[%dma_wait3A_794, %dma_wait3A_803, %dma_wait3A_804] : memref<8x64x128xf32, #tpu.memory_space<vmem>> -> memref<1x64x128xf32, #tpu.memory_space<vmem>>
      %dma_wait3A_806 = tpu.memref_squeeze %dma_wait3A_805 : memref<1x64x128xf32, #tpu.memory_space<vmem>> -> memref<64x128xf32, #tpu.memory_space<vmem>>
      tpu.wait_dma2 semaphore(%arg18 : memref<!tpu.dma_semaphore, #tpu.memory_space<semaphore_mem>>) src(%dma_wait3A_806 : memref<64x128xf32, #tpu.memory_space<vmem>>) dst(%dma_wait3A_802 : memref<64x128xf32, #tpu.memory_space<hbm>>)
      %dma_start3A_807 = arith.constant 18 : i32
      %dma_start3A_808 = arith.constant 2 : i32
      %dma_start3A_809 = arith.constant 0 : i32
      %dma_start3A_810 = arith.constant 0 : i32
      %dma_start3A_811 = tpu.memref_slice %arg7[%dma_start3A_808, %dma_start3A_809, %dma_start3A_810] : memref<8x64x128xf32, #tpu.memory_space<vmem>> -> memref<1x64x128xf32, #tpu.memory_space<vmem>>
      %dma_start3A_812 = tpu.memref_squeeze %dma_start3A_811 : memref<1x64x128xf32, #tpu.memory_space<vmem>> -> memref<64x128xf32, #tpu.memory_space<vmem>>
      %dma_start3A_813 = arith.constant 0 : i32
      %dma_start3A_814 = tpu.memref_slice %arg6[%dma_start3A_807, %dma_start3A_813] : memref<32x64xi32, #tpu.memory_space<vmem>> -> memref<1x64xi32, #tpu.memory_space<vmem>>
      %dma_start3A_815 = tpu.memref_squeeze %dma_start3A_814 : memref<1x64xi32, #tpu.memory_space<vmem>> -> memref<64xi32, #tpu.memory_space<vmem>>
      %dma_start3A_816 = arith.constant 0 : i32
      %dma_start3A_817 = arith.constant 0 : i32
      %dma_start3A_818 = tpu.memref_slice %arg5[%dma_start3A_816, %dma_start3A_817] : memref<1000x128xf32, #tpu.memory_space<vmem_shared>> -> memref<1000x128xf32, #tpu.memory_space<vmem_shared>>
      tpu.enqueue_indirect_dma source(%dma_start3A_818 : memref<1000x128xf32, #tpu.memory_space<vmem_shared>>) target(%dma_start3A_812 : memref<64x128xf32, #tpu.memory_space<vmem>>) offsets(%dma_start3A_815 : memref<64xi32, #tpu.memory_space<vmem>>) semaphore(%arg10 : memref<!tpu.dma_semaphore, #tpu.memory_space<semaphore_mem>>)
      %dma_wait3A_819 = arith.constant 15 : i32
      %dma_wait3A_820 = arith.constant 7 : i32
      %dma_wait3A_821 = arith.constant 0 : i32
      %dma_wait3A_822 = arith.constant 0 : i32
      %dma_wait3A_823 = tpu.memref_slice %arg7[%dma_wait3A_820, %dma_wait3A_821, %dma_wait3A_822] : memref<8x64x128xf32, #tpu.memory_space<vmem>> -> memref<1x64x128xf32, #tpu.memory_space<vmem>>
      %dma_wait3A_824 = tpu.memref_squeeze %dma_wait3A_823 : memref<1x64x128xf32, #tpu.memory_space<vmem>> -> memref<64x128xf32, #tpu.memory_space<vmem>>
      %dma_wait3A_825 = arith.constant 0 : i32
      %dma_wait3A_826 = tpu.memref_slice %arg6[%dma_wait3A_819, %dma_wait3A_825] : memref<32x64xi32, #tpu.memory_space<vmem>> -> memref<1x64xi32, #tpu.memory_space<vmem>>
      %dma_wait3A_827 = tpu.memref_squeeze %dma_wait3A_826 : memref<1x64xi32, #tpu.memory_space<vmem>> -> memref<64xi32, #tpu.memory_space<vmem>>
      %dma_wait3A_828 = arith.constant 0 : i32
      %dma_wait3A_829 = arith.constant 0 : i32
      %dma_wait3A_830 = tpu.memref_slice %arg5[%dma_wait3A_828, %dma_wait3A_829] : memref<1000x128xf32, #tpu.memory_space<vmem_shared>> -> memref<1000x128xf32, #tpu.memory_space<vmem_shared>>
      tpu.wait_indirect_dma semaphore(%arg15 : memref<!tpu.dma_semaphore, #tpu.memory_space<semaphore_mem>>) src(%dma_wait3A_830 : memref<1000x128xf32, #tpu.memory_space<vmem_shared>>) dst(%dma_wait3A_824 : memref<64x128xf32, #tpu.memory_space<vmem>>)
      %mul3A_831 = arith.constant 1024 : i32
      %mul3A_832 = arith.muli %mul3A_7, %mul3A_831 : i32
      %add3A_833 = arith.constant 960 : i32
      %add3A_834 = arith.addi %mul3A_832, %add3A_833 : i32
      %dma_start3A_835 = arith.constant 7 : i32
      %dma_start3A_836 = arith.constant 0 : i32
      %dma_start3A_837 = arith.constant 0 : i32
      %dma_start3A_838 = tpu.memref_slice %arg7[%dma_start3A_835, %dma_start3A_836, %dma_start3A_837] : memref<8x64x128xf32, #tpu.memory_space<vmem>> -> memref<1x64x128xf32, #tpu.memory_space<vmem>>
      %dma_start3A_839 = tpu.memref_squeeze %dma_start3A_838 : memref<1x64x128xf32, #tpu.memory_space<vmem>> -> memref<64x128xf32, #tpu.memory_space<vmem>>
      %dma_start3A_840 = arith.constant 0 : i32
      %dma_start3A_841 = tpu.memref_slice %arg4[%add3A_834, %dma_start3A_840] : memref<51200x128xf32, #tpu.memory_space<hbm>> -> memref<64x128xf32, #tpu.memory_space<hbm>>
      %dma_start3A_842 = arith.constant 0 : i32
      %dma_start3A_843 = tpu.memref_slice %arg4[%add3A_834, %dma_start3A_842] : memref<51200x128xf32, #tpu.memory_space<hbm>> -> memref<64x128xf32, #tpu.memory_space<hbm>>
      %dma_start3A_844 = arith.constant 0 : i32
      %dma_start3A_845 = arith.constant 0 : i32
      %dma_start3A_846 = tpu.memref_slice %arg7[%dma_start3A_835, %dma_start3A_844, %dma_start3A_845] : memref<8x64x128xf32, #tpu.memory_space<vmem>> -> memref<1x64x128xf32, #tpu.memory_space<vmem>>
      %dma_start3A_847 = tpu.memref_squeeze %dma_start3A_846 : memref<1x64x128xf32, #tpu.memory_space<vmem>> -> memref<64x128xf32, #tpu.memory_space<vmem>>
      tpu.enqueue_dma source(%dma_start3A_847 : memref<64x128xf32, #tpu.memory_space<vmem>>) target(%dma_start3A_843 : memref<64x128xf32, #tpu.memory_space<hbm>>) target_semaphore(%arg23 : memref<!tpu.dma_semaphore, #tpu.memory_space<semaphore_mem>>)
      %dma_wait3A_848 = arith.constant 3 : i32
      %dma_wait3A_849 = arith.constant 0 : i32
      %dma_wait3A_850 = arith.constant 0 : i32
      %dma_wait3A_851 = tpu.memref_slice %arg7[%dma_wait3A_848, %dma_wait3A_849, %dma_wait3A_850] : memref<8x64x128xf32, #tpu.memory_space<vmem>> -> memref<1x64x128xf32, #tpu.memory_space<vmem>>
      %dma_wait3A_852 = tpu.memref_squeeze %dma_wait3A_851 : memref<1x64x128xf32, #tpu.memory_space<vmem>> -> memref<64x128xf32, #tpu.memory_space<vmem>>
      %dma_wait3A_853 = arith.constant 0 : i32
      %dma_wait3A_854 = tpu.memref_slice %arg4[%add3A_618, %dma_wait3A_853] : memref<51200x128xf32, #tpu.memory_space<hbm>> -> memref<64x128xf32, #tpu.memory_space<hbm>>
      %dma_wait3A_855 = arith.constant 0 : i32
      %dma_wait3A_856 = tpu.memref_slice %arg4[%add3A_618, %dma_wait3A_855] : memref<51200x128xf32, #tpu.memory_space<hbm>> -> memref<64x128xf32, #tpu.memory_space<hbm>>
      %dma_wait3A_857 = arith.constant 0 : i32
      %dma_wait3A_858 = arith.constant 0 : i32
      %dma_wait3A_859 = tpu.memref_slice %arg7[%dma_wait3A_848, %dma_wait3A_857, %dma_wait3A_858] : memref<8x64x128xf32, #tpu.memory_space<vmem>> -> memref<1x64x128xf32, #tpu.memory_space<vmem>>
      %dma_wait3A_860 = tpu.memref_squeeze %dma_wait3A_859 : memref<1x64x128xf32, #tpu.memory_space<vmem>> -> memref<64x128xf32, #tpu.memory_space<vmem>>
      tpu.wait_dma2 semaphore(%arg19 : memref<!tpu.dma_semaphore, #tpu.memory_space<semaphore_mem>>) src(%dma_wait3A_860 : memref<64x128xf32, #tpu.memory_space<vmem>>) dst(%dma_wait3A_856 : memref<64x128xf32, #tpu.memory_space<hbm>>)
      %dma_start3A_861 = arith.constant 19 : i32
      %dma_start3A_862 = arith.constant 3 : i32
      %dma_start3A_863 = arith.constant 0 : i32
      %dma_start3A_864 = arith.constant 0 : i32
      %dma_start3A_865 = tpu.memref_slice %arg7[%dma_start3A_862, %dma_start3A_863, %dma_start3A_864] : memref<8x64x128xf32, #tpu.memory_space<vmem>> -> memref<1x64x128xf32, #tpu.memory_space<vmem>>
      %dma_start3A_866 = tpu.memref_squeeze %dma_start3A_865 : memref<1x64x128xf32, #tpu.memory_space<vmem>> -> memref<64x128xf32, #tpu.memory_space<vmem>>
      %dma_start3A_867 = arith.constant 0 : i32
      %dma_start3A_868 = tpu.memref_slice %arg6[%dma_start3A_861, %dma_start3A_867] : memref<32x64xi32, #tpu.memory_space<vmem>> -> memref<1x64xi32, #tpu.memory_space<vmem>>
      %dma_start3A_869 = tpu.memref_squeeze %dma_start3A_868 : memref<1x64xi32, #tpu.memory_space<vmem>> -> memref<64xi32, #tpu.memory_space<vmem>>
      %dma_start3A_870 = arith.constant 0 : i32
      %dma_start3A_871 = arith.constant 0 : i32
      %dma_start3A_872 = tpu.memref_slice %arg5[%dma_start3A_870, %dma_start3A_871] : memref<1000x128xf32, #tpu.memory_space<vmem_shared>> -> memref<1000x128xf32, #tpu.memory_space<vmem_shared>>
      tpu.enqueue_indirect_dma source(%dma_start3A_872 : memref<1000x128xf32, #tpu.memory_space<vmem_shared>>) target(%dma_start3A_866 : memref<64x128xf32, #tpu.memory_space<vmem>>) offsets(%dma_start3A_869 : memref<64xi32, #tpu.memory_space<vmem>>) semaphore(%arg11 : memref<!tpu.dma_semaphore, #tpu.memory_space<semaphore_mem>>)
      %dma_wait3A_873 = arith.constant 16 : i32
      %dma_wait3A_874 = arith.constant 0 : i32
      %dma_wait3A_875 = arith.constant 0 : i32
      %dma_wait3A_876 = arith.constant 0 : i32
      %dma_wait3A_877 = tpu.memref_slice %arg7[%dma_wait3A_874, %dma_wait3A_875, %dma_wait3A_876] : memref<8x64x128xf32, #tpu.memory_space<vmem>> -> memref<1x64x128xf32, #tpu.memory_space<vmem>>
      %dma_wait3A_878 = tpu.memref_squeeze %dma_wait3A_877 : memref<1x64x128xf32, #tpu.memory_space<vmem>> -> memref<64x128xf32, #tpu.memory_space<vmem>>
      %dma_wait3A_879 = arith.constant 0 : i32
      %dma_wait3A_880 = tpu.memref_slice %arg6[%dma_wait3A_873, %dma_wait3A_879] : memref<32x64xi32, #tpu.memory_space<vmem>> -> memref<1x64xi32, #tpu.memory_space<vmem>>
      %dma_wait3A_881 = tpu.memref_squeeze %dma_wait3A_880 : memref<1x64xi32, #tpu.memory_space<vmem>> -> memref<64xi32, #tpu.memory_space<vmem>>
      %dma_wait3A_882 = arith.constant 0 : i32
      %dma_wait3A_883 = arith.constant 0 : i32
      %dma_wait3A_884 = tpu.memref_slice %arg5[%dma_wait3A_882, %dma_wait3A_883] : memref<1000x128xf32, #tpu.memory_space<vmem_shared>> -> memref<1000x128xf32, #tpu.memory_space<vmem_shared>>
      tpu.wait_indirect_dma semaphore(%arg8 : memref<!tpu.dma_semaphore, #tpu.memory_space<semaphore_mem>>) src(%dma_wait3A_884 : memref<1000x128xf32, #tpu.memory_space<vmem_shared>>) dst(%dma_wait3A_878 : memref<64x128xf32, #tpu.memory_space<vmem>>)
      %mul3A_885 = arith.constant 1024 : i32
      %mul3A_886 = arith.muli %mul3A_7, %mul3A_885 : i32
      %add3A_887 = arith.constant 1024 : i32
      %add3A_888 = arith.addi %mul3A_886, %add3A_887 : i32
      %dma_start3A_889 = arith.constant 0 : i32
      %dma_start3A_890 = arith.constant 0 : i32
      %dma_start3A_891 = arith.constant 0 : i32
      %dma_start3A_892 = tpu.memref_slice %arg7[%dma_start3A_889, %dma_start3A_890, %dma_start3A_891] : memref<8x64x128xf32, #tpu.memory_space<vmem>> -> memref<1x64x128xf32, #tpu.memory_space<vmem>>
      %dma_start3A_893 = tpu.memref_squeeze %dma_start3A_892 : memref<1x64x128xf32, #tpu.memory_space<vmem>> -> memref<64x128xf32, #tpu.memory_space<vmem>>
      %dma_start3A_894 = arith.constant 0 : i32
      %dma_start3A_895 = tpu.memref_slice %arg4[%add3A_888, %dma_start3A_894] : memref<51200x128xf32, #tpu.memory_space<hbm>> -> memref<64x128xf32, #tpu.memory_space<hbm>>
      %dma_start3A_896 = arith.constant 0 : i32
      %dma_start3A_897 = tpu.memref_slice %arg4[%add3A_888, %dma_start3A_896] : memref<51200x128xf32, #tpu.memory_space<hbm>> -> memref<64x128xf32, #tpu.memory_space<hbm>>
      %dma_start3A_898 = arith.constant 0 : i32
      %dma_start3A_899 = arith.constant 0 : i32
      %dma_start3A_900 = tpu.memref_slice %arg7[%dma_start3A_889, %dma_start3A_898, %dma_start3A_899] : memref<8x64x128xf32, #tpu.memory_space<vmem>> -> memref<1x64x128xf32, #tpu.memory_space<vmem>>
      %dma_start3A_901 = tpu.memref_squeeze %dma_start3A_900 : memref<1x64x128xf32, #tpu.memory_space<vmem>> -> memref<64x128xf32, #tpu.memory_space<vmem>>
      tpu.enqueue_dma source(%dma_start3A_901 : memref<64x128xf32, #tpu.memory_space<vmem>>) target(%dma_start3A_897 : memref<64x128xf32, #tpu.memory_space<hbm>>) target_semaphore(%arg16 : memref<!tpu.dma_semaphore, #tpu.memory_space<semaphore_mem>>)
      %dma_wait3A_902 = arith.constant 4 : i32
      %dma_wait3A_903 = arith.constant 0 : i32
      %dma_wait3A_904 = arith.constant 0 : i32
      %dma_wait3A_905 = tpu.memref_slice %arg7[%dma_wait3A_902, %dma_wait3A_903, %dma_wait3A_904] : memref<8x64x128xf32, #tpu.memory_space<vmem>> -> memref<1x64x128xf32, #tpu.memory_space<vmem>>
      %dma_wait3A_906 = tpu.memref_squeeze %dma_wait3A_905 : memref<1x64x128xf32, #tpu.memory_space<vmem>> -> memref<64x128xf32, #tpu.memory_space<vmem>>
      %dma_wait3A_907 = arith.constant 0 : i32
      %dma_wait3A_908 = tpu.memref_slice %arg4[%add3A_672, %dma_wait3A_907] : memref<51200x128xf32, #tpu.memory_space<hbm>> -> memref<64x128xf32, #tpu.memory_space<hbm>>
      %dma_wait3A_909 = arith.constant 0 : i32
      %dma_wait3A_910 = tpu.memref_slice %arg4[%add3A_672, %dma_wait3A_909] : memref<51200x128xf32, #tpu.memory_space<hbm>> -> memref<64x128xf32, #tpu.memory_space<hbm>>
      %dma_wait3A_911 = arith.constant 0 : i32
      %dma_wait3A_912 = arith.constant 0 : i32
      %dma_wait3A_913 = tpu.memref_slice %arg7[%dma_wait3A_902, %dma_wait3A_911, %dma_wait3A_912] : memref<8x64x128xf32, #tpu.memory_space<vmem>> -> memref<1x64x128xf32, #tpu.memory_space<vmem>>
      %dma_wait3A_914 = tpu.memref_squeeze %dma_wait3A_913 : memref<1x64x128xf32, #tpu.memory_space<vmem>> -> memref<64x128xf32, #tpu.memory_space<vmem>>
      tpu.wait_dma2 semaphore(%arg20 : memref<!tpu.dma_semaphore, #tpu.memory_space<semaphore_mem>>) src(%dma_wait3A_914 : memref<64x128xf32, #tpu.memory_space<vmem>>) dst(%dma_wait3A_910 : memref<64x128xf32, #tpu.memory_space<hbm>>)
      %dma_start3A_915 = arith.constant 20 : i32
      %dma_start3A_916 = arith.constant 4 : i32
      %dma_start3A_917 = arith.constant 0 : i32
      %dma_start3A_918 = arith.constant 0 : i32
      %dma_start3A_919 = tpu.memref_slice %arg7[%dma_start3A_916, %dma_start3A_917, %dma_start3A_918] : memref<8x64x128xf32, #tpu.memory_space<vmem>> -> memref<1x64x128xf32, #tpu.memory_space<vmem>>
      %dma_start3A_920 = tpu.memref_squeeze %dma_start3A_919 : memref<1x64x128xf32, #tpu.memory_space<vmem>> -> memref<64x128xf32, #tpu.memory_space<vmem>>
      %dma_start3A_921 = arith.constant 0 : i32
      %dma_start3A_922 = tpu.memref_slice %arg6[%dma_start3A_915, %dma_start3A_921] : memref<32x64xi32, #tpu.memory_space<vmem>> -> memref<1x64xi32, #tpu.memory_space<vmem>>
      %dma_start3A_923 = tpu.memref_squeeze %dma_start3A_922 : memref<1x64xi32, #tpu.memory_space<vmem>> -> memref<64xi32, #tpu.memory_space<vmem>>
      %dma_start3A_924 = arith.constant 0 : i32
      %dma_start3A_925 = arith.constant 0 : i32
      %dma_start3A_926 = tpu.memref_slice %arg5[%dma_start3A_924, %dma_start3A_925] : memref<1000x128xf32, #tpu.memory_space<vmem_shared>> -> memref<1000x128xf32, #tpu.memory_space<vmem_shared>>
      tpu.enqueue_indirect_dma source(%dma_start3A_926 : memref<1000x128xf32, #tpu.memory_space<vmem_shared>>) target(%dma_start3A_920 : memref<64x128xf32, #tpu.memory_space<vmem>>) offsets(%dma_start3A_923 : memref<64xi32, #tpu.memory_space<vmem>>) semaphore(%arg12 : memref<!tpu.dma_semaphore, #tpu.memory_space<semaphore_mem>>)
      %dma_wait3A_927 = arith.constant 17 : i32
      %dma_wait3A_928 = arith.constant 1 : i32
      %dma_wait3A_929 = arith.constant 0 : i32
      %dma_wait3A_930 = arith.constant 0 : i32
      %dma_wait3A_931 = tpu.memref_slice %arg7[%dma_wait3A_928, %dma_wait3A_929, %dma_wait3A_930] : memref<8x64x128xf32, #tpu.memory_space<vmem>> -> memref<1x64x128xf32, #tpu.memory_space<vmem>>
      %dma_wait3A_932 = tpu.memref_squeeze %dma_wait3A_931 : memref<1x64x128xf32, #tpu.memory_space<vmem>> -> memref<64x128xf32, #tpu.memory_space<vmem>>
      %dma_wait3A_933 = arith.constant 0 : i32
      %dma_wait3A_934 = tpu.memref_slice %arg6[%dma_wait3A_927, %dma_wait3A_933] : memref<32x64xi32, #tpu.memory_space<vmem>> -> memref<1x64xi32, #tpu.memory_space<vmem>>
      %dma_wait3A_935 = tpu.memref_squeeze %dma_wait3A_934 : memref<1x64xi32, #tpu.memory_space<vmem>> -> memref<64xi32, #tpu.memory_space<vmem>>
      %dma_wait3A_936 = arith.constant 0 : i32
      %dma_wait3A_937 = arith.constant 0 : i32
      %dma_wait3A_938 = tpu.memref_slice %arg5[%dma_wait3A_936, %dma_wait3A_937] : memref<1000x128xf32, #tpu.memory_space<vmem_shared>> -> memref<1000x128xf32, #tpu.memory_space<vmem_shared>>
      tpu.wait_indirect_dma semaphore(%arg9 : memref<!tpu.dma_semaphore, #tpu.memory_space<semaphore_mem>>) src(%dma_wait3A_938 : memref<1000x128xf32, #tpu.memory_space<vmem_shared>>) dst(%dma_wait3A_932 : memref<64x128xf32, #tpu.memory_space<vmem>>)
      %mul3A_939 = arith.constant 1024 : i32
      %mul3A_940 = arith.muli %mul3A_7, %mul3A_939 : i32
      %add3A_941 = arith.constant 1088 : i32
      %add3A_942 = arith.addi %mul3A_940, %add3A_941 : i32
      %dma_start3A_943 = arith.constant 1 : i32
      %dma_start3A_944 = arith.constant 0 : i32
      %dma_start3A_945 = arith.constant 0 : i32
      %dma_start3A_946 = tpu.memref_slice %arg7[%dma_start3A_943, %dma_start3A_944, %dma_start3A_945] : memref<8x64x128xf32, #tpu.memory_space<vmem>> -> memref<1x64x128xf32, #tpu.memory_space<vmem>>
      %dma_start3A_947 = tpu.memref_squeeze %dma_start3A_946 : memref<1x64x128xf32, #tpu.memory_space<vmem>> -> memref<64x128xf32, #tpu.memory_space<vmem>>
      %dma_start3A_948 = arith.constant 0 : i32
      %dma_start3A_949 = tpu.memref_slice %arg4[%add3A_942, %dma_start3A_948] : memref<51200x128xf32, #tpu.memory_space<hbm>> -> memref<64x128xf32, #tpu.memory_space<hbm>>
      %dma_start3A_950 = arith.constant 0 : i32
      %dma_start3A_951 = tpu.memref_slice %arg4[%add3A_942, %dma_start3A_950] : memref<51200x128xf32, #tpu.memory_space<hbm>> -> memref<64x128xf32, #tpu.memory_space<hbm>>
      %dma_start3A_952 = arith.constant 0 : i32
      %dma_start3A_953 = arith.constant 0 : i32
      %dma_start3A_954 = tpu.memref_slice %arg7[%dma_start3A_943, %dma_start3A_952, %dma_start3A_953] : memref<8x64x128xf32, #tpu.memory_space<vmem>> -> memref<1x64x128xf32, #tpu.memory_space<vmem>>
      %dma_start3A_955 = tpu.memref_squeeze %dma_start3A_954 : memref<1x64x128xf32, #tpu.memory_space<vmem>> -> memref<64x128xf32, #tpu.memory_space<vmem>>
      tpu.enqueue_dma source(%dma_start3A_955 : memref<64x128xf32, #tpu.memory_space<vmem>>) target(%dma_start3A_951 : memref<64x128xf32, #tpu.memory_space<hbm>>) target_semaphore(%arg17 : memref<!tpu.dma_semaphore, #tpu.memory_space<semaphore_mem>>)
      %dma_wait3A_956 = arith.constant 5 : i32
      %dma_wait3A_957 = arith.constant 0 : i32
      %dma_wait3A_958 = arith.constant 0 : i32
      %dma_wait3A_959 = tpu.memref_slice %arg7[%dma_wait3A_956, %dma_wait3A_957, %dma_wait3A_958] : memref<8x64x128xf32, #tpu.memory_space<vmem>> -> memref<1x64x128xf32, #tpu.memory_space<vmem>>
      %dma_wait3A_960 = tpu.memref_squeeze %dma_wait3A_959 : memref<1x64x128xf32, #tpu.memory_space<vmem>> -> memref<64x128xf32, #tpu.memory_space<vmem>>
      %dma_wait3A_961 = arith.constant 0 : i32
      %dma_wait3A_962 = tpu.memref_slice %arg4[%add3A_726, %dma_wait3A_961] : memref<51200x128xf32, #tpu.memory_space<hbm>> -> memref<64x128xf32, #tpu.memory_space<hbm>>
      %dma_wait3A_963 = arith.constant 0 : i32
      %dma_wait3A_964 = tpu.memref_slice %arg4[%add3A_726, %dma_wait3A_963] : memref<51200x128xf32, #tpu.memory_space<hbm>> -> memref<64x128xf32, #tpu.memory_space<hbm>>
      %dma_wait3A_965 = arith.constant 0 : i32
      %dma_wait3A_966 = arith.constant 0 : i32
      %dma_wait3A_967 = tpu.memref_slice %arg7[%dma_wait3A_956, %dma_wait3A_965, %dma_wait3A_966] : memref<8x64x128xf32, #tpu.memory_space<vmem>> -> memref<1x64x128xf32, #tpu.memory_space<vmem>>
      %dma_wait3A_968 = tpu.memref_squeeze %dma_wait3A_967 : memref<1x64x128xf32, #tpu.memory_space<vmem>> -> memref<64x128xf32, #tpu.memory_space<vmem>>
      tpu.wait_dma2 semaphore(%arg21 : memref<!tpu.dma_semaphore, #tpu.memory_space<semaphore_mem>>) src(%dma_wait3A_968 : memref<64x128xf32, #tpu.memory_space<vmem>>) dst(%dma_wait3A_964 : memref<64x128xf32, #tpu.memory_space<hbm>>)
      %dma_start3A_969 = arith.constant 21 : i32
      %dma_start3A_970 = arith.constant 5 : i32
      %dma_start3A_971 = arith.constant 0 : i32
      %dma_start3A_972 = arith.constant 0 : i32
      %dma_start3A_973 = tpu.memref_slice %arg7[%dma_start3A_970, %dma_start3A_971, %dma_start3A_972] : memref<8x64x128xf32, #tpu.memory_space<vmem>> -> memref<1x64x128xf32, #tpu.memory_space<vmem>>
      %dma_start3A_974 = tpu.memref_squeeze %dma_start3A_973 : memref<1x64x128xf32, #tpu.memory_space<vmem>> -> memref<64x128xf32, #tpu.memory_space<vmem>>
      %dma_start3A_975 = arith.constant 0 : i32
      %dma_start3A_976 = tpu.memref_slice %arg6[%dma_start3A_969, %dma_start3A_975] : memref<32x64xi32, #tpu.memory_space<vmem>> -> memref<1x64xi32, #tpu.memory_space<vmem>>
      %dma_start3A_977 = tpu.memref_squeeze %dma_start3A_976 : memref<1x64xi32, #tpu.memory_space<vmem>> -> memref<64xi32, #tpu.memory_space<vmem>>
      %dma_start3A_978 = arith.constant 0 : i32
      %dma_start3A_979 = arith.constant 0 : i32
      %dma_start3A_980 = tpu.memref_slice %arg5[%dma_start3A_978, %dma_start3A_979] : memref<1000x128xf32, #tpu.memory_space<vmem_shared>> -> memref<1000x128xf32, #tpu.memory_space<vmem_shared>>
      tpu.enqueue_indirect_dma source(%dma_start3A_980 : memref<1000x128xf32, #tpu.memory_space<vmem_shared>>) target(%dma_start3A_974 : memref<64x128xf32, #tpu.memory_space<vmem>>) offsets(%dma_start3A_977 : memref<64xi32, #tpu.memory_space<vmem>>) semaphore(%arg13 : memref<!tpu.dma_semaphore, #tpu.memory_space<semaphore_mem>>)
      %dma_wait3A_981 = arith.constant 18 : i32
      %dma_wait3A_982 = arith.constant 2 : i32
      %dma_wait3A_983 = arith.constant 0 : i32
      %dma_wait3A_984 = arith.constant 0 : i32
      %dma_wait3A_985 = tpu.memref_slice %arg7[%dma_wait3A_982, %dma_wait3A_983, %dma_wait3A_984] : memref<8x64x128xf32, #tpu.memory_space<vmem>> -> memref<1x64x128xf32, #tpu.memory_space<vmem>>
      %dma_wait3A_986 = tpu.memref_squeeze %dma_wait3A_985 : memref<1x64x128xf32, #tpu.memory_space<vmem>> -> memref<64x128xf32, #tpu.memory_space<vmem>>
      %dma_wait3A_987 = arith.constant 0 : i32
      %dma_wait3A_988 = tpu.memref_slice %arg6[%dma_wait3A_981, %dma_wait3A_987] : memref<32x64xi32, #tpu.memory_space<vmem>> -> memref<1x64xi32, #tpu.memory_space<vmem>>
      %dma_wait3A_989 = tpu.memref_squeeze %dma_wait3A_988 : memref<1x64xi32, #tpu.memory_space<vmem>> -> memref<64xi32, #tpu.memory_space<vmem>>
      %dma_wait3A_990 = arith.constant 0 : i32
      %dma_wait3A_991 = arith.constant 0 : i32
      %dma_wait3A_992 = tpu.memref_slice %arg5[%dma_wait3A_990, %dma_wait3A_991] : memref<1000x128xf32, #tpu.memory_space<vmem_shared>> -> memref<1000x128xf32, #tpu.memory_space<vmem_shared>>
      tpu.wait_indirect_dma semaphore(%arg10 : memref<!tpu.dma_semaphore, #tpu.memory_space<semaphore_mem>>) src(%dma_wait3A_992 : memref<1000x128xf32, #tpu.memory_space<vmem_shared>>) dst(%dma_wait3A_986 : memref<64x128xf32, #tpu.memory_space<vmem>>)
      %mul3A_993 = arith.constant 1024 : i32
      %mul3A_994 = arith.muli %mul3A_7, %mul3A_993 : i32
      %add3A_995 = arith.constant 1152 : i32
      %add3A_996 = arith.addi %mul3A_994, %add3A_995 : i32
      %dma_start3A_997 = arith.constant 2 : i32
      %dma_start3A_998 = arith.constant 0 : i32
      %dma_start3A_999 = arith.constant 0 : i32
      %dma_start3A_1000 = tpu.memref_slice %arg7[%dma_start3A_997, %dma_start3A_998, %dma_start3A_999] : memref<8x64x128xf32, #tpu.memory_space<vmem>> -> memref<1x64x128xf32, #tpu.memory_space<vmem>>
      %dma_start3A_1001 = tpu.memref_squeeze %dma_start3A_1000 : memref<1x64x128xf32, #tpu.memory_space<vmem>> -> memref<64x128xf32, #tpu.memory_space<vmem>>
      %dma_start3A_1002 = arith.constant 0 : i32
      %dma_start3A_1003 = tpu.memref_slice %arg4[%add3A_996, %dma_start3A_1002] : memref<51200x128xf32, #tpu.memory_space<hbm>> -> memref<64x128xf32, #tpu.memory_space<hbm>>
      %dma_start3A_1004 = arith.constant 0 : i32
      %dma_start3A_1005 = tpu.memref_slice %arg4[%add3A_996, %dma_start3A_1004] : memref<51200x128xf32, #tpu.memory_space<hbm>> -> memref<64x128xf32, #tpu.memory_space<hbm>>
      %dma_start3A_1006 = arith.constant 0 : i32
      %dma_start3A_1007 = arith.constant 0 : i32
      %dma_start3A_1008 = tpu.memref_slice %arg7[%dma_start3A_997, %dma_start3A_1006, %dma_start3A_1007] : memref<8x64x128xf32, #tpu.memory_space<vmem>> -> memref<1x64x128xf32, #tpu.memory_space<vmem>>
      %dma_start3A_1009 = tpu.memref_squeeze %dma_start3A_1008 : memref<1x64x128xf32, #tpu.memory_space<vmem>> -> memref<64x128xf32, #tpu.memory_space<vmem>>
      tpu.enqueue_dma source(%dma_start3A_1009 : memref<64x128xf32, #tpu.memory_space<vmem>>) target(%dma_start3A_1005 : memref<64x128xf32, #tpu.memory_space<hbm>>) target_semaphore(%arg18 : memref<!tpu.dma_semaphore, #tpu.memory_space<semaphore_mem>>)
      %dma_wait3A_1010 = arith.constant 6 : i32
      %dma_wait3A_1011 = arith.constant 0 : i32
      %dma_wait3A_1012 = arith.constant 0 : i32
      %dma_wait3A_1013 = tpu.memref_slice %arg7[%dma_wait3A_1010, %dma_wait3A_1011, %dma_wait3A_1012] : memref<8x64x128xf32, #tpu.memory_space<vmem>> -> memref<1x64x128xf32, #tpu.memory_space<vmem>>
      %dma_wait3A_1014 = tpu.memref_squeeze %dma_wait3A_1013 : memref<1x64x128xf32, #tpu.memory_space<vmem>> -> memref<64x128xf32, #tpu.memory_space<vmem>>
      %dma_wait3A_1015 = arith.constant 0 : i32
      %dma_wait3A_1016 = tpu.memref_slice %arg4[%add3A_780, %dma_wait3A_1015] : memref<51200x128xf32, #tpu.memory_space<hbm>> -> memref<64x128xf32, #tpu.memory_space<hbm>>
      %dma_wait3A_1017 = arith.constant 0 : i32
      %dma_wait3A_1018 = tpu.memref_slice %arg4[%add3A_780, %dma_wait3A_1017] : memref<51200x128xf32, #tpu.memory_space<hbm>> -> memref<64x128xf32, #tpu.memory_space<hbm>>
      %dma_wait3A_1019 = arith.constant 0 : i32
      %dma_wait3A_1020 = arith.constant 0 : i32
      %dma_wait3A_1021 = tpu.memref_slice %arg7[%dma_wait3A_1010, %dma_wait3A_1019, %dma_wait3A_1020] : memref<8x64x128xf32, #tpu.memory_space<vmem>> -> memref<1x64x128xf32, #tpu.memory_space<vmem>>
      %dma_wait3A_1022 = tpu.memref_squeeze %dma_wait3A_1021 : memref<1x64x128xf32, #tpu.memory_space<vmem>> -> memref<64x128xf32, #tpu.memory_space<vmem>>
      tpu.wait_dma2 semaphore(%arg22 : memref<!tpu.dma_semaphore, #tpu.memory_space<semaphore_mem>>) src(%dma_wait3A_1022 : memref<64x128xf32, #tpu.memory_space<vmem>>) dst(%dma_wait3A_1018 : memref<64x128xf32, #tpu.memory_space<hbm>>)
      %dma_start3A_1023 = arith.constant 22 : i32
      %dma_start3A_1024 = arith.constant 6 : i32
      %dma_start3A_1025 = arith.constant 0 : i32
      %dma_start3A_1026 = arith.constant 0 : i32
      %dma_start3A_1027 = tpu.memref_slice %arg7[%dma_start3A_1024, %dma_start3A_1025, %dma_start3A_1026] : memref<8x64x128xf32, #tpu.memory_space<vmem>> -> memref<1x64x128xf32, #tpu.memory_space<vmem>>
      %dma_start3A_1028 = tpu.memref_squeeze %dma_start3A_1027 : memref<1x64x128xf32, #tpu.memory_space<vmem>> -> memref<64x128xf32, #tpu.memory_space<vmem>>
      %dma_start3A_1029 = arith.constant 0 : i32
      %dma_start3A_1030 = tpu.memref_slice %arg6[%dma_start3A_1023, %dma_start3A_1029] : memref<32x64xi32, #tpu.memory_space<vmem>> -> memref<1x64xi32, #tpu.memory_space<vmem>>
      %dma_start3A_1031 = tpu.memref_squeeze %dma_start3A_1030 : memref<1x64xi32, #tpu.memory_space<vmem>> -> memref<64xi32, #tpu.memory_space<vmem>>
      %dma_start3A_1032 = arith.constant 0 : i32
      %dma_start3A_1033 = arith.constant 0 : i32
      %dma_start3A_1034 = tpu.memref_slice %arg5[%dma_start3A_1032, %dma_start3A_1033] : memref<1000x128xf32, #tpu.memory_space<vmem_shared>> -> memref<1000x128xf32, #tpu.memory_space<vmem_shared>>
      tpu.enqueue_indirect_dma source(%dma_start3A_1034 : memref<1000x128xf32, #tpu.memory_space<vmem_shared>>) target(%dma_start3A_1028 : memref<64x128xf32, #tpu.memory_space<vmem>>) offsets(%dma_start3A_1031 : memref<64xi32, #tpu.memory_space<vmem>>) semaphore(%arg14 : memref<!tpu.dma_semaphore, #tpu.memory_space<semaphore_mem>>)
      %dma_wait3A_1035 = arith.constant 19 : i32
      %dma_wait3A_1036 = arith.constant 3 : i32
      %dma_wait3A_1037 = arith.constant 0 : i32
      %dma_wait3A_1038 = arith.constant 0 : i32
      %dma_wait3A_1039 = tpu.memref_slice %arg7[%dma_wait3A_1036, %dma_wait3A_1037, %dma_wait3A_1038] : memref<8x64x128xf32, #tpu.memory_space<vmem>> -> memref<1x64x128xf32, #tpu.memory_space<vmem>>
      %dma_wait3A_1040 = tpu.memref_squeeze %dma_wait3A_1039 : memref<1x64x128xf32, #tpu.memory_space<vmem>> -> memref<64x128xf32, #tpu.memory_space<vmem>>
      %dma_wait3A_1041 = arith.constant 0 : i32
      %dma_wait3A_1042 = tpu.memref_slice %arg6[%dma_wait3A_1035, %dma_wait3A_1041] : memref<32x64xi32, #tpu.memory_space<vmem>> -> memref<1x64xi32, #tpu.memory_space<vmem>>
      %dma_wait3A_1043 = tpu.memref_squeeze %dma_wait3A_1042 : memref<1x64xi32, #tpu.memory_space<vmem>> -> memref<64xi32, #tpu.memory_space<vmem>>
      %dma_wait3A_1044 = arith.constant 0 : i32
      %dma_wait3A_1045 = arith.constant 0 : i32
      %dma_wait3A_1046 = tpu.memref_slice %arg5[%dma_wait3A_1044, %dma_wait3A_1045] : memref<1000x128xf32, #tpu.memory_space<vmem_shared>> -> memref<1000x128xf32, #tpu.memory_space<vmem_shared>>
      tpu.wait_indirect_dma semaphore(%arg11 : memref<!tpu.dma_semaphore, #tpu.memory_space<semaphore_mem>>) src(%dma_wait3A_1046 : memref<1000x128xf32, #tpu.memory_space<vmem_shared>>) dst(%dma_wait3A_1040 : memref<64x128xf32, #tpu.memory_space<vmem>>)
      %mul3A_1047 = arith.constant 1024 : i32
      %mul3A_1048 = arith.muli %mul3A_7, %mul3A_1047 : i32
      %add3A_1049 = arith.constant 1216 : i32
      %add3A_1050 = arith.addi %mul3A_1048, %add3A_1049 : i32
      %dma_start3A_1051 = arith.constant 3 : i32
      %dma_start3A_1052 = arith.constant 0 : i32
      %dma_start3A_1053 = arith.constant 0 : i32
      %dma_start3A_1054 = tpu.memref_slice %arg7[%dma_start3A_1051, %dma_start3A_1052, %dma_start3A_1053] : memref<8x64x128xf32, #tpu.memory_space<vmem>> -> memref<1x64x128xf32, #tpu.memory_space<vmem>>
      %dma_start3A_1055 = tpu.memref_squeeze %dma_start3A_1054 : memref<1x64x128xf32, #tpu.memory_space<vmem>> -> memref<64x128xf32, #tpu.memory_space<vmem>>
      %dma_start3A_1056 = arith.constant 0 : i32
      %dma_start3A_1057 = tpu.memref_slice %arg4[%add3A_1050, %dma_start3A_1056] : memref<51200x128xf32, #tpu.memory_space<hbm>> -> memref<64x128xf32, #tpu.memory_space<hbm>>
      %dma_start3A_1058 = arith.constant 0 : i32
      %dma_start3A_1059 = tpu.memref_slice %arg4[%add3A_1050, %dma_start3A_1058] : memref<51200x128xf32, #tpu.memory_space<hbm>> -> memref<64x128xf32, #tpu.memory_space<hbm>>
      %dma_start3A_1060 = arith.constant 0 : i32
      %dma_start3A_1061 = arith.constant 0 : i32
      %dma_start3A_1062 = tpu.memref_slice %arg7[%dma_start3A_1051, %dma_start3A_1060, %dma_start3A_1061] : memref<8x64x128xf32, #tpu.memory_space<vmem>> -> memref<1x64x128xf32, #tpu.memory_space<vmem>>
      %dma_start3A_1063 = tpu.memref_squeeze %dma_start3A_1062 : memref<1x64x128xf32, #tpu.memory_space<vmem>> -> memref<64x128xf32, #tpu.memory_space<vmem>>
      tpu.enqueue_dma source(%dma_start3A_1063 : memref<64x128xf32, #tpu.memory_space<vmem>>) target(%dma_start3A_1059 : memref<64x128xf32, #tpu.memory_space<hbm>>) target_semaphore(%arg19 : memref<!tpu.dma_semaphore, #tpu.memory_space<semaphore_mem>>)
      %dma_wait3A_1064 = arith.constant 7 : i32
      %dma_wait3A_1065 = arith.constant 0 : i32
      %dma_wait3A_1066 = arith.constant 0 : i32
      %dma_wait3A_1067 = tpu.memref_slice %arg7[%dma_wait3A_1064, %dma_wait3A_1065, %dma_wait3A_1066] : memref<8x64x128xf32, #tpu.memory_space<vmem>> -> memref<1x64x128xf32, #tpu.memory_space<vmem>>
      %dma_wait3A_1068 = tpu.memref_squeeze %dma_wait3A_1067 : memref<1x64x128xf32, #tpu.memory_space<vmem>> -> memref<64x128xf32, #tpu.memory_space<vmem>>
      %dma_wait3A_1069 = arith.constant 0 : i32
      %dma_wait3A_1070 = tpu.memref_slice %arg4[%add3A_834, %dma_wait3A_1069] : memref<51200x128xf32, #tpu.memory_space<hbm>> -> memref<64x128xf32, #tpu.memory_space<hbm>>
      %dma_wait3A_1071 = arith.constant 0 : i32
      %dma_wait3A_1072 = tpu.memref_slice %arg4[%add3A_834, %dma_wait3A_1071] : memref<51200x128xf32, #tpu.memory_space<hbm>> -> memref<64x128xf32, #tpu.memory_space<hbm>>
      %dma_wait3A_1073 = arith.constant 0 : i32
      %dma_wait3A_1074 = arith.constant 0 : i32
      %dma_wait3A_1075 = tpu.memref_slice %arg7[%dma_wait3A_1064, %dma_wait3A_1073, %dma_wait3A_1074] : memref<8x64x128xf32, #tpu.memory_space<vmem>> -> memref<1x64x128xf32, #tpu.memory_space<vmem>>
      %dma_wait3A_1076 = tpu.memref_squeeze %dma_wait3A_1075 : memref<1x64x128xf32, #tpu.memory_space<vmem>> -> memref<64x128xf32, #tpu.memory_space<vmem>>
      tpu.wait_dma2 semaphore(%arg23 : memref<!tpu.dma_semaphore, #tpu.memory_space<semaphore_mem>>) src(%dma_wait3A_1076 : memref<64x128xf32, #tpu.memory_space<vmem>>) dst(%dma_wait3A_1072 : memref<64x128xf32, #tpu.memory_space<hbm>>)
      %dma_start3A_1077 = arith.constant 23 : i32
      %dma_start3A_1078 = arith.constant 7 : i32
      %dma_start3A_1079 = arith.constant 0 : i32
      %dma_start3A_1080 = arith.constant 0 : i32
      %dma_start3A_1081 = tpu.memref_slice %arg7[%dma_start3A_1078, %dma_start3A_1079, %dma_start3A_1080] : memref<8x64x128xf32, #tpu.memory_space<vmem>> -> memref<1x64x128xf32, #tpu.memory_space<vmem>>
      %dma_start3A_1082 = tpu.memref_squeeze %dma_start3A_1081 : memref<1x64x128xf32, #tpu.memory_space<vmem>> -> memref<64x128xf32, #tpu.memory_space<vmem>>
      %dma_start3A_1083 = arith.constant 0 : i32
      %dma_start3A_1084 = tpu.memref_slice %arg6[%dma_start3A_1077, %dma_start3A_1083] : memref<32x64xi32, #tpu.memory_space<vmem>> -> memref<1x64xi32, #tpu.memory_space<vmem>>
      %dma_start3A_1085 = tpu.memref_squeeze %dma_start3A_1084 : memref<1x64xi32, #tpu.memory_space<vmem>> -> memref<64xi32, #tpu.memory_space<vmem>>
      %dma_start3A_1086 = arith.constant 0 : i32
      %dma_start3A_1087 = arith.constant 0 : i32
      %dma_start3A_1088 = tpu.memref_slice %arg5[%dma_start3A_1086, %dma_start3A_1087] : memref<1000x128xf32, #tpu.memory_space<vmem_shared>> -> memref<1000x128xf32, #tpu.memory_space<vmem_shared>>
      tpu.enqueue_indirect_dma source(%dma_start3A_1088 : memref<1000x128xf32, #tpu.memory_space<vmem_shared>>) target(%dma_start3A_1082 : memref<64x128xf32, #tpu.memory_space<vmem>>) offsets(%dma_start3A_1085 : memref<64xi32, #tpu.memory_space<vmem>>) semaphore(%arg15 : memref<!tpu.dma_semaphore, #tpu.memory_space<semaphore_mem>>)
      %dma_wait3A_1089 = arith.constant 20 : i32
      %dma_wait3A_1090 = arith.constant 4 : i32
      %dma_wait3A_1091 = arith.constant 0 : i32
      %dma_wait3A_1092 = arith.constant 0 : i32
      %dma_wait3A_1093 = tpu.memref_slice %arg7[%dma_wait3A_1090, %dma_wait3A_1091, %dma_wait3A_1092] : memref<8x64x128xf32, #tpu.memory_space<vmem>> -> memref<1x64x128xf32, #tpu.memory_space<vmem>>
      %dma_wait3A_1094 = tpu.memref_squeeze %dma_wait3A_1093 : memref<1x64x128xf32, #tpu.memory_space<vmem>> -> memref<64x128xf32, #tpu.memory_space<vmem>>
      %dma_wait3A_1095 = arith.constant 0 : i32
      %dma_wait3A_1096 = tpu.memref_slice %arg6[%dma_wait3A_1089, %dma_wait3A_1095] : memref<32x64xi32, #tpu.memory_space<vmem>> -> memref<1x64xi32, #tpu.memory_space<vmem>>
      %dma_wait3A_1097 = tpu.memref_squeeze %dma_wait3A_1096 : memref<1x64xi32, #tpu.memory_space<vmem>> -> memref<64xi32, #tpu.memory_space<vmem>>
      %dma_wait3A_1098 = arith.constant 0 : i32
      %dma_wait3A_1099 = arith.constant 0 : i32
      %dma_wait3A_1100 = tpu.memref_slice %arg5[%dma_wait3A_1098, %dma_wait3A_1099] : memref<1000x128xf32, #tpu.memory_space<vmem_shared>> -> memref<1000x128xf32, #tpu.memory_space<vmem_shared>>
      tpu.wait_indirect_dma semaphore(%arg12 : memref<!tpu.dma_semaphore, #tpu.memory_space<semaphore_mem>>) src(%dma_wait3A_1100 : memref<1000x128xf32, #tpu.memory_space<vmem_shared>>) dst(%dma_wait3A_1094 : memref<64x128xf32, #tpu.memory_space<vmem>>)
      %mul3A_1101 = arith.constant 1024 : i32
      %mul3A_1102 = arith.muli %mul3A_7, %mul3A_1101 : i32
      %add3A_1103 = arith.constant 1280 : i32
      %add3A_1104 = arith.addi %mul3A_1102, %add3A_1103 : i32
      %dma_start3A_1105 = arith.constant 4 : i32
      %dma_start3A_1106 = arith.constant 0 : i32
      %dma_start3A_1107 = arith.constant 0 : i32
      %dma_start3A_1108 = tpu.memref_slice %arg7[%dma_start3A_1105, %dma_start3A_1106, %dma_start3A_1107] : memref<8x64x128xf32, #tpu.memory_space<vmem>> -> memref<1x64x128xf32, #tpu.memory_space<vmem>>
      %dma_start3A_1109 = tpu.memref_squeeze %dma_start3A_1108 : memref<1x64x128xf32, #tpu.memory_space<vmem>> -> memref<64x128xf32, #tpu.memory_space<vmem>>
      %dma_start3A_1110 = arith.constant 0 : i32
      %dma_start3A_1111 = tpu.memref_slice %arg4[%add3A_1104, %dma_start3A_1110] : memref<51200x128xf32, #tpu.memory_space<hbm>> -> memref<64x128xf32, #tpu.memory_space<hbm>>
      %dma_start3A_1112 = arith.constant 0 : i32
      %dma_start3A_1113 = tpu.memref_slice %arg4[%add3A_1104, %dma_start3A_1112] : memref<51200x128xf32, #tpu.memory_space<hbm>> -> memref<64x128xf32, #tpu.memory_space<hbm>>
      %dma_start3A_1114 = arith.constant 0 : i32
      %dma_start3A_1115 = arith.constant 0 : i32
      %dma_start3A_1116 = tpu.memref_slice %arg7[%dma_start3A_1105, %dma_start3A_1114, %dma_start3A_1115] : memref<8x64x128xf32, #tpu.memory_space<vmem>> -> memref<1x64x128xf32, #tpu.memory_space<vmem>>
      %dma_start3A_1117 = tpu.memref_squeeze %dma_start3A_1116 : memref<1x64x128xf32, #tpu.memory_space<vmem>> -> memref<64x128xf32, #tpu.memory_space<vmem>>
      tpu.enqueue_dma source(%dma_start3A_1117 : memref<64x128xf32, #tpu.memory_space<vmem>>) target(%dma_start3A_1113 : memref<64x128xf32, #tpu.memory_space<hbm>>) target_semaphore(%arg20 : memref<!tpu.dma_semaphore, #tpu.memory_space<semaphore_mem>>)
      %dma_wait3A_1118 = arith.constant 0 : i32
      %dma_wait3A_1119 = arith.constant 0 : i32
      %dma_wait3A_1120 = arith.constant 0 : i32
      %dma_wait3A_1121 = tpu.memref_slice %arg7[%dma_wait3A_1118, %dma_wait3A_1119, %dma_wait3A_1120] : memref<8x64x128xf32, #tpu.memory_space<vmem>> -> memref<1x64x128xf32, #tpu.memory_space<vmem>>
      %dma_wait3A_1122 = tpu.memref_squeeze %dma_wait3A_1121 : memref<1x64x128xf32, #tpu.memory_space<vmem>> -> memref<64x128xf32, #tpu.memory_space<vmem>>
      %dma_wait3A_1123 = arith.constant 0 : i32
      %dma_wait3A_1124 = tpu.memref_slice %arg4[%add3A_888, %dma_wait3A_1123] : memref<51200x128xf32, #tpu.memory_space<hbm>> -> memref<64x128xf32, #tpu.memory_space<hbm>>
      %dma_wait3A_1125 = arith.constant 0 : i32
      %dma_wait3A_1126 = tpu.memref_slice %arg4[%add3A_888, %dma_wait3A_1125] : memref<51200x128xf32, #tpu.memory_space<hbm>> -> memref<64x128xf32, #tpu.memory_space<hbm>>
      %dma_wait3A_1127 = arith.constant 0 : i32
      %dma_wait3A_1128 = arith.constant 0 : i32
      %dma_wait3A_1129 = tpu.memref_slice %arg7[%dma_wait3A_1118, %dma_wait3A_1127, %dma_wait3A_1128] : memref<8x64x128xf32, #tpu.memory_space<vmem>> -> memref<1x64x128xf32, #tpu.memory_space<vmem>>
      %dma_wait3A_1130 = tpu.memref_squeeze %dma_wait3A_1129 : memref<1x64x128xf32, #tpu.memory_space<vmem>> -> memref<64x128xf32, #tpu.memory_space<vmem>>
      tpu.wait_dma2 semaphore(%arg16 : memref<!tpu.dma_semaphore, #tpu.memory_space<semaphore_mem>>) src(%dma_wait3A_1130 : memref<64x128xf32, #tpu.memory_space<vmem>>) dst(%dma_wait3A_1126 : memref<64x128xf32, #tpu.memory_space<hbm>>)
      %dma_start3A_1131 = arith.constant 24 : i32
      %dma_start3A_1132 = arith.constant 0 : i32
      %dma_start3A_1133 = arith.constant 0 : i32
      %dma_start3A_1134 = arith.constant 0 : i32
      %dma_start3A_1135 = tpu.memref_slice %arg7[%dma_start3A_1132, %dma_start3A_1133, %dma_start3A_1134] : memref<8x64x128xf32, #tpu.memory_space<vmem>> -> memref<1x64x128xf32, #tpu.memory_space<vmem>>
      %dma_start3A_1136 = tpu.memref_squeeze %dma_start3A_1135 : memref<1x64x128xf32, #tpu.memory_space<vmem>> -> memref<64x128xf32, #tpu.memory_space<vmem>>
      %dma_start3A_1137 = arith.constant 0 : i32
      %dma_start3A_1138 = tpu.memref_slice %arg6[%dma_start3A_1131, %dma_start3A_1137] : memref<32x64xi32, #tpu.memory_space<vmem>> -> memref<1x64xi32, #tpu.memory_space<vmem>>
      %dma_start3A_1139 = tpu.memref_squeeze %dma_start3A_1138 : memref<1x64xi32, #tpu.memory_space<vmem>> -> memref<64xi32, #tpu.memory_space<vmem>>
      %dma_start3A_1140 = arith.constant 0 : i32
      %dma_start3A_1141 = arith.constant 0 : i32
      %dma_start3A_1142 = tpu.memref_slice %arg5[%dma_start3A_1140, %dma_start3A_1141] : memref<1000x128xf32, #tpu.memory_space<vmem_shared>> -> memref<1000x128xf32, #tpu.memory_space<vmem_shared>>
      tpu.enqueue_indirect_dma source(%dma_start3A_1142 : memref<1000x128xf32, #tpu.memory_space<vmem_shared>>) target(%dma_start3A_1136 : memref<64x128xf32, #tpu.memory_space<vmem>>) offsets(%dma_start3A_1139 : memref<64xi32, #tpu.memory_space<vmem>>) semaphore(%arg8 : memref<!tpu.dma_semaphore, #tpu.memory_space<semaphore_mem>>)
      %dma_wait3A_1143 = arith.constant 21 : i32
      %dma_wait3A_1144 = arith.constant 5 : i32
      %dma_wait3A_1145 = arith.constant 0 : i32
      %dma_wait3A_1146 = arith.constant 0 : i32
      %dma_wait3A_1147 = tpu.memref_slice %arg7[%dma_wait3A_1144, %dma_wait3A_1145, %dma_wait3A_1146] : memref<8x64x128xf32, #tpu.memory_space<vmem>> -> memref<1x64x128xf32, #tpu.memory_space<vmem>>
      %dma_wait3A_1148 = tpu.memref_squeeze %dma_wait3A_1147 : memref<1x64x128xf32, #tpu.memory_space<vmem>> -> memref<64x128xf32, #tpu.memory_space<vmem>>
      %dma_wait3A_1149 = arith.constant 0 : i32
      %dma_wait3A_1150 = tpu.memref_slice %arg6[%dma_wait3A_1143, %dma_wait3A_1149] : memref<32x64xi32, #tpu.memory_space<vmem>> -> memref<1x64xi32, #tpu.memory_space<vmem>>
      %dma_wait3A_1151 = tpu.memref_squeeze %dma_wait3A_1150 : memref<1x64xi32, #tpu.memory_space<vmem>> -> memref<64xi32, #tpu.memory_space<vmem>>
      %dma_wait3A_1152 = arith.constant 0 : i32
      %dma_wait3A_1153 = arith.constant 0 : i32
      %dma_wait3A_1154 = tpu.memref_slice %arg5[%dma_wait3A_1152, %dma_wait3A_1153] : memref<1000x128xf32, #tpu.memory_space<vmem_shared>> -> memref<1000x128xf32, #tpu.memory_space<vmem_shared>>
      tpu.wait_indirect_dma semaphore(%arg13 : memref<!tpu.dma_semaphore, #tpu.memory_space<semaphore_mem>>) src(%dma_wait3A_1154 : memref<1000x128xf32, #tpu.memory_space<vmem_shared>>) dst(%dma_wait3A_1148 : memref<64x128xf32, #tpu.memory_space<vmem>>)
      %mul3A_1155 = arith.constant 1024 : i32
      %mul3A_1156 = arith.muli %mul3A_7, %mul3A_1155 : i32
      %add3A_1157 = arith.constant 1344 : i32
      %add3A_1158 = arith.addi %mul3A_1156, %add3A_1157 : i32
      %dma_start3A_1159 = arith.constant 5 : i32
      %dma_start3A_1160 = arith.constant 0 : i32
      %dma_start3A_1161 = arith.constant 0 : i32
      %dma_start3A_1162 = tpu.memref_slice %arg7[%dma_start3A_1159, %dma_start3A_1160, %dma_start3A_1161] : memref<8x64x128xf32, #tpu.memory_space<vmem>> -> memref<1x64x128xf32, #tpu.memory_space<vmem>>
      %dma_start3A_1163 = tpu.memref_squeeze %dma_start3A_1162 : memref<1x64x128xf32, #tpu.memory_space<vmem>> -> memref<64x128xf32, #tpu.memory_space<vmem>>
      %dma_start3A_1164 = arith.constant 0 : i32
      %dma_start3A_1165 = tpu.memref_slice %arg4[%add3A_1158, %dma_start3A_1164] : memref<51200x128xf32, #tpu.memory_space<hbm>> -> memref<64x128xf32, #tpu.memory_space<hbm>>
      %dma_start3A_1166 = arith.constant 0 : i32
      %dma_start3A_1167 = tpu.memref_slice %arg4[%add3A_1158, %dma_start3A_1166] : memref<51200x128xf32, #tpu.memory_space<hbm>> -> memref<64x128xf32, #tpu.memory_space<hbm>>
      %dma_start3A_1168 = arith.constant 0 : i32
      %dma_start3A_1169 = arith.constant 0 : i32
      %dma_start3A_1170 = tpu.memref_slice %arg7[%dma_start3A_1159, %dma_start3A_1168, %dma_start3A_1169] : memref<8x64x128xf32, #tpu.memory_space<vmem>> -> memref<1x64x128xf32, #tpu.memory_space<vmem>>
      %dma_start3A_1171 = tpu.memref_squeeze %dma_start3A_1170 : memref<1x64x128xf32, #tpu.memory_space<vmem>> -> memref<64x128xf32, #tpu.memory_space<vmem>>
      tpu.enqueue_dma source(%dma_start3A_1171 : memref<64x128xf32, #tpu.memory_space<vmem>>) target(%dma_start3A_1167 : memref<64x128xf32, #tpu.memory_space<hbm>>) target_semaphore(%arg21 : memref<!tpu.dma_semaphore, #tpu.memory_space<semaphore_mem>>)
      %dma_wait3A_1172 = arith.constant 1 : i32
      %dma_wait3A_1173 = arith.constant 0 : i32
      %dma_wait3A_1174 = arith.constant 0 : i32
      %dma_wait3A_1175 = tpu.memref_slice %arg7[%dma_wait3A_1172, %dma_wait3A_1173, %dma_wait3A_1174] : memref<8x64x128xf32, #tpu.memory_space<vmem>> -> memref<1x64x128xf32, #tpu.memory_space<vmem>>
      %dma_wait3A_1176 = tpu.memref_squeeze %dma_wait3A_1175 : memref<1x64x128xf32, #tpu.memory_space<vmem>> -> memref<64x128xf32, #tpu.memory_space<vmem>>
      %dma_wait3A_1177 = arith.constant 0 : i32
      %dma_wait3A_1178 = tpu.memref_slice %arg4[%add3A_942, %dma_wait3A_1177] : memref<51200x128xf32, #tpu.memory_space<hbm>> -> memref<64x128xf32, #tpu.memory_space<hbm>>
      %dma_wait3A_1179 = arith.constant 0 : i32
      %dma_wait3A_1180 = tpu.memref_slice %arg4[%add3A_942, %dma_wait3A_1179] : memref<51200x128xf32, #tpu.memory_space<hbm>> -> memref<64x128xf32, #tpu.memory_space<hbm>>
      %dma_wait3A_1181 = arith.constant 0 : i32
      %dma_wait3A_1182 = arith.constant 0 : i32
      %dma_wait3A_1183 = tpu.memref_slice %arg7[%dma_wait3A_1172, %dma_wait3A_1181, %dma_wait3A_1182] : memref<8x64x128xf32, #tpu.memory_space<vmem>> -> memref<1x64x128xf32, #tpu.memory_space<vmem>>
      %dma_wait3A_1184 = tpu.memref_squeeze %dma_wait3A_1183 : memref<1x64x128xf32, #tpu.memory_space<vmem>> -> memref<64x128xf32, #tpu.memory_space<vmem>>
      tpu.wait_dma2 semaphore(%arg17 : memref<!tpu.dma_semaphore, #tpu.memory_space<semaphore_mem>>) src(%dma_wait3A_1184 : memref<64x128xf32, #tpu.memory_space<vmem>>) dst(%dma_wait3A_1180 : memref<64x128xf32, #tpu.memory_space<hbm>>)
      %dma_start3A_1185 = arith.constant 25 : i32
      %dma_start3A_1186 = arith.constant 1 : i32
      %dma_start3A_1187 = arith.constant 0 : i32
      %dma_start3A_1188 = arith.constant 0 : i32
      %dma_start3A_1189 = tpu.memref_slice %arg7[%dma_start3A_1186, %dma_start3A_1187, %dma_start3A_1188] : memref<8x64x128xf32, #tpu.memory_space<vmem>> -> memref<1x64x128xf32, #tpu.memory_space<vmem>>
      %dma_start3A_1190 = tpu.memref_squeeze %dma_start3A_1189 : memref<1x64x128xf32, #tpu.memory_space<vmem>> -> memref<64x128xf32, #tpu.memory_space<vmem>>
      %dma_start3A_1191 = arith.constant 0 : i32
      %dma_start3A_1192 = tpu.memref_slice %arg6[%dma_start3A_1185, %dma_start3A_1191] : memref<32x64xi32, #tpu.memory_space<vmem>> -> memref<1x64xi32, #tpu.memory_space<vmem>>
      %dma_start3A_1193 = tpu.memref_squeeze %dma_start3A_1192 : memref<1x64xi32, #tpu.memory_space<vmem>> -> memref<64xi32, #tpu.memory_space<vmem>>
      %dma_start3A_1194 = arith.constant 0 : i32
      %dma_start3A_1195 = arith.constant 0 : i32
      %dma_start3A_1196 = tpu.memref_slice %arg5[%dma_start3A_1194, %dma_start3A_1195] : memref<1000x128xf32, #tpu.memory_space<vmem_shared>> -> memref<1000x128xf32, #tpu.memory_space<vmem_shared>>
      tpu.enqueue_indirect_dma source(%dma_start3A_1196 : memref<1000x128xf32, #tpu.memory_space<vmem_shared>>) target(%dma_start3A_1190 : memref<64x128xf32, #tpu.memory_space<vmem>>) offsets(%dma_start3A_1193 : memref<64xi32, #tpu.memory_space<vmem>>) semaphore(%arg9 : memref<!tpu.dma_semaphore, #tpu.memory_space<semaphore_mem>>)
      %dma_wait3A_1197 = arith.constant 22 : i32
      %dma_wait3A_1198 = arith.constant 6 : i32
      %dma_wait3A_1199 = arith.constant 0 : i32
      %dma_wait3A_1200 = arith.constant 0 : i32
      %dma_wait3A_1201 = tpu.memref_slice %arg7[%dma_wait3A_1198, %dma_wait3A_1199, %dma_wait3A_1200] : memref<8x64x128xf32, #tpu.memory_space<vmem>> -> memref<1x64x128xf32, #tpu.memory_space<vmem>>
      %dma_wait3A_1202 = tpu.memref_squeeze %dma_wait3A_1201 : memref<1x64x128xf32, #tpu.memory_space<vmem>> -> memref<64x128xf32, #tpu.memory_space<vmem>>
      %dma_wait3A_1203 = arith.constant 0 : i32
      %dma_wait3A_1204 = tpu.memref_slice %arg6[%dma_wait3A_1197, %dma_wait3A_1203] : memref<32x64xi32, #tpu.memory_space<vmem>> -> memref<1x64xi32, #tpu.memory_space<vmem>>
      %dma_wait3A_1205 = tpu.memref_squeeze %dma_wait3A_1204 : memref<1x64xi32, #tpu.memory_space<vmem>> -> memref<64xi32, #tpu.memory_space<vmem>>
      %dma_wait3A_1206 = arith.constant 0 : i32
      %dma_wait3A_1207 = arith.constant 0 : i32
      %dma_wait3A_1208 = tpu.memref_slice %arg5[%dma_wait3A_1206, %dma_wait3A_1207] : memref<1000x128xf32, #tpu.memory_space<vmem_shared>> -> memref<1000x128xf32, #tpu.memory_space<vmem_shared>>
      tpu.wait_indirect_dma semaphore(%arg14 : memref<!tpu.dma_semaphore, #tpu.memory_space<semaphore_mem>>) src(%dma_wait3A_1208 : memref<1000x128xf32, #tpu.memory_space<vmem_shared>>) dst(%dma_wait3A_1202 : memref<64x128xf32, #tpu.memory_space<vmem>>)
      %mul3A_1209 = arith.constant 1024 : i32
      %mul3A_1210 = arith.muli %mul3A_7, %mul3A_1209 : i32
      %add3A_1211 = arith.constant 1408 : i32
      %add3A_1212 = arith.addi %mul3A_1210, %add3A_1211 : i32
      %dma_start3A_1213 = arith.constant 6 : i32
      %dma_start3A_1214 = arith.constant 0 : i32
      %dma_start3A_1215 = arith.constant 0 : i32
      %dma_start3A_1216 = tpu.memref_slice %arg7[%dma_start3A_1213, %dma_start3A_1214, %dma_start3A_1215] : memref<8x64x128xf32, #tpu.memory_space<vmem>> -> memref<1x64x128xf32, #tpu.memory_space<vmem>>
      %dma_start3A_1217 = tpu.memref_squeeze %dma_start3A_1216 : memref<1x64x128xf32, #tpu.memory_space<vmem>> -> memref<64x128xf32, #tpu.memory_space<vmem>>
      %dma_start3A_1218 = arith.constant 0 : i32
      %dma_start3A_1219 = tpu.memref_slice %arg4[%add3A_1212, %dma_start3A_1218] : memref<51200x128xf32, #tpu.memory_space<hbm>> -> memref<64x128xf32, #tpu.memory_space<hbm>>
      %dma_start3A_1220 = arith.constant 0 : i32
      %dma_start3A_1221 = tpu.memref_slice %arg4[%add3A_1212, %dma_start3A_1220] : memref<51200x128xf32, #tpu.memory_space<hbm>> -> memref<64x128xf32, #tpu.memory_space<hbm>>
      %dma_start3A_1222 = arith.constant 0 : i32
      %dma_start3A_1223 = arith.constant 0 : i32
      %dma_start3A_1224 = tpu.memref_slice %arg7[%dma_start3A_1213, %dma_start3A_1222, %dma_start3A_1223] : memref<8x64x128xf32, #tpu.memory_space<vmem>> -> memref<1x64x128xf32, #tpu.memory_space<vmem>>
      %dma_start3A_1225 = tpu.memref_squeeze %dma_start3A_1224 : memref<1x64x128xf32, #tpu.memory_space<vmem>> -> memref<64x128xf32, #tpu.memory_space<vmem>>
      tpu.enqueue_dma source(%dma_start3A_1225 : memref<64x128xf32, #tpu.memory_space<vmem>>) target(%dma_start3A_1221 : memref<64x128xf32, #tpu.memory_space<hbm>>) target_semaphore(%arg22 : memref<!tpu.dma_semaphore, #tpu.memory_space<semaphore_mem>>)
      %dma_wait3A_1226 = arith.constant 2 : i32
      %dma_wait3A_1227 = arith.constant 0 : i32
      %dma_wait3A_1228 = arith.constant 0 : i32
      %dma_wait3A_1229 = tpu.memref_slice %arg7[%dma_wait3A_1226, %dma_wait3A_1227, %dma_wait3A_1228] : memref<8x64x128xf32, #tpu.memory_space<vmem>> -> memref<1x64x128xf32, #tpu.memory_space<vmem>>
      %dma_wait3A_1230 = tpu.memref_squeeze %dma_wait3A_1229 : memref<1x64x128xf32, #tpu.memory_space<vmem>> -> memref<64x128xf32, #tpu.memory_space<vmem>>
      %dma_wait3A_1231 = arith.constant 0 : i32
      %dma_wait3A_1232 = tpu.memref_slice %arg4[%add3A_996, %dma_wait3A_1231] : memref<51200x128xf32, #tpu.memory_space<hbm>> -> memref<64x128xf32, #tpu.memory_space<hbm>>
      %dma_wait3A_1233 = arith.constant 0 : i32
      %dma_wait3A_1234 = tpu.memref_slice %arg4[%add3A_996, %dma_wait3A_1233] : memref<51200x128xf32, #tpu.memory_space<hbm>> -> memref<64x128xf32, #tpu.memory_space<hbm>>
      %dma_wait3A_1235 = arith.constant 0 : i32
      %dma_wait3A_1236 = arith.constant 0 : i32
      %dma_wait3A_1237 = tpu.memref_slice %arg7[%dma_wait3A_1226, %dma_wait3A_1235, %dma_wait3A_1236] : memref<8x64x128xf32, #tpu.memory_space<vmem>> -> memref<1x64x128xf32, #tpu.memory_space<vmem>>
      %dma_wait3A_1238 = tpu.memref_squeeze %dma_wait3A_1237 : memref<1x64x128xf32, #tpu.memory_space<vmem>> -> memref<64x128xf32, #tpu.memory_space<vmem>>
      tpu.wait_dma2 semaphore(%arg18 : memref<!tpu.dma_semaphore, #tpu.memory_space<semaphore_mem>>) src(%dma_wait3A_1238 : memref<64x128xf32, #tpu.memory_space<vmem>>) dst(%dma_wait3A_1234 : memref<64x128xf32, #tpu.memory_space<hbm>>)
      %dma_start3A_1239 = arith.constant 26 : i32
      %dma_start3A_1240 = arith.constant 2 : i32
      %dma_start3A_1241 = arith.constant 0 : i32
      %dma_start3A_1242 = arith.constant 0 : i32
      %dma_start3A_1243 = tpu.memref_slice %arg7[%dma_start3A_1240, %dma_start3A_1241, %dma_start3A_1242] : memref<8x64x128xf32, #tpu.memory_space<vmem>> -> memref<1x64x128xf32, #tpu.memory_space<vmem>>
      %dma_start3A_1244 = tpu.memref_squeeze %dma_start3A_1243 : memref<1x64x128xf32, #tpu.memory_space<vmem>> -> memref<64x128xf32, #tpu.memory_space<vmem>>
      %dma_start3A_1245 = arith.constant 0 : i32
      %dma_start3A_1246 = tpu.memref_slice %arg6[%dma_start3A_1239, %dma_start3A_1245] : memref<32x64xi32, #tpu.memory_space<vmem>> -> memref<1x64xi32, #tpu.memory_space<vmem>>
      %dma_start3A_1247 = tpu.memref_squeeze %dma_start3A_1246 : memref<1x64xi32, #tpu.memory_space<vmem>> -> memref<64xi32, #tpu.memory_space<vmem>>
      %dma_start3A_1248 = arith.constant 0 : i32
      %dma_start3A_1249 = arith.constant 0 : i32
      %dma_start3A_1250 = tpu.memref_slice %arg5[%dma_start3A_1248, %dma_start3A_1249] : memref<1000x128xf32, #tpu.memory_space<vmem_shared>> -> memref<1000x128xf32, #tpu.memory_space<vmem_shared>>
      tpu.enqueue_indirect_dma source(%dma_start3A_1250 : memref<1000x128xf32, #tpu.memory_space<vmem_shared>>) target(%dma_start3A_1244 : memref<64x128xf32, #tpu.memory_space<vmem>>) offsets(%dma_start3A_1247 : memref<64xi32, #tpu.memory_space<vmem>>) semaphore(%arg10 : memref<!tpu.dma_semaphore, #tpu.memory_space<semaphore_mem>>)
      %dma_wait3A_1251 = arith.constant 23 : i32
      %dma_wait3A_1252 = arith.constant 7 : i32
      %dma_wait3A_1253 = arith.constant 0 : i32
      %dma_wait3A_1254 = arith.constant 0 : i32
      %dma_wait3A_1255 = tpu.memref_slice %arg7[%dma_wait3A_1252, %dma_wait3A_1253, %dma_wait3A_1254] : memref<8x64x128xf32, #tpu.memory_space<vmem>> -> memref<1x64x128xf32, #tpu.memory_space<vmem>>
      %dma_wait3A_1256 = tpu.memref_squeeze %dma_wait3A_1255 : memref<1x64x128xf32, #tpu.memory_space<vmem>> -> memref<64x128xf32, #tpu.memory_space<vmem>>
      %dma_wait3A_1257 = arith.constant 0 : i32
      %dma_wait3A_1258 = tpu.memref_slice %arg6[%dma_wait3A_1251, %dma_wait3A_1257] : memref<32x64xi32, #tpu.memory_space<vmem>> -> memref<1x64xi32, #tpu.memory_space<vmem>>
      %dma_wait3A_1259 = tpu.memref_squeeze %dma_wait3A_1258 : memref<1x64xi32, #tpu.memory_space<vmem>> -> memref<64xi32, #tpu.memory_space<vmem>>
      %dma_wait3A_1260 = arith.constant 0 : i32
      %dma_wait3A_1261 = arith.constant 0 : i32
      %dma_wait3A_1262 = tpu.memref_slice %arg5[%dma_wait3A_1260, %dma_wait3A_1261] : memref<1000x128xf32, #tpu.memory_space<vmem_shared>> -> memref<1000x128xf32, #tpu.memory_space<vmem_shared>>
      tpu.wait_indirect_dma semaphore(%arg15 : memref<!tpu.dma_semaphore, #tpu.memory_space<semaphore_mem>>) src(%dma_wait3A_1262 : memref<1000x128xf32, #tpu.memory_space<vmem_shared>>) dst(%dma_wait3A_1256 : memref<64x128xf32, #tpu.memory_space<vmem>>)
      %mul3A_1263 = arith.constant 1024 : i32
      %mul3A_1264 = arith.muli %mul3A_7, %mul3A_1263 : i32
      %add3A_1265 = arith.constant 1472 : i32
      %add3A_1266 = arith.addi %mul3A_1264, %add3A_1265 : i32
      %dma_start3A_1267 = arith.constant 7 : i32
      %dma_start3A_1268 = arith.constant 0 : i32
      %dma_start3A_1269 = arith.constant 0 : i32
      %dma_start3A_1270 = tpu.memref_slice %arg7[%dma_start3A_1267, %dma_start3A_1268, %dma_start3A_1269] : memref<8x64x128xf32, #tpu.memory_space<vmem>> -> memref<1x64x128xf32, #tpu.memory_space<vmem>>
      %dma_start3A_1271 = tpu.memref_squeeze %dma_start3A_1270 : memref<1x64x128xf32, #tpu.memory_space<vmem>> -> memref<64x128xf32, #tpu.memory_space<vmem>>
      %dma_start3A_1272 = arith.constant 0 : i32
      %dma_start3A_1273 = tpu.memref_slice %arg4[%add3A_1266, %dma_start3A_1272] : memref<51200x128xf32, #tpu.memory_space<hbm>> -> memref<64x128xf32, #tpu.memory_space<hbm>>
      %dma_start3A_1274 = arith.constant 0 : i32
      %dma_start3A_1275 = tpu.memref_slice %arg4[%add3A_1266, %dma_start3A_1274] : memref<51200x128xf32, #tpu.memory_space<hbm>> -> memref<64x128xf32, #tpu.memory_space<hbm>>
      %dma_start3A_1276 = arith.constant 0 : i32
      %dma_start3A_1277 = arith.constant 0 : i32
      %dma_start3A_1278 = tpu.memref_slice %arg7[%dma_start3A_1267, %dma_start3A_1276, %dma_start3A_1277] : memref<8x64x128xf32, #tpu.memory_space<vmem>> -> memref<1x64x128xf32, #tpu.memory_space<vmem>>
      %dma_start3A_1279 = tpu.memref_squeeze %dma_start3A_1278 : memref<1x64x128xf32, #tpu.memory_space<vmem>> -> memref<64x128xf32, #tpu.memory_space<vmem>>
      tpu.enqueue_dma source(%dma_start3A_1279 : memref<64x128xf32, #tpu.memory_space<vmem>>) target(%dma_start3A_1275 : memref<64x128xf32, #tpu.memory_space<hbm>>) target_semaphore(%arg23 : memref<!tpu.dma_semaphore, #tpu.memory_space<semaphore_mem>>)
      %dma_wait3A_1280 = arith.constant 3 : i32
      %dma_wait3A_1281 = arith.constant 0 : i32
      %dma_wait3A_1282 = arith.constant 0 : i32
      %dma_wait3A_1283 = tpu.memref_slice %arg7[%dma_wait3A_1280, %dma_wait3A_1281, %dma_wait3A_1282] : memref<8x64x128xf32, #tpu.memory_space<vmem>> -> memref<1x64x128xf32, #tpu.memory_space<vmem>>
      %dma_wait3A_1284 = tpu.memref_squeeze %dma_wait3A_1283 : memref<1x64x128xf32, #tpu.memory_space<vmem>> -> memref<64x128xf32, #tpu.memory_space<vmem>>
      %dma_wait3A_1285 = arith.constant 0 : i32
      %dma_wait3A_1286 = tpu.memref_slice %arg4[%add3A_1050, %dma_wait3A_1285] : memref<51200x128xf32, #tpu.memory_space<hbm>> -> memref<64x128xf32, #tpu.memory_space<hbm>>
      %dma_wait3A_1287 = arith.constant 0 : i32
      %dma_wait3A_1288 = tpu.memref_slice %arg4[%add3A_1050, %dma_wait3A_1287] : memref<51200x128xf32, #tpu.memory_space<hbm>> -> memref<64x128xf32, #tpu.memory_space<hbm>>
      %dma_wait3A_1289 = arith.constant 0 : i32
      %dma_wait3A_1290 = arith.constant 0 : i32
      %dma_wait3A_1291 = tpu.memref_slice %arg7[%dma_wait3A_1280, %dma_wait3A_1289, %dma_wait3A_1290] : memref<8x64x128xf32, #tpu.memory_space<vmem>> -> memref<1x64x128xf32, #tpu.memory_space<vmem>>
      %dma_wait3A_1292 = tpu.memref_squeeze %dma_wait3A_1291 : memref<1x64x128xf32, #tpu.memory_space<vmem>> -> memref<64x128xf32, #tpu.memory_space<vmem>>
      tpu.wait_dma2 semaphore(%arg19 : memref<!tpu.dma_semaphore, #tpu.memory_space<semaphore_mem>>) src(%dma_wait3A_1292 : memref<64x128xf32, #tpu.memory_space<vmem>>) dst(%dma_wait3A_1288 : memref<64x128xf32, #tpu.memory_space<hbm>>)
      %dma_start3A_1293 = arith.constant 27 : i32
      %dma_start3A_1294 = arith.constant 3 : i32
      %dma_start3A_1295 = arith.constant 0 : i32
      %dma_start3A_1296 = arith.constant 0 : i32
      %dma_start3A_1297 = tpu.memref_slice %arg7[%dma_start3A_1294, %dma_start3A_1295, %dma_start3A_1296] : memref<8x64x128xf32, #tpu.memory_space<vmem>> -> memref<1x64x128xf32, #tpu.memory_space<vmem>>
      %dma_start3A_1298 = tpu.memref_squeeze %dma_start3A_1297 : memref<1x64x128xf32, #tpu.memory_space<vmem>> -> memref<64x128xf32, #tpu.memory_space<vmem>>
      %dma_start3A_1299 = arith.constant 0 : i32
      %dma_start3A_1300 = tpu.memref_slice %arg6[%dma_start3A_1293, %dma_start3A_1299] : memref<32x64xi32, #tpu.memory_space<vmem>> -> memref<1x64xi32, #tpu.memory_space<vmem>>
      %dma_start3A_1301 = tpu.memref_squeeze %dma_start3A_1300 : memref<1x64xi32, #tpu.memory_space<vmem>> -> memref<64xi32, #tpu.memory_space<vmem>>
      %dma_start3A_1302 = arith.constant 0 : i32
      %dma_start3A_1303 = arith.constant 0 : i32
      %dma_start3A_1304 = tpu.memref_slice %arg5[%dma_start3A_1302, %dma_start3A_1303] : memref<1000x128xf32, #tpu.memory_space<vmem_shared>> -> memref<1000x128xf32, #tpu.memory_space<vmem_shared>>
      tpu.enqueue_indirect_dma source(%dma_start3A_1304 : memref<1000x128xf32, #tpu.memory_space<vmem_shared>>) target(%dma_start3A_1298 : memref<64x128xf32, #tpu.memory_space<vmem>>) offsets(%dma_start3A_1301 : memref<64xi32, #tpu.memory_space<vmem>>) semaphore(%arg11 : memref<!tpu.dma_semaphore, #tpu.memory_space<semaphore_mem>>)
      %dma_wait3A_1305 = arith.constant 24 : i32
      %dma_wait3A_1306 = arith.constant 0 : i32
      %dma_wait3A_1307 = arith.constant 0 : i32
      %dma_wait3A_1308 = arith.constant 0 : i32
      %dma_wait3A_1309 = tpu.memref_slice %arg7[%dma_wait3A_1306, %dma_wait3A_1307, %dma_wait3A_1308] : memref<8x64x128xf32, #tpu.memory_space<vmem>> -> memref<1x64x128xf32, #tpu.memory_space<vmem>>
      %dma_wait3A_1310 = tpu.memref_squeeze %dma_wait3A_1309 : memref<1x64x128xf32, #tpu.memory_space<vmem>> -> memref<64x128xf32, #tpu.memory_space<vmem>>
      %dma_wait3A_1311 = arith.constant 0 : i32
      %dma_wait3A_1312 = tpu.memref_slice %arg6[%dma_wait3A_1305, %dma_wait3A_1311] : memref<32x64xi32, #tpu.memory_space<vmem>> -> memref<1x64xi32, #tpu.memory_space<vmem>>
      %dma_wait3A_1313 = tpu.memref_squeeze %dma_wait3A_1312 : memref<1x64xi32, #tpu.memory_space<vmem>> -> memref<64xi32, #tpu.memory_space<vmem>>
      %dma_wait3A_1314 = arith.constant 0 : i32
      %dma_wait3A_1315 = arith.constant 0 : i32
      %dma_wait3A_1316 = tpu.memref_slice %arg5[%dma_wait3A_1314, %dma_wait3A_1315] : memref<1000x128xf32, #tpu.memory_space<vmem_shared>> -> memref<1000x128xf32, #tpu.memory_space<vmem_shared>>
      tpu.wait_indirect_dma semaphore(%arg8 : memref<!tpu.dma_semaphore, #tpu.memory_space<semaphore_mem>>) src(%dma_wait3A_1316 : memref<1000x128xf32, #tpu.memory_space<vmem_shared>>) dst(%dma_wait3A_1310 : memref<64x128xf32, #tpu.memory_space<vmem>>)
      %mul3A_1317 = arith.constant 1024 : i32
      %mul3A_1318 = arith.muli %mul3A_7, %mul3A_1317 : i32
      %add3A_1319 = arith.constant 1536 : i32
      %add3A_1320 = arith.addi %mul3A_1318, %add3A_1319 : i32
      %dma_start3A_1321 = arith.constant 0 : i32
      %dma_start3A_1322 = arith.constant 0 : i32
      %dma_start3A_1323 = arith.constant 0 : i32
      %dma_start3A_1324 = tpu.memref_slice %arg7[%dma_start3A_1321, %dma_start3A_1322, %dma_start3A_1323] : memref<8x64x128xf32, #tpu.memory_space<vmem>> -> memref<1x64x128xf32, #tpu.memory_space<vmem>>
      %dma_start3A_1325 = tpu.memref_squeeze %dma_start3A_1324 : memref<1x64x128xf32, #tpu.memory_space<vmem>> -> memref<64x128xf32, #tpu.memory_space<vmem>>
      %dma_start3A_1326 = arith.constant 0 : i32
      %dma_start3A_1327 = tpu.memref_slice %arg4[%add3A_1320, %dma_start3A_1326] : memref<51200x128xf32, #tpu.memory_space<hbm>> -> memref<64x128xf32, #tpu.memory_space<hbm>>
      %dma_start3A_1328 = arith.constant 0 : i32
      %dma_start3A_1329 = tpu.memref_slice %arg4[%add3A_1320, %dma_start3A_1328] : memref<51200x128xf32, #tpu.memory_space<hbm>> -> memref<64x128xf32, #tpu.memory_space<hbm>>
      %dma_start3A_1330 = arith.constant 0 : i32
      %dma_start3A_1331 = arith.constant 0 : i32
      %dma_start3A_1332 = tpu.memref_slice %arg7[%dma_start3A_1321, %dma_start3A_1330, %dma_start3A_1331] : memref<8x64x128xf32, #tpu.memory_space<vmem>> -> memref<1x64x128xf32, #tpu.memory_space<vmem>>
      %dma_start3A_1333 = tpu.memref_squeeze %dma_start3A_1332 : memref<1x64x128xf32, #tpu.memory_space<vmem>> -> memref<64x128xf32, #tpu.memory_space<vmem>>
      tpu.enqueue_dma source(%dma_start3A_1333 : memref<64x128xf32, #tpu.memory_space<vmem>>) target(%dma_start3A_1329 : memref<64x128xf32, #tpu.memory_space<hbm>>) target_semaphore(%arg16 : memref<!tpu.dma_semaphore, #tpu.memory_space<semaphore_mem>>)
      %dma_wait3A_1334 = arith.constant 4 : i32
      %dma_wait3A_1335 = arith.constant 0 : i32
      %dma_wait3A_1336 = arith.constant 0 : i32
      %dma_wait3A_1337 = tpu.memref_slice %arg7[%dma_wait3A_1334, %dma_wait3A_1335, %dma_wait3A_1336] : memref<8x64x128xf32, #tpu.memory_space<vmem>> -> memref<1x64x128xf32, #tpu.memory_space<vmem>>
      %dma_wait3A_1338 = tpu.memref_squeeze %dma_wait3A_1337 : memref<1x64x128xf32, #tpu.memory_space<vmem>> -> memref<64x128xf32, #tpu.memory_space<vmem>>
      %dma_wait3A_1339 = arith.constant 0 : i32
      %dma_wait3A_1340 = tpu.memref_slice %arg4[%add3A_1104, %dma_wait3A_1339] : memref<51200x128xf32, #tpu.memory_space<hbm>> -> memref<64x128xf32, #tpu.memory_space<hbm>>
      %dma_wait3A_1341 = arith.constant 0 : i32
      %dma_wait3A_1342 = tpu.memref_slice %arg4[%add3A_1104, %dma_wait3A_1341] : memref<51200x128xf32, #tpu.memory_space<hbm>> -> memref<64x128xf32, #tpu.memory_space<hbm>>
      %dma_wait3A_1343 = arith.constant 0 : i32
      %dma_wait3A_1344 = arith.constant 0 : i32
      %dma_wait3A_1345 = tpu.memref_slice %arg7[%dma_wait3A_1334, %dma_wait3A_1343, %dma_wait3A_1344] : memref<8x64x128xf32, #tpu.memory_space<vmem>> -> memref<1x64x128xf32, #tpu.memory_space<vmem>>
      %dma_wait3A_1346 = tpu.memref_squeeze %dma_wait3A_1345 : memref<1x64x128xf32, #tpu.memory_space<vmem>> -> memref<64x128xf32, #tpu.memory_space<vmem>>
      tpu.wait_dma2 semaphore(%arg20 : memref<!tpu.dma_semaphore, #tpu.memory_space<semaphore_mem>>) src(%dma_wait3A_1346 : memref<64x128xf32, #tpu.memory_space<vmem>>) dst(%dma_wait3A_1342 : memref<64x128xf32, #tpu.memory_space<hbm>>)
      %dma_start3A_1347 = arith.constant 28 : i32
      %dma_start3A_1348 = arith.constant 4 : i32
      %dma_start3A_1349 = arith.constant 0 : i32
      %dma_start3A_1350 = arith.constant 0 : i32
      %dma_start3A_1351 = tpu.memref_slice %arg7[%dma_start3A_1348, %dma_start3A_1349, %dma_start3A_1350] : memref<8x64x128xf32, #tpu.memory_space<vmem>> -> memref<1x64x128xf32, #tpu.memory_space<vmem>>
      %dma_start3A_1352 = tpu.memref_squeeze %dma_start3A_1351 : memref<1x64x128xf32, #tpu.memory_space<vmem>> -> memref<64x128xf32, #tpu.memory_space<vmem>>
      %dma_start3A_1353 = arith.constant 0 : i32
      %dma_start3A_1354 = tpu.memref_slice %arg6[%dma_start3A_1347, %dma_start3A_1353] : memref<32x64xi32, #tpu.memory_space<vmem>> -> memref<1x64xi32, #tpu.memory_space<vmem>>
      %dma_start3A_1355 = tpu.memref_squeeze %dma_start3A_1354 : memref<1x64xi32, #tpu.memory_space<vmem>> -> memref<64xi32, #tpu.memory_space<vmem>>
      %dma_start3A_1356 = arith.constant 0 : i32
      %dma_start3A_1357 = arith.constant 0 : i32
      %dma_start3A_1358 = tpu.memref_slice %arg5[%dma_start3A_1356, %dma_start3A_1357] : memref<1000x128xf32, #tpu.memory_space<vmem_shared>> -> memref<1000x128xf32, #tpu.memory_space<vmem_shared>>
      tpu.enqueue_indirect_dma source(%dma_start3A_1358 : memref<1000x128xf32, #tpu.memory_space<vmem_shared>>) target(%dma_start3A_1352 : memref<64x128xf32, #tpu.memory_space<vmem>>) offsets(%dma_start3A_1355 : memref<64xi32, #tpu.memory_space<vmem>>) semaphore(%arg12 : memref<!tpu.dma_semaphore, #tpu.memory_space<semaphore_mem>>)
      %dma_wait3A_1359 = arith.constant 25 : i32
      %dma_wait3A_1360 = arith.constant 1 : i32
      %dma_wait3A_1361 = arith.constant 0 : i32
      %dma_wait3A_1362 = arith.constant 0 : i32
      %dma_wait3A_1363 = tpu.memref_slice %arg7[%dma_wait3A_1360, %dma_wait3A_1361, %dma_wait3A_1362] : memref<8x64x128xf32, #tpu.memory_space<vmem>> -> memref<1x64x128xf32, #tpu.memory_space<vmem>>
      %dma_wait3A_1364 = tpu.memref_squeeze %dma_wait3A_1363 : memref<1x64x128xf32, #tpu.memory_space<vmem>> -> memref<64x128xf32, #tpu.memory_space<vmem>>
      %dma_wait3A_1365 = arith.constant 0 : i32
      %dma_wait3A_1366 = tpu.memref_slice %arg6[%dma_wait3A_1359, %dma_wait3A_1365] : memref<32x64xi32, #tpu.memory_space<vmem>> -> memref<1x64xi32, #tpu.memory_space<vmem>>
      %dma_wait3A_1367 = tpu.memref_squeeze %dma_wait3A_1366 : memref<1x64xi32, #tpu.memory_space<vmem>> -> memref<64xi32, #tpu.memory_space<vmem>>
      %dma_wait3A_1368 = arith.constant 0 : i32
      %dma_wait3A_1369 = arith.constant 0 : i32
      %dma_wait3A_1370 = tpu.memref_slice %arg5[%dma_wait3A_1368, %dma_wait3A_1369] : memref<1000x128xf32, #tpu.memory_space<vmem_shared>> -> memref<1000x128xf32, #tpu.memory_space<vmem_shared>>
      tpu.wait_indirect_dma semaphore(%arg9 : memref<!tpu.dma_semaphore, #tpu.memory_space<semaphore_mem>>) src(%dma_wait3A_1370 : memref<1000x128xf32, #tpu.memory_space<vmem_shared>>) dst(%dma_wait3A_1364 : memref<64x128xf32, #tpu.memory_space<vmem>>)
      %mul3A_1371 = arith.constant 1024 : i32
      %mul3A_1372 = arith.muli %mul3A_7, %mul3A_1371 : i32
      %add3A_1373 = arith.constant 1600 : i32
      %add3A_1374 = arith.addi %mul3A_1372, %add3A_1373 : i32
      %dma_start3A_1375 = arith.constant 1 : i32
      %dma_start3A_1376 = arith.constant 0 : i32
      %dma_start3A_1377 = arith.constant 0 : i32
      %dma_start3A_1378 = tpu.memref_slice %arg7[%dma_start3A_1375, %dma_start3A_1376, %dma_start3A_1377] : memref<8x64x128xf32, #tpu.memory_space<vmem>> -> memref<1x64x128xf32, #tpu.memory_space<vmem>>
      %dma_start3A_1379 = tpu.memref_squeeze %dma_start3A_1378 : memref<1x64x128xf32, #tpu.memory_space<vmem>> -> memref<64x128xf32, #tpu.memory_space<vmem>>
      %dma_start3A_1380 = arith.constant 0 : i32
      %dma_start3A_1381 = tpu.memref_slice %arg4[%add3A_1374, %dma_start3A_1380] : memref<51200x128xf32, #tpu.memory_space<hbm>> -> memref<64x128xf32, #tpu.memory_space<hbm>>
      %dma_start3A_1382 = arith.constant 0 : i32
      %dma_start3A_1383 = tpu.memref_slice %arg4[%add3A_1374, %dma_start3A_1382] : memref<51200x128xf32, #tpu.memory_space<hbm>> -> memref<64x128xf32, #tpu.memory_space<hbm>>
      %dma_start3A_1384 = arith.constant 0 : i32
      %dma_start3A_1385 = arith.constant 0 : i32
      %dma_start3A_1386 = tpu.memref_slice %arg7[%dma_start3A_1375, %dma_start3A_1384, %dma_start3A_1385] : memref<8x64x128xf32, #tpu.memory_space<vmem>> -> memref<1x64x128xf32, #tpu.memory_space<vmem>>
      %dma_start3A_1387 = tpu.memref_squeeze %dma_start3A_1386 : memref<1x64x128xf32, #tpu.memory_space<vmem>> -> memref<64x128xf32, #tpu.memory_space<vmem>>
      tpu.enqueue_dma source(%dma_start3A_1387 : memref<64x128xf32, #tpu.memory_space<vmem>>) target(%dma_start3A_1383 : memref<64x128xf32, #tpu.memory_space<hbm>>) target_semaphore(%arg17 : memref<!tpu.dma_semaphore, #tpu.memory_space<semaphore_mem>>)
      %dma_wait3A_1388 = arith.constant 5 : i32
      %dma_wait3A_1389 = arith.constant 0 : i32
      %dma_wait3A_1390 = arith.constant 0 : i32
      %dma_wait3A_1391 = tpu.memref_slice %arg7[%dma_wait3A_1388, %dma_wait3A_1389, %dma_wait3A_1390] : memref<8x64x128xf32, #tpu.memory_space<vmem>> -> memref<1x64x128xf32, #tpu.memory_space<vmem>>
      %dma_wait3A_1392 = tpu.memref_squeeze %dma_wait3A_1391 : memref<1x64x128xf32, #tpu.memory_space<vmem>> -> memref<64x128xf32, #tpu.memory_space<vmem>>
      %dma_wait3A_1393 = arith.constant 0 : i32
      %dma_wait3A_1394 = tpu.memref_slice %arg4[%add3A_1158, %dma_wait3A_1393] : memref<51200x128xf32, #tpu.memory_space<hbm>> -> memref<64x128xf32, #tpu.memory_space<hbm>>
      %dma_wait3A_1395 = arith.constant 0 : i32
      %dma_wait3A_1396 = tpu.memref_slice %arg4[%add3A_1158, %dma_wait3A_1395] : memref<51200x128xf32, #tpu.memory_space<hbm>> -> memref<64x128xf32, #tpu.memory_space<hbm>>
      %dma_wait3A_1397 = arith.constant 0 : i32
      %dma_wait3A_1398 = arith.constant 0 : i32
      %dma_wait3A_1399 = tpu.memref_slice %arg7[%dma_wait3A_1388, %dma_wait3A_1397, %dma_wait3A_1398] : memref<8x64x128xf32, #tpu.memory_space<vmem>> -> memref<1x64x128xf32, #tpu.memory_space<vmem>>
      %dma_wait3A_1400 = tpu.memref_squeeze %dma_wait3A_1399 : memref<1x64x128xf32, #tpu.memory_space<vmem>> -> memref<64x128xf32, #tpu.memory_space<vmem>>
      tpu.wait_dma2 semaphore(%arg21 : memref<!tpu.dma_semaphore, #tpu.memory_space<semaphore_mem>>) src(%dma_wait3A_1400 : memref<64x128xf32, #tpu.memory_space<vmem>>) dst(%dma_wait3A_1396 : memref<64x128xf32, #tpu.memory_space<hbm>>)
      %dma_start3A_1401 = arith.constant 29 : i32
      %dma_start3A_1402 = arith.constant 5 : i32
      %dma_start3A_1403 = arith.constant 0 : i32
      %dma_start3A_1404 = arith.constant 0 : i32
      %dma_start3A_1405 = tpu.memref_slice %arg7[%dma_start3A_1402, %dma_start3A_1403, %dma_start3A_1404] : memref<8x64x128xf32, #tpu.memory_space<vmem>> -> memref<1x64x128xf32, #tpu.memory_space<vmem>>
      %dma_start3A_1406 = tpu.memref_squeeze %dma_start3A_1405 : memref<1x64x128xf32, #tpu.memory_space<vmem>> -> memref<64x128xf32, #tpu.memory_space<vmem>>
      %dma_start3A_1407 = arith.constant 0 : i32
      %dma_start3A_1408 = tpu.memref_slice %arg6[%dma_start3A_1401, %dma_start3A_1407] : memref<32x64xi32, #tpu.memory_space<vmem>> -> memref<1x64xi32, #tpu.memory_space<vmem>>
      %dma_start3A_1409 = tpu.memref_squeeze %dma_start3A_1408 : memref<1x64xi32, #tpu.memory_space<vmem>> -> memref<64xi32, #tpu.memory_space<vmem>>
      %dma_start3A_1410 = arith.constant 0 : i32
      %dma_start3A_1411 = arith.constant 0 : i32
      %dma_start3A_1412 = tpu.memref_slice %arg5[%dma_start3A_1410, %dma_start3A_1411] : memref<1000x128xf32, #tpu.memory_space<vmem_shared>> -> memref<1000x128xf32, #tpu.memory_space<vmem_shared>>
      tpu.enqueue_indirect_dma source(%dma_start3A_1412 : memref<1000x128xf32, #tpu.memory_space<vmem_shared>>) target(%dma_start3A_1406 : memref<64x128xf32, #tpu.memory_space<vmem>>) offsets(%dma_start3A_1409 : memref<64xi32, #tpu.memory_space<vmem>>) semaphore(%arg13 : memref<!tpu.dma_semaphore, #tpu.memory_space<semaphore_mem>>)
      %dma_wait3A_1413 = arith.constant 26 : i32
      %dma_wait3A_1414 = arith.constant 2 : i32
      %dma_wait3A_1415 = arith.constant 0 : i32
      %dma_wait3A_1416 = arith.constant 0 : i32
      %dma_wait3A_1417 = tpu.memref_slice %arg7[%dma_wait3A_1414, %dma_wait3A_1415, %dma_wait3A_1416] : memref<8x64x128xf32, #tpu.memory_space<vmem>> -> memref<1x64x128xf32, #tpu.memory_space<vmem>>
      %dma_wait3A_1418 = tpu.memref_squeeze %dma_wait3A_1417 : memref<1x64x128xf32, #tpu.memory_space<vmem>> -> memref<64x128xf32, #tpu.memory_space<vmem>>
      %dma_wait3A_1419 = arith.constant 0 : i32
      %dma_wait3A_1420 = tpu.memref_slice %arg6[%dma_wait3A_1413, %dma_wait3A_1419] : memref<32x64xi32, #tpu.memory_space<vmem>> -> memref<1x64xi32, #tpu.memory_space<vmem>>
      %dma_wait3A_1421 = tpu.memref_squeeze %dma_wait3A_1420 : memref<1x64xi32, #tpu.memory_space<vmem>> -> memref<64xi32, #tpu.memory_space<vmem>>
      %dma_wait3A_1422 = arith.constant 0 : i32
      %dma_wait3A_1423 = arith.constant 0 : i32
      %dma_wait3A_1424 = tpu.memref_slice %arg5[%dma_wait3A_1422, %dma_wait3A_1423] : memref<1000x128xf32, #tpu.memory_space<vmem_shared>> -> memref<1000x128xf32, #tpu.memory_space<vmem_shared>>
      tpu.wait_indirect_dma semaphore(%arg10 : memref<!tpu.dma_semaphore, #tpu.memory_space<semaphore_mem>>) src(%dma_wait3A_1424 : memref<1000x128xf32, #tpu.memory_space<vmem_shared>>) dst(%dma_wait3A_1418 : memref<64x128xf32, #tpu.memory_space<vmem>>)
      %mul3A_1425 = arith.constant 1024 : i32
      %mul3A_1426 = arith.muli %mul3A_7, %mul3A_1425 : i32
      %add3A_1427 = arith.constant 1664 : i32
      %add3A_1428 = arith.addi %mul3A_1426, %add3A_1427 : i32
      %dma_start3A_1429 = arith.constant 2 : i32
      %dma_start3A_1430 = arith.constant 0 : i32
      %dma_start3A_1431 = arith.constant 0 : i32
      %dma_start3A_1432 = tpu.memref_slice %arg7[%dma_start3A_1429, %dma_start3A_1430, %dma_start3A_1431] : memref<8x64x128xf32, #tpu.memory_space<vmem>> -> memref<1x64x128xf32, #tpu.memory_space<vmem>>
      %dma_start3A_1433 = tpu.memref_squeeze %dma_start3A_1432 : memref<1x64x128xf32, #tpu.memory_space<vmem>> -> memref<64x128xf32, #tpu.memory_space<vmem>>
      %dma_start3A_1434 = arith.constant 0 : i32
      %dma_start3A_1435 = tpu.memref_slice %arg4[%add3A_1428, %dma_start3A_1434] : memref<51200x128xf32, #tpu.memory_space<hbm>> -> memref<64x128xf32, #tpu.memory_space<hbm>>
      %dma_start3A_1436 = arith.constant 0 : i32
      %dma_start3A_1437 = tpu.memref_slice %arg4[%add3A_1428, %dma_start3A_1436] : memref<51200x128xf32, #tpu.memory_space<hbm>> -> memref<64x128xf32, #tpu.memory_space<hbm>>
      %dma_start3A_1438 = arith.constant 0 : i32
      %dma_start3A_1439 = arith.constant 0 : i32
      %dma_start3A_1440 = tpu.memref_slice %arg7[%dma_start3A_1429, %dma_start3A_1438, %dma_start3A_1439] : memref<8x64x128xf32, #tpu.memory_space<vmem>> -> memref<1x64x128xf32, #tpu.memory_space<vmem>>
      %dma_start3A_1441 = tpu.memref_squeeze %dma_start3A_1440 : memref<1x64x128xf32, #tpu.memory_space<vmem>> -> memref<64x128xf32, #tpu.memory_space<vmem>>
      tpu.enqueue_dma source(%dma_start3A_1441 : memref<64x128xf32, #tpu.memory_space<vmem>>) target(%dma_start3A_1437 : memref<64x128xf32, #tpu.memory_space<hbm>>) target_semaphore(%arg18 : memref<!tpu.dma_semaphore, #tpu.memory_space<semaphore_mem>>)
      %dma_wait3A_1442 = arith.constant 6 : i32
      %dma_wait3A_1443 = arith.constant 0 : i32
      %dma_wait3A_1444 = arith.constant 0 : i32
      %dma_wait3A_1445 = tpu.memref_slice %arg7[%dma_wait3A_1442, %dma_wait3A_1443, %dma_wait3A_1444] : memref<8x64x128xf32, #tpu.memory_space<vmem>> -> memref<1x64x128xf32, #tpu.memory_space<vmem>>
      %dma_wait3A_1446 = tpu.memref_squeeze %dma_wait3A_1445 : memref<1x64x128xf32, #tpu.memory_space<vmem>> -> memref<64x128xf32, #tpu.memory_space<vmem>>
      %dma_wait3A_1447 = arith.constant 0 : i32
      %dma_wait3A_1448 = tpu.memref_slice %arg4[%add3A_1212, %dma_wait3A_1447] : memref<51200x128xf32, #tpu.memory_space<hbm>> -> memref<64x128xf32, #tpu.memory_space<hbm>>
      %dma_wait3A_1449 = arith.constant 0 : i32
      %dma_wait3A_1450 = tpu.memref_slice %arg4[%add3A_1212, %dma_wait3A_1449] : memref<51200x128xf32, #tpu.memory_space<hbm>> -> memref<64x128xf32, #tpu.memory_space<hbm>>
      %dma_wait3A_1451 = arith.constant 0 : i32
      %dma_wait3A_1452 = arith.constant 0 : i32
      %dma_wait3A_1453 = tpu.memref_slice %arg7[%dma_wait3A_1442, %dma_wait3A_1451, %dma_wait3A_1452] : memref<8x64x128xf32, #tpu.memory_space<vmem>> -> memref<1x64x128xf32, #tpu.memory_space<vmem>>
      %dma_wait3A_1454 = tpu.memref_squeeze %dma_wait3A_1453 : memref<1x64x128xf32, #tpu.memory_space<vmem>> -> memref<64x128xf32, #tpu.memory_space<vmem>>
      tpu.wait_dma2 semaphore(%arg22 : memref<!tpu.dma_semaphore, #tpu.memory_space<semaphore_mem>>) src(%dma_wait3A_1454 : memref<64x128xf32, #tpu.memory_space<vmem>>) dst(%dma_wait3A_1450 : memref<64x128xf32, #tpu.memory_space<hbm>>)
      %dma_start3A_1455 = arith.constant 30 : i32
      %dma_start3A_1456 = arith.constant 6 : i32
      %dma_start3A_1457 = arith.constant 0 : i32
      %dma_start3A_1458 = arith.constant 0 : i32
      %dma_start3A_1459 = tpu.memref_slice %arg7[%dma_start3A_1456, %dma_start3A_1457, %dma_start3A_1458] : memref<8x64x128xf32, #tpu.memory_space<vmem>> -> memref<1x64x128xf32, #tpu.memory_space<vmem>>
      %dma_start3A_1460 = tpu.memref_squeeze %dma_start3A_1459 : memref<1x64x128xf32, #tpu.memory_space<vmem>> -> memref<64x128xf32, #tpu.memory_space<vmem>>
      %dma_start3A_1461 = arith.constant 0 : i32
      %dma_start3A_1462 = tpu.memref_slice %arg6[%dma_start3A_1455, %dma_start3A_1461] : memref<32x64xi32, #tpu.memory_space<vmem>> -> memref<1x64xi32, #tpu.memory_space<vmem>>
      %dma_start3A_1463 = tpu.memref_squeeze %dma_start3A_1462 : memref<1x64xi32, #tpu.memory_space<vmem>> -> memref<64xi32, #tpu.memory_space<vmem>>
      %dma_start3A_1464 = arith.constant 0 : i32
      %dma_start3A_1465 = arith.constant 0 : i32
      %dma_start3A_1466 = tpu.memref_slice %arg5[%dma_start3A_1464, %dma_start3A_1465] : memref<1000x128xf32, #tpu.memory_space<vmem_shared>> -> memref<1000x128xf32, #tpu.memory_space<vmem_shared>>
      tpu.enqueue_indirect_dma source(%dma_start3A_1466 : memref<1000x128xf32, #tpu.memory_space<vmem_shared>>) target(%dma_start3A_1460 : memref<64x128xf32, #tpu.memory_space<vmem>>) offsets(%dma_start3A_1463 : memref<64xi32, #tpu.memory_space<vmem>>) semaphore(%arg14 : memref<!tpu.dma_semaphore, #tpu.memory_space<semaphore_mem>>)
      %dma_wait3A_1467 = arith.constant 27 : i32
      %dma_wait3A_1468 = arith.constant 3 : i32
      %dma_wait3A_1469 = arith.constant 0 : i32
      %dma_wait3A_1470 = arith.constant 0 : i32
      %dma_wait3A_1471 = tpu.memref_slice %arg7[%dma_wait3A_1468, %dma_wait3A_1469, %dma_wait3A_1470] : memref<8x64x128xf32, #tpu.memory_space<vmem>> -> memref<1x64x128xf32, #tpu.memory_space<vmem>>
      %dma_wait3A_1472 = tpu.memref_squeeze %dma_wait3A_1471 : memref<1x64x128xf32, #tpu.memory_space<vmem>> -> memref<64x128xf32, #tpu.memory_space<vmem>>
      %dma_wait3A_1473 = arith.constant 0 : i32
      %dma_wait3A_1474 = tpu.memref_slice %arg6[%dma_wait3A_1467, %dma_wait3A_1473] : memref<32x64xi32, #tpu.memory_space<vmem>> -> memref<1x64xi32, #tpu.memory_space<vmem>>
      %dma_wait3A_1475 = tpu.memref_squeeze %dma_wait3A_1474 : memref<1x64xi32, #tpu.memory_space<vmem>> -> memref<64xi32, #tpu.memory_space<vmem>>
      %dma_wait3A_1476 = arith.constant 0 : i32
      %dma_wait3A_1477 = arith.constant 0 : i32
      %dma_wait3A_1478 = tpu.memref_slice %arg5[%dma_wait3A_1476, %dma_wait3A_1477] : memref<1000x128xf32, #tpu.memory_space<vmem_shared>> -> memref<1000x128xf32, #tpu.memory_space<vmem_shared>>
      tpu.wait_indirect_dma semaphore(%arg11 : memref<!tpu.dma_semaphore, #tpu.memory_space<semaphore_mem>>) src(%dma_wait3A_1478 : memref<1000x128xf32, #tpu.memory_space<vmem_shared>>) dst(%dma_wait3A_1472 : memref<64x128xf32, #tpu.memory_space<vmem>>)
      %mul3A_1479 = arith.constant 1024 : i32
      %mul3A_1480 = arith.muli %mul3A_7, %mul3A_1479 : i32
      %add3A_1481 = arith.constant 1728 : i32
      %add3A_1482 = arith.addi %mul3A_1480, %add3A_1481 : i32
      %dma_start3A_1483 = arith.constant 3 : i32
      %dma_start3A_1484 = arith.constant 0 : i32
      %dma_start3A_1485 = arith.constant 0 : i32
      %dma_start3A_1486 = tpu.memref_slice %arg7[%dma_start3A_1483, %dma_start3A_1484, %dma_start3A_1485] : memref<8x64x128xf32, #tpu.memory_space<vmem>> -> memref<1x64x128xf32, #tpu.memory_space<vmem>>
      %dma_start3A_1487 = tpu.memref_squeeze %dma_start3A_1486 : memref<1x64x128xf32, #tpu.memory_space<vmem>> -> memref<64x128xf32, #tpu.memory_space<vmem>>
      %dma_start3A_1488 = arith.constant 0 : i32
      %dma_start3A_1489 = tpu.memref_slice %arg4[%add3A_1482, %dma_start3A_1488] : memref<51200x128xf32, #tpu.memory_space<hbm>> -> memref<64x128xf32, #tpu.memory_space<hbm>>
      %dma_start3A_1490 = arith.constant 0 : i32
      %dma_start3A_1491 = tpu.memref_slice %arg4[%add3A_1482, %dma_start3A_1490] : memref<51200x128xf32, #tpu.memory_space<hbm>> -> memref<64x128xf32, #tpu.memory_space<hbm>>
      %dma_start3A_1492 = arith.constant 0 : i32
      %dma_start3A_1493 = arith.constant 0 : i32
      %dma_start3A_1494 = tpu.memref_slice %arg7[%dma_start3A_1483, %dma_start3A_1492, %dma_start3A_1493] : memref<8x64x128xf32, #tpu.memory_space<vmem>> -> memref<1x64x128xf32, #tpu.memory_space<vmem>>
      %dma_start3A_1495 = tpu.memref_squeeze %dma_start3A_1494 : memref<1x64x128xf32, #tpu.memory_space<vmem>> -> memref<64x128xf32, #tpu.memory_space<vmem>>
      tpu.enqueue_dma source(%dma_start3A_1495 : memref<64x128xf32, #tpu.memory_space<vmem>>) target(%dma_start3A_1491 : memref<64x128xf32, #tpu.memory_space<hbm>>) target_semaphore(%arg19 : memref<!tpu.dma_semaphore, #tpu.memory_space<semaphore_mem>>)
      %dma_wait3A_1496 = arith.constant 7 : i32
      %dma_wait3A_1497 = arith.constant 0 : i32
      %dma_wait3A_1498 = arith.constant 0 : i32
      %dma_wait3A_1499 = tpu.memref_slice %arg7[%dma_wait3A_1496, %dma_wait3A_1497, %dma_wait3A_1498] : memref<8x64x128xf32, #tpu.memory_space<vmem>> -> memref<1x64x128xf32, #tpu.memory_space<vmem>>
      %dma_wait3A_1500 = tpu.memref_squeeze %dma_wait3A_1499 : memref<1x64x128xf32, #tpu.memory_space<vmem>> -> memref<64x128xf32, #tpu.memory_space<vmem>>
      %dma_wait3A_1501 = arith.constant 0 : i32
      %dma_wait3A_1502 = tpu.memref_slice %arg4[%add3A_1266, %dma_wait3A_1501] : memref<51200x128xf32, #tpu.memory_space<hbm>> -> memref<64x128xf32, #tpu.memory_space<hbm>>
      %dma_wait3A_1503 = arith.constant 0 : i32
      %dma_wait3A_1504 = tpu.memref_slice %arg4[%add3A_1266, %dma_wait3A_1503] : memref<51200x128xf32, #tpu.memory_space<hbm>> -> memref<64x128xf32, #tpu.memory_space<hbm>>
      %dma_wait3A_1505 = arith.constant 0 : i32
      %dma_wait3A_1506 = arith.constant 0 : i32
      %dma_wait3A_1507 = tpu.memref_slice %arg7[%dma_wait3A_1496, %dma_wait3A_1505, %dma_wait3A_1506] : memref<8x64x128xf32, #tpu.memory_space<vmem>> -> memref<1x64x128xf32, #tpu.memory_space<vmem>>
      %dma_wait3A_1508 = tpu.memref_squeeze %dma_wait3A_1507 : memref<1x64x128xf32, #tpu.memory_space<vmem>> -> memref<64x128xf32, #tpu.memory_space<vmem>>
      tpu.wait_dma2 semaphore(%arg23 : memref<!tpu.dma_semaphore, #tpu.memory_space<semaphore_mem>>) src(%dma_wait3A_1508 : memref<64x128xf32, #tpu.memory_space<vmem>>) dst(%dma_wait3A_1504 : memref<64x128xf32, #tpu.memory_space<hbm>>)
      %dma_start3A_1509 = arith.constant 31 : i32
      %dma_start3A_1510 = arith.constant 7 : i32
      %dma_start3A_1511 = arith.constant 0 : i32
      %dma_start3A_1512 = arith.constant 0 : i32
      %dma_start3A_1513 = tpu.memref_slice %arg7[%dma_start3A_1510, %dma_start3A_1511, %dma_start3A_1512] : memref<8x64x128xf32, #tpu.memory_space<vmem>> -> memref<1x64x128xf32, #tpu.memory_space<vmem>>
      %dma_start3A_1514 = tpu.memref_squeeze %dma_start3A_1513 : memref<1x64x128xf32, #tpu.memory_space<vmem>> -> memref<64x128xf32, #tpu.memory_space<vmem>>
      %dma_start3A_1515 = arith.constant 0 : i32
      %dma_start3A_1516 = tpu.memref_slice %arg6[%dma_start3A_1509, %dma_start3A_1515] : memref<32x64xi32, #tpu.memory_space<vmem>> -> memref<1x64xi32, #tpu.memory_space<vmem>>
      %dma_start3A_1517 = tpu.memref_squeeze %dma_start3A_1516 : memref<1x64xi32, #tpu.memory_space<vmem>> -> memref<64xi32, #tpu.memory_space<vmem>>
      %dma_start3A_1518 = arith.constant 0 : i32
      %dma_start3A_1519 = arith.constant 0 : i32
      %dma_start3A_1520 = tpu.memref_slice %arg5[%dma_start3A_1518, %dma_start3A_1519] : memref<1000x128xf32, #tpu.memory_space<vmem_shared>> -> memref<1000x128xf32, #tpu.memory_space<vmem_shared>>
      tpu.enqueue_indirect_dma source(%dma_start3A_1520 : memref<1000x128xf32, #tpu.memory_space<vmem_shared>>) target(%dma_start3A_1514 : memref<64x128xf32, #tpu.memory_space<vmem>>) offsets(%dma_start3A_1517 : memref<64xi32, #tpu.memory_space<vmem>>) semaphore(%arg15 : memref<!tpu.dma_semaphore, #tpu.memory_space<semaphore_mem>>)
      %dma_wait3A_1521 = arith.constant 28 : i32
      %dma_wait3A_1522 = arith.constant 4 : i32
      %dma_wait3A_1523 = arith.constant 0 : i32
      %dma_wait3A_1524 = arith.constant 0 : i32
      %dma_wait3A_1525 = tpu.memref_slice %arg7[%dma_wait3A_1522, %dma_wait3A_1523, %dma_wait3A_1524] : memref<8x64x128xf32, #tpu.memory_space<vmem>> -> memref<1x64x128xf32, #tpu.memory_space<vmem>>
      %dma_wait3A_1526 = tpu.memref_squeeze %dma_wait3A_1525 : memref<1x64x128xf32, #tpu.memory_space<vmem>> -> memref<64x128xf32, #tpu.memory_space<vmem>>
      %dma_wait3A_1527 = arith.constant 0 : i32
      %dma_wait3A_1528 = tpu.memref_slice %arg6[%dma_wait3A_1521, %dma_wait3A_1527] : memref<32x64xi32, #tpu.memory_space<vmem>> -> memref<1x64xi32, #tpu.memory_space<vmem>>
      %dma_wait3A_1529 = tpu.memref_squeeze %dma_wait3A_1528 : memref<1x64xi32, #tpu.memory_space<vmem>> -> memref<64xi32, #tpu.memory_space<vmem>>
      %dma_wait3A_1530 = arith.constant 0 : i32
      %dma_wait3A_1531 = arith.constant 0 : i32
      %dma_wait3A_1532 = tpu.memref_slice %arg5[%dma_wait3A_1530, %dma_wait3A_1531] : memref<1000x128xf32, #tpu.memory_space<vmem_shared>> -> memref<1000x128xf32, #tpu.memory_space<vmem_shared>>
      tpu.wait_indirect_dma semaphore(%arg12 : memref<!tpu.dma_semaphore, #tpu.memory_space<semaphore_mem>>) src(%dma_wait3A_1532 : memref<1000x128xf32, #tpu.memory_space<vmem_shared>>) dst(%dma_wait3A_1526 : memref<64x128xf32, #tpu.memory_space<vmem>>)
      %mul3A_1533 = arith.constant 1024 : i32
      %mul3A_1534 = arith.muli %mul3A_7, %mul3A_1533 : i32
      %add3A_1535 = arith.constant 1792 : i32
      %add3A_1536 = arith.addi %mul3A_1534, %add3A_1535 : i32
      %dma_start3A_1537 = arith.constant 4 : i32
      %dma_start3A_1538 = arith.constant 0 : i32
      %dma_start3A_1539 = arith.constant 0 : i32
      %dma_start3A_1540 = tpu.memref_slice %arg7[%dma_start3A_1537, %dma_start3A_1538, %dma_start3A_1539] : memref<8x64x128xf32, #tpu.memory_space<vmem>> -> memref<1x64x128xf32, #tpu.memory_space<vmem>>
      %dma_start3A_1541 = tpu.memref_squeeze %dma_start3A_1540 : memref<1x64x128xf32, #tpu.memory_space<vmem>> -> memref<64x128xf32, #tpu.memory_space<vmem>>
      %dma_start3A_1542 = arith.constant 0 : i32
      %dma_start3A_1543 = tpu.memref_slice %arg4[%add3A_1536, %dma_start3A_1542] : memref<51200x128xf32, #tpu.memory_space<hbm>> -> memref<64x128xf32, #tpu.memory_space<hbm>>
      %dma_start3A_1544 = arith.constant 0 : i32
      %dma_start3A_1545 = tpu.memref_slice %arg4[%add3A_1536, %dma_start3A_1544] : memref<51200x128xf32, #tpu.memory_space<hbm>> -> memref<64x128xf32, #tpu.memory_space<hbm>>
      %dma_start3A_1546 = arith.constant 0 : i32
      %dma_start3A_1547 = arith.constant 0 : i32
      %dma_start3A_1548 = tpu.memref_slice %arg7[%dma_start3A_1537, %dma_start3A_1546, %dma_start3A_1547] : memref<8x64x128xf32, #tpu.memory_space<vmem>> -> memref<1x64x128xf32, #tpu.memory_space<vmem>>
      %dma_start3A_1549 = tpu.memref_squeeze %dma_start3A_1548 : memref<1x64x128xf32, #tpu.memory_space<vmem>> -> memref<64x128xf32, #tpu.memory_space<vmem>>
      tpu.enqueue_dma source(%dma_start3A_1549 : memref<64x128xf32, #tpu.memory_space<vmem>>) target(%dma_start3A_1545 : memref<64x128xf32, #tpu.memory_space<hbm>>) target_semaphore(%arg20 : memref<!tpu.dma_semaphore, #tpu.memory_space<semaphore_mem>>)
      %dma_wait3A_1550 = arith.constant 29 : i32
      %dma_wait3A_1551 = arith.constant 5 : i32
      %dma_wait3A_1552 = arith.constant 0 : i32
      %dma_wait3A_1553 = arith.constant 0 : i32
      %dma_wait3A_1554 = tpu.memref_slice %arg7[%dma_wait3A_1551, %dma_wait3A_1552, %dma_wait3A_1553] : memref<8x64x128xf32, #tpu.memory_space<vmem>> -> memref<1x64x128xf32, #tpu.memory_space<vmem>>
      %dma_wait3A_1555 = tpu.memref_squeeze %dma_wait3A_1554 : memref<1x64x128xf32, #tpu.memory_space<vmem>> -> memref<64x128xf32, #tpu.memory_space<vmem>>
      %dma_wait3A_1556 = arith.constant 0 : i32
      %dma_wait3A_1557 = tpu.memref_slice %arg6[%dma_wait3A_1550, %dma_wait3A_1556] : memref<32x64xi32, #tpu.memory_space<vmem>> -> memref<1x64xi32, #tpu.memory_space<vmem>>
      %dma_wait3A_1558 = tpu.memref_squeeze %dma_wait3A_1557 : memref<1x64xi32, #tpu.memory_space<vmem>> -> memref<64xi32, #tpu.memory_space<vmem>>
      %dma_wait3A_1559 = arith.constant 0 : i32
      %dma_wait3A_1560 = arith.constant 0 : i32
      %dma_wait3A_1561 = tpu.memref_slice %arg5[%dma_wait3A_1559, %dma_wait3A_1560] : memref<1000x128xf32, #tpu.memory_space<vmem_shared>> -> memref<1000x128xf32, #tpu.memory_space<vmem_shared>>
      tpu.wait_indirect_dma semaphore(%arg13 : memref<!tpu.dma_semaphore, #tpu.memory_space<semaphore_mem>>) src(%dma_wait3A_1561 : memref<1000x128xf32, #tpu.memory_space<vmem_shared>>) dst(%dma_wait3A_1555 : memref<64x128xf32, #tpu.memory_space<vmem>>)
      %mul3A_1562 = arith.constant 1024 : i32
      %mul3A_1563 = arith.muli %mul3A_7, %mul3A_1562 : i32
      %add3A_1564 = arith.constant 1856 : i32
      %add3A_1565 = arith.addi %mul3A_1563, %add3A_1564 : i32
      %dma_start3A_1566 = arith.constant 5 : i32
      %dma_start3A_1567 = arith.constant 0 : i32
      %dma_start3A_1568 = arith.constant 0 : i32
      %dma_start3A_1569 = tpu.memref_slice %arg7[%dma_start3A_1566, %dma_start3A_1567, %dma_start3A_1568] : memref<8x64x128xf32, #tpu.memory_space<vmem>> -> memref<1x64x128xf32, #tpu.memory_space<vmem>>
      %dma_start3A_1570 = tpu.memref_squeeze %dma_start3A_1569 : memref<1x64x128xf32, #tpu.memory_space<vmem>> -> memref<64x128xf32, #tpu.memory_space<vmem>>
      %dma_start3A_1571 = arith.constant 0 : i32
      %dma_start3A_1572 = tpu.memref_slice %arg4[%add3A_1565, %dma_start3A_1571] : memref<51200x128xf32, #tpu.memory_space<hbm>> -> memref<64x128xf32, #tpu.memory_space<hbm>>
      %dma_start3A_1573 = arith.constant 0 : i32
      %dma_start3A_1574 = tpu.memref_slice %arg4[%add3A_1565, %dma_start3A_1573] : memref<51200x128xf32, #tpu.memory_space<hbm>> -> memref<64x128xf32, #tpu.memory_space<hbm>>
      %dma_start3A_1575 = arith.constant 0 : i32
      %dma_start3A_1576 = arith.constant 0 : i32
      %dma_start3A_1577 = tpu.memref_slice %arg7[%dma_start3A_1566, %dma_start3A_1575, %dma_start3A_1576] : memref<8x64x128xf32, #tpu.memory_space<vmem>> -> memref<1x64x128xf32, #tpu.memory_space<vmem>>
      %dma_start3A_1578 = tpu.memref_squeeze %dma_start3A_1577 : memref<1x64x128xf32, #tpu.memory_space<vmem>> -> memref<64x128xf32, #tpu.memory_space<vmem>>
      tpu.enqueue_dma source(%dma_start3A_1578 : memref<64x128xf32, #tpu.memory_space<vmem>>) target(%dma_start3A_1574 : memref<64x128xf32, #tpu.memory_space<hbm>>) target_semaphore(%arg21 : memref<!tpu.dma_semaphore, #tpu.memory_space<semaphore_mem>>)
      %dma_wait3A_1579 = arith.constant 30 : i32
      %dma_wait3A_1580 = arith.constant 6 : i32
      %dma_wait3A_1581 = arith.constant 0 : i32
      %dma_wait3A_1582 = arith.constant 0 : i32
      %dma_wait3A_1583 = tpu.memref_slice %arg7[%dma_wait3A_1580, %dma_wait3A_1581, %dma_wait3A_1582] : memref<8x64x128xf32, #tpu.memory_space<vmem>> -> memref<1x64x128xf32, #tpu.memory_space<vmem>>
      %dma_wait3A_1584 = tpu.memref_squeeze %dma_wait3A_1583 : memref<1x64x128xf32, #tpu.memory_space<vmem>> -> memref<64x128xf32, #tpu.memory_space<vmem>>
      %dma_wait3A_1585 = arith.constant 0 : i32
      %dma_wait3A_1586 = tpu.memref_slice %arg6[%dma_wait3A_1579, %dma_wait3A_1585] : memref<32x64xi32, #tpu.memory_space<vmem>> -> memref<1x64xi32, #tpu.memory_space<vmem>>
      %dma_wait3A_1587 = tpu.memref_squeeze %dma_wait3A_1586 : memref<1x64xi32, #tpu.memory_space<vmem>> -> memref<64xi32, #tpu.memory_space<vmem>>
      %dma_wait3A_1588 = arith.constant 0 : i32
      %dma_wait3A_1589 = arith.constant 0 : i32
      %dma_wait3A_1590 = tpu.memref_slice %arg5[%dma_wait3A_1588, %dma_wait3A_1589] : memref<1000x128xf32, #tpu.memory_space<vmem_shared>> -> memref<1000x128xf32, #tpu.memory_space<vmem_shared>>
      tpu.wait_indirect_dma semaphore(%arg14 : memref<!tpu.dma_semaphore, #tpu.memory_space<semaphore_mem>>) src(%dma_wait3A_1590 : memref<1000x128xf32, #tpu.memory_space<vmem_shared>>) dst(%dma_wait3A_1584 : memref<64x128xf32, #tpu.memory_space<vmem>>)
      %mul3A_1591 = arith.constant 1024 : i32
      %mul3A_1592 = arith.muli %mul3A_7, %mul3A_1591 : i32
      %add3A_1593 = arith.constant 1920 : i32
      %add3A_1594 = arith.addi %mul3A_1592, %add3A_1593 : i32
      %dma_start3A_1595 = arith.constant 6 : i32
      %dma_start3A_1596 = arith.constant 0 : i32
      %dma_start3A_1597 = arith.constant 0 : i32
      %dma_start3A_1598 = tpu.memref_slice %arg7[%dma_start3A_1595, %dma_start3A_1596, %dma_start3A_1597] : memref<8x64x128xf32, #tpu.memory_space<vmem>> -> memref<1x64x128xf32, #tpu.memory_space<vmem>>
      %dma_start3A_1599 = tpu.memref_squeeze %dma_start3A_1598 : memref<1x64x128xf32, #tpu.memory_space<vmem>> -> memref<64x128xf32, #tpu.memory_space<vmem>>
      %dma_start3A_1600 = arith.constant 0 : i32
      %dma_start3A_1601 = tpu.memref_slice %arg4[%add3A_1594, %dma_start3A_1600] : memref<51200x128xf32, #tpu.memory_space<hbm>> -> memref<64x128xf32, #tpu.memory_space<hbm>>
      %dma_start3A_1602 = arith.constant 0 : i32
      %dma_start3A_1603 = tpu.memref_slice %arg4[%add3A_1594, %dma_start3A_1602] : memref<51200x128xf32, #tpu.memory_space<hbm>> -> memref<64x128xf32, #tpu.memory_space<hbm>>
      %dma_start3A_1604 = arith.constant 0 : i32
      %dma_start3A_1605 = arith.constant 0 : i32
      %dma_start3A_1606 = tpu.memref_slice %arg7[%dma_start3A_1595, %dma_start3A_1604, %dma_start3A_1605] : memref<8x64x128xf32, #tpu.memory_space<vmem>> -> memref<1x64x128xf32, #tpu.memory_space<vmem>>
      %dma_start3A_1607 = tpu.memref_squeeze %dma_start3A_1606 : memref<1x64x128xf32, #tpu.memory_space<vmem>> -> memref<64x128xf32, #tpu.memory_space<vmem>>
      tpu.enqueue_dma source(%dma_start3A_1607 : memref<64x128xf32, #tpu.memory_space<vmem>>) target(%dma_start3A_1603 : memref<64x128xf32, #tpu.memory_space<hbm>>) target_semaphore(%arg22 : memref<!tpu.dma_semaphore, #tpu.memory_space<semaphore_mem>>)
      %dma_wait3A_1608 = arith.constant 31 : i32
      %dma_wait3A_1609 = arith.constant 7 : i32
      %dma_wait3A_1610 = arith.constant 0 : i32
      %dma_wait3A_1611 = arith.constant 0 : i32
      %dma_wait3A_1612 = tpu.memref_slice %arg7[%dma_wait3A_1609, %dma_wait3A_1610, %dma_wait3A_1611] : memref<8x64x128xf32, #tpu.memory_space<vmem>> -> memref<1x64x128xf32, #tpu.memory_space<vmem>>
      %dma_wait3A_1613 = tpu.memref_squeeze %dma_wait3A_1612 : memref<1x64x128xf32, #tpu.memory_space<vmem>> -> memref<64x128xf32, #tpu.memory_space<vmem>>
      %dma_wait3A_1614 = arith.constant 0 : i32
      %dma_wait3A_1615 = tpu.memref_slice %arg6[%dma_wait3A_1608, %dma_wait3A_1614] : memref<32x64xi32, #tpu.memory_space<vmem>> -> memref<1x64xi32, #tpu.memory_space<vmem>>
      %dma_wait3A_1616 = tpu.memref_squeeze %dma_wait3A_1615 : memref<1x64xi32, #tpu.memory_space<vmem>> -> memref<64xi32, #tpu.memory_space<vmem>>
      %dma_wait3A_1617 = arith.constant 0 : i32
      %dma_wait3A_1618 = arith.constant 0 : i32
      %dma_wait3A_1619 = tpu.memref_slice %arg5[%dma_wait3A_1617, %dma_wait3A_1618] : memref<1000x128xf32, #tpu.memory_space<vmem_shared>> -> memref<1000x128xf32, #tpu.memory_space<vmem_shared>>
      tpu.wait_indirect_dma semaphore(%arg15 : memref<!tpu.dma_semaphore, #tpu.memory_space<semaphore_mem>>) src(%dma_wait3A_1619 : memref<1000x128xf32, #tpu.memory_space<vmem_shared>>) dst(%dma_wait3A_1613 : memref<64x128xf32, #tpu.memory_space<vmem>>)
      %mul3A_1620 = arith.constant 1024 : i32
      %mul3A_1621 = arith.muli %mul3A_7, %mul3A_1620 : i32
      %add3A_1622 = arith.constant 1984 : i32
      %add3A_1623 = arith.addi %mul3A_1621, %add3A_1622 : i32
      %dma_start3A_1624 = arith.constant 7 : i32
      %dma_start3A_1625 = arith.constant 0 : i32
      %dma_start3A_1626 = arith.constant 0 : i32
      %dma_start3A_1627 = tpu.memref_slice %arg7[%dma_start3A_1624, %dma_start3A_1625, %dma_start3A_1626] : memref<8x64x128xf32, #tpu.memory_space<vmem>> -> memref<1x64x128xf32, #tpu.memory_space<vmem>>
      %dma_start3A_1628 = tpu.memref_squeeze %dma_start3A_1627 : memref<1x64x128xf32, #tpu.memory_space<vmem>> -> memref<64x128xf32, #tpu.memory_space<vmem>>
      %dma_start3A_1629 = arith.constant 0 : i32
      %dma_start3A_1630 = tpu.memref_slice %arg4[%add3A_1623, %dma_start3A_1629] : memref<51200x128xf32, #tpu.memory_space<hbm>> -> memref<64x128xf32, #tpu.memory_space<hbm>>
      %dma_start3A_1631 = arith.constant 0 : i32
      %dma_start3A_1632 = tpu.memref_slice %arg4[%add3A_1623, %dma_start3A_1631] : memref<51200x128xf32, #tpu.memory_space<hbm>> -> memref<64x128xf32, #tpu.memory_space<hbm>>
      %dma_start3A_1633 = arith.constant 0 : i32
      %dma_start3A_1634 = arith.constant 0 : i32
      %dma_start3A_1635 = tpu.memref_slice %arg7[%dma_start3A_1624, %dma_start3A_1633, %dma_start3A_1634] : memref<8x64x128xf32, #tpu.memory_space<vmem>> -> memref<1x64x128xf32, #tpu.memory_space<vmem>>
      %dma_start3A_1636 = tpu.memref_squeeze %dma_start3A_1635 : memref<1x64x128xf32, #tpu.memory_space<vmem>> -> memref<64x128xf32, #tpu.memory_space<vmem>>
      tpu.enqueue_dma source(%dma_start3A_1636 : memref<64x128xf32, #tpu.memory_space<vmem>>) target(%dma_start3A_1632 : memref<64x128xf32, #tpu.memory_space<hbm>>) target_semaphore(%arg23 : memref<!tpu.dma_semaphore, #tpu.memory_space<semaphore_mem>>)
      %dma_wait3A_1637 = arith.constant 0 : i32
      %dma_wait3A_1638 = arith.constant 0 : i32
      %dma_wait3A_1639 = arith.constant 0 : i32
      %dma_wait3A_1640 = tpu.memref_slice %arg7[%dma_wait3A_1637, %dma_wait3A_1638, %dma_wait3A_1639] : memref<8x64x128xf32, #tpu.memory_space<vmem>> -> memref<1x64x128xf32, #tpu.memory_space<vmem>>
      %dma_wait3A_1641 = tpu.memref_squeeze %dma_wait3A_1640 : memref<1x64x128xf32, #tpu.memory_space<vmem>> -> memref<64x128xf32, #tpu.memory_space<vmem>>
      %dma_wait3A_1642 = arith.constant 0 : i32
      %dma_wait3A_1643 = tpu.memref_slice %arg4[%add3A_1320, %dma_wait3A_1642] : memref<51200x128xf32, #tpu.memory_space<hbm>> -> memref<64x128xf32, #tpu.memory_space<hbm>>
      %dma_wait3A_1644 = arith.constant 0 : i32
      %dma_wait3A_1645 = tpu.memref_slice %arg4[%add3A_1320, %dma_wait3A_1644] : memref<51200x128xf32, #tpu.memory_space<hbm>> -> memref<64x128xf32, #tpu.memory_space<hbm>>
      %dma_wait3A_1646 = arith.constant 0 : i32
      %dma_wait3A_1647 = arith.constant 0 : i32
      %dma_wait3A_1648 = tpu.memref_slice %arg7[%dma_wait3A_1637, %dma_wait3A_1646, %dma_wait3A_1647] : memref<8x64x128xf32, #tpu.memory_space<vmem>> -> memref<1x64x128xf32, #tpu.memory_space<vmem>>
      %dma_wait3A_1649 = tpu.memref_squeeze %dma_wait3A_1648 : memref<1x64x128xf32, #tpu.memory_space<vmem>> -> memref<64x128xf32, #tpu.memory_space<vmem>>
      tpu.wait_dma2 semaphore(%arg16 : memref<!tpu.dma_semaphore, #tpu.memory_space<semaphore_mem>>) src(%dma_wait3A_1649 : memref<64x128xf32, #tpu.memory_space<vmem>>) dst(%dma_wait3A_1645 : memref<64x128xf32, #tpu.memory_space<hbm>>)
      %dma_wait3A_1650 = arith.constant 1 : i32
      %dma_wait3A_1651 = arith.constant 0 : i32
      %dma_wait3A_1652 = arith.constant 0 : i32
      %dma_wait3A_1653 = tpu.memref_slice %arg7[%dma_wait3A_1650, %dma_wait3A_1651, %dma_wait3A_1652] : memref<8x64x128xf32, #tpu.memory_space<vmem>> -> memref<1x64x128xf32, #tpu.memory_space<vmem>>
      %dma_wait3A_1654 = tpu.memref_squeeze %dma_wait3A_1653 : memref<1x64x128xf32, #tpu.memory_space<vmem>> -> memref<64x128xf32, #tpu.memory_space<vmem>>
      %dma_wait3A_1655 = arith.constant 0 : i32
      %dma_wait3A_1656 = tpu.memref_slice %arg4[%add3A_1374, %dma_wait3A_1655] : memref<51200x128xf32, #tpu.memory_space<hbm>> -> memref<64x128xf32, #tpu.memory_space<hbm>>
      %dma_wait3A_1657 = arith.constant 0 : i32
      %dma_wait3A_1658 = tpu.memref_slice %arg4[%add3A_1374, %dma_wait3A_1657] : memref<51200x128xf32, #tpu.memory_space<hbm>> -> memref<64x128xf32, #tpu.memory_space<hbm>>
      %dma_wait3A_1659 = arith.constant 0 : i32
      %dma_wait3A_1660 = arith.constant 0 : i32
      %dma_wait3A_1661 = tpu.memref_slice %arg7[%dma_wait3A_1650, %dma_wait3A_1659, %dma_wait3A_1660] : memref<8x64x128xf32, #tpu.memory_space<vmem>> -> memref<1x64x128xf32, #tpu.memory_space<vmem>>
      %dma_wait3A_1662 = tpu.memref_squeeze %dma_wait3A_1661 : memref<1x64x128xf32, #tpu.memory_space<vmem>> -> memref<64x128xf32, #tpu.memory_space<vmem>>
      tpu.wait_dma2 semaphore(%arg17 : memref<!tpu.dma_semaphore, #tpu.memory_space<semaphore_mem>>) src(%dma_wait3A_1662 : memref<64x128xf32, #tpu.memory_space<vmem>>) dst(%dma_wait3A_1658 : memref<64x128xf32, #tpu.memory_space<hbm>>)
      %dma_wait3A_1663 = arith.constant 2 : i32
      %dma_wait3A_1664 = arith.constant 0 : i32
      %dma_wait3A_1665 = arith.constant 0 : i32
      %dma_wait3A_1666 = tpu.memref_slice %arg7[%dma_wait3A_1663, %dma_wait3A_1664, %dma_wait3A_1665] : memref<8x64x128xf32, #tpu.memory_space<vmem>> -> memref<1x64x128xf32, #tpu.memory_space<vmem>>
      %dma_wait3A_1667 = tpu.memref_squeeze %dma_wait3A_1666 : memref<1x64x128xf32, #tpu.memory_space<vmem>> -> memref<64x128xf32, #tpu.memory_space<vmem>>
      %dma_wait3A_1668 = arith.constant 0 : i32
      %dma_wait3A_1669 = tpu.memref_slice %arg4[%add3A_1428, %dma_wait3A_1668] : memref<51200x128xf32, #tpu.memory_space<hbm>> -> memref<64x128xf32, #tpu.memory_space<hbm>>
      %dma_wait3A_1670 = arith.constant 0 : i32
      %dma_wait3A_1671 = tpu.memref_slice %arg4[%add3A_1428, %dma_wait3A_1670] : memref<51200x128xf32, #tpu.memory_space<hbm>> -> memref<64x128xf32, #tpu.memory_space<hbm>>
      %dma_wait3A_1672 = arith.constant 0 : i32
      %dma_wait3A_1673 = arith.constant 0 : i32
      %dma_wait3A_1674 = tpu.memref_slice %arg7[%dma_wait3A_1663, %dma_wait3A_1672, %dma_wait3A_1673] : memref<8x64x128xf32, #tpu.memory_space<vmem>> -> memref<1x64x128xf32, #tpu.memory_space<vmem>>
      %dma_wait3A_1675 = tpu.memref_squeeze %dma_wait3A_1674 : memref<1x64x128xf32, #tpu.memory_space<vmem>> -> memref<64x128xf32, #tpu.memory_space<vmem>>
      tpu.wait_dma2 semaphore(%arg18 : memref<!tpu.dma_semaphore, #tpu.memory_space<semaphore_mem>>) src(%dma_wait3A_1675 : memref<64x128xf32, #tpu.memory_space<vmem>>) dst(%dma_wait3A_1671 : memref<64x128xf32, #tpu.memory_space<hbm>>)
      %dma_wait3A_1676 = arith.constant 3 : i32
      %dma_wait3A_1677 = arith.constant 0 : i32
      %dma_wait3A_1678 = arith.constant 0 : i32
      %dma_wait3A_1679 = tpu.memref_slice %arg7[%dma_wait3A_1676, %dma_wait3A_1677, %dma_wait3A_1678] : memref<8x64x128xf32, #tpu.memory_space<vmem>> -> memref<1x64x128xf32, #tpu.memory_space<vmem>>
      %dma_wait3A_1680 = tpu.memref_squeeze %dma_wait3A_1679 : memref<1x64x128xf32, #tpu.memory_space<vmem>> -> memref<64x128xf32, #tpu.memory_space<vmem>>
      %dma_wait3A_1681 = arith.constant 0 : i32
      %dma_wait3A_1682 = tpu.memref_slice %arg4[%add3A_1482, %dma_wait3A_1681] : memref<51200x128xf32, #tpu.memory_space<hbm>> -> memref<64x128xf32, #tpu.memory_space<hbm>>
      %dma_wait3A_1683 = arith.constant 0 : i32
      %dma_wait3A_1684 = tpu.memref_slice %arg4[%add3A_1482, %dma_wait3A_1683] : memref<51200x128xf32, #tpu.memory_space<hbm>> -> memref<64x128xf32, #tpu.memory_space<hbm>>
      %dma_wait3A_1685 = arith.constant 0 : i32
      %dma_wait3A_1686 = arith.constant 0 : i32
      %dma_wait3A_1687 = tpu.memref_slice %arg7[%dma_wait3A_1676, %dma_wait3A_1685, %dma_wait3A_1686] : memref<8x64x128xf32, #tpu.memory_space<vmem>> -> memref<1x64x128xf32, #tpu.memory_space<vmem>>
      %dma_wait3A_1688 = tpu.memref_squeeze %dma_wait3A_1687 : memref<1x64x128xf32, #tpu.memory_space<vmem>> -> memref<64x128xf32, #tpu.memory_space<vmem>>
      tpu.wait_dma2 semaphore(%arg19 : memref<!tpu.dma_semaphore, #tpu.memory_space<semaphore_mem>>) src(%dma_wait3A_1688 : memref<64x128xf32, #tpu.memory_space<vmem>>) dst(%dma_wait3A_1684 : memref<64x128xf32, #tpu.memory_space<hbm>>)
      %dma_wait3A_1689 = arith.constant 4 : i32
      %dma_wait3A_1690 = arith.constant 0 : i32
      %dma_wait3A_1691 = arith.constant 0 : i32
      %dma_wait3A_1692 = tpu.memref_slice %arg7[%dma_wait3A_1689, %dma_wait3A_1690, %dma_wait3A_1691] : memref<8x64x128xf32, #tpu.memory_space<vmem>> -> memref<1x64x128xf32, #tpu.memory_space<vmem>>
      %dma_wait3A_1693 = tpu.memref_squeeze %dma_wait3A_1692 : memref<1x64x128xf32, #tpu.memory_space<vmem>> -> memref<64x128xf32, #tpu.memory_space<vmem>>
      %dma_wait3A_1694 = arith.constant 0 : i32
      %dma_wait3A_1695 = tpu.memref_slice %arg4[%add3A_1536, %dma_wait3A_1694] : memref<51200x128xf32, #tpu.memory_space<hbm>> -> memref<64x128xf32, #tpu.memory_space<hbm>>
      %dma_wait3A_1696 = arith.constant 0 : i32
      %dma_wait3A_1697 = tpu.memref_slice %arg4[%add3A_1536, %dma_wait3A_1696] : memref<51200x128xf32, #tpu.memory_space<hbm>> -> memref<64x128xf32, #tpu.memory_space<hbm>>
      %dma_wait3A_1698 = arith.constant 0 : i32
      %dma_wait3A_1699 = arith.constant 0 : i32
      %dma_wait3A_1700 = tpu.memref_slice %arg7[%dma_wait3A_1689, %dma_wait3A_1698, %dma_wait3A_1699] : memref<8x64x128xf32, #tpu.memory_space<vmem>> -> memref<1x64x128xf32, #tpu.memory_space<vmem>>
      %dma_wait3A_1701 = tpu.memref_squeeze %dma_wait3A_1700 : memref<1x64x128xf32, #tpu.memory_space<vmem>> -> memref<64x128xf32, #tpu.memory_space<vmem>>
      tpu.wait_dma2 semaphore(%arg20 : memref<!tpu.dma_semaphore, #tpu.memory_space<semaphore_mem>>) src(%dma_wait3A_1701 : memref<64x128xf32, #tpu.memory_space<vmem>>) dst(%dma_wait3A_1697 : memref<64x128xf32, #tpu.memory_space<hbm>>)
      %dma_wait3A_1702 = arith.constant 5 : i32
      %dma_wait3A_1703 = arith.constant 0 : i32
      %dma_wait3A_1704 = arith.constant 0 : i32
      %dma_wait3A_1705 = tpu.memref_slice %arg7[%dma_wait3A_1702, %dma_wait3A_1703, %dma_wait3A_1704] : memref<8x64x128xf32, #tpu.memory_space<vmem>> -> memref<1x64x128xf32, #tpu.memory_space<vmem>>
      %dma_wait3A_1706 = tpu.memref_squeeze %dma_wait3A_1705 : memref<1x64x128xf32, #tpu.memory_space<vmem>> -> memref<64x128xf32, #tpu.memory_space<vmem>>
      %dma_wait3A_1707 = arith.constant 0 : i32
      %dma_wait3A_1708 = tpu.memref_slice %arg4[%add3A_1565, %dma_wait3A_1707] : memref<51200x128xf32, #tpu.memory_space<hbm>> -> memref<64x128xf32, #tpu.memory_space<hbm>>
      %dma_wait3A_1709 = arith.constant 0 : i32
      %dma_wait3A_1710 = tpu.memref_slice %arg4[%add3A_1565, %dma_wait3A_1709] : memref<51200x128xf32, #tpu.memory_space<hbm>> -> memref<64x128xf32, #tpu.memory_space<hbm>>
      %dma_wait3A_1711 = arith.constant 0 : i32
      %dma_wait3A_1712 = arith.constant 0 : i32
      %dma_wait3A_1713 = tpu.memref_slice %arg7[%dma_wait3A_1702, %dma_wait3A_1711, %dma_wait3A_1712] : memref<8x64x128xf32, #tpu.memory_space<vmem>> -> memref<1x64x128xf32, #tpu.memory_space<vmem>>
      %dma_wait3A_1714 = tpu.memref_squeeze %dma_wait3A_1713 : memref<1x64x128xf32, #tpu.memory_space<vmem>> -> memref<64x128xf32, #tpu.memory_space<vmem>>
      tpu.wait_dma2 semaphore(%arg21 : memref<!tpu.dma_semaphore, #tpu.memory_space<semaphore_mem>>) src(%dma_wait3A_1714 : memref<64x128xf32, #tpu.memory_space<vmem>>) dst(%dma_wait3A_1710 : memref<64x128xf32, #tpu.memory_space<hbm>>)
      %dma_wait3A_1715 = arith.constant 6 : i32
      %dma_wait3A_1716 = arith.constant 0 : i32
      %dma_wait3A_1717 = arith.constant 0 : i32
      %dma_wait3A_1718 = tpu.memref_slice %arg7[%dma_wait3A_1715, %dma_wait3A_1716, %dma_wait3A_1717] : memref<8x64x128xf32, #tpu.memory_space<vmem>> -> memref<1x64x128xf32, #tpu.memory_space<vmem>>
      %dma_wait3A_1719 = tpu.memref_squeeze %dma_wait3A_1718 : memref<1x64x128xf32, #tpu.memory_space<vmem>> -> memref<64x128xf32, #tpu.memory_space<vmem>>
      %dma_wait3A_1720 = arith.constant 0 : i32
      %dma_wait3A_1721 = tpu.memref_slice %arg4[%add3A_1594, %dma_wait3A_1720] : memref<51200x128xf32, #tpu.memory_space<hbm>> -> memref<64x128xf32, #tpu.memory_space<hbm>>
      %dma_wait3A_1722 = arith.constant 0 : i32
      %dma_wait3A_1723 = tpu.memref_slice %arg4[%add3A_1594, %dma_wait3A_1722] : memref<51200x128xf32, #tpu.memory_space<hbm>> -> memref<64x128xf32, #tpu.memory_space<hbm>>
      %dma_wait3A_1724 = arith.constant 0 : i32
      %dma_wait3A_1725 = arith.constant 0 : i32
      %dma_wait3A_1726 = tpu.memref_slice %arg7[%dma_wait3A_1715, %dma_wait3A_1724, %dma_wait3A_1725] : memref<8x64x128xf32, #tpu.memory_space<vmem>> -> memref<1x64x128xf32, #tpu.memory_space<vmem>>
      %dma_wait3A_1727 = tpu.memref_squeeze %dma_wait3A_1726 : memref<1x64x128xf32, #tpu.memory_space<vmem>> -> memref<64x128xf32, #tpu.memory_space<vmem>>
      tpu.wait_dma2 semaphore(%arg22 : memref<!tpu.dma_semaphore, #tpu.memory_space<semaphore_mem>>) src(%dma_wait3A_1727 : memref<64x128xf32, #tpu.memory_space<vmem>>) dst(%dma_wait3A_1723 : memref<64x128xf32, #tpu.memory_space<hbm>>)
      %dma_wait3A_1728 = arith.constant 7 : i32
      %dma_wait3A_1729 = arith.constant 0 : i32
      %dma_wait3A_1730 = arith.constant 0 : i32
      %dma_wait3A_1731 = tpu.memref_slice %arg7[%dma_wait3A_1728, %dma_wait3A_1729, %dma_wait3A_1730] : memref<8x64x128xf32, #tpu.memory_space<vmem>> -> memref<1x64x128xf32, #tpu.memory_space<vmem>>
      %dma_wait3A_1732 = tpu.memref_squeeze %dma_wait3A_1731 : memref<1x64x128xf32, #tpu.memory_space<vmem>> -> memref<64x128xf32, #tpu.memory_space<vmem>>
      %dma_wait3A_1733 = arith.constant 0 : i32
      %dma_wait3A_1734 = tpu.memref_slice %arg4[%add3A_1623, %dma_wait3A_1733] : memref<51200x128xf32, #tpu.memory_space<hbm>> -> memref<64x128xf32, #tpu.memory_space<hbm>>
      %dma_wait3A_1735 = arith.constant 0 : i32
      %dma_wait3A_1736 = tpu.memref_slice %arg4[%add3A_1623, %dma_wait3A_1735] : memref<51200x128xf32, #tpu.memory_space<hbm>> -> memref<64x128xf32, #tpu.memory_space<hbm>>
      %dma_wait3A_1737 = arith.constant 0 : i32
      %dma_wait3A_1738 = arith.constant 0 : i32
      %dma_wait3A_1739 = tpu.memref_slice %arg7[%dma_wait3A_1728, %dma_wait3A_1737, %dma_wait3A_1738] : memref<8x64x128xf32, #tpu.memory_space<vmem>> -> memref<1x64x128xf32, #tpu.memory_space<vmem>>
      %dma_wait3A_1740 = tpu.memref_squeeze %dma_wait3A_1739 : memref<1x64x128xf32, #tpu.memory_space<vmem>> -> memref<64x128xf32, #tpu.memory_space<vmem>>
      tpu.wait_dma2 semaphore(%arg23 : memref<!tpu.dma_semaphore, #tpu.memory_space<semaphore_mem>>) src(%dma_wait3A_1740 : memref<64x128xf32, #tpu.memory_space<vmem>>) dst(%dma_wait3A_1736 : memref<64x128xf32, #tpu.memory_space<hbm>>)
    } else {
    }
    return
  }
}

module attributes {stable_mosaic.version = 14 : i64} {
  func.func @_table_body(%arg0: memref<128x1000xf32, #tpu.memory_space<vmem>>, %arg1: memref<1x128xf32, #tpu.memory_space<vmem>>, %arg2: memref<1000x128xf32, #tpu.memory_space<vmem>>) attributes {dimension_semantics = [], scalar_prefetch = 0 : i64, scratch_operands = 0 : i64, tpu.core_type = #tpu.core_type<tc>} {
    %get3A = arith.constant 0 : index
    %get3A_0 = arith.constant 0 : index
    %get3A_1 = vector.load %arg0[%get3A, %get3A_0] : memref<128x1000xf32, #tpu.memory_space<vmem>>, vector<128x1000xf32>
    %iota3A = tpu.iota {dimensions = array<i32: 0>} : vector<128x128xi32>
    %iota3A_2 = tpu.iota {dimensions = array<i32: 1>} : vector<128x128xi32>
    %eq3A = arith.cmpi eq, %iota3A, %iota3A_2 : vector<128x128xi32>
    %jit3A = arith.constant 1.000000e+00 : f32
    %jit3A_3 = arith.constant 0.000000e+00 : f32
    %broadcast_in_dim3A = vector.broadcast %jit3A : f32 to vector<128x128xf32>
    %broadcast_in_dim3A_4 = vector.broadcast %jit3A_3 : f32 to vector<128x128xf32>
    %select_n3A = arith.select %eq3A, %broadcast_in_dim3A, %broadcast_in_dim3A_4 : vector<128x128xi1>, vector<128x128xf32>
    %dot_general3A = arith.constant dense<0.000000e+00> : vector<1000x128xf32>
    %dot_general3A_5 = tpu.matmul %get3A_1, %select_n3A, %dot_general3A {dimension_numbers = #tpu.dot_dimension_numbers<[0], [0], [1], [1], [0, 1, 1, 1], [], []>, transpose_lhs_hint = false} : vector<128x1000xf32>, vector<128x128xf32>, vector<1000x128xf32> -> vector<1000x128xf32>
    %get3A_6 = arith.constant 0 : index
    %get3A_7 = arith.constant 0 : index
    %get3A_8 = vector.load %arg1[%get3A_6, %get3A_7] : memref<1x128xf32, #tpu.memory_space<vmem>>, vector<1x128xf32>
    %add3A = vector.broadcast %get3A_8 : vector<1x128xf32> to vector<1000x128xf32>
    %add3A_9 = arith.addf %dot_general3A_5, %add3A : vector<1000x128xf32>
    %swap3A = arith.constant 0 : index
    %swap3A_10 = arith.constant 0 : index
    %swap3A_11 = vector.load %arg2[%swap3A, %swap3A_10] : memref<1000x128xf32, #tpu.memory_space<vmem>>, vector<1000x128xf32>
    tpu.vector_store %arg2[%swap3A, %swap3A_10], %add3A_9 {strides = array<i32>} : memref<1000x128xf32, #tpu.memory_space<vmem>>, vector<1000x128xf32>,
    return
  }
}

</mosaic_0001>

<sc_bundles>
// kernel: kernel.4.cloned.1.call-start
scs
__scs_entry_jumppad:
0x0: {  	(pc) =	sbr.rel $0x88, $3  }
0x1: {  	(tag) =	ssettag $0x0;
	lr =	simm.s32 $0x1  }
0x2: {  	[smem:$0x3F9E] =	sst lr;
	_ =	strace $0xD0000000  }
0x3: {  	_ = 	snop  }
0x4: {  	_ = 	snop  }
0x5: {  	_ = 	snop  }
0x6: {  	_ = 	snop  }
0x7: {  	_ = 	snop  }
__scs_overlays_trampoline_lowered:
0x8: {  	[smem:$0x3FAD] =	sst s0  }
0x9: {  	[smem:$0x3FAE] =	sst s1  }
0xa: {  	[smem:$0x3FAF] =	sst s2  }
0xb: {  	[smem:$0x3FB0] =	sst s3  }
0xc: {  	[smem:$0x3FB1] =	sst s4  }
0xd: {  	[smem:$0x3FB2] =	sst s5  }
0xe: {  	[smem:$0x3FB3] =	sst s6  }
0xf: {  	[smem:$0x3FB4] =	sst s7  }
0x10: {  	[smem:$0x3FB5] =	sst s8  }
0x11: {  	[smem:$0x3FB6] =	sst s9;
	s0 =	simm.s32 @!p0 $0x0  }
0x12: {  	s1 =	sld [smem:$0x3F9C];
	s0 =	simm.s32 @p0 $0x1  }
0x13: {  	[smem:$0x3FB7] =	sst s0;
	s0 =	simm.s32 @!p1 $0x0  }
0x14: {  	s2 =	sld [smem:$0x3F9B];
	s0 =	simm.s32 @p1 $0x1  }
0x15: {  	[smem:$0x3FB8] =	sst s0;
	s0 =	simm.s32 @!p2 $0x0  }
0x16: {  	s3 =	sld [smem:$0x3FDB];
	s0 =	simm.s32 @p2 $0x1  }
0x17: {  	s4 =	simm.s32 $0x1BF5;
	[smem:$0x3FBA] =	sst s0  }
0x18: {  	s0 =	sld [smem:$0x3F9D];
	_ =	swait.ge [sflag:s4], $0x0  }
0x19: {  	s7 =	sld [smem:$0x3F9E]  }
0x1a: {  	s8 =	sadd.s32 $0xFFFFE003, lr  }
0x1b: {  	s9 =	sadd.s32 $0xFFFFFEF7, lr;
	s5 =	simm.s32 $0xFFFFFFFF;
	p2 =	slt.u32 s8, $0xFFFFF086  }
0x1c: {  	p1 =	slt.u32 s9, $0xF7A;
	s5 =	simm.s32 @!p2 $0x0  }
0x1d: {  	s5 =	simm.s32 @p1 $0x1;
	p0 =	seq.s32 s7, s2  }
0x1e: {  	s7 =	smul.u32 @!p0 $0xF7A, s2;
	p2 =	seq.s32 @!p0 s5, $0x0  }
0x1f: {  	s9 =	smul.u32 $0xF7A, s1;
	s8 =	simm.s32 @!p0 $0x1BF5;
	p2 =	por !p2, p0  }
0x20: {  	[sflag:s8] =	ssyncset.s32 @!p0 $0xFFFFF086;
	s6 =	sadd.s32 @!p0 s3, s7;
	s7 =	simm.s32 @!p0 $0x108  }
0x21: {  	s3 =	sadd.s32 s3, s9;
	s6 =	sadd.s32 @!p0 $0x88, s6;
	s7 =	simm.s32 @p2 $0x1082  }
0x22: {  	[simem:s7], [sflag:s8] =	dma.local @!p0 [hbm:s6], $0xF7A  }
0x23: {  	s9 =	sor.u32 $0xD0000000, s2;
	s6 =	simm.s32 $0x108;
	_ =	swait.ge @!p0 [sflag:s8], $0x0  }
0x24: {  	s3 =	sadd.s32 $0x88, s3;
	s6 =	simm.s32 @!p1 $0x1082;
	[sflag:s4] =	ssyncset.s32 $0xFFFFF086  }
0x25: {  	[simem:s6], [sflag:s4] =	dma.local [hbm:s3], $0xF7A  }
0x26: {  	[smem:$0x3F9E] =	sst s1;
	(tag) =	ssettag s2;
	_ =	strace s9  }
0x27: {  	s1 =	sld [smem:$0x3FAE]  }
0x28: {  	s2 =	sld [smem:$0x3FAF]  }
0x29: {  	s4 =	sld [smem:$0x3FB1]  }
0x2a: {  	p0 =	seq.s32 s5, $0x0;
	s5 =	sld [smem:$0x3FB2]  }
0x2b: {  	s6 =	sld [smem:$0x3FB3]  }
0x2c: {  	s7 =	sld [smem:$0x3FB4]  }
0x2d: {  	s3 =	simm.s32 $0x108;
	s8 =	sld [smem:$0x3FB5]  }
0x2e: {  	s3 =	simm.s32 @!p0 $0x1082;
	s9 =	sld [smem:$0x3FB6]  }
0x2f: {  	lr =	sadd.s32 s0, s3;
	s0 =	sld [smem:$0x3FAD]  }
0x30: {  	s3 =	sld [smem:$0x3FB0]  }
0x31: {  	[smem:$0x3FB9] =	sst s10  }
0x32: {  	s10 =	sld [smem:$0x3FB7];
	_ =	sdelay $0x3  }
0x33: {  	p0 =	seq.s32 s10, $0x1;
	s10 =	sld [smem:$0x3FB9];
	_ =	sdelay $0x3  }
0x34: {  	[smem:$0x3FB9] =	sst s10  }
0x35: {  	s10 =	sld [smem:$0x3FB8];
	_ =	sdelay $0x3  }
0x36: {  	p1 =	seq.s32 s10, $0x1;
	s10 =	sld [smem:$0x3FB9];
	_ =	sdelay $0x3  }
0x37: {  	[smem:$0x3FB9] =	sst s10  }
0x38: {  	s10 =	sld [smem:$0x3FBA]  }
0x39: {  	_ = 	snop;
	(pc) =	sbr.ind lr, $3  }
0x3a: {  	_ = 	snop  }
0x3b: {  	_ = 	snop  }
0x3c: {  	p2 =	seq.s32 s10, $0x1;
	s10 =	sld [smem:$0x3FB9]  }
0x3d: {  	_ =	shalt  }
0x3e: {  	_ =	shalt  }
0x3f: {  	_ =	shalt  }
0x40: {  	_ =	shalt  }
0x41: {  	_ =	shalt  }
0x42: {  	_ =	shalt  }
0x43: {  	_ =	shalt  }
0x44: {  	_ =	shalt  }
0x45: {  	_ =	shalt  }
0x46: {  	_ =	shalt  }
0x47: {  	_ =	shalt  }
0x48: {  	_ =	shalt  }
0x49: {  	_ =	shalt  }
0x4a: {  	_ =	shalt  }
0x4b: {  	_ =	shalt  }
0x4c: {  	_ =	shalt  }
0x4d: {  	_ =	shalt  }
0x4e: {  	_ =	shalt  }
0x4f: {  	_ =	shalt  }
0x50: {  	_ =	shalt  }
0x51: {  	_ =	shalt  }
0x52: {  	_ =	shalt  }
0x53: {  	_ =	shalt  }
0x54: {  	_ =	shalt  }
0x55: {  	_ =	shalt  }
0x56: {  	_ =	shalt  }
0x57: {  	_ =	shalt  }
0x58: {  	_ =	shalt  }
0x59: {  	_ =	shalt  }
0x5a: {  	_ =	shalt  }
0x5b: {  	_ =	shalt  }
0x5c: {  	_ =	shalt  }
0x5d: {  	_ =	shalt  }
0x5e: {  	_ =	shalt  }
0x5f: {  	_ =	shalt  }
0x60: {  	_ =	shalt  }
0x61: {  	_ =	shalt  }
0x62: {  	_ =	shalt  }
0x63: {  	_ =	shalt  }
0x64: {  	_ =	shalt  }
0x65: {  	_ =	shalt  }
0x66: {  	_ =	shalt  }
0x67: {  	_ =	shalt  }
0x68: {  	_ =	shalt  }
0x69: {  	_ =	shalt  }
0x6a: {  	_ =	shalt  }
0x6b: {  	_ =	shalt  }
0x6c: {  	_ =	shalt  }
0x6d: {  	_ =	shalt  }
0x6e: {  	_ =	shalt  }
0x6f: {  	_ =	shalt  }
0x70: {  	_ =	shalt  }
0x71: {  	_ =	shalt  }
0x72: {  	_ =	shalt  }
0x73: {  	_ =	shalt  }
0x74: {  	_ =	shalt  }
0x75: {  	_ =	shalt  }
0x76: {  	_ =	shalt  }
0x77: {  	_ =	shalt  }
0x78: {  	_ =	shalt  }
0x79: {  	_ =	shalt  }
0x7a: {  	_ =	shalt  }
0x7b: {  	_ =	shalt  }
0x7c: {  	_ =	shalt  }
0x7d: {  	_ =	shalt  }
0x7e: {  	_ =	shalt  }
0x7f: {  	_ =	shalt  }
0x80: {  	_ =	shalt  }
0x81: {  	_ =	shalt  }
0x82: {  	_ =	shalt  }
0x83: {  	_ =	shalt  }
0x84: {  	_ =	shalt  }
0x85: {  	_ =	shalt  }
0x86: {  	_ =	shalt  }
0x87: {  	_ =	shalt  }
.Lfunc_end0:
.L_simem_size_0:
called_computation_lowered:
.L_overlay_start_0:
0x88: {  	s2 =	sld [smem:$0x3FD9]  }
0x89: {  	s3 =	sld [smem:$0x3FFE];
	_ =	sdelay $0x1  }
0x8a: {  	s1 =	srdreg.scid  }
0x8b: {  	s0 =	sand.u32 $0x1, s1  }
0x8c: {  	s17 =	sshll.u32 s0, $0xA;
	s2 =	sadd.s32 s3, s2  }
0x8d: {  	s2 =	sadd.s32 s2, s17  }
0x8e: {  	[smem:$0x3FC5] =	sst s2  }
0x8f: {  	_ = 	snop  }
0x90: {  	s2 =	sld [smem:$0x3FC9]  }
0x91: {  	s18 =	sld [smem:$0x3FD0];
	(tm) =	ssettm $0x1  }
0x92: {  	s4 =	sld [smem:$0x3FFB];
	_ =	sdelay $0x3  }
0x93: {  	_ =	strace s4  }
0x94: {  	s4 =	sld [smem:$0x3FFC];
	_ =	sdelay $0x3  }
0x95: {  	_ =	strace s4  }
0x96: {  	s4 =	sld [smem:$0x3FFD];
	_ =	sdelay $0x3  }
0x97: {  	_ =	strace s4  }
0x98: {  	_ =	strace $0x8FFFFFFF  }
0x99: {  	s19 =	sld [smem:$0x3FDB];
	_ =	sdelay $0x1  }
0x9a: {  	s5 =	simm.s32 $_scs_section_size  }
0x9b: {  	s6 =	simm.s32 $_size__tile_overlayer_lowered;
	s7 =	simm.s32 $_tile_overlayer_lowered  }
0x9c: {  	s22 =	simm.s32 $0x1BFF;
	s21 =	sshll.u32 s7, $0x1;
	s4 =	sadd.s32 s5, s19  }
0x9d: {  	s8 =	simm.s32 $0x0;
	s20 =	sshll.u32 s6, $0x1;
	s6 =	sadd.s32 s21, s4  }
0x9e: {  	[timem:s8], [sflag:s22] =	dma.local [hbm:s6], s20  }
0x9f: {  	_ =	swait.ge [sflag:s22], s20  }
0xa0: {  	s5 =	ssub.s32 $0x0, s20;
	[sflag:s22] =	ssyncset.done $0x0  }
0xa1: {  	[sflag:s22] =	ssyncadd.s32 s5;
	_ =	sdelay $0x1  }
0xa2: {  	s23 =	simm.s32 $0x1B8B  }
0xa3: {  	_ =	swait.ge [sflag:s23], $0x1  }
0xa4: {  	[sflag:s23] =	ssyncset.done $0x0  }
0xa5: {  	s25 =	simm.s32 $0x1B8E;
	s24 =	sld [smem:$0x3FFE];
	[sflag:s23] =	ssyncadd.s32 $0xFFFFFFFF  }
0xa6: {  	s26 =	simm.s32 $execute0_lowered;
	[smem:$0x3FD2] =	sst s25  }
0xa7: {  	s6 =	sshll.u32 s26, $0x1;
	_ =	strace $0x80000046;
	[dreg:$0x1] =	wrdreg $0xFFFFFFFF  }
0xa8: {  	s28 =	simm.s32 $_size_execute0_lowered;
	s4 =	sadd.s32 s4, s6;
	[dreg:$0x0] =	wrdreg $0x0  }
0xa9: {  	s6 =	sshll.u32 s28, $0x1;
	[dreg:$0x2] =	wrdreg s4  }
0xaa: {  	[dreg:$0x3] =	wrdreg s6  }
0xab: {  	[dreg:$0x4] =	wrdreg $0xC0  }
0xac: {  	_ =	task [dreg:s8], $0x5FFFF  }
0xad: {  	[dreg:$0x1] =	wrdreg $0xFFFFFFFF  }
0xae: {  	[dreg:$0x0] =	wrdreg $0x60  }
0xaf: {  	[dreg:$0x2] =	wrdreg s24  }
0xb0: {  	[dreg:$0x3] =	wrdreg s2  }
0xb1: {  	[dreg:$0x4] =	wrdreg s18  }
0xb2: {  	[dreg:$0x5] =	wrdreg $0x0  }
0xb3: {  	[dreg:$0x6] =	wrdreg $0x9  }
0xb4: {  	_ =	task.clear_ibuf [dreg:s8], $0x7FFFF;
	_ =	strace $0x90000046  }
0xb5: {  	s29 =	simm.s32 $0x9;
	_ =	strace $0x80000048  }
0xb6: {  	_ =	swait.ge [sflag:s29], $0x1  }
0xb7: {  	[sflag:s29] =	ssyncadd.s32 $0xFFFFFFFF  }
0xb8: {  	_ =	strace $0x90000048  }
0xb9: {  	_ =	sfence  }
0xba: {  	s30 =	sld [smem:$0x0];
	_ =	sdelay $0x2  }
0xbb: {  	s31 =	sshll.u32 s1, $0xD;
	s1 =	sshrl.u32 s1, $0x2  }
0xbc: {  	s3 =	sand.u32 $0x4000, s31;
	s1 =	sadd.s32 s1, s30  }
0xbd: {  	s0 =	sor.u32 s3, s0;
	s1 =	sshll.u32 s1, $0x11  }
0xbe: {  	s0 =	sor.u32 s1, s0  }
0xbf: {  	s0 =	sadd.s32 $0x8F2B, s0  }
0xc0: {  	[sflag:s0] =	ssyncadd.remote.s32 $0x1  }
0xc1: {  	_ =	sfence.sel $0xFFFF  }
0xc2: {  	[dreg:$0x0] =	wrdreg $0xFFFFFFFF;
	(pc) =	sbr.abs _section_cstart, $3  }
0xc3: {  	[dreg:$0x1] =	wrdreg $0xFFFFFFFF  }
0xc4: {  	_ =	task.clear_ibuf [dreg:s8], $0x2FFFF;
	_ =	strace $0x9FFFFFFF  }
0xc5: {  	(tm) =	ssettm $0x7FFFFFFF  }
tec
execute0_lowered:
.L_overlay_start_1:
0x0: {  	(tag) =	ssettag $0x1  }
0x1: {  	s4 =	rddreg [dreg:$0x0]  }
0x2: {  	s6 =	stileid.u32;
	s5 =	srdreg.scid  }
0x3: {  	s0 =	sshll.u32 s6, $0x6;
	s5 =	sand.u32 $0x1, s5;
	s6 =	sshll.u32 s6, $0x1  }
0x4: {  	s2 =	rddreg [dreg:$0x1];
	s1 =	simm.s32 $0x0;
	s6 =	sor.u32 s5, s6  }
0x5: {  	[smem:$0x7FF] =	sst s1;
	s8 =	sshll.u32 s6, $0x8;
	s9 =	sshll.u32 s6, $0xB  }
0x6: {  	s3 =	smin.u32 s0, $0x3A8;
	s11 =	sand.u32 $0xE000, s9;
	s12 =	sand.u32 $0x300, s8  }
0x7: {  	s5 =	ssub.s32 $0x2, s5;
	s7 =	sshll.u32 s3, $0x4;
	s15 =	sor.u32 s12, s11  }
0x8: {  	s10 =	sshrl.u32 s5, $0x1;
	s8 =	sadd.s32 s7, s4;
	s4 =	sshrl.u32 s15, $0x3  }
0x9: {  	s7 =	ssub.s32 s5, s10;
	s5 =	sadd.s32 $0x8, s2;
	s13 =	sadd.s32 s2, s4  }
0xa: {  	s10 =	sadd.s32 $0x80, s2;
	s16 =	sadd.s32 s4, s5;
	[dreg:$0x5] =	wrdreg s13  }
0xb: {  	s14 =	sadd.s32 $0x100, s2;
	s17 =	sadd.s32 s4, s10;
	[dreg:$0x6] =	wrdreg s16  }
0xc: {  	s15 =	sadd.s32 $0x108, s2;
	s18 =	sadd.s32 s4, s14;
	[dreg:$0x7] =	wrdreg s17  }
0xd: {  	s19 =	sadd.s32 s4, s15;
	[dreg:$0x9] =	wrdreg s18  }
0xe: {  	s13 =	sadd.s32 $0x88, s2;
	[dreg:$0xa] =	wrdreg s19;
	s17 =	sadd.s32 $0x188, s2  }
0xf: {  	s18 =	sor.u32 $0x80, s12;
	s12 =	sor.u32 s9, s12;
	s19 =	sadd.s32 $0x208, s2  }
0x10: {  	s16 =	sadd.s32 s4, s13;
	s11 =	sor.u32 s11, s18;
	s9 =	sor.u32 s9, s18  }
0x11: {  	s12 =	sshrl.u32 s12, $0x3;
	s21 =	sadd.s32 s4, s17;
	[dreg:$0x8] =	wrdreg s16  }
0x12: {  	s18 =	sadd.s32 $0x200, s2;
	s22 =	sadd.s32 s4, s19;
	[dreg:$0xc] =	wrdreg s21  }
0x13: {  	s16 =	sadd.s32 $0x180, s2;
	s21 =	sadd.s32 s4, s18;
	[dreg:$0xe] =	wrdreg s22  }
0x14: {  	s22 =	sor.u32 $0x300, s12;
	s20 =	sadd.s32 s4, s16;
	[dreg:$0xd] =	wrdreg s21  }
0x15: {  	s11 =	sshrl.u32 s11, $0x3;
	s24 =	sadd.s32 s2, s22;
	[dreg:$0xb] =	wrdreg s20  }
0x16: {  	s5 =	sadd.s32 s11, s5;
	[dreg:$0x11] =	wrdreg s24  }
0x17: {  	s13 =	sadd.s32 s11, s13;
	[dreg:$0x15] =	wrdreg s5  }
0x18: {  	s14 =	sadd.s32 s11, s14;
	[dreg:$0x17] =	wrdreg s13  }
0x19: {  	s15 =	sadd.s32 s11, s15;
	[dreg:$0x18] =	wrdreg s14  }
0x1a: {  	s16 =	sadd.s32 s11, s16;
	[dreg:$0x19] =	wrdreg s15  }
0x1b: {  	s17 =	sadd.s32 s11, s17;
	[dreg:$0x1a] =	wrdreg s16  }
0x1c: {  	s22 =	sadd.s32 s11, s18;
	[dreg:$0x1b] =	wrdreg s17  }
0x1d: {  	s20 =	sadd.s32 $0x280, s2;
	[dreg:$0x1c] =	wrdreg s22  }
0x1e: {  	s21 =	sadd.s32 $0x288, s2;
	s15 =	rddreg [dreg:$0x2];
	s23 =	sadd.s32 s4, s20  }
0x1f: {  	s4 =	sadd.s32 s4, s21;
	[dreg:$0xf] =	wrdreg s23  }
0x20: {  	s26 =	sor.u32 $0x380, s12;
	s24 =	sadd.s32 s11, s20;
	[dreg:$0x10] =	wrdreg s4  }
0x21: {  	s4 =	sadd.s32 s2, s26;
	[dreg:$0x1e] =	wrdreg s24  }
0x22: {  	s23 =	sor.u32 $0x308, s12;
	s26 =	sadd.s32 s2, s11;
	[dreg:$0x13] =	wrdreg s4  }
0x23: {  	s12 =	sor.u32 $0x388, s12;
	s25 =	sadd.s32 s2, s23;
	[smem:$0x7D6] =	sst s26  }
0x24: {  	s30 =	sadd.s32 s2, s12;
	[dreg:$0x12] =	wrdreg s25  }
0x25: {  	s12 =	sadd.s32 s11, s10;
	[dreg:$0x14] =	wrdreg s30  }
0x26: {  	s23 =	sadd.s32 s11, s19;
	[dreg:$0x16] =	wrdreg s12;
	s30 =	sshrl.u32 s9, $0x3  }
0x27: {  	[dreg:$0x1d] =	wrdreg s23;
	s25 =	sadd.s32 s11, s21;
	s11 =	sor.u32 $0x300, s30  }
0x28: {  	[dreg:$0x1f] =	wrdreg s25;
	s9 =	sor.u32 $0x308, s30;
	s5 =	sadd.s32 s2, s11  }
0x29: {  	s12 =	sor.u32 $0x380, s30;
	s13 =	sadd.s32 s2, s9;
	[smem:$0x7D7] =	sst s5  }
0x2a: {  	s4 =	sor.u32 $0x388, s30;
	s14 =	sadd.s32 s2, s12;
	[smem:$0x7D8] =	sst s13  }
0x2b: {  	s2 =	sadd.s32 s2, s4;
	[smem:$0x7D9] =	sst s14  }
0x2c: {  	s0 =	sor.u32 $0x1C12, s0;
	[smem:$0x7DA] =	sst s2  }
0x2d: {  	s18 =	sadd.s32 $0x800, s8;
	s16 =	sshll.u32 s6, $0xF;
	s5 =	rddreg [dreg:$0x3]  }
0x2e: {  	s4 =	sadd.s32 s15, s16;
	_ =	strace $0x80000047;
	[smem:$0x7DB] =	sst s18  }
0x2f: {  	s20 =	sadd.s32 $0x400, s4;
	[smem:$0x7DC] =	sst s0  }
0x30: {  	s21 =	sadd.s32 $0x800, s4;
	[smem:$0x7DE] =	sst s20  }
0x31: {  	s22 =	sadd.s32 $0xC00, s4;
	[smem:$0x7DF] =	sst s21  }
0x32: {  	s23 =	sadd.s32 $0x1000, s4;
	[smem:$0x7E0] =	sst s22  }
0x33: {  	s24 =	sadd.s32 $0x1400, s4;
	[smem:$0x7E1] =	sst s23  }
0x34: {  	s25 =	sadd.s32 $0x1800, s4;
	[smem:$0x7E2] =	sst s24  }
0x35: {  	s26 =	sadd.s32 $0x1C00, s4;
	[smem:$0x7E3] =	sst s25  }
0x36: {  	s30 =	sadd.s32 $0x2000, s4;
	[smem:$0x7E4] =	sst s26  }
0x37: {  	s17 =	sshll.u32 s3, $0x7;
	s3 =	sadd.s32 $0x2800, s4;
	[smem:$0x7E5] =	sst s30  }
0x38: {  	p0 =	sgt.u32 s6, $0x18;
	s6 =	sadd.s32 $0x2C00, s4;
	[smem:$0x7E7] =	sst s3  }
0x39: {  	s8 =	smax.u32 s7, $0x1;
	s7 =	sadd.s32 $0x3000, s4;
	[smem:$0x7E8] =	sst s6  }
0x3a: {  	s9 =	sadd.s32 $0x3400, s4;
	[smem:$0x7E9] =	sst s7  }
0x3b: {  	s10 =	sadd.s32 $0x3800, s4;
	[smem:$0x7EA] =	sst s9  }
0x3c: {  	s11 =	sadd.s32 $0x3C00, s4;
	[smem:$0x7EB] =	sst s10  }
0x3d: {  	s12 =	sadd.s32 $0x4000, s4;
	[smem:$0x7EC] =	sst s11  }
0x3e: {  	s13 =	sadd.s32 $0x4400, s4;
	[smem:$0x7ED] =	sst s12  }
0x3f: {  	s29 =	simm.s32 $0x11;
	s14 =	sadd.s32 $0x4800, s4;
	[smem:$0x7EE] =	sst s13  }
0x40: {  	s31 =	simm.s32 $0x1;
	s15 =	sadd.s32 $0x4C00, s4;
	[smem:$0x7EF] =	sst s14  }
0x41: {  	s28 =	simm.s32 $0xB;
	s16 =	sadd.s32 $0x5000, s4;
	[smem:$0x7F0] =	sst s15  }
0x42: {  	s2 =	sadd.s32 s17, s5;
	[smem:$0x7F1] =	sst s16;
	s17 =	sadd.s32 $0x5400, s4  }
0x43: {  	s18 =	sadd.s32 $0x5800, s4;
	s20 =	sadd.s32 $0x6000, s4;
	s21 =	sadd.s32 $0x6400, s4  }
0x44: {  	s22 =	sadd.s32 $0x6800, s4;
	s23 =	sadd.s32 $0x6C00, s4;
	[smem:$0x7FC] =	sst s4  }
0x45: {  	s24 =	sadd.s32 $0x7000, s4;
	s25 =	sadd.s32 $0x7400, s4;
	[smem:$0x7F2] =	sst s17  }
0x46: {  	s26 =	sadd.s32 $0x7800, s4;
	s30 =	sadd.s32 $0x7C00, s4;
	[smem:$0x7F3] =	sst s18  }
0x47: {  	s15 =	simm.s32 $0x40;
	s0 =	simm.s32 $0x2;
	[smem:$0x7F5] =	sst s20  }
0x48: {  	s3 =	simm.s32 $0x4;
	s10 =	simm.s32 $0x5;
	[smem:$0x7F6] =	sst s21  }
0x49: {  	s11 =	simm.s32 $0x6;
	s12 =	simm.s32 $0x7;
	[smem:$0x7F7] =	sst s22  }
0x4a: {  	s13 =	simm.s32 $0x8;
	s14 =	simm.s32 $0xD;
	[smem:$0x7F8] =	sst s23  }
0x4b: {  	s6 =	simm.s32 $0xE;
	s7 =	simm.s32 $0xF;
	[smem:$0x7F9] =	sst s24  }
0x4c: {  	s9 =	simm.s32 $0x10;
	s19 =	sshrl.u32 s2, $0x3;
	[smem:$0x7FA] =	sst s25  }
.Ltmp0:
0x4d: {  	s2 =	sadd.s32 $0x2400, s4;
	[smem:$0x7FB] =	sst s26;
	(pc) =	sbr.rel .LBB2_1-.Ltmp0, $4  }
0x4e: {  	[smem:$0x7FD] =	sst s30;
	s23 =	simm.s32 $0xEF40;
	s24 =	simm.s32 $0x10F40  }
0x4f: {  	s25 =	simm.s32 $0x9;
	s26 =	simm.s32 $0xA;
	[smem:$0x7DD] =	sst s19  }
0x50: {  	s18 =	simm.s32 $0xC;
	[smem:$0x7E6] =	sst s2;
	s19 =	sadd.s32 $0x5C00, s4  }
0x51: {  	s21 =	simm.s32 $0x21C0;
	s2 =	simm.s32 $0x3;
	[smem:$0x7F4] =	sst s19  }
.LBB2_3:
0x52: {  	[bflag:$0x0] =	sbarrier.arrive $0xFFFF  }
.LBB2_4:
0x53: {  	s8 =	sadd.s32 $0xFFFFFFFF, s8  }
0x54: {  	p1 =	sne.s32 s8, $0x0  }
.Ltmp1:
0x55: {  	_ = 	snop;
	(pc) =	sbr.rel @!p1 .LBB2_5-.Ltmp1, $1  }
0x56: {  	_ =	sdelay $0x3  }
.LBB2_1:
0x57: {  	s4 =	sld [smem:$0x7DB]  }
0x58: {  	s17 =	sld [smem:$0x7DC]  }
0x59: {  	s19 =	sld [smem:$0x7DD];
	_ =	sdelay $0x1  }
.Ltmp2:
0x5a: {  	s30 =	simm.s32 $0x12;
	(pc) =	sbr.rel @p0 .LBB2_3-.Ltmp2, $4  }
0x5b: {  	[spmem:s19], [sflag:s17] =	dma.local [hbm:s4], $0x400  }
0x5c: {  	_ =	swait.ge [sflag:s30], $0x400  }
0x5d: {  	[sflag:s30] =	ssyncset.done $0x0  }
0x5e: {  	[sflag:s30] =	ssyncadd.s32 $0xFFFFFC00  }
0x5f: {  	s4 =	rddreg [dreg:$0x5];
	s17 =	simm.s32 $0x1F40  }
0x60: {  	[tilespmem:s17], [sflag:$0x11] =	stream.linear.gather [hbm4b:s4+s1], $0x40, $0x38;
	[tilespmem:$0x12F40] =	vst v63  }
0x61: {  	s22 =	rddreg [dreg:$0x6];
	s19 =	simm.s32 $0x1FC0  }
0x62: {  	[tilespmem:s19], [sflag:$0x11] =	stream.linear.gather [hbm4b:s22+s1], $0x40, $0x38;
	[tilespmem:$0x12F40] =	vst v63  }
0x63: {  	s30 =	rddreg [dreg:$0x7];
	s16 =	simm.s32 $0x2040  }
0x64: {  	[tilespmem:s16], [sflag:$0x11] =	stream.linear.gather [hbm4b:s30+s1], $0x40, $0x38;
	[tilespmem:$0x12F40] =	vst v63  }
0x65: {  	s20 =	rddreg [dreg:$0x8];
	s30 =	simm.s32 $0x20C0  }
0x66: {  	[tilespmem:s30], [sflag:$0x11] =	stream.linear.gather [hbm4b:s20+s1], $0x40, $0x38;
	[tilespmem:$0x12F40] =	vst v63  }
0x67: {  	s22 =	rddreg [dreg:$0x9];
	s20 =	simm.s32 $0x2140  }
0x68: {  	[tilespmem:s20], [sflag:$0x11] =	stream.linear.gather [hbm4b:s22+s1], $0x40, $0x38;
	[tilespmem:$0x12F40] =	vst v63  }
0x69: {  	s22 =	rddreg [dreg:$0xa]  }
0x6a: {  	[tilespmem:s21], [sflag:$0x11] =	stream.linear.gather [hbm4b:s22+s1], $0x40, $0x38;
	[tilespmem:$0x12F40] =	vst v63  }
0x6b: {  	s4 =	rddreg [dreg:$0xb];
	s22 =	simm.s32 $0x2240  }
0x6c: {  	[tilespmem:s22], [sflag:$0x11] =	stream.linear.gather [hbm4b:s4+s1], $0x40, $0x38;
	[tilespmem:$0x12F40] =	vst v63  }
0x6d: {  	s4 =	rddreg [dreg:$0xc];
	s22 =	simm.s32 $0x22C0  }
0x6e: {  	[tilespmem:s22], [sflag:$0x11] =	stream.linear.gather [hbm4b:s4+s1], $0x40, $0x38;
	[tilespmem:$0x12F40] =	vst v63  }
0x6f: {  	s4 =	rddreg [dreg:$0xd];
	s22 =	simm.s32 $0x2340  }
0x70: {  	[tilespmem:s22], [sflag:$0x11] =	stream.linear.gather [hbm4b:s4+s1], $0x40, $0x38;
	[tilespmem:$0x12F40] =	vst v63  }
0x71: {  	s4 =	rddreg [dreg:$0xe];
	s22 =	simm.s32 $0x23C0  }
0x72: {  	[tilespmem:s22], [sflag:$0x11] =	stream.linear.gather [hbm4b:s4+s1], $0x40, $0x38;
	[tilespmem:$0x12F40] =	vst v63  }
0x73: {  	s4 =	rddreg [dreg:$0xf];
	s22 =	simm.s32 $0x2440  }
0x74: {  	[tilespmem:s22], [sflag:$0x11] =	stream.linear.gather [hbm4b:s4+s1], $0x40, $0x38;
	[tilespmem:$0x12F40] =	vst v63  }
0x75: {  	s4 =	rddreg [dreg:$0x10];
	s22 =	simm.s32 $0x24C0  }
0x76: {  	[tilespmem:s22], [sflag:$0x11] =	stream.linear.gather [hbm4b:s4+s1], $0x40, $0x38;
	[tilespmem:$0x12F40] =	vst v63  }
0x77: {  	s4 =	rddreg [dreg:$0x11];
	s22 =	simm.s32 $0x2540  }
0x78: {  	[tilespmem:s22], [sflag:$0x11] =	stream.linear.gather [hbm4b:s4+s1], $0x40, $0x38;
	[tilespmem:$0x12F40] =	vst v63  }
0x79: {  	s4 =	rddreg [dreg:$0x12];
	s22 =	simm.s32 $0x25C0  }
0x7a: {  	[tilespmem:s22], [sflag:$0x11] =	stream.linear.gather [hbm4b:s4+s1], $0x40, $0x38;
	[tilespmem:$0x12F40] =	vst v63  }
0x7b: {  	s4 =	rddreg [dreg:$0x13];
	s22 =	simm.s32 $0x2640  }
0x7c: {  	[tilespmem:s22], [sflag:$0x11] =	stream.linear.gather [hbm4b:s4+s1], $0x40, $0x38;
	[tilespmem:$0x12F40] =	vst v63  }
0x7d: {  	s4 =	rddreg [dreg:$0x14];
	s22 =	simm.s32 $0x26C0  }
0x7e: {  	[tilespmem:s22], [sflag:$0x11] =	stream.linear.gather [hbm4b:s4+s1], $0x40, $0x38;
	[tilespmem:$0x12F40] =	vst v63  }
0x7f: {  	s4 =	sld [smem:$0x7D6];
	_ =	sdelay $0x1  }
0x80: {  	s22 =	simm.s32 $0x2740  }
0x81: {  	[tilespmem:s22], [sflag:$0x11] =	stream.linear.gather [hbm4b:s4+s1], $0x40, $0x38;
	[tilespmem:$0x12F40] =	vst v63  }
0x82: {  	s4 =	rddreg [dreg:$0x15];
	s22 =	simm.s32 $0x27C0  }
0x83: {  	[tilespmem:s22], [sflag:$0x11] =	stream.linear.gather [hbm4b:s4+s1], $0x40, $0x38;
	[tilespmem:$0x12F40] =	vst v63  }
0x84: {  	s4 =	rddreg [dreg:$0x16];
	s22 =	simm.s32 $0x2840  }
0x85: {  	[tilespmem:s22], [sflag:$0x11] =	stream.linear.gather [hbm4b:s4+s1], $0x40, $0x38;
	[tilespmem:$0x12F40] =	vst v63  }
0x86: {  	s4 =	rddreg [dreg:$0x17];
	s22 =	simm.s32 $0x28C0  }
0x87: {  	[tilespmem:s22], [sflag:$0x11] =	stream.linear.gather [hbm4b:s4+s1], $0x40, $0x38;
	[tilespmem:$0x12F40] =	vst v63  }
0x88: {  	s4 =	rddreg [dreg:$0x18];
	s22 =	simm.s32 $0x2940  }
0x89: {  	[tilespmem:s22], [sflag:$0x11] =	stream.linear.gather [hbm4b:s4+s1], $0x40, $0x38;
	[tilespmem:$0x12F40] =	vst v63  }
0x8a: {  	s4 =	rddreg [dreg:$0x19];
	s22 =	simm.s32 $0x29C0  }
0x8b: {  	[tilespmem:s22], [sflag:$0x11] =	stream.linear.gather [hbm4b:s4+s1], $0x40, $0x38;
	[tilespmem:$0x12F40] =	vst v63  }
0x8c: {  	s4 =	rddreg [dreg:$0x1a];
	s22 =	simm.s32 $0x2A40  }
0x8d: {  	[tilespmem:s22], [sflag:$0x11] =	stream.linear.gather [hbm4b:s4+s1], $0x40, $0x38;
	[tilespmem:$0x12F40] =	vst v63  }
0x8e: {  	s4 =	rddreg [dreg:$0x1b];
	s22 =	simm.s32 $0x2AC0  }
0x8f: {  	[tilespmem:s22], [sflag:$0x11] =	stream.linear.gather [hbm4b:s4+s1], $0x40, $0x38;
	[tilespmem:$0x12F40] =	vst v63  }
0x90: {  	s4 =	rddreg [dreg:$0x1c];
	s22 =	simm.s32 $0x2B40  }
0x91: {  	[tilespmem:s22], [sflag:$0x11] =	stream.linear.gather [hbm4b:s4+s1], $0x40, $0x38;
	[tilespmem:$0x12F40] =	vst v63  }
0x92: {  	s4 =	rddreg [dreg:$0x1d];
	s22 =	simm.s32 $0x2BC0  }
0x93: {  	[tilespmem:s22], [sflag:$0x11] =	stream.linear.gather [hbm4b:s4+s1], $0x40, $0x38;
	[tilespmem:$0x12F40] =	vst v63  }
0x94: {  	s4 =	rddreg [dreg:$0x1e];
	s22 =	simm.s32 $0x2C40  }
0x95: {  	[tilespmem:s22], [sflag:$0x11] =	stream.linear.gather [hbm4b:s4+s1], $0x40, $0x38;
	[tilespmem:$0x12F40] =	vst v63  }
0x96: {  	s4 =	rddreg [dreg:$0x1f];
	s22 =	simm.s32 $0x2CC0  }
0x97: {  	[tilespmem:s22], [sflag:$0x11] =	stream.linear.gather [hbm4b:s4+s1], $0x40, $0x38;
	[tilespmem:$0x12F40] =	vst v63  }
0x98: {  	s4 =	sld [smem:$0x7D7];
	_ =	sdelay $0x1  }
0x99: {  	s22 =	simm.s32 $0x2D40  }
0x9a: {  	[tilespmem:s22], [sflag:$0x11] =	stream.linear.gather [hbm4b:s4+s1], $0x40, $0x38;
	[tilespmem:$0x12F40] =	vst v63  }
0x9b: {  	s4 =	sld [smem:$0x7D8];
	_ =	sdelay $0x1  }
0x9c: {  	s22 =	simm.s32 $0x2DC0  }
0x9d: {  	[tilespmem:s22], [sflag:$0x11] =	stream.linear.gather [hbm4b:s4+s1], $0x40, $0x38;
	[tilespmem:$0x12F40] =	vst v63  }
0x9e: {  	s4 =	sld [smem:$0x7D9];
	_ =	sdelay $0x1  }
0x9f: {  	s22 =	simm.s32 $0x2E40  }
0xa0: {  	[tilespmem:s22], [sflag:$0x11] =	stream.linear.gather [hbm4b:s4+s1], $0x40, $0x38;
	[tilespmem:$0x12F40] =	vst v63  }
0xa1: {  	s4 =	sld [smem:$0x7DA];
	_ =	sdelay $0x1  }
0xa2: {  	s22 =	simm.s32 $0x2EC0  }
0xa3: {  	[tilespmem:s22], [sflag:$0x11] =	stream.linear.gather [hbm4b:s4+s1], $0x40, $0x38;
	[tilespmem:$0x12F40] =	vst v63  }
0xa4: {  	_ =	swait.ge [sflag:s29], $0x40  }
0xa5: {  	[sflag:s29] =	ssyncset.done $0x0  }
0xa6: {  	[sflag:s29] =	ssyncadd.s32 $0xFFFFFFC0  }
0xa7: {  	_ =	swait.ge [sflag:s29], $0x40  }
0xa8: {  	[sflag:s29] =	ssyncset.done $0x0  }
0xa9: {  	[sflag:s29] =	ssyncadd.s32 $0xFFFFFFC0  }
0xaa: {  	_ =	swait.ge [sflag:s29], $0x40  }
0xab: {  	[sflag:s29] =	ssyncset.done $0x0  }
0xac: {  	[sflag:s29] =	ssyncadd.s32 $0xFFFFFFC0  }
0xad: {  	_ =	swait.ge [sflag:s29], $0x40  }
0xae: {  	[sflag:s29] =	ssyncset.done $0x0  }
0xaf: {  	[sflag:s29] =	ssyncadd.s32 $0xFFFFFFC0  }
0xb0: {  	_ =	swait.ge [sflag:s29], $0x40  }
0xb1: {  	[sflag:s29] =	ssyncset.done $0x0  }
0xb2: {  	[sflag:s29] =	ssyncadd.s32 $0xFFFFFFC0  }
0xb3: {  	_ =	swait.ge [sflag:s29], $0x40  }
0xb4: {  	[sflag:s29] =	ssyncset.done $0x0  }
0xb5: {  	[sflag:s29] =	ssyncadd.s32 $0xFFFFFFC0  }
0xb6: {  	_ =	swait.ge [sflag:s29], $0x40  }
0xb7: {  	[sflag:s29] =	ssyncset.done $0x0  }
0xb8: {  	[sflag:s29] =	ssyncadd.s32 $0xFFFFFFC0  }
0xb9: {  	_ =	swait.ge [sflag:s29], $0x40  }
0xba: {  	[sflag:s29] =	ssyncset.done $0x0  }
0xbb: {  	[sflag:s29] =	ssyncadd.s32 $0xFFFFFFC0  }
0xbc: {  	_ =	swait.ge [sflag:s29], $0x40  }
0xbd: {  	[sflag:s29] =	ssyncset.done $0x0  }
0xbe: {  	[sflag:s29] =	ssyncadd.s32 $0xFFFFFFC0  }
0xbf: {  	_ =	swait.ge [sflag:s29], $0x40  }
0xc0: {  	[sflag:s29] =	ssyncset.done $0x0  }
0xc1: {  	[sflag:s29] =	ssyncadd.s32 $0xFFFFFFC0  }
0xc2: {  	_ =	swait.ge [sflag:s29], $0x40  }
0xc3: {  	[sflag:s29] =	ssyncset.done $0x0  }
0xc4: {  	[sflag:s29] =	ssyncadd.s32 $0xFFFFFFC0  }
0xc5: {  	_ =	swait.ge [sflag:s29], $0x40  }
0xc6: {  	[sflag:s29] =	ssyncset.done $0x0  }
0xc7: {  	[sflag:s29] =	ssyncadd.s32 $0xFFFFFFC0  }
0xc8: {  	_ =	swait.ge [sflag:s29], $0x40  }
0xc9: {  	[sflag:s29] =	ssyncset.done $0x0  }
0xca: {  	[sflag:s29] =	ssyncadd.s32 $0xFFFFFFC0  }
0xcb: {  	_ =	swait.ge [sflag:s29], $0x40  }
0xcc: {  	[sflag:s29] =	ssyncset.done $0x0  }
0xcd: {  	[sflag:s29] =	ssyncadd.s32 $0xFFFFFFC0  }
0xce: {  	_ =	swait.ge [sflag:s29], $0x40  }
0xcf: {  	[sflag:s29] =	ssyncset.done $0x0  }
0xd0: {  	[sflag:s29] =	ssyncadd.s32 $0xFFFFFFC0  }
0xd1: {  	_ =	swait.ge [sflag:s29], $0x40  }
0xd2: {  	[sflag:s29] =	ssyncset.done $0x0  }
0xd3: {  	[sflag:s29] =	ssyncadd.s32 $0xFFFFFFC0  }
0xd4: {  	_ =	swait.ge [sflag:s29], $0x40  }
0xd5: {  	[sflag:s29] =	ssyncset.done $0x0  }
0xd6: {  	[sflag:s29] =	ssyncadd.s32 $0xFFFFFFC0  }
0xd7: {  	_ =	swait.ge [sflag:s29], $0x40  }
0xd8: {  	[sflag:s29] =	ssyncset.done $0x0  }
0xd9: {  	[sflag:s29] =	ssyncadd.s32 $0xFFFFFFC0  }
0xda: {  	_ =	swait.ge [sflag:s29], $0x40  }
0xdb: {  	[sflag:s29] =	ssyncset.done $0x0  }
0xdc: {  	[sflag:s29] =	ssyncadd.s32 $0xFFFFFFC0  }
0xdd: {  	_ =	swait.ge [sflag:s29], $0x40  }
0xde: {  	[sflag:s29] =	ssyncset.done $0x0  }
0xdf: {  	[sflag:s29] =	ssyncadd.s32 $0xFFFFFFC0  }
0xe0: {  	_ =	swait.ge [sflag:s29], $0x40  }
0xe1: {  	[sflag:s29] =	ssyncset.done $0x0  }
0xe2: {  	[sflag:s29] =	ssyncadd.s32 $0xFFFFFFC0  }
0xe3: {  	_ =	swait.ge [sflag:s29], $0x40  }
0xe4: {  	[sflag:s29] =	ssyncset.done $0x0  }
0xe5: {  	[sflag:s29] =	ssyncadd.s32 $0xFFFFFFC0  }
0xe6: {  	_ =	swait.ge [sflag:s29], $0x40  }
0xe7: {  	[sflag:s29] =	ssyncset.done $0x0  }
0xe8: {  	[sflag:s29] =	ssyncadd.s32 $0xFFFFFFC0  }
0xe9: {  	_ =	swait.ge [sflag:s29], $0x40  }
0xea: {  	[sflag:s29] =	ssyncset.done $0x0  }
0xeb: {  	[sflag:s29] =	ssyncadd.s32 $0xFFFFFFC0  }
0xec: {  	_ =	swait.ge [sflag:s29], $0x40  }
0xed: {  	[sflag:s29] =	ssyncset.done $0x0  }
0xee: {  	[sflag:s29] =	ssyncadd.s32 $0xFFFFFFC0  }
0xef: {  	_ =	swait.ge [sflag:s29], $0x40  }
0xf0: {  	[sflag:s29] =	ssyncset.done $0x0  }
0xf1: {  	[sflag:s29] =	ssyncadd.s32 $0xFFFFFFC0  }
0xf2: {  	_ =	swait.ge [sflag:s29], $0x40  }
0xf3: {  	[sflag:s29] =	ssyncset.done $0x0  }
0xf4: {  	[sflag:s29] =	ssyncadd.s32 $0xFFFFFFC0  }
0xf5: {  	_ =	swait.ge [sflag:s29], $0x40  }
0xf6: {  	[sflag:s29] =	ssyncset.done $0x0  }
0xf7: {  	[sflag:s29] =	ssyncadd.s32 $0xFFFFFFC0  }
0xf8: {  	_ =	swait.ge [sflag:s29], $0x40  }
0xf9: {  	[sflag:s29] =	ssyncset.done $0x0  }
0xfa: {  	[sflag:s29] =	ssyncadd.s32 $0xFFFFFFC0  }
0xfb: {  	_ =	swait.ge [sflag:s29], $0x40  }
0xfc: {  	[sflag:s29] =	ssyncset.done $0x0  }
0xfd: {  	[sflag:s29] =	ssyncadd.s32 $0xFFFFFFC0  }
0xfe: {  	_ =	swait.ge [sflag:s29], $0x40  }
0xff: {  	[sflag:s29] =	ssyncset.done $0x0  }
0x100: {  	[sflag:s29] =	ssyncadd.s32 $0xFFFFFFC0  }
0x101: {  	_ =	swait.ge [sflag:s29], $0x40  }
0x102: {  	[sflag:s29] =	ssyncset.done $0x0  }
0x103: {  	[sflag:s29] =	ssyncadd.s32 $0xFFFFFFC0  }
0x104: {  	s22 =	simm.s32 $0x2F40;
	[bflag:$0x0] =	sbarrier.arrive $0xFFFF  }
0x105: {  	[tilespmem:s22], [sflag:$0x1] =	stream.indirect.gather [spmem:s5], $0x80, s17, s15, $0xb8;
	[tilespmem:$0x12F40] =	vst v63  }
0x106: {  	s17 =	simm.s32 $0x4F40  }
0x107: {  	[tilespmem:s17], [sflag:$0x2] =	stream.indirect.gather [spmem:s5], $0x80, s19, s15, $0xb8;
	[tilespmem:$0x12F40] =	vst v63  }
0x108: {  	s19 =	simm.s32 $0x6F40  }
0x109: {  	[tilespmem:s19], [sflag:$0x3] =	stream.indirect.gather [spmem:s5], $0x80, s16, s15, $0xb8;
	[tilespmem:$0x12F40] =	vst v63  }
0x10a: {  	s16 =	simm.s32 $0x8F40  }
0x10b: {  	[tilespmem:s16], [sflag:$0x4] =	stream.indirect.gather [spmem:s5], $0x80, s30, s15, $0xb8;
	[tilespmem:$0x12F40] =	vst v63  }
0x10c: {  	_ =	swait.ge [sflag:s31], $0x2000  }
0x10d: {  	s30 =	sld [smem:$0x7FC]  }
0x10e: {  	[sflag:s31] =	ssyncset.done $0x0  }
0x10f: {  	[sflag:s31] =	ssyncadd.s32 $0xFFFFE000  }
0x110: {  	[hbm4b:s30+s1] =	stream.linear.scatter [tilespmem:s22], [sflag:$0x9], $0x2000, $0x38;
	[tilespmem:$0x12F40] =	vst v63  }
0x111: {  	s30 =	simm.s32 $0xAF40  }
0x112: {  	[tilespmem:s30], [sflag:$0x5] =	stream.indirect.gather [spmem:s5], $0x80, s20, s15, $0xb8;
	[tilespmem:$0x12F40] =	vst v63  }
0x113: {  	_ =	swait.ge [sflag:s0], $0x2000  }
0x114: {  	s20 =	sld [smem:$0x7DE]  }
0x115: {  	[sflag:s0] =	ssyncset.done $0x0  }
0x116: {  	[sflag:s0] =	ssyncadd.s32 $0xFFFFE000  }
0x117: {  	[hbm4b:s20+s1] =	stream.linear.scatter [tilespmem:s17], [sflag:$0xA], $0x2000, $0x38;
	[tilespmem:$0x12F40] =	vst v63  }
0x118: {  	s20 =	simm.s32 $0xCF40  }
0x119: {  	[tilespmem:s20], [sflag:$0x6] =	stream.indirect.gather [spmem:s5], $0x80, s21, s15, $0xb8;
	[tilespmem:$0x12F40] =	vst v63  }
0x11a: {  	_ =	swait.ge [sflag:s2], $0x2000  }
0x11b: {  	s4 =	sld [smem:$0x7DF]  }
0x11c: {  	[sflag:s2] =	ssyncset.done $0x0  }
0x11d: {  	[sflag:s2] =	ssyncadd.s32 $0xFFFFE000  }
0x11e: {  	[hbm4b:s4+s1] =	stream.linear.scatter [tilespmem:s19], [sflag:$0xB], $0x2000, $0x38;
	[tilespmem:$0x12F40] =	vst v63  }
0x11f: {  	s4 =	simm.s32 $0x2240  }
0x120: {  	[tilespmem:s23], [sflag:$0x7] =	stream.indirect.gather [spmem:s5], $0x80, s4, s15, $0xb8;
	[tilespmem:$0x12F40] =	vst v63  }
0x121: {  	_ =	swait.ge [sflag:s3], $0x2000  }
0x122: {  	s4 =	sld [smem:$0x7E0]  }
0x123: {  	[sflag:s3] =	ssyncset.done $0x0  }
0x124: {  	[sflag:s3] =	ssyncadd.s32 $0xFFFFE000  }
0x125: {  	[hbm4b:s4+s1] =	stream.linear.scatter [tilespmem:s16], [sflag:$0xC], $0x2000, $0x38;
	[tilespmem:$0x12F40] =	vst v63  }
0x126: {  	s4 =	simm.s32 $0x22C0  }
0x127: {  	[tilespmem:s24], [sflag:$0x8] =	stream.indirect.gather [spmem:s5], $0x80, s4, s15, $0xb8;
	[tilespmem:$0x12F40] =	vst v63  }
0x128: {  	_ =	swait.ge [sflag:s10], $0x2000  }
0x129: {  	s4 =	sld [smem:$0x7E1]  }
0x12a: {  	[sflag:s10] =	ssyncset.done $0x0  }
0x12b: {  	[sflag:s10] =	ssyncadd.s32 $0xFFFFE000  }
0x12c: {  	[hbm4b:s4+s1] =	stream.linear.scatter [tilespmem:s30], [sflag:$0xD], $0x2000, $0x38;
	[tilespmem:$0x12F40] =	vst v63  }
0x12d: {  	_ =	swait.ge [sflag:s25], $0x2000  }
0x12e: {  	[sflag:s25] =	ssyncset.done $0x0  }
0x12f: {  	s4 =	simm.s32 $0x2340;
	[sflag:s25] =	ssyncadd.s32 $0xFFFFE000  }
0x130: {  	[tilespmem:s22], [sflag:$0x1] =	stream.indirect.gather [spmem:s5], $0x80, s4, s15, $0xb8;
	[tilespmem:$0x12F40] =	vst v63  }
0x131: {  	_ =	swait.ge [sflag:s11], $0x2000  }
0x132: {  	s4 =	sld [smem:$0x7E2]  }
0x133: {  	[sflag:s11] =	ssyncset.done $0x0  }
0x134: {  	[sflag:s11] =	ssyncadd.s32 $0xFFFFE000  }
0x135: {  	[hbm4b:s4+s1] =	stream.linear.scatter [tilespmem:s20], [sflag:$0xE], $0x2000, $0x38;
	[tilespmem:$0x12F40] =	vst v63  }
0x136: {  	_ =	swait.ge [sflag:s26], $0x2000  }
0x137: {  	[sflag:s26] =	ssyncset.done $0x0  }
0x138: {  	s4 =	simm.s32 $0x23C0;
	[sflag:s26] =	ssyncadd.s32 $0xFFFFE000  }
0x139: {  	[tilespmem:s17], [sflag:$0x2] =	stream.indirect.gather [spmem:s5], $0x80, s4, s15, $0xb8;
	[tilespmem:$0x12F40] =	vst v63  }
0x13a: {  	_ =	swait.ge [sflag:s12], $0x2000  }
0x13b: {  	s4 =	sld [smem:$0x7E3]  }
0x13c: {  	[sflag:s12] =	ssyncset.done $0x0  }
0x13d: {  	[sflag:s12] =	ssyncadd.s32 $0xFFFFE000  }
0x13e: {  	[hbm4b:s4+s1] =	stream.linear.scatter [tilespmem:s23], [sflag:$0xF], $0x2000, $0x38;
	[tilespmem:$0x12F40] =	vst v63  }
0x13f: {  	_ =	swait.ge [sflag:s28], $0x2000  }
0x140: {  	[sflag:s28] =	ssyncset.done $0x0  }
0x141: {  	s4 =	simm.s32 $0x2440;
	[sflag:s28] =	ssyncadd.s32 $0xFFFFE000  }
0x142: {  	[tilespmem:s19], [sflag:$0x3] =	stream.indirect.gather [spmem:s5], $0x80, s4, s15, $0xb8;
	[tilespmem:$0x12F40] =	vst v63  }
0x143: {  	_ =	swait.ge [sflag:s13], $0x2000  }
0x144: {  	s4 =	sld [smem:$0x7E4]  }
0x145: {  	[sflag:s13] =	ssyncset.done $0x0  }
0x146: {  	[sflag:s13] =	ssyncadd.s32 $0xFFFFE000  }
0x147: {  	[hbm4b:s4+s1] =	stream.linear.scatter [tilespmem:s24], [sflag:$0x10], $0x2000, $0x38;
	[tilespmem:$0x12F40] =	vst v63  }
0x148: {  	_ =	swait.ge [sflag:s18], $0x2000  }
0x149: {  	[sflag:s18] =	ssyncset.done $0x0  }
0x14a: {  	s4 =	simm.s32 $0x24C0;
	[sflag:s18] =	ssyncadd.s32 $0xFFFFE000  }
0x14b: {  	[tilespmem:s16], [sflag:$0x4] =	stream.indirect.gather [spmem:s5], $0x80, s4, s15, $0xb8;
	[tilespmem:$0x12F40] =	vst v63  }
0x14c: {  	_ =	swait.ge [sflag:s31], $0x2000  }
0x14d: {  	s4 =	sld [smem:$0x7E5]  }
0x14e: {  	[sflag:s31] =	ssyncset.done $0x0  }
0x14f: {  	[sflag:s31] =	ssyncadd.s32 $0xFFFFE000  }
0x150: {  	[hbm4b:s4+s1] =	stream.linear.scatter [tilespmem:s22], [sflag:$0x9], $0x2000, $0x38;
	[tilespmem:$0x12F40] =	vst v63  }
0x151: {  	_ =	swait.ge [sflag:s14], $0x2000  }
0x152: {  	[sflag:s14] =	ssyncset.done $0x0  }
0x153: {  	s4 =	simm.s32 $0x2540;
	[sflag:s14] =	ssyncadd.s32 $0xFFFFE000  }
0x154: {  	[tilespmem:s30], [sflag:$0x5] =	stream.indirect.gather [spmem:s5], $0x80, s4, s15, $0xb8;
	[tilespmem:$0x12F40] =	vst v63  }
0x155: {  	_ =	swait.ge [sflag:s0], $0x2000  }
0x156: {  	s4 =	sld [smem:$0x7E6]  }
0x157: {  	[sflag:s0] =	ssyncset.done $0x0  }
0x158: {  	[sflag:s0] =	ssyncadd.s32 $0xFFFFE000  }
0x159: {  	[hbm4b:s4+s1] =	stream.linear.scatter [tilespmem:s17], [sflag:$0xA], $0x2000, $0x38;
	[tilespmem:$0x12F40] =	vst v63  }
0x15a: {  	_ =	swait.ge [sflag:s6], $0x2000  }
0x15b: {  	[sflag:s6] =	ssyncset.done $0x0  }
0x15c: {  	s4 =	simm.s32 $0x25C0;
	[sflag:s6] =	ssyncadd.s32 $0xFFFFE000  }
0x15d: {  	[tilespmem:s20], [sflag:$0x6] =	stream.indirect.gather [spmem:s5], $0x80, s4, s15, $0xb8;
	[tilespmem:$0x12F40] =	vst v63  }
0x15e: {  	_ =	swait.ge [sflag:s2], $0x2000  }
0x15f: {  	s4 =	sld [smem:$0x7E7]  }
0x160: {  	[sflag:s2] =	ssyncset.done $0x0  }
0x161: {  	[sflag:s2] =	ssyncadd.s32 $0xFFFFE000  }
0x162: {  	[hbm4b:s4+s1] =	stream.linear.scatter [tilespmem:s19], [sflag:$0xB], $0x2000, $0x38;
	[tilespmem:$0x12F40] =	vst v63  }
0x163: {  	_ =	swait.ge [sflag:s7], $0x2000  }
0x164: {  	[sflag:s7] =	ssyncset.done $0x0  }
0x165: {  	s4 =	simm.s32 $0x2640;
	[sflag:s7] =	ssyncadd.s32 $0xFFFFE000  }
0x166: {  	[tilespmem:s23], [sflag:$0x7] =	stream.indirect.gather [spmem:s5], $0x80, s4, s15, $0xb8;
	[tilespmem:$0x12F40] =	vst v63  }
0x167: {  	_ =	swait.ge [sflag:s3], $0x2000  }
0x168: {  	s4 =	sld [smem:$0x7E8]  }
0x169: {  	[sflag:s3] =	ssyncset.done $0x0  }
0x16a: {  	[sflag:s3] =	ssyncadd.s32 $0xFFFFE000  }
0x16b: {  	[hbm4b:s4+s1] =	stream.linear.scatter [tilespmem:s16], [sflag:$0xC], $0x2000, $0x38;
	[tilespmem:$0x12F40] =	vst v63  }
0x16c: {  	_ =	swait.ge [sflag:s9], $0x2000  }
0x16d: {  	[sflag:s9] =	ssyncset.done $0x0  }
0x16e: {  	s4 =	simm.s32 $0x26C0;
	[sflag:s9] =	ssyncadd.s32 $0xFFFFE000  }
0x16f: {  	[tilespmem:s24], [sflag:$0x8] =	stream.indirect.gather [spmem:s5], $0x80, s4, s15, $0xb8;
	[tilespmem:$0x12F40] =	vst v63  }
0x170: {  	_ =	swait.ge [sflag:s10], $0x2000  }
0x171: {  	s4 =	sld [smem:$0x7E9]  }
0x172: {  	[sflag:s10] =	ssyncset.done $0x0  }
0x173: {  	[sflag:s10] =	ssyncadd.s32 $0xFFFFE000  }
0x174: {  	[hbm4b:s4+s1] =	stream.linear.scatter [tilespmem:s30], [sflag:$0xD], $0x2000, $0x38;
	[tilespmem:$0x12F40] =	vst v63  }
0x175: {  	_ =	swait.ge [sflag:s25], $0x2000  }
0x176: {  	[sflag:s25] =	ssyncset.done $0x0  }
0x177: {  	s4 =	simm.s32 $0x2740;
	[sflag:s25] =	ssyncadd.s32 $0xFFFFE000  }
0x178: {  	[tilespmem:s22], [sflag:$0x1] =	stream.indirect.gather [spmem:s5], $0x80, s4, s15, $0xb8;
	[tilespmem:$0x12F40] =	vst v63  }
0x179: {  	_ =	swait.ge [sflag:s11], $0x2000  }
0x17a: {  	s4 =	sld [smem:$0x7EA]  }
0x17b: {  	[sflag:s11] =	ssyncset.done $0x0  }
0x17c: {  	[sflag:s11] =	ssyncadd.s32 $0xFFFFE000  }
0x17d: {  	[hbm4b:s4+s1] =	stream.linear.scatter [tilespmem:s20], [sflag:$0xE], $0x2000, $0x38;
	[tilespmem:$0x12F40] =	vst v63  }
0x17e: {  	_ =	swait.ge [sflag:s26], $0x2000  }
0x17f: {  	[sflag:s26] =	ssyncset.done $0x0  }
0x180: {  	s4 =	simm.s32 $0x27C0;
	[sflag:s26] =	ssyncadd.s32 $0xFFFFE000  }
0x181: {  	[tilespmem:s17], [sflag:$0x2] =	stream.indirect.gather [spmem:s5], $0x80, s4, s15, $0xb8;
	[tilespmem:$0x12F40] =	vst v63  }
0x182: {  	_ =	swait.ge [sflag:s12], $0x2000  }
0x183: {  	s4 =	sld [smem:$0x7EB]  }
0x184: {  	[sflag:s12] =	ssyncset.done $0x0  }
0x185: {  	[sflag:s12] =	ssyncadd.s32 $0xFFFFE000  }
0x186: {  	[hbm4b:s4+s1] =	stream.linear.scatter [tilespmem:s23], [sflag:$0xF], $0x2000, $0x38;
	[tilespmem:$0x12F40] =	vst v63  }
0x187: {  	_ =	swait.ge [sflag:s28], $0x2000  }
0x188: {  	[sflag:s28] =	ssyncset.done $0x0  }
0x189: {  	s4 =	simm.s32 $0x2840;
	[sflag:s28] =	ssyncadd.s32 $0xFFFFE000  }
0x18a: {  	[tilespmem:s19], [sflag:$0x3] =	stream.indirect.gather [spmem:s5], $0x80, s4, s15, $0xb8;
	[tilespmem:$0x12F40] =	vst v63  }
0x18b: {  	_ =	swait.ge [sflag:s13], $0x2000  }
0x18c: {  	s4 =	sld [smem:$0x7EC]  }
0x18d: {  	[sflag:s13] =	ssyncset.done $0x0  }
0x18e: {  	[sflag:s13] =	ssyncadd.s32 $0xFFFFE000  }
0x18f: {  	[hbm4b:s4+s1] =	stream.linear.scatter [tilespmem:s24], [sflag:$0x10], $0x2000, $0x38;
	[tilespmem:$0x12F40] =	vst v63  }
0x190: {  	_ =	swait.ge [sflag:s18], $0x2000  }
0x191: {  	[sflag:s18] =	ssyncset.done $0x0  }
0x192: {  	s4 =	simm.s32 $0x28C0;
	[sflag:s18] =	ssyncadd.s32 $0xFFFFE000  }
0x193: {  	[tilespmem:s16], [sflag:$0x4] =	stream.indirect.gather [spmem:s5], $0x80, s4, s15, $0xb8;
	[tilespmem:$0x12F40] =	vst v63  }
0x194: {  	_ =	swait.ge [sflag:s31], $0x2000  }
0x195: {  	s4 =	sld [smem:$0x7ED]  }
0x196: {  	[sflag:s31] =	ssyncset.done $0x0  }
0x197: {  	[sflag:s31] =	ssyncadd.s32 $0xFFFFE000  }
0x198: {  	[hbm4b:s4+s1] =	stream.linear.scatter [tilespmem:s22], [sflag:$0x9], $0x2000, $0x38;
	[tilespmem:$0x12F40] =	vst v63  }
0x199: {  	_ =	swait.ge [sflag:s14], $0x2000  }
0x19a: {  	[sflag:s14] =	ssyncset.done $0x0  }
0x19b: {  	s4 =	simm.s32 $0x2940;
	[sflag:s14] =	ssyncadd.s32 $0xFFFFE000  }
0x19c: {  	[tilespmem:s30], [sflag:$0x5] =	stream.indirect.gather [spmem:s5], $0x80, s4, s15, $0xb8;
	[tilespmem:$0x12F40] =	vst v63  }
0x19d: {  	_ =	swait.ge [sflag:s0], $0x2000  }
0x19e: {  	s4 =	sld [smem:$0x7EE]  }
0x19f: {  	[sflag:s0] =	ssyncset.done $0x0  }
0x1a0: {  	[sflag:s0] =	ssyncadd.s32 $0xFFFFE000  }
0x1a1: {  	[hbm4b:s4+s1] =	stream.linear.scatter [tilespmem:s17], [sflag:$0xA], $0x2000, $0x38;
	[tilespmem:$0x12F40] =	vst v63  }
0x1a2: {  	_ =	swait.ge [sflag:s6], $0x2000  }
0x1a3: {  	[sflag:s6] =	ssyncset.done $0x0  }
0x1a4: {  	s4 =	simm.s32 $0x29C0;
	[sflag:s6] =	ssyncadd.s32 $0xFFFFE000  }
0x1a5: {  	[tilespmem:s20], [sflag:$0x6] =	stream.indirect.gather [spmem:s5], $0x80, s4, s15, $0xb8;
	[tilespmem:$0x12F40] =	vst v63  }
0x1a6: {  	_ =	swait.ge [sflag:s2], $0x2000  }
0x1a7: {  	s4 =	sld [smem:$0x7EF]  }
0x1a8: {  	[sflag:s2] =	ssyncset.done $0x0  }
0x1a9: {  	[sflag:s2] =	ssyncadd.s32 $0xFFFFE000  }
0x1aa: {  	[hbm4b:s4+s1] =	stream.linear.scatter [tilespmem:s19], [sflag:$0xB], $0x2000, $0x38;
	[tilespmem:$0x12F40] =	vst v63  }
0x1ab: {  	_ =	swait.ge [sflag:s7], $0x2000  }
0x1ac: {  	[sflag:s7] =	ssyncset.done $0x0  }
0x1ad: {  	s4 =	simm.s32 $0x2A40;
	[sflag:s7] =	ssyncadd.s32 $0xFFFFE000  }
0x1ae: {  	[tilespmem:s23], [sflag:$0x7] =	stream.indirect.gather [spmem:s5], $0x80, s4, s15, $0xb8;
	[tilespmem:$0x12F40] =	vst v63  }
0x1af: {  	_ =	swait.ge [sflag:s3], $0x2000  }
0x1b0: {  	s4 =	sld [smem:$0x7F0]  }
0x1b1: {  	[sflag:s3] =	ssyncset.done $0x0  }
0x1b2: {  	[sflag:s3] =	ssyncadd.s32 $0xFFFFE000  }
0x1b3: {  	[hbm4b:s4+s1] =	stream.linear.scatter [tilespmem:s16], [sflag:$0xC], $0x2000, $0x38;
	[tilespmem:$0x12F40] =	vst v63  }
0x1b4: {  	_ =	swait.ge [sflag:s9], $0x2000  }
0x1b5: {  	[sflag:s9] =	ssyncset.done $0x0  }
0x1b6: {  	s4 =	simm.s32 $0x2AC0;
	[sflag:s9] =	ssyncadd.s32 $0xFFFFE000  }
0x1b7: {  	[tilespmem:s24], [sflag:$0x8] =	stream.indirect.gather [spmem:s5], $0x80, s4, s15, $0xb8;
	[tilespmem:$0x12F40] =	vst v63  }
0x1b8: {  	_ =	swait.ge [sflag:s10], $0x2000  }
0x1b9: {  	s4 =	sld [smem:$0x7F1]  }
0x1ba: {  	[sflag:s10] =	ssyncset.done $0x0  }
0x1bb: {  	[sflag:s10] =	ssyncadd.s32 $0xFFFFE000  }
0x1bc: {  	[hbm4b:s4+s1] =	stream.linear.scatter [tilespmem:s30], [sflag:$0xD], $0x2000, $0x38;
	[tilespmem:$0x12F40] =	vst v63  }
0x1bd: {  	_ =	swait.ge [sflag:s25], $0x2000  }
0x1be: {  	[sflag:s25] =	ssyncset.done $0x0  }
0x1bf: {  	s4 =	simm.s32 $0x2B40;
	[sflag:s25] =	ssyncadd.s32 $0xFFFFE000  }
0x1c0: {  	[tilespmem:s22], [sflag:$0x1] =	stream.indirect.gather [spmem:s5], $0x80, s4, s15, $0xb8;
	[tilespmem:$0x12F40] =	vst v63  }
0x1c1: {  	_ =	swait.ge [sflag:s11], $0x2000  }
0x1c2: {  	s4 =	sld [smem:$0x7F2]  }
0x1c3: {  	[sflag:s11] =	ssyncset.done $0x0  }
0x1c4: {  	[sflag:s11] =	ssyncadd.s32 $0xFFFFE000  }
0x1c5: {  	[hbm4b:s4+s1] =	stream.linear.scatter [tilespmem:s20], [sflag:$0xE], $0x2000, $0x38;
	[tilespmem:$0x12F40] =	vst v63  }
0x1c6: {  	_ =	swait.ge [sflag:s26], $0x2000  }
0x1c7: {  	[sflag:s26] =	ssyncset.done $0x0  }
0x1c8: {  	s4 =	simm.s32 $0x2BC0;
	[sflag:s26] =	ssyncadd.s32 $0xFFFFE000  }
0x1c9: {  	[tilespmem:s17], [sflag:$0x2] =	stream.indirect.gather [spmem:s5], $0x80, s4, s15, $0xb8;
	[tilespmem:$0x12F40] =	vst v63  }
0x1ca: {  	_ =	swait.ge [sflag:s12], $0x2000  }
0x1cb: {  	s4 =	sld [smem:$0x7F3]  }
0x1cc: {  	[sflag:s12] =	ssyncset.done $0x0  }
0x1cd: {  	[sflag:s12] =	ssyncadd.s32 $0xFFFFE000  }
0x1ce: {  	[hbm4b:s4+s1] =	stream.linear.scatter [tilespmem:s23], [sflag:$0xF], $0x2000, $0x38;
	[tilespmem:$0x12F40] =	vst v63  }
0x1cf: {  	_ =	swait.ge [sflag:s28], $0x2000  }
0x1d0: {  	[sflag:s28] =	ssyncset.done $0x0  }
0x1d1: {  	s4 =	simm.s32 $0x2C40;
	[sflag:s28] =	ssyncadd.s32 $0xFFFFE000  }
0x1d2: {  	[tilespmem:s19], [sflag:$0x3] =	stream.indirect.gather [spmem:s5], $0x80, s4, s15, $0xb8;
	[tilespmem:$0x12F40] =	vst v63  }
0x1d3: {  	_ =	swait.ge [sflag:s13], $0x2000  }
0x1d4: {  	s4 =	sld [smem:$0x7F4]  }
0x1d5: {  	[sflag:s13] =	ssyncset.done $0x0  }
0x1d6: {  	[sflag:s13] =	ssyncadd.s32 $0xFFFFE000  }
0x1d7: {  	[hbm4b:s4+s1] =	stream.linear.scatter [tilespmem:s24], [sflag:$0x10], $0x2000, $0x38;
	[tilespmem:$0x12F40] =	vst v63  }
0x1d8: {  	_ =	swait.ge [sflag:s18], $0x2000  }
0x1d9: {  	[sflag:s18] =	ssyncset.done $0x0  }
0x1da: {  	s4 =	simm.s32 $0x2CC0;
	[sflag:s18] =	ssyncadd.s32 $0xFFFFE000  }
0x1db: {  	[tilespmem:s16], [sflag:$0x4] =	stream.indirect.gather [spmem:s5], $0x80, s4, s15, $0xb8;
	[tilespmem:$0x12F40] =	vst v63  }
0x1dc: {  	_ =	swait.ge [sflag:s31], $0x2000  }
0x1dd: {  	s4 =	sld [smem:$0x7F5]  }
0x1de: {  	[sflag:s31] =	ssyncset.done $0x0  }
0x1df: {  	[sflag:s31] =	ssyncadd.s32 $0xFFFFE000  }
0x1e0: {  	[hbm4b:s4+s1] =	stream.linear.scatter [tilespmem:s22], [sflag:$0x9], $0x2000, $0x38;
	[tilespmem:$0x12F40] =	vst v63  }
0x1e1: {  	_ =	swait.ge [sflag:s14], $0x2000  }
0x1e2: {  	[sflag:s14] =	ssyncset.done $0x0  }
0x1e3: {  	s22 =	simm.s32 $0x2D40;
	[sflag:s14] =	ssyncadd.s32 $0xFFFFE000  }
0x1e4: {  	[tilespmem:s30], [sflag:$0x5] =	stream.indirect.gather [spmem:s5], $0x80, s22, s15, $0xb8;
	[tilespmem:$0x12F40] =	vst v63  }
0x1e5: {  	_ =	swait.ge [sflag:s0], $0x2000  }
0x1e6: {  	s22 =	sld [smem:$0x7F6]  }
0x1e7: {  	[sflag:s0] =	ssyncset.done $0x0  }
0x1e8: {  	[sflag:s0] =	ssyncadd.s32 $0xFFFFE000  }
0x1e9: {  	[hbm4b:s22+s1] =	stream.linear.scatter [tilespmem:s17], [sflag:$0xA], $0x2000, $0x38;
	[tilespmem:$0x12F40] =	vst v63  }
0x1ea: {  	_ =	swait.ge [sflag:s6], $0x2000  }
0x1eb: {  	[sflag:s6] =	ssyncset.done $0x0  }
0x1ec: {  	s22 =	simm.s32 $0x2DC0;
	[sflag:s6] =	ssyncadd.s32 $0xFFFFE000  }
0x1ed: {  	[tilespmem:s20], [sflag:$0x6] =	stream.indirect.gather [spmem:s5], $0x80, s22, s15, $0xb8;
	[tilespmem:$0x12F40] =	vst v63  }
0x1ee: {  	_ =	swait.ge [sflag:s2], $0x2000  }
0x1ef: {  	s17 =	sld [smem:$0x7F7]  }
0x1f0: {  	[sflag:s2] =	ssyncset.done $0x0  }
0x1f1: {  	[sflag:s2] =	ssyncadd.s32 $0xFFFFE000  }
0x1f2: {  	[hbm4b:s17+s1] =	stream.linear.scatter [tilespmem:s19], [sflag:$0xB], $0x2000, $0x38;
	[tilespmem:$0x12F40] =	vst v63  }
0x1f3: {  	_ =	swait.ge [sflag:s7], $0x2000  }
0x1f4: {  	[sflag:s7] =	ssyncset.done $0x0  }
0x1f5: {  	s19 =	simm.s32 $0x2E40;
	[sflag:s7] =	ssyncadd.s32 $0xFFFFE000  }
0x1f6: {  	[tilespmem:s23], [sflag:$0x7] =	stream.indirect.gather [spmem:s5], $0x80, s19, s15, $0xb8;
	[tilespmem:$0x12F40] =	vst v63  }
0x1f7: {  	_ =	swait.ge [sflag:s3], $0x2000  }
0x1f8: {  	s22 =	sld [smem:$0x7F8]  }
0x1f9: {  	[sflag:s3] =	ssyncset.done $0x0  }
0x1fa: {  	[sflag:s3] =	ssyncadd.s32 $0xFFFFE000  }
0x1fb: {  	[hbm4b:s22+s1] =	stream.linear.scatter [tilespmem:s16], [sflag:$0xC], $0x2000, $0x38;
	[tilespmem:$0x12F40] =	vst v63  }
0x1fc: {  	_ =	swait.ge [sflag:s9], $0x2000  }
0x1fd: {  	[sflag:s9] =	ssyncset.done $0x0  }
0x1fe: {  	s16 =	simm.s32 $0x2EC0;
	[sflag:s9] =	ssyncadd.s32 $0xFFFFE000  }
0x1ff: {  	[tilespmem:s24], [sflag:$0x8] =	stream.indirect.gather [spmem:s5], $0x80, s16, s15, $0xb8;
	[tilespmem:$0x12F40] =	vst v63  }
0x200: {  	_ =	swait.ge [sflag:s10], $0x2000  }
0x201: {  	s17 =	sld [smem:$0x7F9]  }
0x202: {  	[sflag:s10] =	ssyncset.done $0x0  }
0x203: {  	[sflag:s10] =	ssyncadd.s32 $0xFFFFE000  }
0x204: {  	[hbm4b:s17+s1] =	stream.linear.scatter [tilespmem:s30], [sflag:$0xD], $0x2000, $0x38;
	[tilespmem:$0x12F40] =	vst v63  }
0x205: {  	_ =	swait.ge [sflag:s11], $0x2000  }
0x206: {  	s19 =	sld [smem:$0x7FA]  }
0x207: {  	[sflag:s11] =	ssyncset.done $0x0  }
0x208: {  	[sflag:s11] =	ssyncadd.s32 $0xFFFFE000  }
0x209: {  	[hbm4b:s19+s1] =	stream.linear.scatter [tilespmem:s20], [sflag:$0xE], $0x2000, $0x38;
	[tilespmem:$0x12F40] =	vst v63  }
0x20a: {  	_ =	swait.ge [sflag:s12], $0x2000  }
0x20b: {  	s22 =	sld [smem:$0x7FB]  }
0x20c: {  	[sflag:s12] =	ssyncset.done $0x0  }
0x20d: {  	[sflag:s12] =	ssyncadd.s32 $0xFFFFE000  }
0x20e: {  	[hbm4b:s22+s1] =	stream.linear.scatter [tilespmem:s23], [sflag:$0xF], $0x2000, $0x38;
	[tilespmem:$0x12F40] =	vst v63  }
0x20f: {  	_ =	swait.ge [sflag:s13], $0x2000  }
0x210: {  	s30 =	sld [smem:$0x7FD]  }
0x211: {  	[sflag:s13] =	ssyncset.done $0x0  }
0x212: {  	[sflag:s13] =	ssyncadd.s32 $0xFFFFE000  }
0x213: {  	[hbm4b:s30+s1] =	stream.linear.scatter [tilespmem:s24], [sflag:$0x10], $0x2000, $0x38;
	[tilespmem:$0x12F40] =	vst v63  }
0x214: {  	_ =	swait.ge [sflag:s25], $0x2000  }
0x215: {  	[sflag:s25] =	ssyncset.done $0x0  }
0x216: {  	[sflag:s25] =	ssyncadd.s32 $0xFFFFE000  }
0x217: {  	_ =	swait.ge [sflag:s26], $0x2000  }
0x218: {  	[sflag:s26] =	ssyncset.done $0x0  }
0x219: {  	[sflag:s26] =	ssyncadd.s32 $0xFFFFE000  }
0x21a: {  	_ =	swait.ge [sflag:s28], $0x2000  }
0x21b: {  	[sflag:s28] =	ssyncset.done $0x0  }
0x21c: {  	[sflag:s28] =	ssyncadd.s32 $0xFFFFE000  }
0x21d: {  	_ =	swait.ge [sflag:s18], $0x2000  }
0x21e: {  	[sflag:s18] =	ssyncset.done $0x0  }
0x21f: {  	[sflag:s18] =	ssyncadd.s32 $0xFFFFE000  }
0x220: {  	_ =	swait.ge [sflag:s14], $0x2000  }
0x221: {  	[sflag:s14] =	ssyncset.done $0x0  }
0x222: {  	[sflag:s14] =	ssyncadd.s32 $0xFFFFE000  }
0x223: {  	_ =	swait.ge [sflag:s6], $0x2000  }
0x224: {  	[sflag:s6] =	ssyncset.done $0x0  }
0x225: {  	[sflag:s6] =	ssyncadd.s32 $0xFFFFE000  }
0x226: {  	_ =	swait.ge [sflag:s7], $0x2000  }
.Ltmp3:
0x227: {  	[sflag:s7] =	ssyncset.done $0x0;
	(pc) =	sbr.rel .LBB2_4-.Ltmp3, $4  }
0x228: {  	[sflag:s7] =	ssyncadd.s32 $0xFFFFE000  }
0x229: {  	_ =	swait.ge [sflag:s9], $0x2000  }
0x22a: {  	[sflag:s9] =	ssyncset.done $0x0  }
0x22b: {  	[sflag:s9] =	ssyncadd.s32 $0xFFFFE000  }
.LBB2_5:
0x22c: {  	_ =	sfence.sel $0x180000  }
0x22d: {  	[bflag:$0x0] =	sbarrier.arrive $0xFFFF  }
0x22e: {  	_ =	strace $0x90000047  }
0x22f: {  	s0 =	stileid.u32;
	[bflag:$0x2] =	sbarrier.arrive $0xFFFF  }
0x230: {  	p0 =	sne.s32 s0, $0x0;
	s0 =	rddreg [dreg:$0x4]  }
0x231: {  	s0 =	sadd.s32 @!p0 $0x100000, s0  }
0x232: {  	[sflag:s0] =	ssyncadd.tile.s32 @!p0 $0x1;
	_ =	shalt  }
.Lfunc_end2:
_tile_overlayer_lowered:
.L_overlay_start_2:
0x233: {  	(tag) =	ssettag $0x2  }
0x234: {  	s0 =	rddreg [dreg:$0x0];
	s2 =	stileid.u32  }
0x235: {  	s1 =	rddreg [dreg:$0x1];
	p0 =	sne.s32 s2, $0x0  }
0x236: {  	s3 =	rddreg [dreg:$0x2];
	[bflag:$0x3] =	sbarrier.arrive $0xFFFF;
	s2 =	simm.s32 @!p0 $0x1C12  }
0x237: {  	[timem:s3], [sflag:s2] =	dma.local @!p0 [hbm:s0], s1  }
0x238: {  	s0 =	simm.s32 @!p0 $0x12  }
0x239: {  	_ =	swait.ge @!p0 [sflag:s0], s1  }
0x23a: {  	s1 =	ssub.s32 @!p0 $0x0, s1;
	[sflag:s0] =	ssyncset.done @!p0 $0x0  }
0x23b: {  	[sflag:s0] =	ssyncadd.s32 @!p0 s1  }
0x23c: {  	[bflag:$0x3] =	sbarrier.arrive $0xFFFF  }
0x23d: {  	_ =	shalt  }

</sc_bundles>
